<compile_context>
chip_gen: v7x
topology: tpu7x:2x2x1
jax: 0.10.2.dev20260603
libtpu: 0.0.44.dev20260713+nightly
codegen_flags: <defaults>
</compile_context>

<pallas_src>
import jax
import jax.numpy as jnp
from jax import lax
from jax.experimental import pallas as pl
from jax.experimental.pallas import tpu as pltpu
from jax.experimental.pallas import tpu_sc as plsc

N_FTS = 100000
D = 256
B = 16384
L = 32

NC = 2
NS = 16
NW = NC * NS
LANES = 16

SAMPLES = 2 * B
SPW = SAMPLES // NW
CHUNK = 4
NBUF = 3
KC = 8
NST = SPW // (KC * CHUNK)
NCH = SPW // CHUNK


def _ft_body(ics_hbm, vals_hbm, table_hbm, out_hbm, icsr_v, valsr_v, idxl_v,
             rows_v, accs_v, isems, sems, osems):
    wid = lax.axis_index("s") * NC + lax.axis_index("c")
    base = wid * SPW
    RL = CHUNK * L
    KS = KC * CHUNK

    def start_stage(st, p):
        pltpu.async_copy(
            ics_hbm.at[pl.ds(base + st * KS, KS), :],
            icsr_v.at[pl.ds(p * KS, KS), :],
            isems[p],
        )
        pltpu.async_copy(
            vals_hbm.at[pl.ds(base + st * KS, KS), :],
            valsr_v.at[pl.ds(p * KS, KS), :],
            isems[p],
        )

    def wait_stage(p):
        pltpu.make_async_copy(
            ics_hbm.at[pl.ds(0, KS), :],
            icsr_v.at[pl.ds(p * KS, KS), :],
            isems[p],
        ).wait()
        pltpu.make_async_copy(
            vals_hbm.at[pl.ds(0, KS), :],
            valsr_v.at[pl.ds(p * KS, KS), :],
            isems[p],
        ).wait()

    def start_gather(g, b, p):
        for i in range(CHUNK):
            row = p * KS + (g % KC) * CHUNK + i
            idxl_v[pl.ds(b * RL + i * L, LANES)] = icsr_v[row, pl.ds(0, LANES)]
            idxl_v[pl.ds(b * RL + i * L + LANES, LANES)] = icsr_v[row, pl.ds(LANES, LANES)]
        pltpu.async_copy(
            table_hbm.at[idxl_v.at[pl.ds(b * RL, RL)]],
            rows_v.at[pl.ds(b * RL, RL)],
            sems[b],
        )

    def start_gather_psel(g, b):
        p = (g // KC) % 2

        @pl.when(p == 0)
        def _():
            start_gather(g, b, 0)

        @pl.when(p == 1)
        def _():
            start_gather(g, b, 1)

    def wait_gather(b):
        pltpu.make_async_copy(
            table_hbm.at[pl.ds(0, RL)], rows_v.at[pl.ds(b * RL, RL)], sems[b]
        ).wait()

    def compute_chunk(g, b):
        p = (g // KC) % 2

        def sample_body(i, carry2):
            row = p * KS + (g % KC) * CHUNK + i
            v0 = valsr_v[row, pl.ds(0, LANES)]
            v1 = valsr_v[row, pl.ds(LANES, LANES)]
            rbase = b * RL + i * L

            def j_body(j, carry3):
                col = pl.multiple_of(j * LANES, LANES)
                part = [jnp.zeros((LANES,), jnp.float32) for _ in range(4)]
                for l in range(L):
                    vv = v0 if l < LANES else v1
                    val = lax.index_in_dim(vv, l % LANES, 0, keepdims=False)
                    part[l % 4] = part[l % 4] + rows_v[rbase + l, pl.ds(col, LANES)] * val
                acc = (part[0] + part[1]) + (part[2] + part[3])
                accs_v[b * CHUNK + i, pl.ds(col, LANES)] = acc
                return carry3

            lax.fori_loop(0, D // LANES, j_body, 0)
            return carry2

        lax.fori_loop(0, CHUNK, sample_body, 0)
        pltpu.async_copy(
            accs_v.at[pl.ds(b * CHUNK, CHUNK)],
            out_hbm.at[pl.ds(base + g * CHUNK, CHUNK)],
            osems[b],
        )

    def wait_out(b):
        pltpu.make_async_copy(
            accs_v.at[pl.ds(b * CHUNK, CHUNK)],
            out_hbm.at[pl.ds(0, CHUNK)],
            osems[b],
        ).wait()

    start_stage(0, 0)
    start_stage(1, 1)
    wait_stage(0)
    for x in range(NBUF - 1):
        start_gather(x, x, 0)

    def step(g, b, first_round):
        wait_gather(b)
        nxt = g + NBUF - 1

        @pl.when(jnp.logical_and(nxt < NCH, nxt % KC == 0))
        def _():
            p_in = (nxt // KC) % 2

            @pl.when(p_in == 0)
            def _():
                wait_stage(0)

            @pl.when(p_in == 1)
            def _():
                wait_stage(1)

        @pl.when(nxt < NCH)
        def _():
            start_gather_psel(nxt, (b + NBUF - 1) % NBUF)

        @pl.when(jnp.logical_not(first_round))
        def _():
            wait_out(b)

        compute_chunk(g, b)

        @pl.when(g % KC == KC - 1)
        def _():
            st_next = g // KC + 2

            @pl.when(st_next < NST)
            def _():
                p_next = st_next % 2

                @pl.when(p_next == 0)
                def _():
                    start_stage(st_next, 0)

                @pl.when(p_next == 1)
                def _():
                    start_stage(st_next, 1)

    def ring_body(q, carry2):
        for b in range(NBUF):
            step(NBUF * q + b, b, q < 1)
        return carry2

    n_full = NCH // NBUF
    lax.fori_loop(0, n_full, ring_body, 0)
    for b in range(NCH - n_full * NBUF):
        step(jnp.int32(n_full * NBUF + b), b, jnp.bool_(False))
    for b in range(NBUF):
        wait_out(b)


def _feature_transform(ics2, vals2, table):
    mesh = plsc.VectorSubcoreMesh(core_axis_name="c", subcore_axis_name="s")
    return pl.kernel(
        _ft_body,
        out_type=jax.ShapeDtypeStruct((SAMPLES, D), jnp.float32),
        mesh=mesh,
        scratch_types=[
            pltpu.VMEM((2 * KC * CHUNK, L), jnp.int32),
            pltpu.VMEM((2 * KC * CHUNK, L), jnp.float32),
            pltpu.VMEM((NBUF * CHUNK * L,), jnp.int32),
            pltpu.VMEM((NBUF * CHUNK * L, D), jnp.float32),
            pltpu.VMEM((NBUF * CHUNK, D), jnp.float32),
            [pltpu.SemaphoreType.DMA for _ in range(2)],
            [pltpu.SemaphoreType.DMA for _ in range(NBUF)],
            [pltpu.SemaphoreType.DMA for _ in range(NBUF)],
        ],
        name="nnue_feature_transform",
    )(ics2, vals2, table)


def _mlp_body(wf_ref, bf_ref, s_ref, bft_ref, W1_ref, b1_ref, W2_ref, b2_ref,
              Wo_ref, bo_ref, o_ref):
    bft = bft_ref[...]
    wf = wf_ref[...] + bft
    bf = bf_ref[...] + bft
    s = s_ref[...]
    x1 = jnp.clip((1.0 - s) * wf + s * bf, 0.0, 1.0)
    x2 = jnp.clip((1.0 - s) * bf + s * wf, 0.0, 1.0)
    dn = (((1,), (1,)), ((), ()))
    h = lax.dot_general(x1, W1_ref[:, :D], dn, preferred_element_type=jnp.float32)
    h += lax.dot_general(x2, W1_ref[:, D:], dn, preferred_element_type=jnp.float32)
    h = jnp.clip(h + b1_ref[...], 0.0, 1.0)
    h = lax.dot_general(h, W2_ref[...], dn, preferred_element_type=jnp.float32)
    h = jnp.clip(h + b2_ref[...], 0.0, 1.0)
    o_ref[...] = jnp.sum(h * Wo_ref[...], axis=1, keepdims=True) + bo_ref[...]


def _mlp_head(fts, stm, b_ft, W1, b1, W2, b2, Wo, bo):
    BB = 2048
    grid = (B // BB,)
    return pl.pallas_call(
        _mlp_body,
        grid=grid,
        in_specs=[
            pl.BlockSpec((BB, D), lambda i: (i, 0)),
            pl.BlockSpec((BB, D), lambda i: (B // BB + i, 0)),
            pl.BlockSpec((BB, 1), lambda i: (i, 0)),
            pl.BlockSpec((1, D), lambda i: (0, 0)),
            pl.BlockSpec((32, 2 * D), lambda i: (0, 0)),
            pl.BlockSpec((1, 32), lambda i: (0, 0)),
            pl.BlockSpec((32, 32), lambda i: (0, 0)),
            pl.BlockSpec((1, 32), lambda i: (0, 0)),
            pl.BlockSpec((1, 32), lambda i: (0, 0)),
            pl.BlockSpec((1, 1), lambda i: (0, 0)),
        ],
        out_specs=pl.BlockSpec((BB, 1), lambda i: (i, 0)),
        out_shape=jax.ShapeDtypeStruct((B, 1), jnp.float32),
    )(fts, fts, stm, b_ft, W1, b1, W2, b2, Wo, bo)


def kernel(wft_ics, wft_vals, bft_ics, bft_vals, stm, W_ft, b_ft, W1, b1, W2, b2, Wo, bo):
    ics2 = jnp.concatenate([wft_ics, bft_ics], axis=0)
    vals2 = jnp.concatenate([wft_vals, bft_vals], axis=0)
    fts = _feature_transform(ics2, vals2, W_ft)
    return _mlp_head(
        fts, stm,
        b_ft.reshape(1, D),
        W1, b1.reshape(1, 32), W2, b2.reshape(1, 32),
        Wo.reshape(1, 32), bo.reshape(1, 1),
    )

# --- scband reference (transcript-rebuilt; emitter-appended) ---
"""Pipeline reference for scband-model-49280454754500 (READ-ONLY COPY).

The authoritative reference and input builder live on the scoring server;
editing this copy changes nothing except your own understanding.
"""

import jax, jax.numpy as jnp
import numpy as np

N_FTS = 100000
D = 256
B = 16384
L = 32


def setup_inputs(seed: int = 0) -> dict:
    key = jax.random.key(seed)
    ks = jax.random.split(key, 10)
    inp = {}
    inp["wft_ics"] = jax.random.randint(ks[0], (B, L), 0, N_FTS, dtype=jnp.int32)
    inp["wft_vals"] = jnp.ones((B, L), dtype=jnp.float32)
    inp["bft_ics"] = jax.random.randint(ks[1], (B, L), 0, N_FTS, dtype=jnp.int32)
    inp["bft_vals"] = jnp.ones((B, L), dtype=jnp.float32)
    inp["stm"] = jax.random.uniform(ks[2], (B, 1), dtype=jnp.float32)
    # learned parameters
    inp["W_ft"] = jax.random.normal(ks[3], (N_FTS, D), dtype=jnp.float32) * 0.01
    inp["b_ft"] = jnp.zeros((D,), dtype=jnp.float32)
    inp["W1"] = jax.random.normal(ks[4], (32, 512), dtype=jnp.float32) * 0.05
    inp["b1"] = jnp.zeros((32,), dtype=jnp.float32)
    inp["W2"] = jax.random.normal(ks[5], (32, 32), dtype=jnp.float32) * 0.1
    inp["b2"] = jnp.zeros((32,), dtype=jnp.float32)
    inp["Wo"] = jax.random.normal(ks[6], (1, 32), dtype=jnp.float32) * 0.1
    inp["bo"] = jnp.zeros((1,), dtype=jnp.float32)
    return inp


def reference(wft_ics, wft_vals, bft_ics, bft_vals, stm, W_ft, b_ft, W1, b1, W2, b2, Wo, bo):
    def ft(ics, vals):
        # sparse feature transformer: gather rows, weight by vals, sum over active features
        emb = jnp.take(W_ft, ics, axis=0)              # [B, L, D]
        return jnp.sum(emb * vals[..., None], axis=1) + b_ft  # [B, D]

    wfts = ft(wft_ics, wft_vals)
    bfts = ft(bft_ics, bft_vals)
    x = (1.0 - stm) * jnp.concatenate((wfts, bfts), axis=-1)
    x = x + stm * jnp.concatenate((bfts, wfts), axis=-1)
    x = jnp.clip(x, 0.0, 1.0)
    x = jnp.clip(x @ W1.T + b1, 0.0, 1.0)
    x = jnp.clip(x @ W2.T + b2, 0.0, 1.0)
    x = x @ Wo.T + bo
    return x

if __name__ == "__main__":
    import jax
    _d = setup_inputs()
    print(jax.jit(kernel)(*tuple(_d.values())))

</pallas_src>

<mosaic_0001>
#map = affine_map<(d0, d1) -> (0, 0)>
module attributes {stable_mosaic.version = 14 : i64} {
  func.func @nnue_feature_transform(%arg0: i32, %arg1: i32, %arg2: memref<32768x32xi32, #tpu.memory_space<hbm>>, %arg3: memref<32768x32xf32, #tpu.memory_space<hbm>>, %arg4: memref<100000x256xf32, #tpu.memory_space<hbm>>, %arg5: memref<32768x256xf32, #tpu.memory_space<hbm>>, %arg6: memref<64x32xi32, #tpu.memory_space<vmem>>, %arg7: memref<64x32xf32, #tpu.memory_space<vmem>>, %arg8: memref<384xi32, #tpu.memory_space<vmem>>, %arg9: memref<384x256xf32, #tpu.memory_space<vmem>>, %arg10: memref<12x256xf32, #tpu.memory_space<vmem>>, %arg11: memref<!tpu.dma_semaphore, #tpu.memory_space<semaphore_mem>>, %arg12: memref<!tpu.dma_semaphore, #tpu.memory_space<semaphore_mem>>, %arg13: memref<!tpu.dma_semaphore, #tpu.memory_space<semaphore_mem>>, %arg14: memref<!tpu.dma_semaphore, #tpu.memory_space<semaphore_mem>>, %arg15: memref<!tpu.dma_semaphore, #tpu.memory_space<semaphore_mem>>, %arg16: memref<!tpu.dma_semaphore, #tpu.memory_space<semaphore_mem>>, %arg17: memref<!tpu.dma_semaphore, #tpu.memory_space<semaphore_mem>>, %arg18: memref<!tpu.dma_semaphore, #tpu.memory_space<semaphore_mem>>) attributes {dimension_semantics = [#tpu.dimension_semantics<core_parallel>, #tpu.dimension_semantics<subcore_parallel>], iteration_bounds = array<i64: 2, 16>, scalar_prefetch = 0 : i64, scratch_operands = 13 : i64, tpu.core_type = #tpu.core_type<sc_vector_subcore>, window_params = [{transform_indices = #map}, {transform_indices = #map}, {transform_indices = #map}, {transform_indices = #map}]} {
    %mul3A = arith.constant 2 : i32
    %mul3A_0 = arith.muli %arg1, %mul3A : i32
    %add3A = arith.addi %mul3A_0, %arg0 : i32
    %mul3A_1 = arith.constant 1024 : i32
    %mul3A_2 = arith.muli %add3A, %mul3A_1 : i32
    %add3A_3 = arith.constant 0 : i32
    %add3A_4 = arith.addi %mul3A_2, %add3A_3 : i32
    %dma_start3A = arith.constant 0 : i32
    %dma_start3A_5 = arith.constant 0 : i32
    %dma_start3A_6 = tpu.memref_slice %arg6[%dma_start3A, %dma_start3A_5] : memref<64x32xi32, #tpu.memory_space<vmem>> -> memref<32x32xi32, #tpu.memory_space<vmem>>
    %dma_start3A_7 = arith.constant 0 : i32
    %dma_start3A_8 = tpu.memref_slice %arg2[%add3A_4, %dma_start3A_7] : memref<32768x32xi32, #tpu.memory_space<hbm>> -> memref<32x32xi32, #tpu.memory_space<hbm>>
    %dma_start3A_9 = arith.constant 0 : i32
    %dma_start3A_10 = arith.constant 0 : i32
    %dma_start3A_11 = tpu.memref_slice %arg6[%dma_start3A_9, %dma_start3A_10] : memref<64x32xi32, #tpu.memory_space<vmem>> -> memref<32x32xi32, #tpu.memory_space<vmem>>
    %dma_start3A_12 = arith.constant 0 : i32
    %dma_start3A_13 = tpu.memref_slice %arg2[%add3A_4, %dma_start3A_12] : memref<32768x32xi32, #tpu.memory_space<hbm>> -> memref<32x32xi32, #tpu.memory_space<hbm>>
    tpu.enqueue_dma source(%dma_start3A_13 : memref<32x32xi32, #tpu.memory_space<hbm>>) target(%dma_start3A_11 : memref<32x32xi32, #tpu.memory_space<vmem>>) target_semaphore(%arg11 : memref<!tpu.dma_semaphore, #tpu.memory_space<semaphore_mem>>)
    %add3A_14 = arith.constant 0 : i32
    %add3A_15 = arith.addi %mul3A_2, %add3A_14 : i32
    %dma_start3A_16 = arith.constant 0 : i32
    %dma_start3A_17 = arith.constant 0 : i32
    %dma_start3A_18 = tpu.memref_slice %arg7[%dma_start3A_16, %dma_start3A_17] : memref<64x32xf32, #tpu.memory_space<vmem>> -> memref<32x32xf32, #tpu.memory_space<vmem>>
    %dma_start3A_19 = arith.constant 0 : i32
    %dma_start3A_20 = tpu.memref_slice %arg3[%add3A_15, %dma_start3A_19] : memref<32768x32xf32, #tpu.memory_space<hbm>> -> memref<32x32xf32, #tpu.memory_space<hbm>>
    %dma_start3A_21 = arith.constant 0 : i32
    %dma_start3A_22 = arith.constant 0 : i32
    %dma_start3A_23 = tpu.memref_slice %arg7[%dma_start3A_21, %dma_start3A_22] : memref<64x32xf32, #tpu.memory_space<vmem>> -> memref<32x32xf32, #tpu.memory_space<vmem>>
    %dma_start3A_24 = arith.constant 0 : i32
    %dma_start3A_25 = tpu.memref_slice %arg3[%add3A_15, %dma_start3A_24] : memref<32768x32xf32, #tpu.memory_space<hbm>> -> memref<32x32xf32, #tpu.memory_space<hbm>>
    tpu.enqueue_dma source(%dma_start3A_25 : memref<32x32xf32, #tpu.memory_space<hbm>>) target(%dma_start3A_23 : memref<32x32xf32, #tpu.memory_space<vmem>>) target_semaphore(%arg11 : memref<!tpu.dma_semaphore, #tpu.memory_space<semaphore_mem>>)
    %add3A_26 = arith.constant 32 : i32
    %add3A_27 = arith.addi %mul3A_2, %add3A_26 : i32
    %dma_start3A_28 = arith.constant 32 : i32
    %dma_start3A_29 = arith.constant 0 : i32
    %dma_start3A_30 = tpu.memref_slice %arg6[%dma_start3A_28, %dma_start3A_29] : memref<64x32xi32, #tpu.memory_space<vmem>> -> memref<32x32xi32, #tpu.memory_space<vmem>>
    %dma_start3A_31 = arith.constant 0 : i32
    %dma_start3A_32 = tpu.memref_slice %arg2[%add3A_27, %dma_start3A_31] : memref<32768x32xi32, #tpu.memory_space<hbm>> -> memref<32x32xi32, #tpu.memory_space<hbm>>
    %dma_start3A_33 = arith.constant 32 : i32
    %dma_start3A_34 = arith.constant 0 : i32
    %dma_start3A_35 = tpu.memref_slice %arg6[%dma_start3A_33, %dma_start3A_34] : memref<64x32xi32, #tpu.memory_space<vmem>> -> memref<32x32xi32, #tpu.memory_space<vmem>>
    %dma_start3A_36 = arith.constant 0 : i32
    %dma_start3A_37 = tpu.memref_slice %arg2[%add3A_27, %dma_start3A_36] : memref<32768x32xi32, #tpu.memory_space<hbm>> -> memref<32x32xi32, #tpu.memory_space<hbm>>
    tpu.enqueue_dma source(%dma_start3A_37 : memref<32x32xi32, #tpu.memory_space<hbm>>) target(%dma_start3A_35 : memref<32x32xi32, #tpu.memory_space<vmem>>) target_semaphore(%arg12 : memref<!tpu.dma_semaphore, #tpu.memory_space<semaphore_mem>>)
    %add3A_38 = arith.constant 32 : i32
    %add3A_39 = arith.addi %mul3A_2, %add3A_38 : i32
    %dma_start3A_40 = arith.constant 32 : i32
    %dma_start3A_41 = arith.constant 0 : i32
    %dma_start3A_42 = tpu.memref_slice %arg7[%dma_start3A_40, %dma_start3A_41] : memref<64x32xf32, #tpu.memory_space<vmem>> -> memref<32x32xf32, #tpu.memory_space<vmem>>
    %dma_start3A_43 = arith.constant 0 : i32
    %dma_start3A_44 = tpu.memref_slice %arg3[%add3A_39, %dma_start3A_43] : memref<32768x32xf32, #tpu.memory_space<hbm>> -> memref<32x32xf32, #tpu.memory_space<hbm>>
    %dma_start3A_45 = arith.constant 32 : i32
    %dma_start3A_46 = arith.constant 0 : i32
    %dma_start3A_47 = tpu.memref_slice %arg7[%dma_start3A_45, %dma_start3A_46] : memref<64x32xf32, #tpu.memory_space<vmem>> -> memref<32x32xf32, #tpu.memory_space<vmem>>
    %dma_start3A_48 = arith.constant 0 : i32
    %dma_start3A_49 = tpu.memref_slice %arg3[%add3A_39, %dma_start3A_48] : memref<32768x32xf32, #tpu.memory_space<hbm>> -> memref<32x32xf32, #tpu.memory_space<hbm>>
    tpu.enqueue_dma source(%dma_start3A_49 : memref<32x32xf32, #tpu.memory_space<hbm>>) target(%dma_start3A_47 : memref<32x32xf32, #tpu.memory_space<vmem>>) target_semaphore(%arg12 : memref<!tpu.dma_semaphore, #tpu.memory_space<semaphore_mem>>)
    %dma_wait3A = arith.constant 0 : i32
    %dma_wait3A_50 = arith.constant 0 : i32
    %dma_wait3A_51 = tpu.memref_slice %arg6[%dma_wait3A, %dma_wait3A_50] : memref<64x32xi32, #tpu.memory_space<vmem>> -> memref<32x32xi32, #tpu.memory_space<vmem>>
    %dma_wait3A_52 = arith.constant 0 : i32
    %dma_wait3A_53 = arith.constant 0 : i32
    %dma_wait3A_54 = tpu.memref_slice %arg2[%dma_wait3A_52, %dma_wait3A_53] : memref<32768x32xi32, #tpu.memory_space<hbm>> -> memref<32x32xi32, #tpu.memory_space<hbm>>
    %dma_wait3A_55 = arith.constant 0 : i32
    %dma_wait3A_56 = arith.constant 0 : i32
    %dma_wait3A_57 = tpu.memref_slice %arg6[%dma_wait3A_55, %dma_wait3A_56] : memref<64x32xi32, #tpu.memory_space<vmem>> -> memref<32x32xi32, #tpu.memory_space<vmem>>
    %dma_wait3A_58 = arith.constant 0 : i32
    %dma_wait3A_59 = arith.constant 0 : i32
    %dma_wait3A_60 = tpu.memref_slice %arg2[%dma_wait3A_58, %dma_wait3A_59] : memref<32768x32xi32, #tpu.memory_space<hbm>> -> memref<32x32xi32, #tpu.memory_space<hbm>>
    tpu.wait_dma2 semaphore(%arg11 : memref<!tpu.dma_semaphore, #tpu.memory_space<semaphore_mem>>) src(%dma_wait3A_60 : memref<32x32xi32, #tpu.memory_space<hbm>>) dst(%dma_wait3A_57 : memref<32x32xi32, #tpu.memory_space<vmem>>)
    %dma_wait3A_61 = arith.constant 0 : i32
    %dma_wait3A_62 = arith.constant 0 : i32
    %dma_wait3A_63 = tpu.memref_slice %arg7[%dma_wait3A_61, %dma_wait3A_62] : memref<64x32xf32, #tpu.memory_space<vmem>> -> memref<32x32xf32, #tpu.memory_space<vmem>>
    %dma_wait3A_64 = arith.constant 0 : i32
    %dma_wait3A_65 = arith.constant 0 : i32
    %dma_wait3A_66 = tpu.memref_slice %arg3[%dma_wait3A_64, %dma_wait3A_65] : memref<32768x32xf32, #tpu.memory_space<hbm>> -> memref<32x32xf32, #tpu.memory_space<hbm>>
    %dma_wait3A_67 = arith.constant 0 : i32
    %dma_wait3A_68 = arith.constant 0 : i32
    %dma_wait3A_69 = tpu.memref_slice %arg7[%dma_wait3A_67, %dma_wait3A_68] : memref<64x32xf32, #tpu.memory_space<vmem>> -> memref<32x32xf32, #tpu.memory_space<vmem>>
    %dma_wait3A_70 = arith.constant 0 : i32
    %dma_wait3A_71 = arith.constant 0 : i32
    %dma_wait3A_72 = tpu.memref_slice %arg3[%dma_wait3A_70, %dma_wait3A_71] : memref<32768x32xf32, #tpu.memory_space<hbm>> -> memref<32x32xf32, #tpu.memory_space<hbm>>
    tpu.wait_dma2 semaphore(%arg11 : memref<!tpu.dma_semaphore, #tpu.memory_space<semaphore_mem>>) src(%dma_wait3A_72 : memref<32x32xf32, #tpu.memory_space<hbm>>) dst(%dma_wait3A_69 : memref<32x32xf32, #tpu.memory_space<vmem>>)
    %get3A = arith.constant 0 : i32
    %get3A_73 = arith.index_cast %get3A : i32 to index
    %get3A_74 = arith.constant 0 : index
    %get3A_75 = tpu.vector_load %arg6[%get3A_73, %get3A_74] {strides = array<i32>} : memref<64x32xi32, #tpu.memory_space<vmem>>, vector<1x16xi32>,
    %get3A_76 = vector.shape_cast %get3A_75 : vector<1x16xi32> to vector<16xi32>
    %swap3A = arith.constant 0 : index
    %swap3A_77 = tpu.vector_load %arg8[%swap3A] {strides = array<i32>} : memref<384xi32, #tpu.memory_space<vmem>>, vector<16xi32>,
    %swap3A_78 = vector.shape_cast %swap3A_77 : vector<16xi32> to vector<16xi32>
    %swap3A_79 = vector.shape_cast %get3A_76 : vector<16xi32> to vector<16xi32>
    tpu.vector_store %arg8[%swap3A], %swap3A_79 {strides = array<i32>} : memref<384xi32, #tpu.memory_space<vmem>>, vector<16xi32>,
    %get3A_80 = arith.constant 0 : i32
    %get3A_81 = arith.index_cast %get3A_80 : i32 to index
    %get3A_82 = arith.constant 16 : index
    %get3A_83 = tpu.vector_load %arg6[%get3A_81, %get3A_82] {strides = array<i32>} : memref<64x32xi32, #tpu.memory_space<vmem>>, vector<1x16xi32>,
    %get3A_84 = vector.shape_cast %get3A_83 : vector<1x16xi32> to vector<16xi32>
    %swap3A_85 = arith.constant 16 : index
    %swap3A_86 = tpu.vector_load %arg8[%swap3A_85] {strides = array<i32>} : memref<384xi32, #tpu.memory_space<vmem>>, vector<16xi32>,
    %swap3A_87 = vector.shape_cast %swap3A_86 : vector<16xi32> to vector<16xi32>
    %swap3A_88 = vector.shape_cast %get3A_84 : vector<16xi32> to vector<16xi32>
    tpu.vector_store %arg8[%swap3A_85], %swap3A_88 {strides = array<i32>} : memref<384xi32, #tpu.memory_space<vmem>>, vector<16xi32>,
    %get3A_89 = arith.constant 1 : i32
    %get3A_90 = arith.index_cast %get3A_89 : i32 to index
    %get3A_91 = arith.constant 0 : index
    %get3A_92 = tpu.vector_load %arg6[%get3A_90, %get3A_91] {strides = array<i32>} : memref<64x32xi32, #tpu.memory_space<vmem>>, vector<1x16xi32>,
    %get3A_93 = vector.shape_cast %get3A_92 : vector<1x16xi32> to vector<16xi32>
    %swap3A_94 = arith.constant 32 : index
    %swap3A_95 = tpu.vector_load %arg8[%swap3A_94] {strides = array<i32>} : memref<384xi32, #tpu.memory_space<vmem>>, vector<16xi32>,
    %swap3A_96 = vector.shape_cast %swap3A_95 : vector<16xi32> to vector<16xi32>
    %swap3A_97 = vector.shape_cast %get3A_93 : vector<16xi32> to vector<16xi32>
    tpu.vector_store %arg8[%swap3A_94], %swap3A_97 {strides = array<i32>} : memref<384xi32, #tpu.memory_space<vmem>>, vector<16xi32>,
    %get3A_98 = arith.constant 1 : i32
    %get3A_99 = arith.index_cast %get3A_98 : i32 to index
    %get3A_100 = arith.constant 16 : index
    %get3A_101 = tpu.vector_load %arg6[%get3A_99, %get3A_100] {strides = array<i32>} : memref<64x32xi32, #tpu.memory_space<vmem>>, vector<1x16xi32>,
    %get3A_102 = vector.shape_cast %get3A_101 : vector<1x16xi32> to vector<16xi32>
    %swap3A_103 = arith.constant 48 : index
    %swap3A_104 = tpu.vector_load %arg8[%swap3A_103] {strides = array<i32>} : memref<384xi32, #tpu.memory_space<vmem>>, vector<16xi32>,
    %swap3A_105 = vector.shape_cast %swap3A_104 : vector<16xi32> to vector<16xi32>
    %swap3A_106 = vector.shape_cast %get3A_102 : vector<16xi32> to vector<16xi32>
    tpu.vector_store %arg8[%swap3A_103], %swap3A_106 {strides = array<i32>} : memref<384xi32, #tpu.memory_space<vmem>>, vector<16xi32>,
    %get3A_107 = arith.constant 2 : i32
    %get3A_108 = arith.index_cast %get3A_107 : i32 to index
    %get3A_109 = arith.constant 0 : index
    %get3A_110 = tpu.vector_load %arg6[%get3A_108, %get3A_109] {strides = array<i32>} : memref<64x32xi32, #tpu.memory_space<vmem>>, vector<1x16xi32>,
    %get3A_111 = vector.shape_cast %get3A_110 : vector<1x16xi32> to vector<16xi32>
    %swap3A_112 = arith.constant 64 : index
    %swap3A_113 = tpu.vector_load %arg8[%swap3A_112] {strides = array<i32>} : memref<384xi32, #tpu.memory_space<vmem>>, vector<16xi32>,
    %swap3A_114 = vector.shape_cast %swap3A_113 : vector<16xi32> to vector<16xi32>
    %swap3A_115 = vector.shape_cast %get3A_111 : vector<16xi32> to vector<16xi32>
    tpu.vector_store %arg8[%swap3A_112], %swap3A_115 {strides = array<i32>} : memref<384xi32, #tpu.memory_space<vmem>>, vector<16xi32>,
    %get3A_116 = arith.constant 2 : i32
    %get3A_117 = arith.index_cast %get3A_116 : i32 to index
    %get3A_118 = arith.constant 16 : index
    %get3A_119 = tpu.vector_load %arg6[%get3A_117, %get3A_118] {strides = array<i32>} : memref<64x32xi32, #tpu.memory_space<vmem>>, vector<1x16xi32>,
    %get3A_120 = vector.shape_cast %get3A_119 : vector<1x16xi32> to vector<16xi32>
    %swap3A_121 = arith.constant 80 : index
    %swap3A_122 = tpu.vector_load %arg8[%swap3A_121] {strides = array<i32>} : memref<384xi32, #tpu.memory_space<vmem>>, vector<16xi32>,
    %swap3A_123 = vector.shape_cast %swap3A_122 : vector<16xi32> to vector<16xi32>
    %swap3A_124 = vector.shape_cast %get3A_120 : vector<16xi32> to vector<16xi32>
    tpu.vector_store %arg8[%swap3A_121], %swap3A_124 {strides = array<i32>} : memref<384xi32, #tpu.memory_space<vmem>>, vector<16xi32>,
    %get3A_125 = arith.constant 3 : i32
    %get3A_126 = arith.index_cast %get3A_125 : i32 to index
    %get3A_127 = arith.constant 0 : index
    %get3A_128 = tpu.vector_load %arg6[%get3A_126, %get3A_127] {strides = array<i32>} : memref<64x32xi32, #tpu.memory_space<vmem>>, vector<1x16xi32>,
    %get3A_129 = vector.shape_cast %get3A_128 : vector<1x16xi32> to vector<16xi32>
    %swap3A_130 = arith.constant 96 : index
    %swap3A_131 = tpu.vector_load %arg8[%swap3A_130] {strides = array<i32>} : memref<384xi32, #tpu.memory_space<vmem>>, vector<16xi32>,
    %swap3A_132 = vector.shape_cast %swap3A_131 : vector<16xi32> to vector<16xi32>
    %swap3A_133 = vector.shape_cast %get3A_129 : vector<16xi32> to vector<16xi32>
    tpu.vector_store %arg8[%swap3A_130], %swap3A_133 {strides = array<i32>} : memref<384xi32, #tpu.memory_space<vmem>>, vector<16xi32>,
    %get3A_134 = arith.constant 3 : i32
    %get3A_135 = arith.index_cast %get3A_134 : i32 to index
    %get3A_136 = arith.constant 16 : index
    %get3A_137 = tpu.vector_load %arg6[%get3A_135, %get3A_136] {strides = array<i32>} : memref<64x32xi32, #tpu.memory_space<vmem>>, vector<1x16xi32>,
    %get3A_138 = vector.shape_cast %get3A_137 : vector<1x16xi32> to vector<16xi32>
    %swap3A_139 = arith.constant 112 : index
    %swap3A_140 = tpu.vector_load %arg8[%swap3A_139] {strides = array<i32>} : memref<384xi32, #tpu.memory_space<vmem>>, vector<16xi32>,
    %swap3A_141 = vector.shape_cast %swap3A_140 : vector<16xi32> to vector<16xi32>
    %swap3A_142 = vector.shape_cast %get3A_138 : vector<16xi32> to vector<16xi32>
    tpu.vector_store %arg8[%swap3A_139], %swap3A_142 {strides = array<i32>} : memref<384xi32, #tpu.memory_space<vmem>>, vector<16xi32>,
    %dma_start3A_143 = arith.constant 0 : i32
    %dma_start3A_144 = arith.constant 0 : i32
    %dma_start3A_145 = tpu.memref_slice %arg9[%dma_start3A_143, %dma_start3A_144] : memref<384x256xf32, #tpu.memory_space<vmem>> -> memref<128x256xf32, #tpu.memory_space<vmem>>
    %dma_start3A_146 = arith.constant 0 : i32
    %dma_start3A_147 = tpu.memref_slice %arg8[%dma_start3A_146] : memref<384xi32, #tpu.memory_space<vmem>> -> memref<128xi32, #tpu.memory_space<vmem>>
    %dma_start3A_148 = arith.constant 0 : i32
    %dma_start3A_149 = arith.constant 0 : i32
    %dma_start3A_150 = tpu.memref_slice %arg4[%dma_start3A_148, %dma_start3A_149] : memref<100000x256xf32, #tpu.memory_space<hbm>> -> memref<100000x256xf32, #tpu.memory_space<hbm>>
    tpu.enqueue_indirect_dma source(%dma_start3A_150 : memref<100000x256xf32, #tpu.memory_space<hbm>>) target(%dma_start3A_145 : memref<128x256xf32, #tpu.memory_space<vmem>>) offsets(%dma_start3A_147 : memref<128xi32, #tpu.memory_space<vmem>>) semaphore(%arg13 : memref<!tpu.dma_semaphore, #tpu.memory_space<semaphore_mem>>)
    %get3A_151 = arith.constant 4 : i32
    %get3A_152 = arith.index_cast %get3A_151 : i32 to index
    %get3A_153 = arith.constant 0 : index
    %get3A_154 = tpu.vector_load %arg6[%get3A_152, %get3A_153] {strides = array<i32>} : memref<64x32xi32, #tpu.memory_space<vmem>>, vector<1x16xi32>,
    %get3A_155 = vector.shape_cast %get3A_154 : vector<1x16xi32> to vector<16xi32>
    %swap3A_156 = arith.constant 128 : index
    %swap3A_157 = tpu.vector_load %arg8[%swap3A_156] {strides = array<i32>} : memref<384xi32, #tpu.memory_space<vmem>>, vector<16xi32>,
    %swap3A_158 = vector.shape_cast %swap3A_157 : vector<16xi32> to vector<16xi32>
    %swap3A_159 = vector.shape_cast %get3A_155 : vector<16xi32> to vector<16xi32>
    tpu.vector_store %arg8[%swap3A_156], %swap3A_159 {strides = array<i32>} : memref<384xi32, #tpu.memory_space<vmem>>, vector<16xi32>,
    %get3A_160 = arith.constant 4 : i32
    %get3A_161 = arith.index_cast %get3A_160 : i32 to index
    %get3A_162 = arith.constant 16 : index
    %get3A_163 = tpu.vector_load %arg6[%get3A_161, %get3A_162] {strides = array<i32>} : memref<64x32xi32, #tpu.memory_space<vmem>>, vector<1x16xi32>,
    %get3A_164 = vector.shape_cast %get3A_163 : vector<1x16xi32> to vector<16xi32>
    %swap3A_165 = arith.constant 144 : index
    %swap3A_166 = tpu.vector_load %arg8[%swap3A_165] {strides = array<i32>} : memref<384xi32, #tpu.memory_space<vmem>>, vector<16xi32>,
    %swap3A_167 = vector.shape_cast %swap3A_166 : vector<16xi32> to vector<16xi32>
    %swap3A_168 = vector.shape_cast %get3A_164 : vector<16xi32> to vector<16xi32>
    tpu.vector_store %arg8[%swap3A_165], %swap3A_168 {strides = array<i32>} : memref<384xi32, #tpu.memory_space<vmem>>, vector<16xi32>,
    %get3A_169 = arith.constant 5 : i32
    %get3A_170 = arith.index_cast %get3A_169 : i32 to index
    %get3A_171 = arith.constant 0 : index
    %get3A_172 = tpu.vector_load %arg6[%get3A_170, %get3A_171] {strides = array<i32>} : memref<64x32xi32, #tpu.memory_space<vmem>>, vector<1x16xi32>,
    %get3A_173 = vector.shape_cast %get3A_172 : vector<1x16xi32> to vector<16xi32>
    %swap3A_174 = arith.constant 160 : index
    %swap3A_175 = tpu.vector_load %arg8[%swap3A_174] {strides = array<i32>} : memref<384xi32, #tpu.memory_space<vmem>>, vector<16xi32>,
    %swap3A_176 = vector.shape_cast %swap3A_175 : vector<16xi32> to vector<16xi32>
    %swap3A_177 = vector.shape_cast %get3A_173 : vector<16xi32> to vector<16xi32>
    tpu.vector_store %arg8[%swap3A_174], %swap3A_177 {strides = array<i32>} : memref<384xi32, #tpu.memory_space<vmem>>, vector<16xi32>,
    %get3A_178 = arith.constant 5 : i32
    %get3A_179 = arith.index_cast %get3A_178 : i32 to index
    %get3A_180 = arith.constant 16 : index
    %get3A_181 = tpu.vector_load %arg6[%get3A_179, %get3A_180] {strides = array<i32>} : memref<64x32xi32, #tpu.memory_space<vmem>>, vector<1x16xi32>,
    %get3A_182 = vector.shape_cast %get3A_181 : vector<1x16xi32> to vector<16xi32>
    %swap3A_183 = arith.constant 176 : index
    %swap3A_184 = tpu.vector_load %arg8[%swap3A_183] {strides = array<i32>} : memref<384xi32, #tpu.memory_space<vmem>>, vector<16xi32>,
    %swap3A_185 = vector.shape_cast %swap3A_184 : vector<16xi32> to vector<16xi32>
    %swap3A_186 = vector.shape_cast %get3A_182 : vector<16xi32> to vector<16xi32>
    tpu.vector_store %arg8[%swap3A_183], %swap3A_186 {strides = array<i32>} : memref<384xi32, #tpu.memory_space<vmem>>, vector<16xi32>,
    %get3A_187 = arith.constant 6 : i32
    %get3A_188 = arith.index_cast %get3A_187 : i32 to index
    %get3A_189 = arith.constant 0 : index
    %get3A_190 = tpu.vector_load %arg6[%get3A_188, %get3A_189] {strides = array<i32>} : memref<64x32xi32, #tpu.memory_space<vmem>>, vector<1x16xi32>,
    %get3A_191 = vector.shape_cast %get3A_190 : vector<1x16xi32> to vector<16xi32>
    %swap3A_192 = arith.constant 192 : index
    %swap3A_193 = tpu.vector_load %arg8[%swap3A_192] {strides = array<i32>} : memref<384xi32, #tpu.memory_space<vmem>>, vector<16xi32>,
    %swap3A_194 = vector.shape_cast %swap3A_193 : vector<16xi32> to vector<16xi32>
    %swap3A_195 = vector.shape_cast %get3A_191 : vector<16xi32> to vector<16xi32>
    tpu.vector_store %arg8[%swap3A_192], %swap3A_195 {strides = array<i32>} : memref<384xi32, #tpu.memory_space<vmem>>, vector<16xi32>,
    %get3A_196 = arith.constant 6 : i32
    %get3A_197 = arith.index_cast %get3A_196 : i32 to index
    %get3A_198 = arith.constant 16 : index
    %get3A_199 = tpu.vector_load %arg6[%get3A_197, %get3A_198] {strides = array<i32>} : memref<64x32xi32, #tpu.memory_space<vmem>>, vector<1x16xi32>,
    %get3A_200 = vector.shape_cast %get3A_199 : vector<1x16xi32> to vector<16xi32>
    %swap3A_201 = arith.constant 208 : index
    %swap3A_202 = tpu.vector_load %arg8[%swap3A_201] {strides = array<i32>} : memref<384xi32, #tpu.memory_space<vmem>>, vector<16xi32>,
    %swap3A_203 = vector.shape_cast %swap3A_202 : vector<16xi32> to vector<16xi32>
    %swap3A_204 = vector.shape_cast %get3A_200 : vector<16xi32> to vector<16xi32>
    tpu.vector_store %arg8[%swap3A_201], %swap3A_204 {strides = array<i32>} : memref<384xi32, #tpu.memory_space<vmem>>, vector<16xi32>,
    %get3A_205 = arith.constant 7 : i32
    %get3A_206 = arith.index_cast %get3A_205 : i32 to index
    %get3A_207 = arith.constant 0 : index
    %get3A_208 = tpu.vector_load %arg6[%get3A_206, %get3A_207] {strides = array<i32>} : memref<64x32xi32, #tpu.memory_space<vmem>>, vector<1x16xi32>,
    %get3A_209 = vector.shape_cast %get3A_208 : vector<1x16xi32> to vector<16xi32>
    %swap3A_210 = arith.constant 224 : index
    %swap3A_211 = tpu.vector_load %arg8[%swap3A_210] {strides = array<i32>} : memref<384xi32, #tpu.memory_space<vmem>>, vector<16xi32>,
    %swap3A_212 = vector.shape_cast %swap3A_211 : vector<16xi32> to vector<16xi32>
    %swap3A_213 = vector.shape_cast %get3A_209 : vector<16xi32> to vector<16xi32>
    tpu.vector_store %arg8[%swap3A_210], %swap3A_213 {strides = array<i32>} : memref<384xi32, #tpu.memory_space<vmem>>, vector<16xi32>,
    %get3A_214 = arith.constant 7 : i32
    %get3A_215 = arith.index_cast %get3A_214 : i32 to index
    %get3A_216 = arith.constant 16 : index
    %get3A_217 = tpu.vector_load %arg6[%get3A_215, %get3A_216] {strides = array<i32>} : memref<64x32xi32, #tpu.memory_space<vmem>>, vector<1x16xi32>,
    %get3A_218 = vector.shape_cast %get3A_217 : vector<1x16xi32> to vector<16xi32>
    %swap3A_219 = arith.constant 240 : index
    %swap3A_220 = tpu.vector_load %arg8[%swap3A_219] {strides = array<i32>} : memref<384xi32, #tpu.memory_space<vmem>>, vector<16xi32>,
    %swap3A_221 = vector.shape_cast %swap3A_220 : vector<16xi32> to vector<16xi32>
    %swap3A_222 = vector.shape_cast %get3A_218 : vector<16xi32> to vector<16xi32>
    tpu.vector_store %arg8[%swap3A_219], %swap3A_222 {strides = array<i32>} : memref<384xi32, #tpu.memory_space<vmem>>, vector<16xi32>,
    %dma_start3A_223 = arith.constant 128 : i32
    %dma_start3A_224 = arith.constant 0 : i32
    %dma_start3A_225 = tpu.memref_slice %arg9[%dma_start3A_223, %dma_start3A_224] : memref<384x256xf32, #tpu.memory_space<vmem>> -> memref<128x256xf32, #tpu.memory_space<vmem>>
    %dma_start3A_226 = arith.constant 128 : i32
    %dma_start3A_227 = tpu.memref_slice %arg8[%dma_start3A_226] : memref<384xi32, #tpu.memory_space<vmem>> -> memref<128xi32, #tpu.memory_space<vmem>>
    %dma_start3A_228 = arith.constant 0 : i32
    %dma_start3A_229 = arith.constant 0 : i32
    %dma_start3A_230 = tpu.memref_slice %arg4[%dma_start3A_228, %dma_start3A_229] : memref<100000x256xf32, #tpu.memory_space<hbm>> -> memref<100000x256xf32, #tpu.memory_space<hbm>>
    tpu.enqueue_indirect_dma source(%dma_start3A_230 : memref<100000x256xf32, #tpu.memory_space<hbm>>) target(%dma_start3A_225 : memref<128x256xf32, #tpu.memory_space<vmem>>) offsets(%dma_start3A_227 : memref<128xi32, #tpu.memory_space<vmem>>) semaphore(%arg14 : memref<!tpu.dma_semaphore, #tpu.memory_space<semaphore_mem>>)
    %scan3A = arith.constant 0 : i32
    %scan3A_231 = arith.constant 0 : i32
    %scan3A_232 = arith.constant 85 : i32
    %scan3A_233 = arith.addi %scan3A_231, %scan3A_232 : i32
    %scan3A_234 = arith.constant 1 : i32
    scf.for %scan3A_396 = %scan3A_231 to %scan3A_233 step %scan3A_234  : i32 {
      %mul3A_397 = arith.constant 3 : i32
      %mul3A_398 = arith.muli %mul3A_397, %scan3A_396 : i32
      %add3A_399 = arith.constant 0 : i32
      %add3A_400 = arith.addi %mul3A_398, %add3A_399 : i32
      %lt3A_401 = arith.constant 1 : i32
      %lt3A_402 = arith.cmpi slt, %scan3A_396, %lt3A_401 : i32
      %dma_wait3A_403 = arith.constant 0 : i32
      %dma_wait3A_404 = arith.constant 0 : i32
      %dma_wait3A_405 = tpu.memref_slice %arg9[%dma_wait3A_403, %dma_wait3A_404] : memref<384x256xf32, #tpu.memory_space<vmem>> -> memref<128x256xf32, #tpu.memory_space<vmem>>
      %dma_wait3A_406 = arith.constant 0 : i32
      %dma_wait3A_407 = arith.constant 0 : i32
      %dma_wait3A_408 = tpu.memref_slice %arg4[%dma_wait3A_406, %dma_wait3A_407] : memref<100000x256xf32, #tpu.memory_space<hbm>> -> memref<128x256xf32, #tpu.memory_space<hbm>>
      %dma_wait3A_409 = arith.constant 0 : i32
      %dma_wait3A_410 = arith.constant 0 : i32
      %dma_wait3A_411 = tpu.memref_slice %arg9[%dma_wait3A_409, %dma_wait3A_410] : memref<384x256xf32, #tpu.memory_space<vmem>> -> memref<128x256xf32, #tpu.memory_space<vmem>>
      %dma_wait3A_412 = arith.constant 0 : i32
      %dma_wait3A_413 = arith.constant 0 : i32
      %dma_wait3A_414 = tpu.memref_slice %arg4[%dma_wait3A_412, %dma_wait3A_413] : memref<100000x256xf32, #tpu.memory_space<hbm>> -> memref<128x256xf32, #tpu.memory_space<hbm>>
      tpu.wait_dma2 semaphore(%arg13 : memref<!tpu.dma_semaphore, #tpu.memory_space<semaphore_mem>>) src(%dma_wait3A_414 : memref<128x256xf32, #tpu.memory_space<hbm>>) dst(%dma_wait3A_411 : memref<128x256xf32, #tpu.memory_space<vmem>>)
      %add3A_415 = arith.constant 3 : i32
      %add3A_416 = arith.addi %add3A_400, %add3A_415 : i32
      %sub3A_417 = arith.constant 1 : i32
      %sub3A_418 = arith.subi %add3A_416, %sub3A_417 : i32
      %lt3A_419 = arith.constant 256 : i32
      %lt3A_420 = arith.cmpi slt, %sub3A_418, %lt3A_419 : i32
      %jit3A_421 = arith.constant 8 : i32
      %eq3A_422 = arith.constant 0 : i32
      %eq3A_423 = arith.cmpi eq, %jit3A_421, %eq3A_422 : i32
      %jit3A_424 = arith.constant 1 : i32
      %select_n3A_425 = arith.select %eq3A_423, %jit3A_424, %jit3A_421 : i32
      %rem3A_426 = arith.remsi %sub3A_418, %select_n3A_425 : i32
      %ne3A_427 = arith.constant 0 : i32
      %ne3A_428 = arith.cmpi ne, %rem3A_426, %ne3A_427 : i32
      %lt3A_429 = arith.constant 0 : i32
      %lt3A_430 = arith.cmpi slt, %rem3A_426, %lt3A_429 : i32
      %lt3A_431 = arith.constant 0 : i32
      %lt3A_432 = arith.cmpi slt, %select_n3A_425, %lt3A_431 : i32
      %ne3A_433 = arith.xori %lt3A_430, %lt3A_432 : i1
      %and3A_434 = arith.andi %ne3A_433, %ne3A_428 : i1
      %add3A_435 = arith.addi %rem3A_426, %select_n3A_425 : i32
      %select_n3A_436 = arith.select %and3A_434, %add3A_435, %rem3A_426 : i32
      %eq3A_437 = arith.constant 0 : i32
      %eq3A_438 = arith.cmpi eq, %select_n3A_436, %eq3A_437 : i32
      %and3A_439 = arith.andi %lt3A_420, %eq3A_438 : i1
      %convert_element_type3A_440 = arith.extui %and3A_439 : i1 to i32
      %cond3A_441 = arith.constant 0 : i32
      %cond3A_442 = arith.cmpi ne, %convert_element_type3A_440, %cond3A_441 : i32
      scf.if %cond3A_442 {
        %jit3A_805 = arith.constant 8 : i32
        %div3A_806 = arith.divsi %sub3A_418, %jit3A_805 : i32
        %sign3A_807 = arith.constant 0 : i32
        %sign3A_808 = arith.cmpi sgt, %sub3A_418, %sign3A_807 : i32
        %sign3A_809 = arith.extui %sign3A_808 : i1 to i32
        %sign3A_810 = arith.constant 0 : i32
        %sign3A_811 = arith.cmpi slt, %sub3A_418, %sign3A_810 : i32
        %sign3A_812 = arith.extui %sign3A_811 : i1 to i32
        %sign3A_813 = arith.subi %sign3A_809, %sign3A_812 : i32
        %sign3A_814 = arith.constant 0 : i32
        %sign3A_815 = arith.cmpi sgt, %jit3A_805, %sign3A_814 : i32
        %sign3A_816 = arith.extui %sign3A_815 : i1 to i32
        %sign3A_817 = arith.constant 0 : i32
        %sign3A_818 = arith.cmpi slt, %jit3A_805, %sign3A_817 : i32
        %sign3A_819 = arith.extui %sign3A_818 : i1 to i32
        %sign3A_820 = arith.subi %sign3A_816, %sign3A_819 : i32
        %ne3A_821 = arith.cmpi ne, %sign3A_813, %sign3A_820 : i32
        %rem3A_822 = arith.remsi %sub3A_418, %jit3A_805 : i32
        %ne3A_823 = arith.constant 0 : i32
        %ne3A_824 = arith.cmpi ne, %rem3A_822, %ne3A_823 : i32
        %and3A_825 = arith.andi %ne3A_821, %ne3A_824 : i1
        %sub3A_826 = arith.constant 1 : i32
        %sub3A_827 = arith.subi %div3A_806, %sub3A_826 : i32
        %select_n3A_828 = arith.select %and3A_825, %sub3A_827, %div3A_806 : i32
        %jit3A_829 = arith.constant 2 : i32
        %eq3A_830 = arith.constant 0 : i32
        %eq3A_831 = arith.cmpi eq, %jit3A_829, %eq3A_830 : i32
        %jit3A_832 = arith.constant 1 : i32
        %select_n3A_833 = arith.select %eq3A_831, %jit3A_832, %jit3A_829 : i32
        %rem3A_834 = arith.remsi %select_n3A_828, %select_n3A_833 : i32
        %ne3A_835 = arith.constant 0 : i32
        %ne3A_836 = arith.cmpi ne, %rem3A_834, %ne3A_835 : i32
        %lt3A_837 = arith.constant 0 : i32
        %lt3A_838 = arith.cmpi slt, %rem3A_834, %lt3A_837 : i32
        %lt3A_839 = arith.constant 0 : i32
        %lt3A_840 = arith.cmpi slt, %select_n3A_833, %lt3A_839 : i32
        %ne3A_841 = arith.xori %lt3A_838, %lt3A_840 : i1
        %and3A_842 = arith.andi %ne3A_841, %ne3A_836 : i1
        %add3A_843 = arith.addi %rem3A_834, %select_n3A_833 : i32
        %select_n3A_844 = arith.select %and3A_842, %add3A_843, %rem3A_834 : i32
        %eq3A_845 = arith.constant 0 : i32
        %eq3A_846 = arith.cmpi eq, %select_n3A_844, %eq3A_845 : i32
        %convert_element_type3A_847 = arith.extui %eq3A_846 : i1 to i32
        %cond3A_848 = arith.constant 0 : i32
        %cond3A_849 = arith.cmpi ne, %convert_element_type3A_847, %cond3A_848 : i32
        scf.if %cond3A_849 {
          %dma_wait3A_855 = arith.constant 0 : i32
          %dma_wait3A_856 = arith.constant 0 : i32
          %dma_wait3A_857 = tpu.memref_slice %arg6[%dma_wait3A_855, %dma_wait3A_856] : memref<64x32xi32, #tpu.memory_space<vmem>> -> memref<32x32xi32, #tpu.memory_space<vmem>>
          %dma_wait3A_858 = arith.constant 0 : i32
          %dma_wait3A_859 = arith.constant 0 : i32
          %dma_wait3A_860 = tpu.memref_slice %arg2[%dma_wait3A_858, %dma_wait3A_859] : memref<32768x32xi32, #tpu.memory_space<hbm>> -> memref<32x32xi32, #tpu.memory_space<hbm>>
          %dma_wait3A_861 = arith.constant 0 : i32
          %dma_wait3A_862 = arith.constant 0 : i32
          %dma_wait3A_863 = tpu.memref_slice %arg6[%dma_wait3A_861, %dma_wait3A_862] : memref<64x32xi32, #tpu.memory_space<vmem>> -> memref<32x32xi32, #tpu.memory_space<vmem>>
          %dma_wait3A_864 = arith.constant 0 : i32
          %dma_wait3A_865 = arith.constant 0 : i32
          %dma_wait3A_866 = tpu.memref_slice %arg2[%dma_wait3A_864, %dma_wait3A_865] : memref<32768x32xi32, #tpu.memory_space<hbm>> -> memref<32x32xi32, #tpu.memory_space<hbm>>
          tpu.wait_dma2 semaphore(%arg11 : memref<!tpu.dma_semaphore, #tpu.memory_space<semaphore_mem>>) src(%dma_wait3A_866 : memref<32x32xi32, #tpu.memory_space<hbm>>) dst(%dma_wait3A_863 : memref<32x32xi32, #tpu.memory_space<vmem>>)
          %dma_wait3A_867 = arith.constant 0 : i32
          %dma_wait3A_868 = arith.constant 0 : i32
          %dma_wait3A_869 = tpu.memref_slice %arg7[%dma_wait3A_867, %dma_wait3A_868] : memref<64x32xf32, #tpu.memory_space<vmem>> -> memref<32x32xf32, #tpu.memory_space<vmem>>
          %dma_wait3A_870 = arith.constant 0 : i32
          %dma_wait3A_871 = arith.constant 0 : i32
          %dma_wait3A_872 = tpu.memref_slice %arg3[%dma_wait3A_870, %dma_wait3A_871] : memref<32768x32xf32, #tpu.memory_space<hbm>> -> memref<32x32xf32, #tpu.memory_space<hbm>>
          %dma_wait3A_873 = arith.constant 0 : i32
          %dma_wait3A_874 = arith.constant 0 : i32
          %dma_wait3A_875 = tpu.memref_slice %arg7[%dma_wait3A_873, %dma_wait3A_874] : memref<64x32xf32, #tpu.memory_space<vmem>> -> memref<32x32xf32, #tpu.memory_space<vmem>>
          %dma_wait3A_876 = arith.constant 0 : i32
          %dma_wait3A_877 = arith.constant 0 : i32
          %dma_wait3A_878 = tpu.memref_slice %arg3[%dma_wait3A_876, %dma_wait3A_877] : memref<32768x32xf32, #tpu.memory_space<hbm>> -> memref<32x32xf32, #tpu.memory_space<hbm>>
          tpu.wait_dma2 semaphore(%arg11 : memref<!tpu.dma_semaphore, #tpu.memory_space<semaphore_mem>>) src(%dma_wait3A_878 : memref<32x32xf32, #tpu.memory_space<hbm>>) dst(%dma_wait3A_875 : memref<32x32xf32, #tpu.memory_space<vmem>>)
        } else {
        }
        %eq3A_850 = arith.constant 1 : i32
        %eq3A_851 = arith.cmpi eq, %select_n3A_844, %eq3A_850 : i32
        %convert_element_type3A_852 = arith.extui %eq3A_851 : i1 to i32
        %cond3A_853 = arith.constant 0 : i32
        %cond3A_854 = arith.cmpi ne, %convert_element_type3A_852, %cond3A_853 : i32
        scf.if %cond3A_854 {
          %dma_wait3A_855 = arith.constant 32 : i32
          %dma_wait3A_856 = arith.constant 0 : i32
          %dma_wait3A_857 = tpu.memref_slice %arg6[%dma_wait3A_855, %dma_wait3A_856] : memref<64x32xi32, #tpu.memory_space<vmem>> -> memref<32x32xi32, #tpu.memory_space<vmem>>
          %dma_wait3A_858 = arith.constant 0 : i32
          %dma_wait3A_859 = arith.constant 0 : i32
          %dma_wait3A_860 = tpu.memref_slice %arg2[%dma_wait3A_858, %dma_wait3A_859] : memref<32768x32xi32, #tpu.memory_space<hbm>> -> memref<32x32xi32, #tpu.memory_space<hbm>>
          %dma_wait3A_861 = arith.constant 32 : i32
          %dma_wait3A_862 = arith.constant 0 : i32
          %dma_wait3A_863 = tpu.memref_slice %arg6[%dma_wait3A_861, %dma_wait3A_862] : memref<64x32xi32, #tpu.memory_space<vmem>> -> memref<32x32xi32, #tpu.memory_space<vmem>>
          %dma_wait3A_864 = arith.constant 0 : i32
          %dma_wait3A_865 = arith.constant 0 : i32
          %dma_wait3A_866 = tpu.memref_slice %arg2[%dma_wait3A_864, %dma_wait3A_865] : memref<32768x32xi32, #tpu.memory_space<hbm>> -> memref<32x32xi32, #tpu.memory_space<hbm>>
          tpu.wait_dma2 semaphore(%arg12 : memref<!tpu.dma_semaphore, #tpu.memory_space<semaphore_mem>>) src(%dma_wait3A_866 : memref<32x32xi32, #tpu.memory_space<hbm>>) dst(%dma_wait3A_863 : memref<32x32xi32, #tpu.memory_space<vmem>>)
          %dma_wait3A_867 = arith.constant 32 : i32
          %dma_wait3A_868 = arith.constant 0 : i32
          %dma_wait3A_869 = tpu.memref_slice %arg7[%dma_wait3A_867, %dma_wait3A_868] : memref<64x32xf32, #tpu.memory_space<vmem>> -> memref<32x32xf32, #tpu.memory_space<vmem>>
          %dma_wait3A_870 = arith.constant 0 : i32
          %dma_wait3A_871 = arith.constant 0 : i32
          %dma_wait3A_872 = tpu.memref_slice %arg3[%dma_wait3A_870, %dma_wait3A_871] : memref<32768x32xf32, #tpu.memory_space<hbm>> -> memref<32x32xf32, #tpu.memory_space<hbm>>
          %dma_wait3A_873 = arith.constant 32 : i32
          %dma_wait3A_874 = arith.constant 0 : i32
          %dma_wait3A_875 = tpu.memref_slice %arg7[%dma_wait3A_873, %dma_wait3A_874] : memref<64x32xf32, #tpu.memory_space<vmem>> -> memref<32x32xf32, #tpu.memory_space<vmem>>
          %dma_wait3A_876 = arith.constant 0 : i32
          %dma_wait3A_877 = arith.constant 0 : i32
          %dma_wait3A_878 = tpu.memref_slice %arg3[%dma_wait3A_876, %dma_wait3A_877] : memref<32768x32xf32, #tpu.memory_space<hbm>> -> memref<32x32xf32, #tpu.memory_space<hbm>>
          tpu.wait_dma2 semaphore(%arg12 : memref<!tpu.dma_semaphore, #tpu.memory_space<semaphore_mem>>) src(%dma_wait3A_878 : memref<32x32xf32, #tpu.memory_space<hbm>>) dst(%dma_wait3A_875 : memref<32x32xf32, #tpu.memory_space<vmem>>)
        } else {
        }
      } else {
      }
      %lt3A_443 = arith.constant 256 : i32
      %lt3A_444 = arith.cmpi slt, %sub3A_418, %lt3A_443 : i32
      %convert_element_type3A_445 = arith.extui %lt3A_444 : i1 to i32
      %cond3A_446 = arith.constant 0 : i32
      %cond3A_447 = arith.cmpi ne, %convert_element_type3A_445, %cond3A_446 : i32
      scf.if %cond3A_447 {
        %jit3A_805 = arith.constant 8 : i32
        %div3A_806 = arith.divsi %sub3A_418, %jit3A_805 : i32
        %sign3A_807 = arith.constant 0 : i32
        %sign3A_808 = arith.cmpi sgt, %sub3A_418, %sign3A_807 : i32
        %sign3A_809 = arith.extui %sign3A_808 : i1 to i32
        %sign3A_810 = arith.constant 0 : i32
        %sign3A_811 = arith.cmpi slt, %sub3A_418, %sign3A_810 : i32
        %sign3A_812 = arith.extui %sign3A_811 : i1 to i32
        %sign3A_813 = arith.subi %sign3A_809, %sign3A_812 : i32
        %sign3A_814 = arith.constant 0 : i32
        %sign3A_815 = arith.cmpi sgt, %jit3A_805, %sign3A_814 : i32
        %sign3A_816 = arith.extui %sign3A_815 : i1 to i32
        %sign3A_817 = arith.constant 0 : i32
        %sign3A_818 = arith.cmpi slt, %jit3A_805, %sign3A_817 : i32
        %sign3A_819 = arith.extui %sign3A_818 : i1 to i32
        %sign3A_820 = arith.subi %sign3A_816, %sign3A_819 : i32
        %ne3A_821 = arith.cmpi ne, %sign3A_813, %sign3A_820 : i32
        %rem3A_822 = arith.remsi %sub3A_418, %jit3A_805 : i32
        %ne3A_823 = arith.constant 0 : i32
        %ne3A_824 = arith.cmpi ne, %rem3A_822, %ne3A_823 : i32
        %and3A_825 = arith.andi %ne3A_821, %ne3A_824 : i1
        %sub3A_826 = arith.constant 1 : i32
        %sub3A_827 = arith.subi %div3A_806, %sub3A_826 : i32
        %select_n3A_828 = arith.select %and3A_825, %sub3A_827, %div3A_806 : i32
        %jit3A_829 = arith.constant 2 : i32
        %eq3A_830 = arith.constant 0 : i32
        %eq3A_831 = arith.cmpi eq, %jit3A_829, %eq3A_830 : i32
        %jit3A_832 = arith.constant 1 : i32
        %select_n3A_833 = arith.select %eq3A_831, %jit3A_832, %jit3A_829 : i32
        %rem3A_834 = arith.remsi %select_n3A_828, %select_n3A_833 : i32
        %ne3A_835 = arith.constant 0 : i32
        %ne3A_836 = arith.cmpi ne, %rem3A_834, %ne3A_835 : i32
        %lt3A_837 = arith.constant 0 : i32
        %lt3A_838 = arith.cmpi slt, %rem3A_834, %lt3A_837 : i32
        %lt3A_839 = arith.constant 0 : i32
        %lt3A_840 = arith.cmpi slt, %select_n3A_833, %lt3A_839 : i32
        %ne3A_841 = arith.xori %lt3A_838, %lt3A_840 : i1
        %and3A_842 = arith.andi %ne3A_841, %ne3A_836 : i1
        %add3A_843 = arith.addi %rem3A_834, %select_n3A_833 : i32
        %select_n3A_844 = arith.select %and3A_842, %add3A_843, %rem3A_834 : i32
        %eq3A_845 = arith.constant 0 : i32
        %eq3A_846 = arith.cmpi eq, %select_n3A_844, %eq3A_845 : i32
        %convert_element_type3A_847 = arith.extui %eq3A_846 : i1 to i32
        %cond3A_848 = arith.constant 0 : i32
        %cond3A_849 = arith.cmpi ne, %convert_element_type3A_847, %cond3A_848 : i32
        scf.if %cond3A_849 {
          %jit3A_855 = arith.constant 8 : i32
          %eq3A_856 = arith.constant 0 : i32
          %eq3A_857 = arith.cmpi eq, %jit3A_855, %eq3A_856 : i32
          %jit3A_858 = arith.constant 1 : i32
          %select_n3A_859 = arith.select %eq3A_857, %jit3A_858, %jit3A_855 : i32
          %rem3A_860 = arith.remsi %sub3A_418, %select_n3A_859 : i32
          %ne3A_861 = arith.constant 0 : i32
          %ne3A_862 = arith.cmpi ne, %rem3A_860, %ne3A_861 : i32
          %lt3A_863 = arith.constant 0 : i32
          %lt3A_864 = arith.cmpi slt, %rem3A_860, %lt3A_863 : i32
          %lt3A_865 = arith.constant 0 : i32
          %lt3A_866 = arith.cmpi slt, %select_n3A_859, %lt3A_865 : i32
          %ne3A_867 = arith.xori %lt3A_864, %lt3A_866 : i1
          %and3A_868 = arith.andi %ne3A_867, %ne3A_862 : i1
          %add3A_869 = arith.addi %rem3A_860, %select_n3A_859 : i32
          %select_n3A_870 = arith.select %and3A_868, %add3A_869, %rem3A_860 : i32
          %mul3A_871 = arith.constant 4 : i32
          %mul3A_872 = arith.muli %select_n3A_870, %mul3A_871 : i32
          %add3A_873 = arith.constant 0 : i32
          %add3A_874 = arith.addi %add3A_873, %mul3A_872 : i32
          %add3A_875 = arith.constant 0 : i32
          %add3A_876 = arith.addi %add3A_874, %add3A_875 : i32
          %get3A_877 = arith.index_cast %add3A_876 : i32 to index
          %get3A_878 = arith.constant 0 : index
          %get3A_879 = tpu.vector_load %arg6[%get3A_877, %get3A_878] {strides = array<i32>} : memref<64x32xi32, #tpu.memory_space<vmem>>, vector<1x16xi32>,
          %get3A_880 = vector.shape_cast %get3A_879 : vector<1x16xi32> to vector<16xi32>
          %swap3A_881 = arith.constant 256 : index
          %swap3A_882 = tpu.vector_load %arg8[%swap3A_881] {strides = array<i32>} : memref<384xi32, #tpu.memory_space<vmem>>, vector<16xi32>,
          %swap3A_883 = vector.shape_cast %swap3A_882 : vector<16xi32> to vector<16xi32>
          %swap3A_884 = vector.shape_cast %get3A_880 : vector<16xi32> to vector<16xi32>
          tpu.vector_store %arg8[%swap3A_881], %swap3A_884 {strides = array<i32>} : memref<384xi32, #tpu.memory_space<vmem>>, vector<16xi32>,
          %get3A_885 = arith.index_cast %add3A_876 : i32 to index
          %get3A_886 = arith.constant 16 : index
          %get3A_887 = tpu.vector_load %arg6[%get3A_885, %get3A_886] {strides = array<i32>} : memref<64x32xi32, #tpu.memory_space<vmem>>, vector<1x16xi32>,
          %get3A_888 = vector.shape_cast %get3A_887 : vector<1x16xi32> to vector<16xi32>
          %swap3A_889 = arith.constant 272 : index
          %swap3A_890 = tpu.vector_load %arg8[%swap3A_889] {strides = array<i32>} : memref<384xi32, #tpu.memory_space<vmem>>, vector<16xi32>,
          %swap3A_891 = vector.shape_cast %swap3A_890 : vector<16xi32> to vector<16xi32>
          %swap3A_892 = vector.shape_cast %get3A_888 : vector<16xi32> to vector<16xi32>
          tpu.vector_store %arg8[%swap3A_889], %swap3A_892 {strides = array<i32>} : memref<384xi32, #tpu.memory_space<vmem>>, vector<16xi32>,
          %jit3A_893 = arith.constant 8 : i32
          %eq3A_894 = arith.constant 0 : i32
          %eq3A_895 = arith.cmpi eq, %jit3A_893, %eq3A_894 : i32
          %jit3A_896 = arith.constant 1 : i32
          %select_n3A_897 = arith.select %eq3A_895, %jit3A_896, %jit3A_893 : i32
          %rem3A_898 = arith.remsi %sub3A_418, %select_n3A_897 : i32
          %ne3A_899 = arith.constant 0 : i32
          %ne3A_900 = arith.cmpi ne, %rem3A_898, %ne3A_899 : i32
          %lt3A_901 = arith.constant 0 : i32
          %lt3A_902 = arith.cmpi slt, %rem3A_898, %lt3A_901 : i32
          %lt3A_903 = arith.constant 0 : i32
          %lt3A_904 = arith.cmpi slt, %select_n3A_897, %lt3A_903 : i32
          %ne3A_905 = arith.xori %lt3A_902, %lt3A_904 : i1
          %and3A_906 = arith.andi %ne3A_905, %ne3A_900 : i1
          %add3A_907 = arith.addi %rem3A_898, %select_n3A_897 : i32
          %select_n3A_908 = arith.select %and3A_906, %add3A_907, %rem3A_898 : i32
          %mul3A_909 = arith.constant 4 : i32
          %mul3A_910 = arith.muli %select_n3A_908, %mul3A_909 : i32
          %add3A_911 = arith.constant 0 : i32
          %add3A_912 = arith.addi %add3A_911, %mul3A_910 : i32
          %add3A_913 = arith.constant 1 : i32
          %add3A_914 = arith.addi %add3A_912, %add3A_913 : i32
          %get3A_915 = arith.index_cast %add3A_914 : i32 to index
          %get3A_916 = arith.constant 0 : index
          %get3A_917 = tpu.vector_load %arg6[%get3A_915, %get3A_916] {strides = array<i32>} : memref<64x32xi32, #tpu.memory_space<vmem>>, vector<1x16xi32>,
          %get3A_918 = vector.shape_cast %get3A_917 : vector<1x16xi32> to vector<16xi32>
          %swap3A_919 = arith.constant 288 : index
          %swap3A_920 = tpu.vector_load %arg8[%swap3A_919] {strides = array<i32>} : memref<384xi32, #tpu.memory_space<vmem>>, vector<16xi32>,
          %swap3A_921 = vector.shape_cast %swap3A_920 : vector<16xi32> to vector<16xi32>
          %swap3A_922 = vector.shape_cast %get3A_918 : vector<16xi32> to vector<16xi32>
          tpu.vector_store %arg8[%swap3A_919], %swap3A_922 {strides = array<i32>} : memref<384xi32, #tpu.memory_space<vmem>>, vector<16xi32>,
          %get3A_923 = arith.index_cast %add3A_914 : i32 to index
          %get3A_924 = arith.constant 16 : index
          %get3A_925 = tpu.vector_load %arg6[%get3A_923, %get3A_924] {strides = array<i32>} : memref<64x32xi32, #tpu.memory_space<vmem>>, vector<1x16xi32>,
          %get3A_926 = vector.shape_cast %get3A_925 : vector<1x16xi32> to vector<16xi32>
          %swap3A_927 = arith.constant 304 : index
          %swap3A_928 = tpu.vector_load %arg8[%swap3A_927] {strides = array<i32>} : memref<384xi32, #tpu.memory_space<vmem>>, vector<16xi32>,
          %swap3A_929 = vector.shape_cast %swap3A_928 : vector<16xi32> to vector<16xi32>
          %swap3A_930 = vector.shape_cast %get3A_926 : vector<16xi32> to vector<16xi32>
          tpu.vector_store %arg8[%swap3A_927], %swap3A_930 {strides = array<i32>} : memref<384xi32, #tpu.memory_space<vmem>>, vector<16xi32>,
          %jit3A_931 = arith.constant 8 : i32
          %eq3A_932 = arith.constant 0 : i32
          %eq3A_933 = arith.cmpi eq, %jit3A_931, %eq3A_932 : i32
          %jit3A_934 = arith.constant 1 : i32
          %select_n3A_935 = arith.select %eq3A_933, %jit3A_934, %jit3A_931 : i32
          %rem3A_936 = arith.remsi %sub3A_418, %select_n3A_935 : i32
          %ne3A_937 = arith.constant 0 : i32
          %ne3A_938 = arith.cmpi ne, %rem3A_936, %ne3A_937 : i32
          %lt3A_939 = arith.constant 0 : i32
          %lt3A_940 = arith.cmpi slt, %rem3A_936, %lt3A_939 : i32
          %lt3A_941 = arith.constant 0 : i32
          %lt3A_942 = arith.cmpi slt, %select_n3A_935, %lt3A_941 : i32
          %ne3A_943 = arith.xori %lt3A_940, %lt3A_942 : i1
          %and3A_944 = arith.andi %ne3A_943, %ne3A_938 : i1
          %add3A_945 = arith.addi %rem3A_936, %select_n3A_935 : i32
          %select_n3A_946 = arith.select %and3A_944, %add3A_945, %rem3A_936 : i32
          %mul3A_947 = arith.constant 4 : i32
          %mul3A_948 = arith.muli %select_n3A_946, %mul3A_947 : i32
          %add3A_949 = arith.constant 0 : i32
          %add3A_950 = arith.addi %add3A_949, %mul3A_948 : i32
          %add3A_951 = arith.constant 2 : i32
          %add3A_952 = arith.addi %add3A_950, %add3A_951 : i32
          %get3A_953 = arith.index_cast %add3A_952 : i32 to index
          %get3A_954 = arith.constant 0 : index
          %get3A_955 = tpu.vector_load %arg6[%get3A_953, %get3A_954] {strides = array<i32>} : memref<64x32xi32, #tpu.memory_space<vmem>>, vector<1x16xi32>,
          %get3A_956 = vector.shape_cast %get3A_955 : vector<1x16xi32> to vector<16xi32>
          %swap3A_957 = arith.constant 320 : index
          %swap3A_958 = tpu.vector_load %arg8[%swap3A_957] {strides = array<i32>} : memref<384xi32, #tpu.memory_space<vmem>>, vector<16xi32>,
          %swap3A_959 = vector.shape_cast %swap3A_958 : vector<16xi32> to vector<16xi32>
          %swap3A_960 = vector.shape_cast %get3A_956 : vector<16xi32> to vector<16xi32>
          tpu.vector_store %arg8[%swap3A_957], %swap3A_960 {strides = array<i32>} : memref<384xi32, #tpu.memory_space<vmem>>, vector<16xi32>,
          %get3A_961 = arith.index_cast %add3A_952 : i32 to index
          %get3A_962 = arith.constant 16 : index
          %get3A_963 = tpu.vector_load %arg6[%get3A_961, %get3A_962] {strides = array<i32>} : memref<64x32xi32, #tpu.memory_space<vmem>>, vector<1x16xi32>,
          %get3A_964 = vector.shape_cast %get3A_963 : vector<1x16xi32> to vector<16xi32>
          %swap3A_965 = arith.constant 336 : index
          %swap3A_966 = tpu.vector_load %arg8[%swap3A_965] {strides = array<i32>} : memref<384xi32, #tpu.memory_space<vmem>>, vector<16xi32>,
          %swap3A_967 = vector.shape_cast %swap3A_966 : vector<16xi32> to vector<16xi32>
          %swap3A_968 = vector.shape_cast %get3A_964 : vector<16xi32> to vector<16xi32>
          tpu.vector_store %arg8[%swap3A_965], %swap3A_968 {strides = array<i32>} : memref<384xi32, #tpu.memory_space<vmem>>, vector<16xi32>,
          %jit3A_969 = arith.constant 8 : i32
          %eq3A_970 = arith.constant 0 : i32
          %eq3A_971 = arith.cmpi eq, %jit3A_969, %eq3A_970 : i32
          %jit3A_972 = arith.constant 1 : i32
          %select_n3A_973 = arith.select %eq3A_971, %jit3A_972, %jit3A_969 : i32
          %rem3A_974 = arith.remsi %sub3A_418, %select_n3A_973 : i32
          %ne3A_975 = arith.constant 0 : i32
          %ne3A_976 = arith.cmpi ne, %rem3A_974, %ne3A_975 : i32
          %lt3A_977 = arith.constant 0 : i32
          %lt3A_978 = arith.cmpi slt, %rem3A_974, %lt3A_977 : i32
          %lt3A_979 = arith.constant 0 : i32
          %lt3A_980 = arith.cmpi slt, %select_n3A_973, %lt3A_979 : i32
          %ne3A_981 = arith.xori %lt3A_978, %lt3A_980 : i1
          %and3A_982 = arith.andi %ne3A_981, %ne3A_976 : i1
          %add3A_983 = arith.addi %rem3A_974, %select_n3A_973 : i32
          %select_n3A_984 = arith.select %and3A_982, %add3A_983, %rem3A_974 : i32
          %mul3A_985 = arith.constant 4 : i32
          %mul3A_986 = arith.muli %select_n3A_984, %mul3A_985 : i32
          %add3A_987 = arith.constant 0 : i32
          %add3A_988 = arith.addi %add3A_987, %mul3A_986 : i32
          %add3A_989 = arith.constant 3 : i32
          %add3A_990 = arith.addi %add3A_988, %add3A_989 : i32
          %get3A_991 = arith.index_cast %add3A_990 : i32 to index
          %get3A_992 = arith.constant 0 : index
          %get3A_993 = tpu.vector_load %arg6[%get3A_991, %get3A_992] {strides = array<i32>} : memref<64x32xi32, #tpu.memory_space<vmem>>, vector<1x16xi32>,
          %get3A_994 = vector.shape_cast %get3A_993 : vector<1x16xi32> to vector<16xi32>
          %swap3A_995 = arith.constant 352 : index
          %swap3A_996 = tpu.vector_load %arg8[%swap3A_995] {strides = array<i32>} : memref<384xi32, #tpu.memory_space<vmem>>, vector<16xi32>,
          %swap3A_997 = vector.shape_cast %swap3A_996 : vector<16xi32> to vector<16xi32>
          %swap3A_998 = vector.shape_cast %get3A_994 : vector<16xi32> to vector<16xi32>
          tpu.vector_store %arg8[%swap3A_995], %swap3A_998 {strides = array<i32>} : memref<384xi32, #tpu.memory_space<vmem>>, vector<16xi32>,
          %get3A_999 = arith.index_cast %add3A_990 : i32 to index
          %get3A_1000 = arith.constant 16 : index
          %get3A_1001 = tpu.vector_load %arg6[%get3A_999, %get3A_1000] {strides = array<i32>} : memref<64x32xi32, #tpu.memory_space<vmem>>, vector<1x16xi32>,
          %get3A_1002 = vector.shape_cast %get3A_1001 : vector<1x16xi32> to vector<16xi32>
          %swap3A_1003 = arith.constant 368 : index
          %swap3A_1004 = tpu.vector_load %arg8[%swap3A_1003] {strides = array<i32>} : memref<384xi32, #tpu.memory_space<vmem>>, vector<16xi32>,
          %swap3A_1005 = vector.shape_cast %swap3A_1004 : vector<16xi32> to vector<16xi32>
          %swap3A_1006 = vector.shape_cast %get3A_1002 : vector<16xi32> to vector<16xi32>
          tpu.vector_store %arg8[%swap3A_1003], %swap3A_1006 {strides = array<i32>} : memref<384xi32, #tpu.memory_space<vmem>>, vector<16xi32>,
          %dma_start3A_1007 = arith.constant 256 : i32
          %dma_start3A_1008 = arith.constant 0 : i32
          %dma_start3A_1009 = tpu.memref_slice %arg9[%dma_start3A_1007, %dma_start3A_1008] : memref<384x256xf32, #tpu.memory_space<vmem>> -> memref<128x256xf32, #tpu.memory_space<vmem>>
          %dma_start3A_1010 = arith.constant 256 : i32
          %dma_start3A_1011 = tpu.memref_slice %arg8[%dma_start3A_1010] : memref<384xi32, #tpu.memory_space<vmem>> -> memref<128xi32, #tpu.memory_space<vmem>>
          %dma_start3A_1012 = arith.constant 0 : i32
          %dma_start3A_1013 = arith.constant 0 : i32
          %dma_start3A_1014 = tpu.memref_slice %arg4[%dma_start3A_1012, %dma_start3A_1013] : memref<100000x256xf32, #tpu.memory_space<hbm>> -> memref<100000x256xf32, #tpu.memory_space<hbm>>
          tpu.enqueue_indirect_dma source(%dma_start3A_1014 : memref<100000x256xf32, #tpu.memory_space<hbm>>) target(%dma_start3A_1009 : memref<128x256xf32, #tpu.memory_space<vmem>>) offsets(%dma_start3A_1011 : memref<128xi32, #tpu.memory_space<vmem>>) semaphore(%arg15 : memref<!tpu.dma_semaphore, #tpu.memory_space<semaphore_mem>>)
        } else {
        }
        %eq3A_850 = arith.constant 1 : i32
        %eq3A_851 = arith.cmpi eq, %select_n3A_844, %eq3A_850 : i32
        %convert_element_type3A_852 = arith.extui %eq3A_851 : i1 to i32
        %cond3A_853 = arith.constant 0 : i32
        %cond3A_854 = arith.cmpi ne, %convert_element_type3A_852, %cond3A_853 : i32
        scf.if %cond3A_854 {
          %jit3A_855 = arith.constant 8 : i32
          %eq3A_856 = arith.constant 0 : i32
          %eq3A_857 = arith.cmpi eq, %jit3A_855, %eq3A_856 : i32
          %jit3A_858 = arith.constant 1 : i32
          %select_n3A_859 = arith.select %eq3A_857, %jit3A_858, %jit3A_855 : i32
          %rem3A_860 = arith.remsi %sub3A_418, %select_n3A_859 : i32
          %ne3A_861 = arith.constant 0 : i32
          %ne3A_862 = arith.cmpi ne, %rem3A_860, %ne3A_861 : i32
          %lt3A_863 = arith.constant 0 : i32
          %lt3A_864 = arith.cmpi slt, %rem3A_860, %lt3A_863 : i32
          %lt3A_865 = arith.constant 0 : i32
          %lt3A_866 = arith.cmpi slt, %select_n3A_859, %lt3A_865 : i32
          %ne3A_867 = arith.xori %lt3A_864, %lt3A_866 : i1
          %and3A_868 = arith.andi %ne3A_867, %ne3A_862 : i1
          %add3A_869 = arith.addi %rem3A_860, %select_n3A_859 : i32
          %select_n3A_870 = arith.select %and3A_868, %add3A_869, %rem3A_860 : i32
          %mul3A_871 = arith.constant 4 : i32
          %mul3A_872 = arith.muli %select_n3A_870, %mul3A_871 : i32
          %add3A_873 = arith.constant 32 : i32
          %add3A_874 = arith.addi %add3A_873, %mul3A_872 : i32
          %add3A_875 = arith.constant 0 : i32
          %add3A_876 = arith.addi %add3A_874, %add3A_875 : i32
          %get3A_877 = arith.index_cast %add3A_876 : i32 to index
          %get3A_878 = arith.constant 0 : index
          %get3A_879 = tpu.vector_load %arg6[%get3A_877, %get3A_878] {strides = array<i32>} : memref<64x32xi32, #tpu.memory_space<vmem>>, vector<1x16xi32>,
          %get3A_880 = vector.shape_cast %get3A_879 : vector<1x16xi32> to vector<16xi32>
          %swap3A_881 = arith.constant 256 : index
          %swap3A_882 = tpu.vector_load %arg8[%swap3A_881] {strides = array<i32>} : memref<384xi32, #tpu.memory_space<vmem>>, vector<16xi32>,
          %swap3A_883 = vector.shape_cast %swap3A_882 : vector<16xi32> to vector<16xi32>
          %swap3A_884 = vector.shape_cast %get3A_880 : vector<16xi32> to vector<16xi32>
          tpu.vector_store %arg8[%swap3A_881], %swap3A_884 {strides = array<i32>} : memref<384xi32, #tpu.memory_space<vmem>>, vector<16xi32>,
          %get3A_885 = arith.index_cast %add3A_876 : i32 to index
          %get3A_886 = arith.constant 16 : index
          %get3A_887 = tpu.vector_load %arg6[%get3A_885, %get3A_886] {strides = array<i32>} : memref<64x32xi32, #tpu.memory_space<vmem>>, vector<1x16xi32>,
          %get3A_888 = vector.shape_cast %get3A_887 : vector<1x16xi32> to vector<16xi32>
          %swap3A_889 = arith.constant 272 : index
          %swap3A_890 = tpu.vector_load %arg8[%swap3A_889] {strides = array<i32>} : memref<384xi32, #tpu.memory_space<vmem>>, vector<16xi32>,
          %swap3A_891 = vector.shape_cast %swap3A_890 : vector<16xi32> to vector<16xi32>
          %swap3A_892 = vector.shape_cast %get3A_888 : vector<16xi32> to vector<16xi32>
          tpu.vector_store %arg8[%swap3A_889], %swap3A_892 {strides = array<i32>} : memref<384xi32, #tpu.memory_space<vmem>>, vector<16xi32>,
          %jit3A_893 = arith.constant 8 : i32
          %eq3A_894 = arith.constant 0 : i32
          %eq3A_895 = arith.cmpi eq, %jit3A_893, %eq3A_894 : i32
          %jit3A_896 = arith.constant 1 : i32
          %select_n3A_897 = arith.select %eq3A_895, %jit3A_896, %jit3A_893 : i32
          %rem3A_898 = arith.remsi %sub3A_418, %select_n3A_897 : i32
          %ne3A_899 = arith.constant 0 : i32
          %ne3A_900 = arith.cmpi ne, %rem3A_898, %ne3A_899 : i32
          %lt3A_901 = arith.constant 0 : i32
          %lt3A_902 = arith.cmpi slt, %rem3A_898, %lt3A_901 : i32
          %lt3A_903 = arith.constant 0 : i32
          %lt3A_904 = arith.cmpi slt, %select_n3A_897, %lt3A_903 : i32
          %ne3A_905 = arith.xori %lt3A_902, %lt3A_904 : i1
          %and3A_906 = arith.andi %ne3A_905, %ne3A_900 : i1
          %add3A_907 = arith.addi %rem3A_898, %select_n3A_897 : i32
          %select_n3A_908 = arith.select %and3A_906, %add3A_907, %rem3A_898 : i32
          %mul3A_909 = arith.constant 4 : i32
          %mul3A_910 = arith.muli %select_n3A_908, %mul3A_909 : i32
          %add3A_911 = arith.constant 32 : i32
          %add3A_912 = arith.addi %add3A_911, %mul3A_910 : i32
          %add3A_913 = arith.constant 1 : i32
          %add3A_914 = arith.addi %add3A_912, %add3A_913 : i32
          %get3A_915 = arith.index_cast %add3A_914 : i32 to index
          %get3A_916 = arith.constant 0 : index
          %get3A_917 = tpu.vector_load %arg6[%get3A_915, %get3A_916] {strides = array<i32>} : memref<64x32xi32, #tpu.memory_space<vmem>>, vector<1x16xi32>,
          %get3A_918 = vector.shape_cast %get3A_917 : vector<1x16xi32> to vector<16xi32>
          %swap3A_919 = arith.constant 288 : index
          %swap3A_920 = tpu.vector_load %arg8[%swap3A_919] {strides = array<i32>} : memref<384xi32, #tpu.memory_space<vmem>>, vector<16xi32>,
          %swap3A_921 = vector.shape_cast %swap3A_920 : vector<16xi32> to vector<16xi32>
          %swap3A_922 = vector.shape_cast %get3A_918 : vector<16xi32> to vector<16xi32>
          tpu.vector_store %arg8[%swap3A_919], %swap3A_922 {strides = array<i32>} : memref<384xi32, #tpu.memory_space<vmem>>, vector<16xi32>,
          %get3A_923 = arith.index_cast %add3A_914 : i32 to index
          %get3A_924 = arith.constant 16 : index
          %get3A_925 = tpu.vector_load %arg6[%get3A_923, %get3A_924] {strides = array<i32>} : memref<64x32xi32, #tpu.memory_space<vmem>>, vector<1x16xi32>,
          %get3A_926 = vector.shape_cast %get3A_925 : vector<1x16xi32> to vector<16xi32>
          %swap3A_927 = arith.constant 304 : index
          %swap3A_928 = tpu.vector_load %arg8[%swap3A_927] {strides = array<i32>} : memref<384xi32, #tpu.memory_space<vmem>>, vector<16xi32>,
          %swap3A_929 = vector.shape_cast %swap3A_928 : vector<16xi32> to vector<16xi32>
          %swap3A_930 = vector.shape_cast %get3A_926 : vector<16xi32> to vector<16xi32>
          tpu.vector_store %arg8[%swap3A_927], %swap3A_930 {strides = array<i32>} : memref<384xi32, #tpu.memory_space<vmem>>, vector<16xi32>,
          %jit3A_931 = arith.constant 8 : i32
          %eq3A_932 = arith.constant 0 : i32
          %eq3A_933 = arith.cmpi eq, %jit3A_931, %eq3A_932 : i32
          %jit3A_934 = arith.constant 1 : i32
          %select_n3A_935 = arith.select %eq3A_933, %jit3A_934, %jit3A_931 : i32
          %rem3A_936 = arith.remsi %sub3A_418, %select_n3A_935 : i32
          %ne3A_937 = arith.constant 0 : i32
          %ne3A_938 = arith.cmpi ne, %rem3A_936, %ne3A_937 : i32
          %lt3A_939 = arith.constant 0 : i32
          %lt3A_940 = arith.cmpi slt, %rem3A_936, %lt3A_939 : i32
          %lt3A_941 = arith.constant 0 : i32
          %lt3A_942 = arith.cmpi slt, %select_n3A_935, %lt3A_941 : i32
          %ne3A_943 = arith.xori %lt3A_940, %lt3A_942 : i1
          %and3A_944 = arith.andi %ne3A_943, %ne3A_938 : i1
          %add3A_945 = arith.addi %rem3A_936, %select_n3A_935 : i32
          %select_n3A_946 = arith.select %and3A_944, %add3A_945, %rem3A_936 : i32
          %mul3A_947 = arith.constant 4 : i32
          %mul3A_948 = arith.muli %select_n3A_946, %mul3A_947 : i32
          %add3A_949 = arith.constant 32 : i32
          %add3A_950 = arith.addi %add3A_949, %mul3A_948 : i32
          %add3A_951 = arith.constant 2 : i32
          %add3A_952 = arith.addi %add3A_950, %add3A_951 : i32
          %get3A_953 = arith.index_cast %add3A_952 : i32 to index
          %get3A_954 = arith.constant 0 : index
          %get3A_955 = tpu.vector_load %arg6[%get3A_953, %get3A_954] {strides = array<i32>} : memref<64x32xi32, #tpu.memory_space<vmem>>, vector<1x16xi32>,
          %get3A_956 = vector.shape_cast %get3A_955 : vector<1x16xi32> to vector<16xi32>
          %swap3A_957 = arith.constant 320 : index
          %swap3A_958 = tpu.vector_load %arg8[%swap3A_957] {strides = array<i32>} : memref<384xi32, #tpu.memory_space<vmem>>, vector<16xi32>,
          %swap3A_959 = vector.shape_cast %swap3A_958 : vector<16xi32> to vector<16xi32>
          %swap3A_960 = vector.shape_cast %get3A_956 : vector<16xi32> to vector<16xi32>
          tpu.vector_store %arg8[%swap3A_957], %swap3A_960 {strides = array<i32>} : memref<384xi32, #tpu.memory_space<vmem>>, vector<16xi32>,
          %get3A_961 = arith.index_cast %add3A_952 : i32 to index
          %get3A_962 = arith.constant 16 : index
          %get3A_963 = tpu.vector_load %arg6[%get3A_961, %get3A_962] {strides = array<i32>} : memref<64x32xi32, #tpu.memory_space<vmem>>, vector<1x16xi32>,
          %get3A_964 = vector.shape_cast %get3A_963 : vector<1x16xi32> to vector<16xi32>
          %swap3A_965 = arith.constant 336 : index
          %swap3A_966 = tpu.vector_load %arg8[%swap3A_965] {strides = array<i32>} : memref<384xi32, #tpu.memory_space<vmem>>, vector<16xi32>,
          %swap3A_967 = vector.shape_cast %swap3A_966 : vector<16xi32> to vector<16xi32>
          %swap3A_968 = vector.shape_cast %get3A_964 : vector<16xi32> to vector<16xi32>
          tpu.vector_store %arg8[%swap3A_965], %swap3A_968 {strides = array<i32>} : memref<384xi32, #tpu.memory_space<vmem>>, vector<16xi32>,
          %jit3A_969 = arith.constant 8 : i32
          %eq3A_970 = arith.constant 0 : i32
          %eq3A_971 = arith.cmpi eq, %jit3A_969, %eq3A_970 : i32
          %jit3A_972 = arith.constant 1 : i32
          %select_n3A_973 = arith.select %eq3A_971, %jit3A_972, %jit3A_969 : i32
          %rem3A_974 = arith.remsi %sub3A_418, %select_n3A_973 : i32
          %ne3A_975 = arith.constant 0 : i32
          %ne3A_976 = arith.cmpi ne, %rem3A_974, %ne3A_975 : i32
          %lt3A_977 = arith.constant 0 : i32
          %lt3A_978 = arith.cmpi slt, %rem3A_974, %lt3A_977 : i32
          %lt3A_979 = arith.constant 0 : i32
          %lt3A_980 = arith.cmpi slt, %select_n3A_973, %lt3A_979 : i32
          %ne3A_981 = arith.xori %lt3A_978, %lt3A_980 : i1
          %and3A_982 = arith.andi %ne3A_981, %ne3A_976 : i1
          %add3A_983 = arith.addi %rem3A_974, %select_n3A_973 : i32
          %select_n3A_984 = arith.select %and3A_982, %add3A_983, %rem3A_974 : i32
          %mul3A_985 = arith.constant 4 : i32
          %mul3A_986 = arith.muli %select_n3A_984, %mul3A_985 : i32
          %add3A_987 = arith.constant 32 : i32
          %add3A_988 = arith.addi %add3A_987, %mul3A_986 : i32
          %add3A_989 = arith.constant 3 : i32
          %add3A_990 = arith.addi %add3A_988, %add3A_989 : i32
          %get3A_991 = arith.index_cast %add3A_990 : i32 to index
          %get3A_992 = arith.constant 0 : index
          %get3A_993 = tpu.vector_load %arg6[%get3A_991, %get3A_992] {strides = array<i32>} : memref<64x32xi32, #tpu.memory_space<vmem>>, vector<1x16xi32>,
          %get3A_994 = vector.shape_cast %get3A_993 : vector<1x16xi32> to vector<16xi32>
          %swap3A_995 = arith.constant 352 : index
          %swap3A_996 = tpu.vector_load %arg8[%swap3A_995] {strides = array<i32>} : memref<384xi32, #tpu.memory_space<vmem>>, vector<16xi32>,
          %swap3A_997 = vector.shape_cast %swap3A_996 : vector<16xi32> to vector<16xi32>
          %swap3A_998 = vector.shape_cast %get3A_994 : vector<16xi32> to vector<16xi32>
          tpu.vector_store %arg8[%swap3A_995], %swap3A_998 {strides = array<i32>} : memref<384xi32, #tpu.memory_space<vmem>>, vector<16xi32>,
          %get3A_999 = arith.index_cast %add3A_990 : i32 to index
          %get3A_1000 = arith.constant 16 : index
          %get3A_1001 = tpu.vector_load %arg6[%get3A_999, %get3A_1000] {strides = array<i32>} : memref<64x32xi32, #tpu.memory_space<vmem>>, vector<1x16xi32>,
          %get3A_1002 = vector.shape_cast %get3A_1001 : vector<1x16xi32> to vector<16xi32>
          %swap3A_1003 = arith.constant 368 : index
          %swap3A_1004 = tpu.vector_load %arg8[%swap3A_1003] {strides = array<i32>} : memref<384xi32, #tpu.memory_space<vmem>>, vector<16xi32>,
          %swap3A_1005 = vector.shape_cast %swap3A_1004 : vector<16xi32> to vector<16xi32>
          %swap3A_1006 = vector.shape_cast %get3A_1002 : vector<16xi32> to vector<16xi32>
          tpu.vector_store %arg8[%swap3A_1003], %swap3A_1006 {strides = array<i32>} : memref<384xi32, #tpu.memory_space<vmem>>, vector<16xi32>,
          %dma_start3A_1007 = arith.constant 256 : i32
          %dma_start3A_1008 = arith.constant 0 : i32
          %dma_start3A_1009 = tpu.memref_slice %arg9[%dma_start3A_1007, %dma_start3A_1008] : memref<384x256xf32, #tpu.memory_space<vmem>> -> memref<128x256xf32, #tpu.memory_space<vmem>>
          %dma_start3A_1010 = arith.constant 256 : i32
          %dma_start3A_1011 = tpu.memref_slice %arg8[%dma_start3A_1010] : memref<384xi32, #tpu.memory_space<vmem>> -> memref<128xi32, #tpu.memory_space<vmem>>
          %dma_start3A_1012 = arith.constant 0 : i32
          %dma_start3A_1013 = arith.constant 0 : i32
          %dma_start3A_1014 = tpu.memref_slice %arg4[%dma_start3A_1012, %dma_start3A_1013] : memref<100000x256xf32, #tpu.memory_space<hbm>> -> memref<100000x256xf32, #tpu.memory_space<hbm>>
          tpu.enqueue_indirect_dma source(%dma_start3A_1014 : memref<100000x256xf32, #tpu.memory_space<hbm>>) target(%dma_start3A_1009 : memref<128x256xf32, #tpu.memory_space<vmem>>) offsets(%dma_start3A_1011 : memref<128xi32, #tpu.memory_space<vmem>>) semaphore(%arg15 : memref<!tpu.dma_semaphore, #tpu.memory_space<semaphore_mem>>)
        } else {
        }
      } else {
      }
      %not3A_448 = arith.constant true
      %not3A_449 = arith.xori %lt3A_402, %not3A_448 : i1
      %convert_element_type3A_450 = arith.extui %not3A_449 : i1 to i32
      %cond3A_451 = arith.constant 0 : i32
      %cond3A_452 = arith.cmpi ne, %convert_element_type3A_450, %cond3A_451 : i32
      scf.if %cond3A_452 {
        %dma_wait3A_805 = arith.constant 0 : i32
        %dma_wait3A_806 = arith.constant 0 : i32
        %dma_wait3A_807 = tpu.memref_slice %arg10[%dma_wait3A_805, %dma_wait3A_806] : memref<12x256xf32, #tpu.memory_space<vmem>> -> memref<4x256xf32, #tpu.memory_space<vmem>>
        %dma_wait3A_808 = arith.constant 0 : i32
        %dma_wait3A_809 = arith.constant 0 : i32
        %dma_wait3A_810 = tpu.memref_slice %arg5[%dma_wait3A_808, %dma_wait3A_809] : memref<32768x256xf32, #tpu.memory_space<hbm>> -> memref<4x256xf32, #tpu.memory_space<hbm>>
        %dma_wait3A_811 = arith.constant 0 : i32
        %dma_wait3A_812 = arith.constant 0 : i32
        %dma_wait3A_813 = tpu.memref_slice %arg5[%dma_wait3A_811, %dma_wait3A_812] : memref<32768x256xf32, #tpu.memory_space<hbm>> -> memref<4x256xf32, #tpu.memory_space<hbm>>
        %dma_wait3A_814 = arith.constant 0 : i32
        %dma_wait3A_815 = arith.constant 0 : i32
        %dma_wait3A_816 = tpu.memref_slice %arg10[%dma_wait3A_814, %dma_wait3A_815] : memref<12x256xf32, #tpu.memory_space<vmem>> -> memref<4x256xf32, #tpu.memory_space<vmem>>
        tpu.wait_dma2 semaphore(%arg16 : memref<!tpu.dma_semaphore, #tpu.memory_space<semaphore_mem>>) src(%dma_wait3A_816 : memref<4x256xf32, #tpu.memory_space<vmem>>) dst(%dma_wait3A_813 : memref<4x256xf32, #tpu.memory_space<hbm>>)
      } else {
      }
      %jit3A_453 = arith.constant 8 : i32
      %div3A_454 = arith.divsi %add3A_400, %jit3A_453 : i32
      %sign3A_455 = arith.constant 0 : i32
      %sign3A_456 = arith.cmpi sgt, %add3A_400, %sign3A_455 : i32
      %sign3A_457 = arith.extui %sign3A_456 : i1 to i32
      %sign3A_458 = arith.constant 0 : i32
      %sign3A_459 = arith.cmpi slt, %add3A_400, %sign3A_458 : i32
      %sign3A_460 = arith.extui %sign3A_459 : i1 to i32
      %sign3A_461 = arith.subi %sign3A_457, %sign3A_460 : i32
      %sign3A_462 = arith.constant 0 : i32
      %sign3A_463 = arith.cmpi sgt, %jit3A_453, %sign3A_462 : i32
      %sign3A_464 = arith.extui %sign3A_463 : i1 to i32
      %sign3A_465 = arith.constant 0 : i32
      %sign3A_466 = arith.cmpi slt, %jit3A_453, %sign3A_465 : i32
      %sign3A_467 = arith.extui %sign3A_466 : i1 to i32
      %sign3A_468 = arith.subi %sign3A_464, %sign3A_467 : i32
      %ne3A_469 = arith.cmpi ne, %sign3A_461, %sign3A_468 : i32
      %rem3A_470 = arith.remsi %add3A_400, %jit3A_453 : i32
      %ne3A_471 = arith.constant 0 : i32
      %ne3A_472 = arith.cmpi ne, %rem3A_470, %ne3A_471 : i32
      %and3A_473 = arith.andi %ne3A_469, %ne3A_472 : i1
      %sub3A_474 = arith.constant 1 : i32
      %sub3A_475 = arith.subi %div3A_454, %sub3A_474 : i32
      %select_n3A_476 = arith.select %and3A_473, %sub3A_475, %div3A_454 : i32
      %jit3A_477 = arith.constant 2 : i32
      %eq3A_478 = arith.constant 0 : i32
      %eq3A_479 = arith.cmpi eq, %jit3A_477, %eq3A_478 : i32
      %jit3A_480 = arith.constant 1 : i32
      %select_n3A_481 = arith.select %eq3A_479, %jit3A_480, %jit3A_477 : i32
      %rem3A_482 = arith.remsi %select_n3A_476, %select_n3A_481 : i32
      %ne3A_483 = arith.constant 0 : i32
      %ne3A_484 = arith.cmpi ne, %rem3A_482, %ne3A_483 : i32
      %lt3A_485 = arith.constant 0 : i32
      %lt3A_486 = arith.cmpi slt, %rem3A_482, %lt3A_485 : i32
      %lt3A_487 = arith.constant 0 : i32
      %lt3A_488 = arith.cmpi slt, %select_n3A_481, %lt3A_487 : i32
      %ne3A_489 = arith.xori %lt3A_486, %lt3A_488 : i1
      %and3A_490 = arith.andi %ne3A_489, %ne3A_484 : i1
      %add3A_491 = arith.addi %rem3A_482, %select_n3A_481 : i32
      %select_n3A_492 = arith.select %and3A_490, %add3A_491, %rem3A_482 : i32
      %scan3A_493 = arith.constant 0 : i32
      %scan3A_494 = arith.constant 0 : i32
      %scan3A_495 = arith.constant 4 : i32
      %scan3A_496 = arith.addi %scan3A_494, %scan3A_495 : i32
      %scan3A_497 = arith.constant 1 : i32
      scf.for %scan3A_805 = %scan3A_494 to %scan3A_496 step %scan3A_497  : i32 {
        %mul3A_806 = arith.constant 32 : i32
        %mul3A_807 = arith.muli %select_n3A_492, %mul3A_806 : i32
        %jit3A_808 = arith.constant 8 : i32
        %eq3A_809 = arith.constant 0 : i32
        %eq3A_810 = arith.cmpi eq, %jit3A_808, %eq3A_809 : i32
        %jit3A_811 = arith.constant 1 : i32
        %select_n3A_812 = arith.select %eq3A_810, %jit3A_811, %jit3A_808 : i32
        %rem3A_813 = arith.remsi %add3A_400, %select_n3A_812 : i32
        %ne3A_814 = arith.constant 0 : i32
        %ne3A_815 = arith.cmpi ne, %rem3A_813, %ne3A_814 : i32
        %lt3A_816 = arith.constant 0 : i32
        %lt3A_817 = arith.cmpi slt, %rem3A_813, %lt3A_816 : i32
        %lt3A_818 = arith.constant 0 : i32
        %lt3A_819 = arith.cmpi slt, %select_n3A_812, %lt3A_818 : i32
        %ne3A_820 = arith.xori %lt3A_817, %lt3A_819 : i1
        %and3A_821 = arith.andi %ne3A_820, %ne3A_815 : i1
        %add3A_822 = arith.addi %rem3A_813, %select_n3A_812 : i32
        %select_n3A_823 = arith.select %and3A_821, %add3A_822, %rem3A_813 : i32
        %mul3A_824 = arith.constant 4 : i32
        %mul3A_825 = arith.muli %select_n3A_823, %mul3A_824 : i32
        %add3A_826 = arith.addi %mul3A_807, %mul3A_825 : i32
        %add3A_827 = arith.addi %add3A_826, %scan3A_805 : i32
        %get3A_828 = arith.index_cast %add3A_827 : i32 to index
        %get3A_829 = arith.constant 0 : index
        %get3A_830 = tpu.vector_load %arg7[%get3A_828, %get3A_829] {strides = array<i32>} : memref<64x32xf32, #tpu.memory_space<vmem>>, vector<1x16xf32>,
        %get3A_831 = vector.shape_cast %get3A_830 : vector<1x16xf32> to vector<16xf32>
        %get3A_832 = arith.index_cast %add3A_827 : i32 to index
        %get3A_833 = arith.constant 16 : index
        %get3A_834 = tpu.vector_load %arg7[%get3A_832, %get3A_833] {strides = array<i32>} : memref<64x32xf32, #tpu.memory_space<vmem>>, vector<1x16xf32>,
        %get3A_835 = vector.shape_cast %get3A_834 : vector<1x16xf32> to vector<16xf32>
        %mul3A_836 = arith.constant 32 : i32
        %mul3A_837 = arith.muli %scan3A_805, %mul3A_836 : i32
        %add3A_838 = arith.constant 0 : i32
        %add3A_839 = arith.addi %add3A_838, %mul3A_837 : i32
        %scan3A_840 = arith.constant 0 : i32
        %scan3A_841 = arith.constant 0 : i32
        %scan3A_842 = arith.constant 16 : i32
        %scan3A_843 = arith.addi %scan3A_841, %scan3A_842 : i32
        %scan3A_844 = arith.constant 1 : i32
        scf.for %scan3A_846 = %scan3A_841 to %scan3A_843 step %scan3A_844  : i32 {
          %mul3A_847 = arith.constant 16 : i32
          %mul3A_848 = arith.muli %scan3A_846, %mul3A_847 : i32
          %multiple_of3A = tpu.assume_multiple %mul3A_848, 16 : i32
          %broadcast_in_dim3A = arith.constant 0.000000e+00 : f32
          %broadcast_in_dim3A_849 = vector.broadcast %broadcast_in_dim3A : f32 to vector<16xf32>
          %broadcast_in_dim3A_850 = arith.constant 0.000000e+00 : f32
          %broadcast_in_dim3A_851 = vector.broadcast %broadcast_in_dim3A_850 : f32 to vector<16xf32>
          %broadcast_in_dim3A_852 = arith.constant 0.000000e+00 : f32
          %broadcast_in_dim3A_853 = vector.broadcast %broadcast_in_dim3A_852 : f32 to vector<16xf32>
          %broadcast_in_dim3A_854 = arith.constant 0.000000e+00 : f32
          %broadcast_in_dim3A_855 = vector.broadcast %broadcast_in_dim3A_854 : f32 to vector<16xf32>
          %slice3A = vector.extract_strided_slice %get3A_831 {offsets = [0], sizes = [1], strides = [1]} : vector<16xf32> to vector<1xf32>
          %squeeze3A = vector.extract %slice3A[0] : f32 from vector<1xf32>
          %add3A_856 = arith.constant 0 : i32
          %add3A_857 = arith.addi %add3A_839, %add3A_856 : i32
          %get3A_858 = arith.index_cast %add3A_857 : i32 to index
          %get3A_859 = arith.index_cast %multiple_of3A : i32 to index
          %get3A_860 = tpu.vector_load %arg9[%get3A_858, %get3A_859] {strides = array<i32>} : memref<384x256xf32, #tpu.memory_space<vmem>>, vector<1x16xf32>,
          %get3A_861 = vector.shape_cast %get3A_860 : vector<1x16xf32> to vector<16xf32>
          %mul3A_862 = vector.broadcast %squeeze3A : f32 to vector<16xf32>
          %mul3A_863 = arith.mulf %get3A_861, %mul3A_862 : vector<16xf32>
          %add3A_864 = arith.addf %broadcast_in_dim3A_849, %mul3A_863 : vector<16xf32>
          %slice3A_865 = vector.extract_strided_slice %get3A_831 {offsets = [1], sizes = [1], strides = [1]} : vector<16xf32> to vector<1xf32>
          %squeeze3A_866 = vector.extract %slice3A_865[0] : f32 from vector<1xf32>
          %add3A_867 = arith.constant 1 : i32
          %add3A_868 = arith.addi %add3A_839, %add3A_867 : i32
          %get3A_869 = arith.index_cast %add3A_868 : i32 to index
          %get3A_870 = arith.index_cast %multiple_of3A : i32 to index
          %get3A_871 = tpu.vector_load %arg9[%get3A_869, %get3A_870] {strides = array<i32>} : memref<384x256xf32, #tpu.memory_space<vmem>>, vector<1x16xf32>,
          %get3A_872 = vector.shape_cast %get3A_871 : vector<1x16xf32> to vector<16xf32>
          %mul3A_873 = vector.broadcast %squeeze3A_866 : f32 to vector<16xf32>
          %mul3A_874 = arith.mulf %get3A_872, %mul3A_873 : vector<16xf32>
          %add3A_875 = arith.addf %broadcast_in_dim3A_851, %mul3A_874 : vector<16xf32>
          %slice3A_876 = vector.extract_strided_slice %get3A_831 {offsets = [2], sizes = [1], strides = [1]} : vector<16xf32> to vector<1xf32>
          %squeeze3A_877 = vector.extract %slice3A_876[0] : f32 from vector<1xf32>
          %add3A_878 = arith.constant 2 : i32
          %add3A_879 = arith.addi %add3A_839, %add3A_878 : i32
          %get3A_880 = arith.index_cast %add3A_879 : i32 to index
          %get3A_881 = arith.index_cast %multiple_of3A : i32 to index
          %get3A_882 = tpu.vector_load %arg9[%get3A_880, %get3A_881] {strides = array<i32>} : memref<384x256xf32, #tpu.memory_space<vmem>>, vector<1x16xf32>,
          %get3A_883 = vector.shape_cast %get3A_882 : vector<1x16xf32> to vector<16xf32>
          %mul3A_884 = vector.broadcast %squeeze3A_877 : f32 to vector<16xf32>
          %mul3A_885 = arith.mulf %get3A_883, %mul3A_884 : vector<16xf32>
          %add3A_886 = arith.addf %broadcast_in_dim3A_853, %mul3A_885 : vector<16xf32>
          %slice3A_887 = vector.extract_strided_slice %get3A_831 {offsets = [3], sizes = [1], strides = [1]} : vector<16xf32> to vector<1xf32>
          %squeeze3A_888 = vector.extract %slice3A_887[0] : f32 from vector<1xf32>
          %add3A_889 = arith.constant 3 : i32
          %add3A_890 = arith.addi %add3A_839, %add3A_889 : i32
          %get3A_891 = arith.index_cast %add3A_890 : i32 to index
          %get3A_892 = arith.index_cast %multiple_of3A : i32 to index
          %get3A_893 = tpu.vector_load %arg9[%get3A_891, %get3A_892] {strides = array<i32>} : memref<384x256xf32, #tpu.memory_space<vmem>>, vector<1x16xf32>,
          %get3A_894 = vector.shape_cast %get3A_893 : vector<1x16xf32> to vector<16xf32>
          %mul3A_895 = vector.broadcast %squeeze3A_888 : f32 to vector<16xf32>
          %mul3A_896 = arith.mulf %get3A_894, %mul3A_895 : vector<16xf32>
          %add3A_897 = arith.addf %broadcast_in_dim3A_855, %mul3A_896 : vector<16xf32>
          %slice3A_898 = vector.extract_strided_slice %get3A_831 {offsets = [4], sizes = [1], strides = [1]} : vector<16xf32> to vector<1xf32>
          %squeeze3A_899 = vector.extract %slice3A_898[0] : f32 from vector<1xf32>
          %add3A_900 = arith.constant 4 : i32
          %add3A_901 = arith.addi %add3A_839, %add3A_900 : i32
          %get3A_902 = arith.index_cast %add3A_901 : i32 to index
          %get3A_903 = arith.index_cast %multiple_of3A : i32 to index
          %get3A_904 = tpu.vector_load %arg9[%get3A_902, %get3A_903] {strides = array<i32>} : memref<384x256xf32, #tpu.memory_space<vmem>>, vector<1x16xf32>,
          %get3A_905 = vector.shape_cast %get3A_904 : vector<1x16xf32> to vector<16xf32>
          %mul3A_906 = vector.broadcast %squeeze3A_899 : f32 to vector<16xf32>
          %mul3A_907 = arith.mulf %get3A_905, %mul3A_906 : vector<16xf32>
          %add3A_908 = arith.addf %add3A_864, %mul3A_907 : vector<16xf32>
          %slice3A_909 = vector.extract_strided_slice %get3A_831 {offsets = [5], sizes = [1], strides = [1]} : vector<16xf32> to vector<1xf32>
          %squeeze3A_910 = vector.extract %slice3A_909[0] : f32 from vector<1xf32>
          %add3A_911 = arith.constant 5 : i32
          %add3A_912 = arith.addi %add3A_839, %add3A_911 : i32
          %get3A_913 = arith.index_cast %add3A_912 : i32 to index
          %get3A_914 = arith.index_cast %multiple_of3A : i32 to index
          %get3A_915 = tpu.vector_load %arg9[%get3A_913, %get3A_914] {strides = array<i32>} : memref<384x256xf32, #tpu.memory_space<vmem>>, vector<1x16xf32>,
          %get3A_916 = vector.shape_cast %get3A_915 : vector<1x16xf32> to vector<16xf32>
          %mul3A_917 = vector.broadcast %squeeze3A_910 : f32 to vector<16xf32>
          %mul3A_918 = arith.mulf %get3A_916, %mul3A_917 : vector<16xf32>
          %add3A_919 = arith.addf %add3A_875, %mul3A_918 : vector<16xf32>
          %slice3A_920 = vector.extract_strided_slice %get3A_831 {offsets = [6], sizes = [1], strides = [1]} : vector<16xf32> to vector<1xf32>
          %squeeze3A_921 = vector.extract %slice3A_920[0] : f32 from vector<1xf32>
          %add3A_922 = arith.constant 6 : i32
          %add3A_923 = arith.addi %add3A_839, %add3A_922 : i32
          %get3A_924 = arith.index_cast %add3A_923 : i32 to index
          %get3A_925 = arith.index_cast %multiple_of3A : i32 to index
          %get3A_926 = tpu.vector_load %arg9[%get3A_924, %get3A_925] {strides = array<i32>} : memref<384x256xf32, #tpu.memory_space<vmem>>, vector<1x16xf32>,
          %get3A_927 = vector.shape_cast %get3A_926 : vector<1x16xf32> to vector<16xf32>
          %mul3A_928 = vector.broadcast %squeeze3A_921 : f32 to vector<16xf32>
          %mul3A_929 = arith.mulf %get3A_927, %mul3A_928 : vector<16xf32>
          %add3A_930 = arith.addf %add3A_886, %mul3A_929 : vector<16xf32>
          %slice3A_931 = vector.extract_strided_slice %get3A_831 {offsets = [7], sizes = [1], strides = [1]} : vector<16xf32> to vector<1xf32>
          %squeeze3A_932 = vector.extract %slice3A_931[0] : f32 from vector<1xf32>
          %add3A_933 = arith.constant 7 : i32
          %add3A_934 = arith.addi %add3A_839, %add3A_933 : i32
          %get3A_935 = arith.index_cast %add3A_934 : i32 to index
          %get3A_936 = arith.index_cast %multiple_of3A : i32 to index
          %get3A_937 = tpu.vector_load %arg9[%get3A_935, %get3A_936] {strides = array<i32>} : memref<384x256xf32, #tpu.memory_space<vmem>>, vector<1x16xf32>,
          %get3A_938 = vector.shape_cast %get3A_937 : vector<1x16xf32> to vector<16xf32>
          %mul3A_939 = vector.broadcast %squeeze3A_932 : f32 to vector<16xf32>
          %mul3A_940 = arith.mulf %get3A_938, %mul3A_939 : vector<16xf32>
          %add3A_941 = arith.addf %add3A_897, %mul3A_940 : vector<16xf32>
          %slice3A_942 = vector.extract_strided_slice %get3A_831 {offsets = [8], sizes = [1], strides = [1]} : vector<16xf32> to vector<1xf32>
          %squeeze3A_943 = vector.extract %slice3A_942[0] : f32 from vector<1xf32>
          %add3A_944 = arith.constant 8 : i32
          %add3A_945 = arith.addi %add3A_839, %add3A_944 : i32
          %get3A_946 = arith.index_cast %add3A_945 : i32 to index
          %get3A_947 = arith.index_cast %multiple_of3A : i32 to index
          %get3A_948 = tpu.vector_load %arg9[%get3A_946, %get3A_947] {strides = array<i32>} : memref<384x256xf32, #tpu.memory_space<vmem>>, vector<1x16xf32>,
          %get3A_949 = vector.shape_cast %get3A_948 : vector<1x16xf32> to vector<16xf32>
          %mul3A_950 = vector.broadcast %squeeze3A_943 : f32 to vector<16xf32>
          %mul3A_951 = arith.mulf %get3A_949, %mul3A_950 : vector<16xf32>
          %add3A_952 = arith.addf %add3A_908, %mul3A_951 : vector<16xf32>
          %slice3A_953 = vector.extract_strided_slice %get3A_831 {offsets = [9], sizes = [1], strides = [1]} : vector<16xf32> to vector<1xf32>
          %squeeze3A_954 = vector.extract %slice3A_953[0] : f32 from vector<1xf32>
          %add3A_955 = arith.constant 9 : i32
          %add3A_956 = arith.addi %add3A_839, %add3A_955 : i32
          %get3A_957 = arith.index_cast %add3A_956 : i32 to index
          %get3A_958 = arith.index_cast %multiple_of3A : i32 to index
          %get3A_959 = tpu.vector_load %arg9[%get3A_957, %get3A_958] {strides = array<i32>} : memref<384x256xf32, #tpu.memory_space<vmem>>, vector<1x16xf32>,
          %get3A_960 = vector.shape_cast %get3A_959 : vector<1x16xf32> to vector<16xf32>
          %mul3A_961 = vector.broadcast %squeeze3A_954 : f32 to vector<16xf32>
          %mul3A_962 = arith.mulf %get3A_960, %mul3A_961 : vector<16xf32>
          %add3A_963 = arith.addf %add3A_919, %mul3A_962 : vector<16xf32>
          %slice3A_964 = vector.extract_strided_slice %get3A_831 {offsets = [10], sizes = [1], strides = [1]} : vector<16xf32> to vector<1xf32>
          %squeeze3A_965 = vector.extract %slice3A_964[0] : f32 from vector<1xf32>
          %add3A_966 = arith.constant 10 : i32
          %add3A_967 = arith.addi %add3A_839, %add3A_966 : i32
          %get3A_968 = arith.index_cast %add3A_967 : i32 to index
          %get3A_969 = arith.index_cast %multiple_of3A : i32 to index
          %get3A_970 = tpu.vector_load %arg9[%get3A_968, %get3A_969] {strides = array<i32>} : memref<384x256xf32, #tpu.memory_space<vmem>>, vector<1x16xf32>,
          %get3A_971 = vector.shape_cast %get3A_970 : vector<1x16xf32> to vector<16xf32>
          %mul3A_972 = vector.broadcast %squeeze3A_965 : f32 to vector<16xf32>
          %mul3A_973 = arith.mulf %get3A_971, %mul3A_972 : vector<16xf32>
          %add3A_974 = arith.addf %add3A_930, %mul3A_973 : vector<16xf32>
          %slice3A_975 = vector.extract_strided_slice %get3A_831 {offsets = [11], sizes = [1], strides = [1]} : vector<16xf32> to vector<1xf32>
          %squeeze3A_976 = vector.extract %slice3A_975[0] : f32 from vector<1xf32>
          %add3A_977 = arith.constant 11 : i32
          %add3A_978 = arith.addi %add3A_839, %add3A_977 : i32
          %get3A_979 = arith.index_cast %add3A_978 : i32 to index
          %get3A_980 = arith.index_cast %multiple_of3A : i32 to index
          %get3A_981 = tpu.vector_load %arg9[%get3A_979, %get3A_980] {strides = array<i32>} : memref<384x256xf32, #tpu.memory_space<vmem>>, vector<1x16xf32>,
          %get3A_982 = vector.shape_cast %get3A_981 : vector<1x16xf32> to vector<16xf32>
          %mul3A_983 = vector.broadcast %squeeze3A_976 : f32 to vector<16xf32>
          %mul3A_984 = arith.mulf %get3A_982, %mul3A_983 : vector<16xf32>
          %add3A_985 = arith.addf %add3A_941, %mul3A_984 : vector<16xf32>
          %slice3A_986 = vector.extract_strided_slice %get3A_831 {offsets = [12], sizes = [1], strides = [1]} : vector<16xf32> to vector<1xf32>
          %squeeze3A_987 = vector.extract %slice3A_986[0] : f32 from vector<1xf32>
          %add3A_988 = arith.constant 12 : i32
          %add3A_989 = arith.addi %add3A_839, %add3A_988 : i32
          %get3A_990 = arith.index_cast %add3A_989 : i32 to index
          %get3A_991 = arith.index_cast %multiple_of3A : i32 to index
          %get3A_992 = tpu.vector_load %arg9[%get3A_990, %get3A_991] {strides = array<i32>} : memref<384x256xf32, #tpu.memory_space<vmem>>, vector<1x16xf32>,
          %get3A_993 = vector.shape_cast %get3A_992 : vector<1x16xf32> to vector<16xf32>
          %mul3A_994 = vector.broadcast %squeeze3A_987 : f32 to vector<16xf32>
          %mul3A_995 = arith.mulf %get3A_993, %mul3A_994 : vector<16xf32>
          %add3A_996 = arith.addf %add3A_952, %mul3A_995 : vector<16xf32>
          %slice3A_997 = vector.extract_strided_slice %get3A_831 {offsets = [13], sizes = [1], strides = [1]} : vector<16xf32> to vector<1xf32>
          %squeeze3A_998 = vector.extract %slice3A_997[0] : f32 from vector<1xf32>
          %add3A_999 = arith.constant 13 : i32
          %add3A_1000 = arith.addi %add3A_839, %add3A_999 : i32
          %get3A_1001 = arith.index_cast %add3A_1000 : i32 to index
          %get3A_1002 = arith.index_cast %multiple_of3A : i32 to index
          %get3A_1003 = tpu.vector_load %arg9[%get3A_1001, %get3A_1002] {strides = array<i32>} : memref<384x256xf32, #tpu.memory_space<vmem>>, vector<1x16xf32>,
          %get3A_1004 = vector.shape_cast %get3A_1003 : vector<1x16xf32> to vector<16xf32>
          %mul3A_1005 = vector.broadcast %squeeze3A_998 : f32 to vector<16xf32>
          %mul3A_1006 = arith.mulf %get3A_1004, %mul3A_1005 : vector<16xf32>
          %add3A_1007 = arith.addf %add3A_963, %mul3A_1006 : vector<16xf32>
          %slice3A_1008 = vector.extract_strided_slice %get3A_831 {offsets = [14], sizes = [1], strides = [1]} : vector<16xf32> to vector<1xf32>
          %squeeze3A_1009 = vector.extract %slice3A_1008[0] : f32 from vector<1xf32>
          %add3A_1010 = arith.constant 14 : i32
          %add3A_1011 = arith.addi %add3A_839, %add3A_1010 : i32
          %get3A_1012 = arith.index_cast %add3A_1011 : i32 to index
          %get3A_1013 = arith.index_cast %multiple_of3A : i32 to index
          %get3A_1014 = tpu.vector_load %arg9[%get3A_1012, %get3A_1013] {strides = array<i32>} : memref<384x256xf32, #tpu.memory_space<vmem>>, vector<1x16xf32>,
          %get3A_1015 = vector.shape_cast %get3A_1014 : vector<1x16xf32> to vector<16xf32>
          %mul3A_1016 = vector.broadcast %squeeze3A_1009 : f32 to vector<16xf32>
          %mul3A_1017 = arith.mulf %get3A_1015, %mul3A_1016 : vector<16xf32>
          %add3A_1018 = arith.addf %add3A_974, %mul3A_1017 : vector<16xf32>
          %slice3A_1019 = vector.extract_strided_slice %get3A_831 {offsets = [15], sizes = [1], strides = [1]} : vector<16xf32> to vector<1xf32>
          %squeeze3A_1020 = vector.extract %slice3A_1019[0] : f32 from vector<1xf32>
          %add3A_1021 = arith.constant 15 : i32
          %add3A_1022 = arith.addi %add3A_839, %add3A_1021 : i32
          %get3A_1023 = arith.index_cast %add3A_1022 : i32 to index
          %get3A_1024 = arith.index_cast %multiple_of3A : i32 to index
          %get3A_1025 = tpu.vector_load %arg9[%get3A_1023, %get3A_1024] {strides = array<i32>} : memref<384x256xf32, #tpu.memory_space<vmem>>, vector<1x16xf32>,
          %get3A_1026 = vector.shape_cast %get3A_1025 : vector<1x16xf32> to vector<16xf32>
          %mul3A_1027 = vector.broadcast %squeeze3A_1020 : f32 to vector<16xf32>
          %mul3A_1028 = arith.mulf %get3A_1026, %mul3A_1027 : vector<16xf32>
          %add3A_1029 = arith.addf %add3A_985, %mul3A_1028 : vector<16xf32>
          %slice3A_1030 = vector.extract_strided_slice %get3A_835 {offsets = [0], sizes = [1], strides = [1]} : vector<16xf32> to vector<1xf32>
          %squeeze3A_1031 = vector.extract %slice3A_1030[0] : f32 from vector<1xf32>
          %add3A_1032 = arith.constant 16 : i32
          %add3A_1033 = arith.addi %add3A_839, %add3A_1032 : i32
          %get3A_1034 = arith.index_cast %add3A_1033 : i32 to index
          %get3A_1035 = arith.index_cast %multiple_of3A : i32 to index
          %get3A_1036 = tpu.vector_load %arg9[%get3A_1034, %get3A_1035] {strides = array<i32>} : memref<384x256xf32, #tpu.memory_space<vmem>>, vector<1x16xf32>,
          %get3A_1037 = vector.shape_cast %get3A_1036 : vector<1x16xf32> to vector<16xf32>
          %mul3A_1038 = vector.broadcast %squeeze3A_1031 : f32 to vector<16xf32>
          %mul3A_1039 = arith.mulf %get3A_1037, %mul3A_1038 : vector<16xf32>
          %add3A_1040 = arith.addf %add3A_996, %mul3A_1039 : vector<16xf32>
          %slice3A_1041 = vector.extract_strided_slice %get3A_835 {offsets = [1], sizes = [1], strides = [1]} : vector<16xf32> to vector<1xf32>
          %squeeze3A_1042 = vector.extract %slice3A_1041[0] : f32 from vector<1xf32>
          %add3A_1043 = arith.constant 17 : i32
          %add3A_1044 = arith.addi %add3A_839, %add3A_1043 : i32
          %get3A_1045 = arith.index_cast %add3A_1044 : i32 to index
          %get3A_1046 = arith.index_cast %multiple_of3A : i32 to index
          %get3A_1047 = tpu.vector_load %arg9[%get3A_1045, %get3A_1046] {strides = array<i32>} : memref<384x256xf32, #tpu.memory_space<vmem>>, vector<1x16xf32>,
          %get3A_1048 = vector.shape_cast %get3A_1047 : vector<1x16xf32> to vector<16xf32>
          %mul3A_1049 = vector.broadcast %squeeze3A_1042 : f32 to vector<16xf32>
          %mul3A_1050 = arith.mulf %get3A_1048, %mul3A_1049 : vector<16xf32>
          %add3A_1051 = arith.addf %add3A_1007, %mul3A_1050 : vector<16xf32>
          %slice3A_1052 = vector.extract_strided_slice %get3A_835 {offsets = [2], sizes = [1], strides = [1]} : vector<16xf32> to vector<1xf32>
          %squeeze3A_1053 = vector.extract %slice3A_1052[0] : f32 from vector<1xf32>
          %add3A_1054 = arith.constant 18 : i32
          %add3A_1055 = arith.addi %add3A_839, %add3A_1054 : i32
          %get3A_1056 = arith.index_cast %add3A_1055 : i32 to index
          %get3A_1057 = arith.index_cast %multiple_of3A : i32 to index
          %get3A_1058 = tpu.vector_load %arg9[%get3A_1056, %get3A_1057] {strides = array<i32>} : memref<384x256xf32, #tpu.memory_space<vmem>>, vector<1x16xf32>,
          %get3A_1059 = vector.shape_cast %get3A_1058 : vector<1x16xf32> to vector<16xf32>
          %mul3A_1060 = vector.broadcast %squeeze3A_1053 : f32 to vector<16xf32>
          %mul3A_1061 = arith.mulf %get3A_1059, %mul3A_1060 : vector<16xf32>
          %add3A_1062 = arith.addf %add3A_1018, %mul3A_1061 : vector<16xf32>
          %slice3A_1063 = vector.extract_strided_slice %get3A_835 {offsets = [3], sizes = [1], strides = [1]} : vector<16xf32> to vector<1xf32>
          %squeeze3A_1064 = vector.extract %slice3A_1063[0] : f32 from vector<1xf32>
          %add3A_1065 = arith.constant 19 : i32
          %add3A_1066 = arith.addi %add3A_839, %add3A_1065 : i32
          %get3A_1067 = arith.index_cast %add3A_1066 : i32 to index
          %get3A_1068 = arith.index_cast %multiple_of3A : i32 to index
          %get3A_1069 = tpu.vector_load %arg9[%get3A_1067, %get3A_1068] {strides = array<i32>} : memref<384x256xf32, #tpu.memory_space<vmem>>, vector<1x16xf32>,
          %get3A_1070 = vector.shape_cast %get3A_1069 : vector<1x16xf32> to vector<16xf32>
          %mul3A_1071 = vector.broadcast %squeeze3A_1064 : f32 to vector<16xf32>
          %mul3A_1072 = arith.mulf %get3A_1070, %mul3A_1071 : vector<16xf32>
          %add3A_1073 = arith.addf %add3A_1029, %mul3A_1072 : vector<16xf32>
          %slice3A_1074 = vector.extract_strided_slice %get3A_835 {offsets = [4], sizes = [1], strides = [1]} : vector<16xf32> to vector<1xf32>
          %squeeze3A_1075 = vector.extract %slice3A_1074[0] : f32 from vector<1xf32>
          %add3A_1076 = arith.constant 20 : i32
          %add3A_1077 = arith.addi %add3A_839, %add3A_1076 : i32
          %get3A_1078 = arith.index_cast %add3A_1077 : i32 to index
          %get3A_1079 = arith.index_cast %multiple_of3A : i32 to index
          %get3A_1080 = tpu.vector_load %arg9[%get3A_1078, %get3A_1079] {strides = array<i32>} : memref<384x256xf32, #tpu.memory_space<vmem>>, vector<1x16xf32>,
          %get3A_1081 = vector.shape_cast %get3A_1080 : vector<1x16xf32> to vector<16xf32>
          %mul3A_1082 = vector.broadcast %squeeze3A_1075 : f32 to vector<16xf32>
          %mul3A_1083 = arith.mulf %get3A_1081, %mul3A_1082 : vector<16xf32>
          %add3A_1084 = arith.addf %add3A_1040, %mul3A_1083 : vector<16xf32>
          %slice3A_1085 = vector.extract_strided_slice %get3A_835 {offsets = [5], sizes = [1], strides = [1]} : vector<16xf32> to vector<1xf32>
          %squeeze3A_1086 = vector.extract %slice3A_1085[0] : f32 from vector<1xf32>
          %add3A_1087 = arith.constant 21 : i32
          %add3A_1088 = arith.addi %add3A_839, %add3A_1087 : i32
          %get3A_1089 = arith.index_cast %add3A_1088 : i32 to index
          %get3A_1090 = arith.index_cast %multiple_of3A : i32 to index
          %get3A_1091 = tpu.vector_load %arg9[%get3A_1089, %get3A_1090] {strides = array<i32>} : memref<384x256xf32, #tpu.memory_space<vmem>>, vector<1x16xf32>,
          %get3A_1092 = vector.shape_cast %get3A_1091 : vector<1x16xf32> to vector<16xf32>
          %mul3A_1093 = vector.broadcast %squeeze3A_1086 : f32 to vector<16xf32>
          %mul3A_1094 = arith.mulf %get3A_1092, %mul3A_1093 : vector<16xf32>
          %add3A_1095 = arith.addf %add3A_1051, %mul3A_1094 : vector<16xf32>
          %slice3A_1096 = vector.extract_strided_slice %get3A_835 {offsets = [6], sizes = [1], strides = [1]} : vector<16xf32> to vector<1xf32>
          %squeeze3A_1097 = vector.extract %slice3A_1096[0] : f32 from vector<1xf32>
          %add3A_1098 = arith.constant 22 : i32
          %add3A_1099 = arith.addi %add3A_839, %add3A_1098 : i32
          %get3A_1100 = arith.index_cast %add3A_1099 : i32 to index
          %get3A_1101 = arith.index_cast %multiple_of3A : i32 to index
          %get3A_1102 = tpu.vector_load %arg9[%get3A_1100, %get3A_1101] {strides = array<i32>} : memref<384x256xf32, #tpu.memory_space<vmem>>, vector<1x16xf32>,
          %get3A_1103 = vector.shape_cast %get3A_1102 : vector<1x16xf32> to vector<16xf32>
          %mul3A_1104 = vector.broadcast %squeeze3A_1097 : f32 to vector<16xf32>
          %mul3A_1105 = arith.mulf %get3A_1103, %mul3A_1104 : vector<16xf32>
          %add3A_1106 = arith.addf %add3A_1062, %mul3A_1105 : vector<16xf32>
          %slice3A_1107 = vector.extract_strided_slice %get3A_835 {offsets = [7], sizes = [1], strides = [1]} : vector<16xf32> to vector<1xf32>
          %squeeze3A_1108 = vector.extract %slice3A_1107[0] : f32 from vector<1xf32>
          %add3A_1109 = arith.constant 23 : i32
          %add3A_1110 = arith.addi %add3A_839, %add3A_1109 : i32
          %get3A_1111 = arith.index_cast %add3A_1110 : i32 to index
          %get3A_1112 = arith.index_cast %multiple_of3A : i32 to index
          %get3A_1113 = tpu.vector_load %arg9[%get3A_1111, %get3A_1112] {strides = array<i32>} : memref<384x256xf32, #tpu.memory_space<vmem>>, vector<1x16xf32>,
          %get3A_1114 = vector.shape_cast %get3A_1113 : vector<1x16xf32> to vector<16xf32>
          %mul3A_1115 = vector.broadcast %squeeze3A_1108 : f32 to vector<16xf32>
          %mul3A_1116 = arith.mulf %get3A_1114, %mul3A_1115 : vector<16xf32>
          %add3A_1117 = arith.addf %add3A_1073, %mul3A_1116 : vector<16xf32>
          %slice3A_1118 = vector.extract_strided_slice %get3A_835 {offsets = [8], sizes = [1], strides = [1]} : vector<16xf32> to vector<1xf32>
          %squeeze3A_1119 = vector.extract %slice3A_1118[0] : f32 from vector<1xf32>
          %add3A_1120 = arith.constant 24 : i32
          %add3A_1121 = arith.addi %add3A_839, %add3A_1120 : i32
          %get3A_1122 = arith.index_cast %add3A_1121 : i32 to index
          %get3A_1123 = arith.index_cast %multiple_of3A : i32 to index
          %get3A_1124 = tpu.vector_load %arg9[%get3A_1122, %get3A_1123] {strides = array<i32>} : memref<384x256xf32, #tpu.memory_space<vmem>>, vector<1x16xf32>,
          %get3A_1125 = vector.shape_cast %get3A_1124 : vector<1x16xf32> to vector<16xf32>
          %mul3A_1126 = vector.broadcast %squeeze3A_1119 : f32 to vector<16xf32>
          %mul3A_1127 = arith.mulf %get3A_1125, %mul3A_1126 : vector<16xf32>
          %add3A_1128 = arith.addf %add3A_1084, %mul3A_1127 : vector<16xf32>
          %slice3A_1129 = vector.extract_strided_slice %get3A_835 {offsets = [9], sizes = [1], strides = [1]} : vector<16xf32> to vector<1xf32>
          %squeeze3A_1130 = vector.extract %slice3A_1129[0] : f32 from vector<1xf32>
          %add3A_1131 = arith.constant 25 : i32
          %add3A_1132 = arith.addi %add3A_839, %add3A_1131 : i32
          %get3A_1133 = arith.index_cast %add3A_1132 : i32 to index
          %get3A_1134 = arith.index_cast %multiple_of3A : i32 to index
          %get3A_1135 = tpu.vector_load %arg9[%get3A_1133, %get3A_1134] {strides = array<i32>} : memref<384x256xf32, #tpu.memory_space<vmem>>, vector<1x16xf32>,
          %get3A_1136 = vector.shape_cast %get3A_1135 : vector<1x16xf32> to vector<16xf32>
          %mul3A_1137 = vector.broadcast %squeeze3A_1130 : f32 to vector<16xf32>
          %mul3A_1138 = arith.mulf %get3A_1136, %mul3A_1137 : vector<16xf32>
          %add3A_1139 = arith.addf %add3A_1095, %mul3A_1138 : vector<16xf32>
          %slice3A_1140 = vector.extract_strided_slice %get3A_835 {offsets = [10], sizes = [1], strides = [1]} : vector<16xf32> to vector<1xf32>
          %squeeze3A_1141 = vector.extract %slice3A_1140[0] : f32 from vector<1xf32>
          %add3A_1142 = arith.constant 26 : i32
          %add3A_1143 = arith.addi %add3A_839, %add3A_1142 : i32
          %get3A_1144 = arith.index_cast %add3A_1143 : i32 to index
          %get3A_1145 = arith.index_cast %multiple_of3A : i32 to index
          %get3A_1146 = tpu.vector_load %arg9[%get3A_1144, %get3A_1145] {strides = array<i32>} : memref<384x256xf32, #tpu.memory_space<vmem>>, vector<1x16xf32>,
          %get3A_1147 = vector.shape_cast %get3A_1146 : vector<1x16xf32> to vector<16xf32>
          %mul3A_1148 = vector.broadcast %squeeze3A_1141 : f32 to vector<16xf32>
          %mul3A_1149 = arith.mulf %get3A_1147, %mul3A_1148 : vector<16xf32>
          %add3A_1150 = arith.addf %add3A_1106, %mul3A_1149 : vector<16xf32>
          %slice3A_1151 = vector.extract_strided_slice %get3A_835 {offsets = [11], sizes = [1], strides = [1]} : vector<16xf32> to vector<1xf32>
          %squeeze3A_1152 = vector.extract %slice3A_1151[0] : f32 from vector<1xf32>
          %add3A_1153 = arith.constant 27 : i32
          %add3A_1154 = arith.addi %add3A_839, %add3A_1153 : i32
          %get3A_1155 = arith.index_cast %add3A_1154 : i32 to index
          %get3A_1156 = arith.index_cast %multiple_of3A : i32 to index
          %get3A_1157 = tpu.vector_load %arg9[%get3A_1155, %get3A_1156] {strides = array<i32>} : memref<384x256xf32, #tpu.memory_space<vmem>>, vector<1x16xf32>,
          %get3A_1158 = vector.shape_cast %get3A_1157 : vector<1x16xf32> to vector<16xf32>
          %mul3A_1159 = vector.broadcast %squeeze3A_1152 : f32 to vector<16xf32>
          %mul3A_1160 = arith.mulf %get3A_1158, %mul3A_1159 : vector<16xf32>
          %add3A_1161 = arith.addf %add3A_1117, %mul3A_1160 : vector<16xf32>
          %slice3A_1162 = vector.extract_strided_slice %get3A_835 {offsets = [12], sizes = [1], strides = [1]} : vector<16xf32> to vector<1xf32>
          %squeeze3A_1163 = vector.extract %slice3A_1162[0] : f32 from vector<1xf32>
          %add3A_1164 = arith.constant 28 : i32
          %add3A_1165 = arith.addi %add3A_839, %add3A_1164 : i32
          %get3A_1166 = arith.index_cast %add3A_1165 : i32 to index
          %get3A_1167 = arith.index_cast %multiple_of3A : i32 to index
          %get3A_1168 = tpu.vector_load %arg9[%get3A_1166, %get3A_1167] {strides = array<i32>} : memref<384x256xf32, #tpu.memory_space<vmem>>, vector<1x16xf32>,
          %get3A_1169 = vector.shape_cast %get3A_1168 : vector<1x16xf32> to vector<16xf32>
          %mul3A_1170 = vector.broadcast %squeeze3A_1163 : f32 to vector<16xf32>
          %mul3A_1171 = arith.mulf %get3A_1169, %mul3A_1170 : vector<16xf32>
          %add3A_1172 = arith.addf %add3A_1128, %mul3A_1171 : vector<16xf32>
          %slice3A_1173 = vector.extract_strided_slice %get3A_835 {offsets = [13], sizes = [1], strides = [1]} : vector<16xf32> to vector<1xf32>
          %squeeze3A_1174 = vector.extract %slice3A_1173[0] : f32 from vector<1xf32>
          %add3A_1175 = arith.constant 29 : i32
          %add3A_1176 = arith.addi %add3A_839, %add3A_1175 : i32
          %get3A_1177 = arith.index_cast %add3A_1176 : i32 to index
          %get3A_1178 = arith.index_cast %multiple_of3A : i32 to index
          %get3A_1179 = tpu.vector_load %arg9[%get3A_1177, %get3A_1178] {strides = array<i32>} : memref<384x256xf32, #tpu.memory_space<vmem>>, vector<1x16xf32>,
          %get3A_1180 = vector.shape_cast %get3A_1179 : vector<1x16xf32> to vector<16xf32>
          %mul3A_1181 = vector.broadcast %squeeze3A_1174 : f32 to vector<16xf32>
          %mul3A_1182 = arith.mulf %get3A_1180, %mul3A_1181 : vector<16xf32>
          %add3A_1183 = arith.addf %add3A_1139, %mul3A_1182 : vector<16xf32>
          %slice3A_1184 = vector.extract_strided_slice %get3A_835 {offsets = [14], sizes = [1], strides = [1]} : vector<16xf32> to vector<1xf32>
          %squeeze3A_1185 = vector.extract %slice3A_1184[0] : f32 from vector<1xf32>
          %add3A_1186 = arith.constant 30 : i32
          %add3A_1187 = arith.addi %add3A_839, %add3A_1186 : i32
          %get3A_1188 = arith.index_cast %add3A_1187 : i32 to index
          %get3A_1189 = arith.index_cast %multiple_of3A : i32 to index
          %get3A_1190 = tpu.vector_load %arg9[%get3A_1188, %get3A_1189] {strides = array<i32>} : memref<384x256xf32, #tpu.memory_space<vmem>>, vector<1x16xf32>,
          %get3A_1191 = vector.shape_cast %get3A_1190 : vector<1x16xf32> to vector<16xf32>
          %mul3A_1192 = vector.broadcast %squeeze3A_1185 : f32 to vector<16xf32>
          %mul3A_1193 = arith.mulf %get3A_1191, %mul3A_1192 : vector<16xf32>
          %add3A_1194 = arith.addf %add3A_1150, %mul3A_1193 : vector<16xf32>
          %slice3A_1195 = vector.extract_strided_slice %get3A_835 {offsets = [15], sizes = [1], strides = [1]} : vector<16xf32> to vector<1xf32>
          %squeeze3A_1196 = vector.extract %slice3A_1195[0] : f32 from vector<1xf32>
          %add3A_1197 = arith.constant 31 : i32
          %add3A_1198 = arith.addi %add3A_839, %add3A_1197 : i32
          %get3A_1199 = arith.index_cast %add3A_1198 : i32 to index
          %get3A_1200 = arith.index_cast %multiple_of3A : i32 to index
          %get3A_1201 = tpu.vector_load %arg9[%get3A_1199, %get3A_1200] {strides = array<i32>} : memref<384x256xf32, #tpu.memory_space<vmem>>, vector<1x16xf32>,
          %get3A_1202 = vector.shape_cast %get3A_1201 : vector<1x16xf32> to vector<16xf32>
          %mul3A_1203 = vector.broadcast %squeeze3A_1196 : f32 to vector<16xf32>
          %mul3A_1204 = arith.mulf %get3A_1202, %mul3A_1203 : vector<16xf32>
          %add3A_1205 = arith.addf %add3A_1161, %mul3A_1204 : vector<16xf32>
          %add3A_1206 = arith.addf %add3A_1172, %add3A_1183 : vector<16xf32>
          %add3A_1207 = arith.addf %add3A_1194, %add3A_1205 : vector<16xf32>
          %add3A_1208 = arith.addf %add3A_1206, %add3A_1207 : vector<16xf32>
          %add3A_1209 = arith.constant 0 : i32
          %add3A_1210 = arith.addi %add3A_1209, %scan3A_805 : i32
          %swap3A_1211 = arith.index_cast %add3A_1210 : i32 to index
          %swap3A_1212 = arith.index_cast %multiple_of3A : i32 to index
          %swap3A_1213 = tpu.vector_load %arg10[%swap3A_1211, %swap3A_1212] {strides = array<i32>} : memref<12x256xf32, #tpu.memory_space<vmem>>, vector<1x16xf32>,
          %swap3A_1214 = vector.shape_cast %swap3A_1213 : vector<1x16xf32> to vector<16xf32>
          %swap3A_1215 = vector.shape_cast %add3A_1208 : vector<16xf32> to vector<1x16xf32>
          tpu.vector_store %arg10[%swap3A_1211, %swap3A_1212], %swap3A_1215 {strides = array<i32>} : memref<12x256xf32, #tpu.memory_space<vmem>>, vector<1x16xf32>,
        }
        %scan3A_845 = arith.constant 16 : i32
      }
      %scan3A_498 = arith.constant 4 : i32
      %mul3A_499 = arith.constant 4 : i32
      %mul3A_500 = arith.muli %add3A_400, %mul3A_499 : i32
      %add3A_501 = arith.addi %mul3A_2, %mul3A_500 : i32
      %dma_start3A_502 = arith.constant 0 : i32
      %dma_start3A_503 = arith.constant 0 : i32
      %dma_start3A_504 = tpu.memref_slice %arg10[%dma_start3A_502, %dma_start3A_503] : memref<12x256xf32, #tpu.memory_space<vmem>> -> memref<4x256xf32, #tpu.memory_space<vmem>>
      %dma_start3A_505 = arith.constant 0 : i32
      %dma_start3A_506 = tpu.memref_slice %arg5[%add3A_501, %dma_start3A_505] : memref<32768x256xf32, #tpu.memory_space<hbm>> -> memref<4x256xf32, #tpu.memory_space<hbm>>
      %dma_start3A_507 = arith.constant 0 : i32
      %dma_start3A_508 = tpu.memref_slice %arg5[%add3A_501, %dma_start3A_507] : memref<32768x256xf32, #tpu.memory_space<hbm>> -> memref<4x256xf32, #tpu.memory_space<hbm>>
      %dma_start3A_509 = arith.constant 0 : i32
      %dma_start3A_510 = arith.constant 0 : i32
      %dma_start3A_511 = tpu.memref_slice %arg10[%dma_start3A_509, %dma_start3A_510] : memref<12x256xf32, #tpu.memory_space<vmem>> -> memref<4x256xf32, #tpu.memory_space<vmem>>
      tpu.enqueue_dma source(%dma_start3A_511 : memref<4x256xf32, #tpu.memory_space<vmem>>) target(%dma_start3A_508 : memref<4x256xf32, #tpu.memory_space<hbm>>) target_semaphore(%arg16 : memref<!tpu.dma_semaphore, #tpu.memory_space<semaphore_mem>>)
      %jit3A_512 = arith.constant 8 : i32
      %eq3A_513 = arith.constant 0 : i32
      %eq3A_514 = arith.cmpi eq, %jit3A_512, %eq3A_513 : i32
      %jit3A_515 = arith.constant 1 : i32
      %select_n3A_516 = arith.select %eq3A_514, %jit3A_515, %jit3A_512 : i32
      %rem3A_517 = arith.remsi %add3A_400, %select_n3A_516 : i32
      %ne3A_518 = arith.constant 0 : i32
      %ne3A_519 = arith.cmpi ne, %rem3A_517, %ne3A_518 : i32
      %lt3A_520 = arith.constant 0 : i32
      %lt3A_521 = arith.cmpi slt, %rem3A_517, %lt3A_520 : i32
      %lt3A_522 = arith.constant 0 : i32
      %lt3A_523 = arith.cmpi slt, %select_n3A_516, %lt3A_522 : i32
      %ne3A_524 = arith.xori %lt3A_521, %lt3A_523 : i1
      %and3A_525 = arith.andi %ne3A_524, %ne3A_519 : i1
      %add3A_526 = arith.addi %rem3A_517, %select_n3A_516 : i32
      %select_n3A_527 = arith.select %and3A_525, %add3A_526, %rem3A_517 : i32
      %eq3A_528 = arith.constant 7 : i32
      %eq3A_529 = arith.cmpi eq, %select_n3A_527, %eq3A_528 : i32
      %convert_element_type3A_530 = arith.extui %eq3A_529 : i1 to i32
      %cond3A_531 = arith.constant 0 : i32
      %cond3A_532 = arith.cmpi ne, %convert_element_type3A_530, %cond3A_531 : i32
      scf.if %cond3A_532 {
        %jit3A_805 = arith.constant 8 : i32
        %div3A_806 = arith.divsi %add3A_400, %jit3A_805 : i32
        %sign3A_807 = arith.constant 0 : i32
        %sign3A_808 = arith.cmpi sgt, %add3A_400, %sign3A_807 : i32
        %sign3A_809 = arith.extui %sign3A_808 : i1 to i32
        %sign3A_810 = arith.constant 0 : i32
        %sign3A_811 = arith.cmpi slt, %add3A_400, %sign3A_810 : i32
        %sign3A_812 = arith.extui %sign3A_811 : i1 to i32
        %sign3A_813 = arith.subi %sign3A_809, %sign3A_812 : i32
        %sign3A_814 = arith.constant 0 : i32
        %sign3A_815 = arith.cmpi sgt, %jit3A_805, %sign3A_814 : i32
        %sign3A_816 = arith.extui %sign3A_815 : i1 to i32
        %sign3A_817 = arith.constant 0 : i32
        %sign3A_818 = arith.cmpi slt, %jit3A_805, %sign3A_817 : i32
        %sign3A_819 = arith.extui %sign3A_818 : i1 to i32
        %sign3A_820 = arith.subi %sign3A_816, %sign3A_819 : i32
        %ne3A_821 = arith.cmpi ne, %sign3A_813, %sign3A_820 : i32
        %rem3A_822 = arith.remsi %add3A_400, %jit3A_805 : i32
        %ne3A_823 = arith.constant 0 : i32
        %ne3A_824 = arith.cmpi ne, %rem3A_822, %ne3A_823 : i32
        %and3A_825 = arith.andi %ne3A_821, %ne3A_824 : i1
        %sub3A_826 = arith.constant 1 : i32
        %sub3A_827 = arith.subi %div3A_806, %sub3A_826 : i32
        %select_n3A_828 = arith.select %and3A_825, %sub3A_827, %div3A_806 : i32
        %add3A_829 = arith.constant 2 : i32
        %add3A_830 = arith.addi %select_n3A_828, %add3A_829 : i32
        %lt3A_831 = arith.constant 32 : i32
        %lt3A_832 = arith.cmpi slt, %add3A_830, %lt3A_831 : i32
        %convert_element_type3A_833 = arith.extui %lt3A_832 : i1 to i32
        %cond3A_834 = arith.constant 0 : i32
        %cond3A_835 = arith.cmpi ne, %convert_element_type3A_833, %cond3A_834 : i32
        scf.if %cond3A_835 {
          %jit3A_836 = arith.constant 2 : i32
          %eq3A_837 = arith.constant 0 : i32
          %eq3A_838 = arith.cmpi eq, %jit3A_836, %eq3A_837 : i32
          %jit3A_839 = arith.constant 1 : i32
          %select_n3A_840 = arith.select %eq3A_838, %jit3A_839, %jit3A_836 : i32
          %rem3A_841 = arith.remsi %add3A_830, %select_n3A_840 : i32
          %ne3A_842 = arith.constant 0 : i32
          %ne3A_843 = arith.cmpi ne, %rem3A_841, %ne3A_842 : i32
          %lt3A_844 = arith.constant 0 : i32
          %lt3A_845 = arith.cmpi slt, %rem3A_841, %lt3A_844 : i32
          %lt3A_846 = arith.constant 0 : i32
          %lt3A_847 = arith.cmpi slt, %select_n3A_840, %lt3A_846 : i32
          %ne3A_848 = arith.xori %lt3A_845, %lt3A_847 : i1
          %and3A_849 = arith.andi %ne3A_848, %ne3A_843 : i1
          %add3A_850 = arith.addi %rem3A_841, %select_n3A_840 : i32
          %select_n3A_851 = arith.select %and3A_849, %add3A_850, %rem3A_841 : i32
          %eq3A_852 = arith.constant 0 : i32
          %eq3A_853 = arith.cmpi eq, %select_n3A_851, %eq3A_852 : i32
          %convert_element_type3A_854 = arith.extui %eq3A_853 : i1 to i32
          %cond3A_855 = arith.constant 0 : i32
          %cond3A_856 = arith.cmpi ne, %convert_element_type3A_854, %cond3A_855 : i32
          scf.if %cond3A_856 {
            %mul3A_862 = arith.constant 32 : i32
            %mul3A_863 = arith.muli %add3A_830, %mul3A_862 : i32
            %add3A_864 = arith.addi %mul3A_2, %mul3A_863 : i32
            %dma_start3A_865 = arith.constant 0 : i32
            %dma_start3A_866 = arith.constant 0 : i32
            %dma_start3A_867 = tpu.memref_slice %arg6[%dma_start3A_865, %dma_start3A_866] : memref<64x32xi32, #tpu.memory_space<vmem>> -> memref<32x32xi32, #tpu.memory_space<vmem>>
            %dma_start3A_868 = arith.constant 0 : i32
            %dma_start3A_869 = tpu.memref_slice %arg2[%add3A_864, %dma_start3A_868] : memref<32768x32xi32, #tpu.memory_space<hbm>> -> memref<32x32xi32, #tpu.memory_space<hbm>>
            %dma_start3A_870 = arith.constant 0 : i32
            %dma_start3A_871 = arith.constant 0 : i32
            %dma_start3A_872 = tpu.memref_slice %arg6[%dma_start3A_870, %dma_start3A_871] : memref<64x32xi32, #tpu.memory_space<vmem>> -> memref<32x32xi32, #tpu.memory_space<vmem>>
            %dma_start3A_873 = arith.constant 0 : i32
            %dma_start3A_874 = tpu.memref_slice %arg2[%add3A_864, %dma_start3A_873] : memref<32768x32xi32, #tpu.memory_space<hbm>> -> memref<32x32xi32, #tpu.memory_space<hbm>>
            tpu.enqueue_dma source(%dma_start3A_874 : memref<32x32xi32, #tpu.memory_space<hbm>>) target(%dma_start3A_872 : memref<32x32xi32, #tpu.memory_space<vmem>>) target_semaphore(%arg11 : memref<!tpu.dma_semaphore, #tpu.memory_space<semaphore_mem>>)
            %mul3A_875 = arith.constant 32 : i32
            %mul3A_876 = arith.muli %add3A_830, %mul3A_875 : i32
            %add3A_877 = arith.addi %mul3A_2, %mul3A_876 : i32
            %dma_start3A_878 = arith.constant 0 : i32
            %dma_start3A_879 = arith.constant 0 : i32
            %dma_start3A_880 = tpu.memref_slice %arg7[%dma_start3A_878, %dma_start3A_879] : memref<64x32xf32, #tpu.memory_space<vmem>> -> memref<32x32xf32, #tpu.memory_space<vmem>>
            %dma_start3A_881 = arith.constant 0 : i32
            %dma_start3A_882 = tpu.memref_slice %arg3[%add3A_877, %dma_start3A_881] : memref<32768x32xf32, #tpu.memory_space<hbm>> -> memref<32x32xf32, #tpu.memory_space<hbm>>
            %dma_start3A_883 = arith.constant 0 : i32
            %dma_start3A_884 = arith.constant 0 : i32
            %dma_start3A_885 = tpu.memref_slice %arg7[%dma_start3A_883, %dma_start3A_884] : memref<64x32xf32, #tpu.memory_space<vmem>> -> memref<32x32xf32, #tpu.memory_space<vmem>>
            %dma_start3A_886 = arith.constant 0 : i32
            %dma_start3A_887 = tpu.memref_slice %arg3[%add3A_877, %dma_start3A_886] : memref<32768x32xf32, #tpu.memory_space<hbm>> -> memref<32x32xf32, #tpu.memory_space<hbm>>
            tpu.enqueue_dma source(%dma_start3A_887 : memref<32x32xf32, #tpu.memory_space<hbm>>) target(%dma_start3A_885 : memref<32x32xf32, #tpu.memory_space<vmem>>) target_semaphore(%arg11 : memref<!tpu.dma_semaphore, #tpu.memory_space<semaphore_mem>>)
          } else {
          }
          %eq3A_857 = arith.constant 1 : i32
          %eq3A_858 = arith.cmpi eq, %select_n3A_851, %eq3A_857 : i32
          %convert_element_type3A_859 = arith.extui %eq3A_858 : i1 to i32
          %cond3A_860 = arith.constant 0 : i32
          %cond3A_861 = arith.cmpi ne, %convert_element_type3A_859, %cond3A_860 : i32
          scf.if %cond3A_861 {
            %mul3A_862 = arith.constant 32 : i32
            %mul3A_863 = arith.muli %add3A_830, %mul3A_862 : i32
            %add3A_864 = arith.addi %mul3A_2, %mul3A_863 : i32
            %dma_start3A_865 = arith.constant 32 : i32
            %dma_start3A_866 = arith.constant 0 : i32
            %dma_start3A_867 = tpu.memref_slice %arg6[%dma_start3A_865, %dma_start3A_866] : memref<64x32xi32, #tpu.memory_space<vmem>> -> memref<32x32xi32, #tpu.memory_space<vmem>>
            %dma_start3A_868 = arith.constant 0 : i32
            %dma_start3A_869 = tpu.memref_slice %arg2[%add3A_864, %dma_start3A_868] : memref<32768x32xi32, #tpu.memory_space<hbm>> -> memref<32x32xi32, #tpu.memory_space<hbm>>
            %dma_start3A_870 = arith.constant 32 : i32
            %dma_start3A_871 = arith.constant 0 : i32
            %dma_start3A_872 = tpu.memref_slice %arg6[%dma_start3A_870, %dma_start3A_871] : memref<64x32xi32, #tpu.memory_space<vmem>> -> memref<32x32xi32, #tpu.memory_space<vmem>>
            %dma_start3A_873 = arith.constant 0 : i32
            %dma_start3A_874 = tpu.memref_slice %arg2[%add3A_864, %dma_start3A_873] : memref<32768x32xi32, #tpu.memory_space<hbm>> -> memref<32x32xi32, #tpu.memory_space<hbm>>
            tpu.enqueue_dma source(%dma_start3A_874 : memref<32x32xi32, #tpu.memory_space<hbm>>) target(%dma_start3A_872 : memref<32x32xi32, #tpu.memory_space<vmem>>) target_semaphore(%arg12 : memref<!tpu.dma_semaphore, #tpu.memory_space<semaphore_mem>>)
            %mul3A_875 = arith.constant 32 : i32
            %mul3A_876 = arith.muli %add3A_830, %mul3A_875 : i32
            %add3A_877 = arith.addi %mul3A_2, %mul3A_876 : i32
            %dma_start3A_878 = arith.constant 32 : i32
            %dma_start3A_879 = arith.constant 0 : i32
            %dma_start3A_880 = tpu.memref_slice %arg7[%dma_start3A_878, %dma_start3A_879] : memref<64x32xf32, #tpu.memory_space<vmem>> -> memref<32x32xf32, #tpu.memory_space<vmem>>
            %dma_start3A_881 = arith.constant 0 : i32
            %dma_start3A_882 = tpu.memref_slice %arg3[%add3A_877, %dma_start3A_881] : memref<32768x32xf32, #tpu.memory_space<hbm>> -> memref<32x32xf32, #tpu.memory_space<hbm>>
            %dma_start3A_883 = arith.constant 32 : i32
            %dma_start3A_884 = arith.constant 0 : i32
            %dma_start3A_885 = tpu.memref_slice %arg7[%dma_start3A_883, %dma_start3A_884] : memref<64x32xf32, #tpu.memory_space<vmem>> -> memref<32x32xf32, #tpu.memory_space<vmem>>
            %dma_start3A_886 = arith.constant 0 : i32
            %dma_start3A_887 = tpu.memref_slice %arg3[%add3A_877, %dma_start3A_886] : memref<32768x32xf32, #tpu.memory_space<hbm>> -> memref<32x32xf32, #tpu.memory_space<hbm>>
            tpu.enqueue_dma source(%dma_start3A_887 : memref<32x32xf32, #tpu.memory_space<hbm>>) target(%dma_start3A_885 : memref<32x32xf32, #tpu.memory_space<vmem>>) target_semaphore(%arg12 : memref<!tpu.dma_semaphore, #tpu.memory_space<semaphore_mem>>)
          } else {
          }
        } else {
        }
      } else {
      }
      %mul3A_533 = arith.constant 3 : i32
      %mul3A_534 = arith.muli %mul3A_533, %scan3A_396 : i32
      %add3A_535 = arith.constant 1 : i32
      %add3A_536 = arith.addi %mul3A_534, %add3A_535 : i32
      %lt3A_537 = arith.constant 1 : i32
      %lt3A_538 = arith.cmpi slt, %scan3A_396, %lt3A_537 : i32
      %dma_wait3A_539 = arith.constant 128 : i32
      %dma_wait3A_540 = arith.constant 0 : i32
      %dma_wait3A_541 = tpu.memref_slice %arg9[%dma_wait3A_539, %dma_wait3A_540] : memref<384x256xf32, #tpu.memory_space<vmem>> -> memref<128x256xf32, #tpu.memory_space<vmem>>
      %dma_wait3A_542 = arith.constant 0 : i32
      %dma_wait3A_543 = arith.constant 0 : i32
      %dma_wait3A_544 = tpu.memref_slice %arg4[%dma_wait3A_542, %dma_wait3A_543] : memref<100000x256xf32, #tpu.memory_space<hbm>> -> memref<128x256xf32, #tpu.memory_space<hbm>>
      %dma_wait3A_545 = arith.constant 128 : i32
      %dma_wait3A_546 = arith.constant 0 : i32
      %dma_wait3A_547 = tpu.memref_slice %arg9[%dma_wait3A_545, %dma_wait3A_546] : memref<384x256xf32, #tpu.memory_space<vmem>> -> memref<128x256xf32, #tpu.memory_space<vmem>>
      %dma_wait3A_548 = arith.constant 0 : i32
      %dma_wait3A_549 = arith.constant 0 : i32
      %dma_wait3A_550 = tpu.memref_slice %arg4[%dma_wait3A_548, %dma_wait3A_549] : memref<100000x256xf32, #tpu.memory_space<hbm>> -> memref<128x256xf32, #tpu.memory_space<hbm>>
      tpu.wait_dma2 semaphore(%arg14 : memref<!tpu.dma_semaphore, #tpu.memory_space<semaphore_mem>>) src(%dma_wait3A_550 : memref<128x256xf32, #tpu.memory_space<hbm>>) dst(%dma_wait3A_547 : memref<128x256xf32, #tpu.memory_space<vmem>>)
      %add3A_551 = arith.constant 3 : i32
      %add3A_552 = arith.addi %add3A_536, %add3A_551 : i32
      %sub3A_553 = arith.constant 1 : i32
      %sub3A_554 = arith.subi %add3A_552, %sub3A_553 : i32
      %lt3A_555 = arith.constant 256 : i32
      %lt3A_556 = arith.cmpi slt, %sub3A_554, %lt3A_555 : i32
      %jit3A_557 = arith.constant 8 : i32
      %eq3A_558 = arith.constant 0 : i32
      %eq3A_559 = arith.cmpi eq, %jit3A_557, %eq3A_558 : i32
      %jit3A_560 = arith.constant 1 : i32
      %select_n3A_561 = arith.select %eq3A_559, %jit3A_560, %jit3A_557 : i32
      %rem3A_562 = arith.remsi %sub3A_554, %select_n3A_561 : i32
      %ne3A_563 = arith.constant 0 : i32
      %ne3A_564 = arith.cmpi ne, %rem3A_562, %ne3A_563 : i32
      %lt3A_565 = arith.constant 0 : i32
      %lt3A_566 = arith.cmpi slt, %rem3A_562, %lt3A_565 : i32
      %lt3A_567 = arith.constant 0 : i32
      %lt3A_568 = arith.cmpi slt, %select_n3A_561, %lt3A_567 : i32
      %ne3A_569 = arith.xori %lt3A_566, %lt3A_568 : i1
      %and3A_570 = arith.andi %ne3A_569, %ne3A_564 : i1
      %add3A_571 = arith.addi %rem3A_562, %select_n3A_561 : i32
      %select_n3A_572 = arith.select %and3A_570, %add3A_571, %rem3A_562 : i32
      %eq3A_573 = arith.constant 0 : i32
      %eq3A_574 = arith.cmpi eq, %select_n3A_572, %eq3A_573 : i32
      %and3A_575 = arith.andi %lt3A_556, %eq3A_574 : i1
      %convert_element_type3A_576 = arith.extui %and3A_575 : i1 to i32
      %cond3A_577 = arith.constant 0 : i32
      %cond3A_578 = arith.cmpi ne, %convert_element_type3A_576, %cond3A_577 : i32
      scf.if %cond3A_578 {
        %jit3A_805 = arith.constant 8 : i32
        %div3A_806 = arith.divsi %sub3A_554, %jit3A_805 : i32
        %sign3A_807 = arith.constant 0 : i32
        %sign3A_808 = arith.cmpi sgt, %sub3A_554, %sign3A_807 : i32
        %sign3A_809 = arith.extui %sign3A_808 : i1 to i32
        %sign3A_810 = arith.constant 0 : i32
        %sign3A_811 = arith.cmpi slt, %sub3A_554, %sign3A_810 : i32
        %sign3A_812 = arith.extui %sign3A_811 : i1 to i32
        %sign3A_813 = arith.subi %sign3A_809, %sign3A_812 : i32
        %sign3A_814 = arith.constant 0 : i32
        %sign3A_815 = arith.cmpi sgt, %jit3A_805, %sign3A_814 : i32
        %sign3A_816 = arith.extui %sign3A_815 : i1 to i32
        %sign3A_817 = arith.constant 0 : i32
        %sign3A_818 = arith.cmpi slt, %jit3A_805, %sign3A_817 : i32
        %sign3A_819 = arith.extui %sign3A_818 : i1 to i32
        %sign3A_820 = arith.subi %sign3A_816, %sign3A_819 : i32
        %ne3A_821 = arith.cmpi ne, %sign3A_813, %sign3A_820 : i32
        %rem3A_822 = arith.remsi %sub3A_554, %jit3A_805 : i32
        %ne3A_823 = arith.constant 0 : i32
        %ne3A_824 = arith.cmpi ne, %rem3A_822, %ne3A_823 : i32
        %and3A_825 = arith.andi %ne3A_821, %ne3A_824 : i1
        %sub3A_826 = arith.constant 1 : i32
        %sub3A_827 = arith.subi %div3A_806, %sub3A_826 : i32
        %select_n3A_828 = arith.select %and3A_825, %sub3A_827, %div3A_806 : i32
        %jit3A_829 = arith.constant 2 : i32
        %eq3A_830 = arith.constant 0 : i32
        %eq3A_831 = arith.cmpi eq, %jit3A_829, %eq3A_830 : i32
        %jit3A_832 = arith.constant 1 : i32
        %select_n3A_833 = arith.select %eq3A_831, %jit3A_832, %jit3A_829 : i32
        %rem3A_834 = arith.remsi %select_n3A_828, %select_n3A_833 : i32
        %ne3A_835 = arith.constant 0 : i32
        %ne3A_836 = arith.cmpi ne, %rem3A_834, %ne3A_835 : i32
        %lt3A_837 = arith.constant 0 : i32
        %lt3A_838 = arith.cmpi slt, %rem3A_834, %lt3A_837 : i32
        %lt3A_839 = arith.constant 0 : i32
        %lt3A_840 = arith.cmpi slt, %select_n3A_833, %lt3A_839 : i32
        %ne3A_841 = arith.xori %lt3A_838, %lt3A_840 : i1
        %and3A_842 = arith.andi %ne3A_841, %ne3A_836 : i1
        %add3A_843 = arith.addi %rem3A_834, %select_n3A_833 : i32
        %select_n3A_844 = arith.select %and3A_842, %add3A_843, %rem3A_834 : i32
        %eq3A_845 = arith.constant 0 : i32
        %eq3A_846 = arith.cmpi eq, %select_n3A_844, %eq3A_845 : i32
        %convert_element_type3A_847 = arith.extui %eq3A_846 : i1 to i32
        %cond3A_848 = arith.constant 0 : i32
        %cond3A_849 = arith.cmpi ne, %convert_element_type3A_847, %cond3A_848 : i32
        scf.if %cond3A_849 {
          %dma_wait3A_855 = arith.constant 0 : i32
          %dma_wait3A_856 = arith.constant 0 : i32
          %dma_wait3A_857 = tpu.memref_slice %arg6[%dma_wait3A_855, %dma_wait3A_856] : memref<64x32xi32, #tpu.memory_space<vmem>> -> memref<32x32xi32, #tpu.memory_space<vmem>>
          %dma_wait3A_858 = arith.constant 0 : i32
          %dma_wait3A_859 = arith.constant 0 : i32
          %dma_wait3A_860 = tpu.memref_slice %arg2[%dma_wait3A_858, %dma_wait3A_859] : memref<32768x32xi32, #tpu.memory_space<hbm>> -> memref<32x32xi32, #tpu.memory_space<hbm>>
          %dma_wait3A_861 = arith.constant 0 : i32
          %dma_wait3A_862 = arith.constant 0 : i32
          %dma_wait3A_863 = tpu.memref_slice %arg6[%dma_wait3A_861, %dma_wait3A_862] : memref<64x32xi32, #tpu.memory_space<vmem>> -> memref<32x32xi32, #tpu.memory_space<vmem>>
          %dma_wait3A_864 = arith.constant 0 : i32
          %dma_wait3A_865 = arith.constant 0 : i32
          %dma_wait3A_866 = tpu.memref_slice %arg2[%dma_wait3A_864, %dma_wait3A_865] : memref<32768x32xi32, #tpu.memory_space<hbm>> -> memref<32x32xi32, #tpu.memory_space<hbm>>
          tpu.wait_dma2 semaphore(%arg11 : memref<!tpu.dma_semaphore, #tpu.memory_space<semaphore_mem>>) src(%dma_wait3A_866 : memref<32x32xi32, #tpu.memory_space<hbm>>) dst(%dma_wait3A_863 : memref<32x32xi32, #tpu.memory_space<vmem>>)
          %dma_wait3A_867 = arith.constant 0 : i32
          %dma_wait3A_868 = arith.constant 0 : i32
          %dma_wait3A_869 = tpu.memref_slice %arg7[%dma_wait3A_867, %dma_wait3A_868] : memref<64x32xf32, #tpu.memory_space<vmem>> -> memref<32x32xf32, #tpu.memory_space<vmem>>
          %dma_wait3A_870 = arith.constant 0 : i32
          %dma_wait3A_871 = arith.constant 0 : i32
          %dma_wait3A_872 = tpu.memref_slice %arg3[%dma_wait3A_870, %dma_wait3A_871] : memref<32768x32xf32, #tpu.memory_space<hbm>> -> memref<32x32xf32, #tpu.memory_space<hbm>>
          %dma_wait3A_873 = arith.constant 0 : i32
          %dma_wait3A_874 = arith.constant 0 : i32
          %dma_wait3A_875 = tpu.memref_slice %arg7[%dma_wait3A_873, %dma_wait3A_874] : memref<64x32xf32, #tpu.memory_space<vmem>> -> memref<32x32xf32, #tpu.memory_space<vmem>>
          %dma_wait3A_876 = arith.constant 0 : i32
          %dma_wait3A_877 = arith.constant 0 : i32
          %dma_wait3A_878 = tpu.memref_slice %arg3[%dma_wait3A_876, %dma_wait3A_877] : memref<32768x32xf32, #tpu.memory_space<hbm>> -> memref<32x32xf32, #tpu.memory_space<hbm>>
          tpu.wait_dma2 semaphore(%arg11 : memref<!tpu.dma_semaphore, #tpu.memory_space<semaphore_mem>>) src(%dma_wait3A_878 : memref<32x32xf32, #tpu.memory_space<hbm>>) dst(%dma_wait3A_875 : memref<32x32xf32, #tpu.memory_space<vmem>>)
        } else {
        }
        %eq3A_850 = arith.constant 1 : i32
        %eq3A_851 = arith.cmpi eq, %select_n3A_844, %eq3A_850 : i32
        %convert_element_type3A_852 = arith.extui %eq3A_851 : i1 to i32
        %cond3A_853 = arith.constant 0 : i32
        %cond3A_854 = arith.cmpi ne, %convert_element_type3A_852, %cond3A_853 : i32
        scf.if %cond3A_854 {
          %dma_wait3A_855 = arith.constant 32 : i32
          %dma_wait3A_856 = arith.constant 0 : i32
          %dma_wait3A_857 = tpu.memref_slice %arg6[%dma_wait3A_855, %dma_wait3A_856] : memref<64x32xi32, #tpu.memory_space<vmem>> -> memref<32x32xi32, #tpu.memory_space<vmem>>
          %dma_wait3A_858 = arith.constant 0 : i32
          %dma_wait3A_859 = arith.constant 0 : i32
          %dma_wait3A_860 = tpu.memref_slice %arg2[%dma_wait3A_858, %dma_wait3A_859] : memref<32768x32xi32, #tpu.memory_space<hbm>> -> memref<32x32xi32, #tpu.memory_space<hbm>>
          %dma_wait3A_861 = arith.constant 32 : i32
          %dma_wait3A_862 = arith.constant 0 : i32
          %dma_wait3A_863 = tpu.memref_slice %arg6[%dma_wait3A_861, %dma_wait3A_862] : memref<64x32xi32, #tpu.memory_space<vmem>> -> memref<32x32xi32, #tpu.memory_space<vmem>>
          %dma_wait3A_864 = arith.constant 0 : i32
          %dma_wait3A_865 = arith.constant 0 : i32
          %dma_wait3A_866 = tpu.memref_slice %arg2[%dma_wait3A_864, %dma_wait3A_865] : memref<32768x32xi32, #tpu.memory_space<hbm>> -> memref<32x32xi32, #tpu.memory_space<hbm>>
          tpu.wait_dma2 semaphore(%arg12 : memref<!tpu.dma_semaphore, #tpu.memory_space<semaphore_mem>>) src(%dma_wait3A_866 : memref<32x32xi32, #tpu.memory_space<hbm>>) dst(%dma_wait3A_863 : memref<32x32xi32, #tpu.memory_space<vmem>>)
          %dma_wait3A_867 = arith.constant 32 : i32
          %dma_wait3A_868 = arith.constant 0 : i32
          %dma_wait3A_869 = tpu.memref_slice %arg7[%dma_wait3A_867, %dma_wait3A_868] : memref<64x32xf32, #tpu.memory_space<vmem>> -> memref<32x32xf32, #tpu.memory_space<vmem>>
          %dma_wait3A_870 = arith.constant 0 : i32
          %dma_wait3A_871 = arith.constant 0 : i32
          %dma_wait3A_872 = tpu.memref_slice %arg3[%dma_wait3A_870, %dma_wait3A_871] : memref<32768x32xf32, #tpu.memory_space<hbm>> -> memref<32x32xf32, #tpu.memory_space<hbm>>
          %dma_wait3A_873 = arith.constant 32 : i32
          %dma_wait3A_874 = arith.constant 0 : i32
          %dma_wait3A_875 = tpu.memref_slice %arg7[%dma_wait3A_873, %dma_wait3A_874] : memref<64x32xf32, #tpu.memory_space<vmem>> -> memref<32x32xf32, #tpu.memory_space<vmem>>
          %dma_wait3A_876 = arith.constant 0 : i32
          %dma_wait3A_877 = arith.constant 0 : i32
          %dma_wait3A_878 = tpu.memref_slice %arg3[%dma_wait3A_876, %dma_wait3A_877] : memref<32768x32xf32, #tpu.memory_space<hbm>> -> memref<32x32xf32, #tpu.memory_space<hbm>>
          tpu.wait_dma2 semaphore(%arg12 : memref<!tpu.dma_semaphore, #tpu.memory_space<semaphore_mem>>) src(%dma_wait3A_878 : memref<32x32xf32, #tpu.memory_space<hbm>>) dst(%dma_wait3A_875 : memref<32x32xf32, #tpu.memory_space<vmem>>)
        } else {
        }
      } else {
      }
      %lt3A_579 = arith.constant 256 : i32
      %lt3A_580 = arith.cmpi slt, %sub3A_554, %lt3A_579 : i32
      %convert_element_type3A_581 = arith.extui %lt3A_580 : i1 to i32
      %cond3A_582 = arith.constant 0 : i32
      %cond3A_583 = arith.cmpi ne, %convert_element_type3A_581, %cond3A_582 : i32
      scf.if %cond3A_583 {
        %jit3A_805 = arith.constant 8 : i32
        %div3A_806 = arith.divsi %sub3A_554, %jit3A_805 : i32
        %sign3A_807 = arith.constant 0 : i32
        %sign3A_808 = arith.cmpi sgt, %sub3A_554, %sign3A_807 : i32
        %sign3A_809 = arith.extui %sign3A_808 : i1 to i32
        %sign3A_810 = arith.constant 0 : i32
        %sign3A_811 = arith.cmpi slt, %sub3A_554, %sign3A_810 : i32
        %sign3A_812 = arith.extui %sign3A_811 : i1 to i32
        %sign3A_813 = arith.subi %sign3A_809, %sign3A_812 : i32
        %sign3A_814 = arith.constant 0 : i32
        %sign3A_815 = arith.cmpi sgt, %jit3A_805, %sign3A_814 : i32
        %sign3A_816 = arith.extui %sign3A_815 : i1 to i32
        %sign3A_817 = arith.constant 0 : i32
        %sign3A_818 = arith.cmpi slt, %jit3A_805, %sign3A_817 : i32
        %sign3A_819 = arith.extui %sign3A_818 : i1 to i32
        %sign3A_820 = arith.subi %sign3A_816, %sign3A_819 : i32
        %ne3A_821 = arith.cmpi ne, %sign3A_813, %sign3A_820 : i32
        %rem3A_822 = arith.remsi %sub3A_554, %jit3A_805 : i32
        %ne3A_823 = arith.constant 0 : i32
        %ne3A_824 = arith.cmpi ne, %rem3A_822, %ne3A_823 : i32
        %and3A_825 = arith.andi %ne3A_821, %ne3A_824 : i1
        %sub3A_826 = arith.constant 1 : i32
        %sub3A_827 = arith.subi %div3A_806, %sub3A_826 : i32
        %select_n3A_828 = arith.select %and3A_825, %sub3A_827, %div3A_806 : i32
        %jit3A_829 = arith.constant 2 : i32
        %eq3A_830 = arith.constant 0 : i32
        %eq3A_831 = arith.cmpi eq, %jit3A_829, %eq3A_830 : i32
        %jit3A_832 = arith.constant 1 : i32
        %select_n3A_833 = arith.select %eq3A_831, %jit3A_832, %jit3A_829 : i32
        %rem3A_834 = arith.remsi %select_n3A_828, %select_n3A_833 : i32
        %ne3A_835 = arith.constant 0 : i32
        %ne3A_836 = arith.cmpi ne, %rem3A_834, %ne3A_835 : i32
        %lt3A_837 = arith.constant 0 : i32
        %lt3A_838 = arith.cmpi slt, %rem3A_834, %lt3A_837 : i32
        %lt3A_839 = arith.constant 0 : i32
        %lt3A_840 = arith.cmpi slt, %select_n3A_833, %lt3A_839 : i32
        %ne3A_841 = arith.xori %lt3A_838, %lt3A_840 : i1
        %and3A_842 = arith.andi %ne3A_841, %ne3A_836 : i1
        %add3A_843 = arith.addi %rem3A_834, %select_n3A_833 : i32
        %select_n3A_844 = arith.select %and3A_842, %add3A_843, %rem3A_834 : i32
        %eq3A_845 = arith.constant 0 : i32
        %eq3A_846 = arith.cmpi eq, %select_n3A_844, %eq3A_845 : i32
        %convert_element_type3A_847 = arith.extui %eq3A_846 : i1 to i32
        %cond3A_848 = arith.constant 0 : i32
        %cond3A_849 = arith.cmpi ne, %convert_element_type3A_847, %cond3A_848 : i32
        scf.if %cond3A_849 {
          %jit3A_855 = arith.constant 8 : i32
          %eq3A_856 = arith.constant 0 : i32
          %eq3A_857 = arith.cmpi eq, %jit3A_855, %eq3A_856 : i32
          %jit3A_858 = arith.constant 1 : i32
          %select_n3A_859 = arith.select %eq3A_857, %jit3A_858, %jit3A_855 : i32
          %rem3A_860 = arith.remsi %sub3A_554, %select_n3A_859 : i32
          %ne3A_861 = arith.constant 0 : i32
          %ne3A_862 = arith.cmpi ne, %rem3A_860, %ne3A_861 : i32
          %lt3A_863 = arith.constant 0 : i32
          %lt3A_864 = arith.cmpi slt, %rem3A_860, %lt3A_863 : i32
          %lt3A_865 = arith.constant 0 : i32
          %lt3A_866 = arith.cmpi slt, %select_n3A_859, %lt3A_865 : i32
          %ne3A_867 = arith.xori %lt3A_864, %lt3A_866 : i1
          %and3A_868 = arith.andi %ne3A_867, %ne3A_862 : i1
          %add3A_869 = arith.addi %rem3A_860, %select_n3A_859 : i32
          %select_n3A_870 = arith.select %and3A_868, %add3A_869, %rem3A_860 : i32
          %mul3A_871 = arith.constant 4 : i32
          %mul3A_872 = arith.muli %select_n3A_870, %mul3A_871 : i32
          %add3A_873 = arith.constant 0 : i32
          %add3A_874 = arith.addi %add3A_873, %mul3A_872 : i32
          %add3A_875 = arith.constant 0 : i32
          %add3A_876 = arith.addi %add3A_874, %add3A_875 : i32
          %get3A_877 = arith.index_cast %add3A_876 : i32 to index
          %get3A_878 = arith.constant 0 : index
          %get3A_879 = tpu.vector_load %arg6[%get3A_877, %get3A_878] {strides = array<i32>} : memref<64x32xi32, #tpu.memory_space<vmem>>, vector<1x16xi32>,
          %get3A_880 = vector.shape_cast %get3A_879 : vector<1x16xi32> to vector<16xi32>
          %swap3A_881 = arith.constant 0 : index
          %swap3A_882 = tpu.vector_load %arg8[%swap3A_881] {strides = array<i32>} : memref<384xi32, #tpu.memory_space<vmem>>, vector<16xi32>,
          %swap3A_883 = vector.shape_cast %swap3A_882 : vector<16xi32> to vector<16xi32>
          %swap3A_884 = vector.shape_cast %get3A_880 : vector<16xi32> to vector<16xi32>
          tpu.vector_store %arg8[%swap3A_881], %swap3A_884 {strides = array<i32>} : memref<384xi32, #tpu.memory_space<vmem>>, vector<16xi32>,
          %get3A_885 = arith.index_cast %add3A_876 : i32 to index
          %get3A_886 = arith.constant 16 : index
          %get3A_887 = tpu.vector_load %arg6[%get3A_885, %get3A_886] {strides = array<i32>} : memref<64x32xi32, #tpu.memory_space<vmem>>, vector<1x16xi32>,
          %get3A_888 = vector.shape_cast %get3A_887 : vector<1x16xi32> to vector<16xi32>
          %swap3A_889 = arith.constant 16 : index
          %swap3A_890 = tpu.vector_load %arg8[%swap3A_889] {strides = array<i32>} : memref<384xi32, #tpu.memory_space<vmem>>, vector<16xi32>,
          %swap3A_891 = vector.shape_cast %swap3A_890 : vector<16xi32> to vector<16xi32>
          %swap3A_892 = vector.shape_cast %get3A_888 : vector<16xi32> to vector<16xi32>
          tpu.vector_store %arg8[%swap3A_889], %swap3A_892 {strides = array<i32>} : memref<384xi32, #tpu.memory_space<vmem>>, vector<16xi32>,
          %jit3A_893 = arith.constant 8 : i32
          %eq3A_894 = arith.constant 0 : i32
          %eq3A_895 = arith.cmpi eq, %jit3A_893, %eq3A_894 : i32
          %jit3A_896 = arith.constant 1 : i32
          %select_n3A_897 = arith.select %eq3A_895, %jit3A_896, %jit3A_893 : i32
          %rem3A_898 = arith.remsi %sub3A_554, %select_n3A_897 : i32
          %ne3A_899 = arith.constant 0 : i32
          %ne3A_900 = arith.cmpi ne, %rem3A_898, %ne3A_899 : i32
          %lt3A_901 = arith.constant 0 : i32
          %lt3A_902 = arith.cmpi slt, %rem3A_898, %lt3A_901 : i32
          %lt3A_903 = arith.constant 0 : i32
          %lt3A_904 = arith.cmpi slt, %select_n3A_897, %lt3A_903 : i32
          %ne3A_905 = arith.xori %lt3A_902, %lt3A_904 : i1
          %and3A_906 = arith.andi %ne3A_905, %ne3A_900 : i1
          %add3A_907 = arith.addi %rem3A_898, %select_n3A_897 : i32
          %select_n3A_908 = arith.select %and3A_906, %add3A_907, %rem3A_898 : i32
          %mul3A_909 = arith.constant 4 : i32
          %mul3A_910 = arith.muli %select_n3A_908, %mul3A_909 : i32
          %add3A_911 = arith.constant 0 : i32
          %add3A_912 = arith.addi %add3A_911, %mul3A_910 : i32
          %add3A_913 = arith.constant 1 : i32
          %add3A_914 = arith.addi %add3A_912, %add3A_913 : i32
          %get3A_915 = arith.index_cast %add3A_914 : i32 to index
          %get3A_916 = arith.constant 0 : index
          %get3A_917 = tpu.vector_load %arg6[%get3A_915, %get3A_916] {strides = array<i32>} : memref<64x32xi32, #tpu.memory_space<vmem>>, vector<1x16xi32>,
          %get3A_918 = vector.shape_cast %get3A_917 : vector<1x16xi32> to vector<16xi32>
          %swap3A_919 = arith.constant 32 : index
          %swap3A_920 = tpu.vector_load %arg8[%swap3A_919] {strides = array<i32>} : memref<384xi32, #tpu.memory_space<vmem>>, vector<16xi32>,
          %swap3A_921 = vector.shape_cast %swap3A_920 : vector<16xi32> to vector<16xi32>
          %swap3A_922 = vector.shape_cast %get3A_918 : vector<16xi32> to vector<16xi32>
          tpu.vector_store %arg8[%swap3A_919], %swap3A_922 {strides = array<i32>} : memref<384xi32, #tpu.memory_space<vmem>>, vector<16xi32>,
          %get3A_923 = arith.index_cast %add3A_914 : i32 to index
          %get3A_924 = arith.constant 16 : index
          %get3A_925 = tpu.vector_load %arg6[%get3A_923, %get3A_924] {strides = array<i32>} : memref<64x32xi32, #tpu.memory_space<vmem>>, vector<1x16xi32>,
          %get3A_926 = vector.shape_cast %get3A_925 : vector<1x16xi32> to vector<16xi32>
          %swap3A_927 = arith.constant 48 : index
          %swap3A_928 = tpu.vector_load %arg8[%swap3A_927] {strides = array<i32>} : memref<384xi32, #tpu.memory_space<vmem>>, vector<16xi32>,
          %swap3A_929 = vector.shape_cast %swap3A_928 : vector<16xi32> to vector<16xi32>
          %swap3A_930 = vector.shape_cast %get3A_926 : vector<16xi32> to vector<16xi32>
          tpu.vector_store %arg8[%swap3A_927], %swap3A_930 {strides = array<i32>} : memref<384xi32, #tpu.memory_space<vmem>>, vector<16xi32>,
          %jit3A_931 = arith.constant 8 : i32
          %eq3A_932 = arith.constant 0 : i32
          %eq3A_933 = arith.cmpi eq, %jit3A_931, %eq3A_932 : i32
          %jit3A_934 = arith.constant 1 : i32
          %select_n3A_935 = arith.select %eq3A_933, %jit3A_934, %jit3A_931 : i32
          %rem3A_936 = arith.remsi %sub3A_554, %select_n3A_935 : i32
          %ne3A_937 = arith.constant 0 : i32
          %ne3A_938 = arith.cmpi ne, %rem3A_936, %ne3A_937 : i32
          %lt3A_939 = arith.constant 0 : i32
          %lt3A_940 = arith.cmpi slt, %rem3A_936, %lt3A_939 : i32
          %lt3A_941 = arith.constant 0 : i32
          %lt3A_942 = arith.cmpi slt, %select_n3A_935, %lt3A_941 : i32
          %ne3A_943 = arith.xori %lt3A_940, %lt3A_942 : i1
          %and3A_944 = arith.andi %ne3A_943, %ne3A_938 : i1
          %add3A_945 = arith.addi %rem3A_936, %select_n3A_935 : i32
          %select_n3A_946 = arith.select %and3A_944, %add3A_945, %rem3A_936 : i32
          %mul3A_947 = arith.constant 4 : i32
          %mul3A_948 = arith.muli %select_n3A_946, %mul3A_947 : i32
          %add3A_949 = arith.constant 0 : i32
          %add3A_950 = arith.addi %add3A_949, %mul3A_948 : i32
          %add3A_951 = arith.constant 2 : i32
          %add3A_952 = arith.addi %add3A_950, %add3A_951 : i32
          %get3A_953 = arith.index_cast %add3A_952 : i32 to index
          %get3A_954 = arith.constant 0 : index
          %get3A_955 = tpu.vector_load %arg6[%get3A_953, %get3A_954] {strides = array<i32>} : memref<64x32xi32, #tpu.memory_space<vmem>>, vector<1x16xi32>,
          %get3A_956 = vector.shape_cast %get3A_955 : vector<1x16xi32> to vector<16xi32>
          %swap3A_957 = arith.constant 64 : index
          %swap3A_958 = tpu.vector_load %arg8[%swap3A_957] {strides = array<i32>} : memref<384xi32, #tpu.memory_space<vmem>>, vector<16xi32>,
          %swap3A_959 = vector.shape_cast %swap3A_958 : vector<16xi32> to vector<16xi32>
          %swap3A_960 = vector.shape_cast %get3A_956 : vector<16xi32> to vector<16xi32>
          tpu.vector_store %arg8[%swap3A_957], %swap3A_960 {strides = array<i32>} : memref<384xi32, #tpu.memory_space<vmem>>, vector<16xi32>,
          %get3A_961 = arith.index_cast %add3A_952 : i32 to index
          %get3A_962 = arith.constant 16 : index
          %get3A_963 = tpu.vector_load %arg6[%get3A_961, %get3A_962] {strides = array<i32>} : memref<64x32xi32, #tpu.memory_space<vmem>>, vector<1x16xi32>,
          %get3A_964 = vector.shape_cast %get3A_963 : vector<1x16xi32> to vector<16xi32>
          %swap3A_965 = arith.constant 80 : index
          %swap3A_966 = tpu.vector_load %arg8[%swap3A_965] {strides = array<i32>} : memref<384xi32, #tpu.memory_space<vmem>>, vector<16xi32>,
          %swap3A_967 = vector.shape_cast %swap3A_966 : vector<16xi32> to vector<16xi32>
          %swap3A_968 = vector.shape_cast %get3A_964 : vector<16xi32> to vector<16xi32>
          tpu.vector_store %arg8[%swap3A_965], %swap3A_968 {strides = array<i32>} : memref<384xi32, #tpu.memory_space<vmem>>, vector<16xi32>,
          %jit3A_969 = arith.constant 8 : i32
          %eq3A_970 = arith.constant 0 : i32
          %eq3A_971 = arith.cmpi eq, %jit3A_969, %eq3A_970 : i32
          %jit3A_972 = arith.constant 1 : i32
          %select_n3A_973 = arith.select %eq3A_971, %jit3A_972, %jit3A_969 : i32
          %rem3A_974 = arith.remsi %sub3A_554, %select_n3A_973 : i32
          %ne3A_975 = arith.constant 0 : i32
          %ne3A_976 = arith.cmpi ne, %rem3A_974, %ne3A_975 : i32
          %lt3A_977 = arith.constant 0 : i32
          %lt3A_978 = arith.cmpi slt, %rem3A_974, %lt3A_977 : i32
          %lt3A_979 = arith.constant 0 : i32
          %lt3A_980 = arith.cmpi slt, %select_n3A_973, %lt3A_979 : i32
          %ne3A_981 = arith.xori %lt3A_978, %lt3A_980 : i1
          %and3A_982 = arith.andi %ne3A_981, %ne3A_976 : i1
          %add3A_983 = arith.addi %rem3A_974, %select_n3A_973 : i32
          %select_n3A_984 = arith.select %and3A_982, %add3A_983, %rem3A_974 : i32
          %mul3A_985 = arith.constant 4 : i32
          %mul3A_986 = arith.muli %select_n3A_984, %mul3A_985 : i32
          %add3A_987 = arith.constant 0 : i32
          %add3A_988 = arith.addi %add3A_987, %mul3A_986 : i32
          %add3A_989 = arith.constant 3 : i32
          %add3A_990 = arith.addi %add3A_988, %add3A_989 : i32
          %get3A_991 = arith.index_cast %add3A_990 : i32 to index
          %get3A_992 = arith.constant 0 : index
          %get3A_993 = tpu.vector_load %arg6[%get3A_991, %get3A_992] {strides = array<i32>} : memref<64x32xi32, #tpu.memory_space<vmem>>, vector<1x16xi32>,
          %get3A_994 = vector.shape_cast %get3A_993 : vector<1x16xi32> to vector<16xi32>
          %swap3A_995 = arith.constant 96 : index
          %swap3A_996 = tpu.vector_load %arg8[%swap3A_995] {strides = array<i32>} : memref<384xi32, #tpu.memory_space<vmem>>, vector<16xi32>,
          %swap3A_997 = vector.shape_cast %swap3A_996 : vector<16xi32> to vector<16xi32>
          %swap3A_998 = vector.shape_cast %get3A_994 : vector<16xi32> to vector<16xi32>
          tpu.vector_store %arg8[%swap3A_995], %swap3A_998 {strides = array<i32>} : memref<384xi32, #tpu.memory_space<vmem>>, vector<16xi32>,
          %get3A_999 = arith.index_cast %add3A_990 : i32 to index
          %get3A_1000 = arith.constant 16 : index
          %get3A_1001 = tpu.vector_load %arg6[%get3A_999, %get3A_1000] {strides = array<i32>} : memref<64x32xi32, #tpu.memory_space<vmem>>, vector<1x16xi32>,
          %get3A_1002 = vector.shape_cast %get3A_1001 : vector<1x16xi32> to vector<16xi32>
          %swap3A_1003 = arith.constant 112 : index
          %swap3A_1004 = tpu.vector_load %arg8[%swap3A_1003] {strides = array<i32>} : memref<384xi32, #tpu.memory_space<vmem>>, vector<16xi32>,
          %swap3A_1005 = vector.shape_cast %swap3A_1004 : vector<16xi32> to vector<16xi32>
          %swap3A_1006 = vector.shape_cast %get3A_1002 : vector<16xi32> to vector<16xi32>
          tpu.vector_store %arg8[%swap3A_1003], %swap3A_1006 {strides = array<i32>} : memref<384xi32, #tpu.memory_space<vmem>>, vector<16xi32>,
          %dma_start3A_1007 = arith.constant 0 : i32
          %dma_start3A_1008 = arith.constant 0 : i32
          %dma_start3A_1009 = tpu.memref_slice %arg9[%dma_start3A_1007, %dma_start3A_1008] : memref<384x256xf32, #tpu.memory_space<vmem>> -> memref<128x256xf32, #tpu.memory_space<vmem>>
          %dma_start3A_1010 = arith.constant 0 : i32
          %dma_start3A_1011 = tpu.memref_slice %arg8[%dma_start3A_1010] : memref<384xi32, #tpu.memory_space<vmem>> -> memref<128xi32, #tpu.memory_space<vmem>>
          %dma_start3A_1012 = arith.constant 0 : i32
          %dma_start3A_1013 = arith.constant 0 : i32
          %dma_start3A_1014 = tpu.memref_slice %arg4[%dma_start3A_1012, %dma_start3A_1013] : memref<100000x256xf32, #tpu.memory_space<hbm>> -> memref<100000x256xf32, #tpu.memory_space<hbm>>
          tpu.enqueue_indirect_dma source(%dma_start3A_1014 : memref<100000x256xf32, #tpu.memory_space<hbm>>) target(%dma_start3A_1009 : memref<128x256xf32, #tpu.memory_space<vmem>>) offsets(%dma_start3A_1011 : memref<128xi32, #tpu.memory_space<vmem>>) semaphore(%arg13 : memref<!tpu.dma_semaphore, #tpu.memory_space<semaphore_mem>>)
        } else {
        }
        %eq3A_850 = arith.constant 1 : i32
        %eq3A_851 = arith.cmpi eq, %select_n3A_844, %eq3A_850 : i32
        %convert_element_type3A_852 = arith.extui %eq3A_851 : i1 to i32
        %cond3A_853 = arith.constant 0 : i32
        %cond3A_854 = arith.cmpi ne, %convert_element_type3A_852, %cond3A_853 : i32
        scf.if %cond3A_854 {
          %jit3A_855 = arith.constant 8 : i32
          %eq3A_856 = arith.constant 0 : i32
          %eq3A_857 = arith.cmpi eq, %jit3A_855, %eq3A_856 : i32
          %jit3A_858 = arith.constant 1 : i32
          %select_n3A_859 = arith.select %eq3A_857, %jit3A_858, %jit3A_855 : i32
          %rem3A_860 = arith.remsi %sub3A_554, %select_n3A_859 : i32
          %ne3A_861 = arith.constant 0 : i32
          %ne3A_862 = arith.cmpi ne, %rem3A_860, %ne3A_861 : i32
          %lt3A_863 = arith.constant 0 : i32
          %lt3A_864 = arith.cmpi slt, %rem3A_860, %lt3A_863 : i32
          %lt3A_865 = arith.constant 0 : i32
          %lt3A_866 = arith.cmpi slt, %select_n3A_859, %lt3A_865 : i32
          %ne3A_867 = arith.xori %lt3A_864, %lt3A_866 : i1
          %and3A_868 = arith.andi %ne3A_867, %ne3A_862 : i1
          %add3A_869 = arith.addi %rem3A_860, %select_n3A_859 : i32
          %select_n3A_870 = arith.select %and3A_868, %add3A_869, %rem3A_860 : i32
          %mul3A_871 = arith.constant 4 : i32
          %mul3A_872 = arith.muli %select_n3A_870, %mul3A_871 : i32
          %add3A_873 = arith.constant 32 : i32
          %add3A_874 = arith.addi %add3A_873, %mul3A_872 : i32
          %add3A_875 = arith.constant 0 : i32
          %add3A_876 = arith.addi %add3A_874, %add3A_875 : i32
          %get3A_877 = arith.index_cast %add3A_876 : i32 to index
          %get3A_878 = arith.constant 0 : index
          %get3A_879 = tpu.vector_load %arg6[%get3A_877, %get3A_878] {strides = array<i32>} : memref<64x32xi32, #tpu.memory_space<vmem>>, vector<1x16xi32>,
          %get3A_880 = vector.shape_cast %get3A_879 : vector<1x16xi32> to vector<16xi32>
          %swap3A_881 = arith.constant 0 : index
          %swap3A_882 = tpu.vector_load %arg8[%swap3A_881] {strides = array<i32>} : memref<384xi32, #tpu.memory_space<vmem>>, vector<16xi32>,
          %swap3A_883 = vector.shape_cast %swap3A_882 : vector<16xi32> to vector<16xi32>
          %swap3A_884 = vector.shape_cast %get3A_880 : vector<16xi32> to vector<16xi32>
          tpu.vector_store %arg8[%swap3A_881], %swap3A_884 {strides = array<i32>} : memref<384xi32, #tpu.memory_space<vmem>>, vector<16xi32>,
          %get3A_885 = arith.index_cast %add3A_876 : i32 to index
          %get3A_886 = arith.constant 16 : index
          %get3A_887 = tpu.vector_load %arg6[%get3A_885, %get3A_886] {strides = array<i32>} : memref<64x32xi32, #tpu.memory_space<vmem>>, vector<1x16xi32>,
          %get3A_888 = vector.shape_cast %get3A_887 : vector<1x16xi32> to vector<16xi32>
          %swap3A_889 = arith.constant 16 : index
          %swap3A_890 = tpu.vector_load %arg8[%swap3A_889] {strides = array<i32>} : memref<384xi32, #tpu.memory_space<vmem>>, vector<16xi32>,
          %swap3A_891 = vector.shape_cast %swap3A_890 : vector<16xi32> to vector<16xi32>
          %swap3A_892 = vector.shape_cast %get3A_888 : vector<16xi32> to vector<16xi32>
          tpu.vector_store %arg8[%swap3A_889], %swap3A_892 {strides = array<i32>} : memref<384xi32, #tpu.memory_space<vmem>>, vector<16xi32>,
          %jit3A_893 = arith.constant 8 : i32
          %eq3A_894 = arith.constant 0 : i32
          %eq3A_895 = arith.cmpi eq, %jit3A_893, %eq3A_894 : i32
          %jit3A_896 = arith.constant 1 : i32
          %select_n3A_897 = arith.select %eq3A_895, %jit3A_896, %jit3A_893 : i32
          %rem3A_898 = arith.remsi %sub3A_554, %select_n3A_897 : i32
          %ne3A_899 = arith.constant 0 : i32
          %ne3A_900 = arith.cmpi ne, %rem3A_898, %ne3A_899 : i32
          %lt3A_901 = arith.constant 0 : i32
          %lt3A_902 = arith.cmpi slt, %rem3A_898, %lt3A_901 : i32
          %lt3A_903 = arith.constant 0 : i32
          %lt3A_904 = arith.cmpi slt, %select_n3A_897, %lt3A_903 : i32
          %ne3A_905 = arith.xori %lt3A_902, %lt3A_904 : i1
          %and3A_906 = arith.andi %ne3A_905, %ne3A_900 : i1
          %add3A_907 = arith.addi %rem3A_898, %select_n3A_897 : i32
          %select_n3A_908 = arith.select %and3A_906, %add3A_907, %rem3A_898 : i32
          %mul3A_909 = arith.constant 4 : i32
          %mul3A_910 = arith.muli %select_n3A_908, %mul3A_909 : i32
          %add3A_911 = arith.constant 32 : i32
          %add3A_912 = arith.addi %add3A_911, %mul3A_910 : i32
          %add3A_913 = arith.constant 1 : i32
          %add3A_914 = arith.addi %add3A_912, %add3A_913 : i32
          %get3A_915 = arith.index_cast %add3A_914 : i32 to index
          %get3A_916 = arith.constant 0 : index
          %get3A_917 = tpu.vector_load %arg6[%get3A_915, %get3A_916] {strides = array<i32>} : memref<64x32xi32, #tpu.memory_space<vmem>>, vector<1x16xi32>,
          %get3A_918 = vector.shape_cast %get3A_917 : vector<1x16xi32> to vector<16xi32>
          %swap3A_919 = arith.constant 32 : index
          %swap3A_920 = tpu.vector_load %arg8[%swap3A_919] {strides = array<i32>} : memref<384xi32, #tpu.memory_space<vmem>>, vector<16xi32>,
          %swap3A_921 = vector.shape_cast %swap3A_920 : vector<16xi32> to vector<16xi32>
          %swap3A_922 = vector.shape_cast %get3A_918 : vector<16xi32> to vector<16xi32>
          tpu.vector_store %arg8[%swap3A_919], %swap3A_922 {strides = array<i32>} : memref<384xi32, #tpu.memory_space<vmem>>, vector<16xi32>,
          %get3A_923 = arith.index_cast %add3A_914 : i32 to index
          %get3A_924 = arith.constant 16 : index
          %get3A_925 = tpu.vector_load %arg6[%get3A_923, %get3A_924] {strides = array<i32>} : memref<64x32xi32, #tpu.memory_space<vmem>>, vector<1x16xi32>,
          %get3A_926 = vector.shape_cast %get3A_925 : vector<1x16xi32> to vector<16xi32>
          %swap3A_927 = arith.constant 48 : index
          %swap3A_928 = tpu.vector_load %arg8[%swap3A_927] {strides = array<i32>} : memref<384xi32, #tpu.memory_space<vmem>>, vector<16xi32>,
          %swap3A_929 = vector.shape_cast %swap3A_928 : vector<16xi32> to vector<16xi32>
          %swap3A_930 = vector.shape_cast %get3A_926 : vector<16xi32> to vector<16xi32>
          tpu.vector_store %arg8[%swap3A_927], %swap3A_930 {strides = array<i32>} : memref<384xi32, #tpu.memory_space<vmem>>, vector<16xi32>,
          %jit3A_931 = arith.constant 8 : i32
          %eq3A_932 = arith.constant 0 : i32
          %eq3A_933 = arith.cmpi eq, %jit3A_931, %eq3A_932 : i32
          %jit3A_934 = arith.constant 1 : i32
          %select_n3A_935 = arith.select %eq3A_933, %jit3A_934, %jit3A_931 : i32
          %rem3A_936 = arith.remsi %sub3A_554, %select_n3A_935 : i32
          %ne3A_937 = arith.constant 0 : i32
          %ne3A_938 = arith.cmpi ne, %rem3A_936, %ne3A_937 : i32
          %lt3A_939 = arith.constant 0 : i32
          %lt3A_940 = arith.cmpi slt, %rem3A_936, %lt3A_939 : i32
          %lt3A_941 = arith.constant 0 : i32
          %lt3A_942 = arith.cmpi slt, %select_n3A_935, %lt3A_941 : i32
          %ne3A_943 = arith.xori %lt3A_940, %lt3A_942 : i1
          %and3A_944 = arith.andi %ne3A_943, %ne3A_938 : i1
          %add3A_945 = arith.addi %rem3A_936, %select_n3A_935 : i32
          %select_n3A_946 = arith.select %and3A_944, %add3A_945, %rem3A_936 : i32
          %mul3A_947 = arith.constant 4 : i32
          %mul3A_948 = arith.muli %select_n3A_946, %mul3A_947 : i32
          %add3A_949 = arith.constant 32 : i32
          %add3A_950 = arith.addi %add3A_949, %mul3A_948 : i32
          %add3A_951 = arith.constant 2 : i32
          %add3A_952 = arith.addi %add3A_950, %add3A_951 : i32
          %get3A_953 = arith.index_cast %add3A_952 : i32 to index
          %get3A_954 = arith.constant 0 : index
          %get3A_955 = tpu.vector_load %arg6[%get3A_953, %get3A_954] {strides = array<i32>} : memref<64x32xi32, #tpu.memory_space<vmem>>, vector<1x16xi32>,
          %get3A_956 = vector.shape_cast %get3A_955 : vector<1x16xi32> to vector<16xi32>
          %swap3A_957 = arith.constant 64 : index
          %swap3A_958 = tpu.vector_load %arg8[%swap3A_957] {strides = array<i32>} : memref<384xi32, #tpu.memory_space<vmem>>, vector<16xi32>,
          %swap3A_959 = vector.shape_cast %swap3A_958 : vector<16xi32> to vector<16xi32>
          %swap3A_960 = vector.shape_cast %get3A_956 : vector<16xi32> to vector<16xi32>
          tpu.vector_store %arg8[%swap3A_957], %swap3A_960 {strides = array<i32>} : memref<384xi32, #tpu.memory_space<vmem>>, vector<16xi32>,
          %get3A_961 = arith.index_cast %add3A_952 : i32 to index
          %get3A_962 = arith.constant 16 : index
          %get3A_963 = tpu.vector_load %arg6[%get3A_961, %get3A_962] {strides = array<i32>} : memref<64x32xi32, #tpu.memory_space<vmem>>, vector<1x16xi32>,
          %get3A_964 = vector.shape_cast %get3A_963 : vector<1x16xi32> to vector<16xi32>
          %swap3A_965 = arith.constant 80 : index
          %swap3A_966 = tpu.vector_load %arg8[%swap3A_965] {strides = array<i32>} : memref<384xi32, #tpu.memory_space<vmem>>, vector<16xi32>,
          %swap3A_967 = vector.shape_cast %swap3A_966 : vector<16xi32> to vector<16xi32>
          %swap3A_968 = vector.shape_cast %get3A_964 : vector<16xi32> to vector<16xi32>
          tpu.vector_store %arg8[%swap3A_965], %swap3A_968 {strides = array<i32>} : memref<384xi32, #tpu.memory_space<vmem>>, vector<16xi32>,
          %jit3A_969 = arith.constant 8 : i32
          %eq3A_970 = arith.constant 0 : i32
          %eq3A_971 = arith.cmpi eq, %jit3A_969, %eq3A_970 : i32
          %jit3A_972 = arith.constant 1 : i32
          %select_n3A_973 = arith.select %eq3A_971, %jit3A_972, %jit3A_969 : i32
          %rem3A_974 = arith.remsi %sub3A_554, %select_n3A_973 : i32
          %ne3A_975 = arith.constant 0 : i32
          %ne3A_976 = arith.cmpi ne, %rem3A_974, %ne3A_975 : i32
          %lt3A_977 = arith.constant 0 : i32
          %lt3A_978 = arith.cmpi slt, %rem3A_974, %lt3A_977 : i32
          %lt3A_979 = arith.constant 0 : i32
          %lt3A_980 = arith.cmpi slt, %select_n3A_973, %lt3A_979 : i32
          %ne3A_981 = arith.xori %lt3A_978, %lt3A_980 : i1
          %and3A_982 = arith.andi %ne3A_981, %ne3A_976 : i1
          %add3A_983 = arith.addi %rem3A_974, %select_n3A_973 : i32
          %select_n3A_984 = arith.select %and3A_982, %add3A_983, %rem3A_974 : i32
          %mul3A_985 = arith.constant 4 : i32
          %mul3A_986 = arith.muli %select_n3A_984, %mul3A_985 : i32
          %add3A_987 = arith.constant 32 : i32
          %add3A_988 = arith.addi %add3A_987, %mul3A_986 : i32
          %add3A_989 = arith.constant 3 : i32
          %add3A_990 = arith.addi %add3A_988, %add3A_989 : i32
          %get3A_991 = arith.index_cast %add3A_990 : i32 to index
          %get3A_992 = arith.constant 0 : index
          %get3A_993 = tpu.vector_load %arg6[%get3A_991, %get3A_992] {strides = array<i32>} : memref<64x32xi32, #tpu.memory_space<vmem>>, vector<1x16xi32>,
          %get3A_994 = vector.shape_cast %get3A_993 : vector<1x16xi32> to vector<16xi32>
          %swap3A_995 = arith.constant 96 : index
          %swap3A_996 = tpu.vector_load %arg8[%swap3A_995] {strides = array<i32>} : memref<384xi32, #tpu.memory_space<vmem>>, vector<16xi32>,
          %swap3A_997 = vector.shape_cast %swap3A_996 : vector<16xi32> to vector<16xi32>
          %swap3A_998 = vector.shape_cast %get3A_994 : vector<16xi32> to vector<16xi32>
          tpu.vector_store %arg8[%swap3A_995], %swap3A_998 {strides = array<i32>} : memref<384xi32, #tpu.memory_space<vmem>>, vector<16xi32>,
          %get3A_999 = arith.index_cast %add3A_990 : i32 to index
          %get3A_1000 = arith.constant 16 : index
          %get3A_1001 = tpu.vector_load %arg6[%get3A_999, %get3A_1000] {strides = array<i32>} : memref<64x32xi32, #tpu.memory_space<vmem>>, vector<1x16xi32>,
          %get3A_1002 = vector.shape_cast %get3A_1001 : vector<1x16xi32> to vector<16xi32>
          %swap3A_1003 = arith.constant 112 : index
          %swap3A_1004 = tpu.vector_load %arg8[%swap3A_1003] {strides = array<i32>} : memref<384xi32, #tpu.memory_space<vmem>>, vector<16xi32>,
          %swap3A_1005 = vector.shape_cast %swap3A_1004 : vector<16xi32> to vector<16xi32>
          %swap3A_1006 = vector.shape_cast %get3A_1002 : vector<16xi32> to vector<16xi32>
          tpu.vector_store %arg8[%swap3A_1003], %swap3A_1006 {strides = array<i32>} : memref<384xi32, #tpu.memory_space<vmem>>, vector<16xi32>,
          %dma_start3A_1007 = arith.constant 0 : i32
          %dma_start3A_1008 = arith.constant 0 : i32
          %dma_start3A_1009 = tpu.memref_slice %arg9[%dma_start3A_1007, %dma_start3A_1008] : memref<384x256xf32, #tpu.memory_space<vmem>> -> memref<128x256xf32, #tpu.memory_space<vmem>>
          %dma_start3A_1010 = arith.constant 0 : i32
          %dma_start3A_1011 = tpu.memref_slice %arg8[%dma_start3A_1010] : memref<384xi32, #tpu.memory_space<vmem>> -> memref<128xi32, #tpu.memory_space<vmem>>
          %dma_start3A_1012 = arith.constant 0 : i32
          %dma_start3A_1013 = arith.constant 0 : i32
          %dma_start3A_1014 = tpu.memref_slice %arg4[%dma_start3A_1012, %dma_start3A_1013] : memref<100000x256xf32, #tpu.memory_space<hbm>> -> memref<100000x256xf32, #tpu.memory_space<hbm>>
          tpu.enqueue_indirect_dma source(%dma_start3A_1014 : memref<100000x256xf32, #tpu.memory_space<hbm>>) target(%dma_start3A_1009 : memref<128x256xf32, #tpu.memory_space<vmem>>) offsets(%dma_start3A_1011 : memref<128xi32, #tpu.memory_space<vmem>>) semaphore(%arg13 : memref<!tpu.dma_semaphore, #tpu.memory_space<semaphore_mem>>)
        } else {
        }
      } else {
      }
      %not3A_584 = arith.constant true
      %not3A_585 = arith.xori %lt3A_538, %not3A_584 : i1
      %convert_element_type3A_586 = arith.extui %not3A_585 : i1 to i32
      %cond3A_587 = arith.constant 0 : i32
      %cond3A_588 = arith.cmpi ne, %convert_element_type3A_586, %cond3A_587 : i32
      scf.if %cond3A_588 {
        %dma_wait3A_805 = arith.constant 4 : i32
        %dma_wait3A_806 = arith.constant 0 : i32
        %dma_wait3A_807 = tpu.memref_slice %arg10[%dma_wait3A_805, %dma_wait3A_806] : memref<12x256xf32, #tpu.memory_space<vmem>> -> memref<4x256xf32, #tpu.memory_space<vmem>>
        %dma_wait3A_808 = arith.constant 0 : i32
        %dma_wait3A_809 = arith.constant 0 : i32
        %dma_wait3A_810 = tpu.memref_slice %arg5[%dma_wait3A_808, %dma_wait3A_809] : memref<32768x256xf32, #tpu.memory_space<hbm>> -> memref<4x256xf32, #tpu.memory_space<hbm>>
        %dma_wait3A_811 = arith.constant 0 : i32
        %dma_wait3A_812 = arith.constant 0 : i32
        %dma_wait3A_813 = tpu.memref_slice %arg5[%dma_wait3A_811, %dma_wait3A_812] : memref<32768x256xf32, #tpu.memory_space<hbm>> -> memref<4x256xf32, #tpu.memory_space<hbm>>
        %dma_wait3A_814 = arith.constant 4 : i32
        %dma_wait3A_815 = arith.constant 0 : i32
        %dma_wait3A_816 = tpu.memref_slice %arg10[%dma_wait3A_814, %dma_wait3A_815] : memref<12x256xf32, #tpu.memory_space<vmem>> -> memref<4x256xf32, #tpu.memory_space<vmem>>
        tpu.wait_dma2 semaphore(%arg17 : memref<!tpu.dma_semaphore, #tpu.memory_space<semaphore_mem>>) src(%dma_wait3A_816 : memref<4x256xf32, #tpu.memory_space<vmem>>) dst(%dma_wait3A_813 : memref<4x256xf32, #tpu.memory_space<hbm>>)
      } else {
      }
      %jit3A_589 = arith.constant 8 : i32
      %div3A_590 = arith.divsi %add3A_536, %jit3A_589 : i32
      %sign3A_591 = arith.constant 0 : i32
      %sign3A_592 = arith.cmpi sgt, %add3A_536, %sign3A_591 : i32
      %sign3A_593 = arith.extui %sign3A_592 : i1 to i32
      %sign3A_594 = arith.constant 0 : i32
      %sign3A_595 = arith.cmpi slt, %add3A_536, %sign3A_594 : i32
      %sign3A_596 = arith.extui %sign3A_595 : i1 to i32
      %sign3A_597 = arith.subi %sign3A_593, %sign3A_596 : i32
      %sign3A_598 = arith.constant 0 : i32
      %sign3A_599 = arith.cmpi sgt, %jit3A_589, %sign3A_598 : i32
      %sign3A_600 = arith.extui %sign3A_599 : i1 to i32
      %sign3A_601 = arith.constant 0 : i32
      %sign3A_602 = arith.cmpi slt, %jit3A_589, %sign3A_601 : i32
      %sign3A_603 = arith.extui %sign3A_602 : i1 to i32
      %sign3A_604 = arith.subi %sign3A_600, %sign3A_603 : i32
      %ne3A_605 = arith.cmpi ne, %sign3A_597, %sign3A_604 : i32
      %rem3A_606 = arith.remsi %add3A_536, %jit3A_589 : i32
      %ne3A_607 = arith.constant 0 : i32
      %ne3A_608 = arith.cmpi ne, %rem3A_606, %ne3A_607 : i32
      %and3A_609 = arith.andi %ne3A_605, %ne3A_608 : i1
      %sub3A_610 = arith.constant 1 : i32
      %sub3A_611 = arith.subi %div3A_590, %sub3A_610 : i32
      %select_n3A_612 = arith.select %and3A_609, %sub3A_611, %div3A_590 : i32
      %jit3A_613 = arith.constant 2 : i32
      %eq3A_614 = arith.constant 0 : i32
      %eq3A_615 = arith.cmpi eq, %jit3A_613, %eq3A_614 : i32
      %jit3A_616 = arith.constant 1 : i32
      %select_n3A_617 = arith.select %eq3A_615, %jit3A_616, %jit3A_613 : i32
      %rem3A_618 = arith.remsi %select_n3A_612, %select_n3A_617 : i32
      %ne3A_619 = arith.constant 0 : i32
      %ne3A_620 = arith.cmpi ne, %rem3A_618, %ne3A_619 : i32
      %lt3A_621 = arith.constant 0 : i32
      %lt3A_622 = arith.cmpi slt, %rem3A_618, %lt3A_621 : i32
      %lt3A_623 = arith.constant 0 : i32
      %lt3A_624 = arith.cmpi slt, %select_n3A_617, %lt3A_623 : i32
      %ne3A_625 = arith.xori %lt3A_622, %lt3A_624 : i1
      %and3A_626 = arith.andi %ne3A_625, %ne3A_620 : i1
      %add3A_627 = arith.addi %rem3A_618, %select_n3A_617 : i32
      %select_n3A_628 = arith.select %and3A_626, %add3A_627, %rem3A_618 : i32
      %scan3A_629 = arith.constant 0 : i32
      %scan3A_630 = arith.constant 0 : i32
      %scan3A_631 = arith.constant 4 : i32
      %scan3A_632 = arith.addi %scan3A_630, %scan3A_631 : i32
      %scan3A_633 = arith.constant 1 : i32
      scf.for %scan3A_805 = %scan3A_630 to %scan3A_632 step %scan3A_633  : i32 {
        %mul3A_806 = arith.constant 32 : i32
        %mul3A_807 = arith.muli %select_n3A_628, %mul3A_806 : i32
        %jit3A_808 = arith.constant 8 : i32
        %eq3A_809 = arith.constant 0 : i32
        %eq3A_810 = arith.cmpi eq, %jit3A_808, %eq3A_809 : i32
        %jit3A_811 = arith.constant 1 : i32
        %select_n3A_812 = arith.select %eq3A_810, %jit3A_811, %jit3A_808 : i32
        %rem3A_813 = arith.remsi %add3A_536, %select_n3A_812 : i32
        %ne3A_814 = arith.constant 0 : i32
        %ne3A_815 = arith.cmpi ne, %rem3A_813, %ne3A_814 : i32
        %lt3A_816 = arith.constant 0 : i32
        %lt3A_817 = arith.cmpi slt, %rem3A_813, %lt3A_816 : i32
        %lt3A_818 = arith.constant 0 : i32
        %lt3A_819 = arith.cmpi slt, %select_n3A_812, %lt3A_818 : i32
        %ne3A_820 = arith.xori %lt3A_817, %lt3A_819 : i1
        %and3A_821 = arith.andi %ne3A_820, %ne3A_815 : i1
        %add3A_822 = arith.addi %rem3A_813, %select_n3A_812 : i32
        %select_n3A_823 = arith.select %and3A_821, %add3A_822, %rem3A_813 : i32
        %mul3A_824 = arith.constant 4 : i32
        %mul3A_825 = arith.muli %select_n3A_823, %mul3A_824 : i32
        %add3A_826 = arith.addi %mul3A_807, %mul3A_825 : i32
        %add3A_827 = arith.addi %add3A_826, %scan3A_805 : i32
        %get3A_828 = arith.index_cast %add3A_827 : i32 to index
        %get3A_829 = arith.constant 0 : index
        %get3A_830 = tpu.vector_load %arg7[%get3A_828, %get3A_829] {strides = array<i32>} : memref<64x32xf32, #tpu.memory_space<vmem>>, vector<1x16xf32>,
        %get3A_831 = vector.shape_cast %get3A_830 : vector<1x16xf32> to vector<16xf32>
        %get3A_832 = arith.index_cast %add3A_827 : i32 to index
        %get3A_833 = arith.constant 16 : index
        %get3A_834 = tpu.vector_load %arg7[%get3A_832, %get3A_833] {strides = array<i32>} : memref<64x32xf32, #tpu.memory_space<vmem>>, vector<1x16xf32>,
        %get3A_835 = vector.shape_cast %get3A_834 : vector<1x16xf32> to vector<16xf32>
        %mul3A_836 = arith.constant 32 : i32
        %mul3A_837 = arith.muli %scan3A_805, %mul3A_836 : i32
        %add3A_838 = arith.constant 128 : i32
        %add3A_839 = arith.addi %add3A_838, %mul3A_837 : i32
        %scan3A_840 = arith.constant 0 : i32
        %scan3A_841 = arith.constant 0 : i32
        %scan3A_842 = arith.constant 16 : i32
        %scan3A_843 = arith.addi %scan3A_841, %scan3A_842 : i32
        %scan3A_844 = arith.constant 1 : i32
        scf.for %scan3A_846 = %scan3A_841 to %scan3A_843 step %scan3A_844  : i32 {
          %mul3A_847 = arith.constant 16 : i32
          %mul3A_848 = arith.muli %scan3A_846, %mul3A_847 : i32
          %multiple_of3A = tpu.assume_multiple %mul3A_848, 16 : i32
          %broadcast_in_dim3A = arith.constant 0.000000e+00 : f32
          %broadcast_in_dim3A_849 = vector.broadcast %broadcast_in_dim3A : f32 to vector<16xf32>
          %broadcast_in_dim3A_850 = arith.constant 0.000000e+00 : f32
          %broadcast_in_dim3A_851 = vector.broadcast %broadcast_in_dim3A_850 : f32 to vector<16xf32>
          %broadcast_in_dim3A_852 = arith.constant 0.000000e+00 : f32
          %broadcast_in_dim3A_853 = vector.broadcast %broadcast_in_dim3A_852 : f32 to vector<16xf32>
          %broadcast_in_dim3A_854 = arith.constant 0.000000e+00 : f32
          %broadcast_in_dim3A_855 = vector.broadcast %broadcast_in_dim3A_854 : f32 to vector<16xf32>
          %slice3A = vector.extract_strided_slice %get3A_831 {offsets = [0], sizes = [1], strides = [1]} : vector<16xf32> to vector<1xf32>
          %squeeze3A = vector.extract %slice3A[0] : f32 from vector<1xf32>
          %add3A_856 = arith.constant 0 : i32
          %add3A_857 = arith.addi %add3A_839, %add3A_856 : i32
          %get3A_858 = arith.index_cast %add3A_857 : i32 to index
          %get3A_859 = arith.index_cast %multiple_of3A : i32 to index
          %get3A_860 = tpu.vector_load %arg9[%get3A_858, %get3A_859] {strides = array<i32>} : memref<384x256xf32, #tpu.memory_space<vmem>>, vector<1x16xf32>,
          %get3A_861 = vector.shape_cast %get3A_860 : vector<1x16xf32> to vector<16xf32>
          %mul3A_862 = vector.broadcast %squeeze3A : f32 to vector<16xf32>
          %mul3A_863 = arith.mulf %get3A_861, %mul3A_862 : vector<16xf32>
          %add3A_864 = arith.addf %broadcast_in_dim3A_849, %mul3A_863 : vector<16xf32>
          %slice3A_865 = vector.extract_strided_slice %get3A_831 {offsets = [1], sizes = [1], strides = [1]} : vector<16xf32> to vector<1xf32>
          %squeeze3A_866 = vector.extract %slice3A_865[0] : f32 from vector<1xf32>
          %add3A_867 = arith.constant 1 : i32
          %add3A_868 = arith.addi %add3A_839, %add3A_867 : i32
          %get3A_869 = arith.index_cast %add3A_868 : i32 to index
          %get3A_870 = arith.index_cast %multiple_of3A : i32 to index
          %get3A_871 = tpu.vector_load %arg9[%get3A_869, %get3A_870] {strides = array<i32>} : memref<384x256xf32, #tpu.memory_space<vmem>>, vector<1x16xf32>,
          %get3A_872 = vector.shape_cast %get3A_871 : vector<1x16xf32> to vector<16xf32>
          %mul3A_873 = vector.broadcast %squeeze3A_866 : f32 to vector<16xf32>
          %mul3A_874 = arith.mulf %get3A_872, %mul3A_873 : vector<16xf32>
          %add3A_875 = arith.addf %broadcast_in_dim3A_851, %mul3A_874 : vector<16xf32>
          %slice3A_876 = vector.extract_strided_slice %get3A_831 {offsets = [2], sizes = [1], strides = [1]} : vector<16xf32> to vector<1xf32>
          %squeeze3A_877 = vector.extract %slice3A_876[0] : f32 from vector<1xf32>
          %add3A_878 = arith.constant 2 : i32
          %add3A_879 = arith.addi %add3A_839, %add3A_878 : i32
          %get3A_880 = arith.index_cast %add3A_879 : i32 to index
          %get3A_881 = arith.index_cast %multiple_of3A : i32 to index
          %get3A_882 = tpu.vector_load %arg9[%get3A_880, %get3A_881] {strides = array<i32>} : memref<384x256xf32, #tpu.memory_space<vmem>>, vector<1x16xf32>,
          %get3A_883 = vector.shape_cast %get3A_882 : vector<1x16xf32> to vector<16xf32>
          %mul3A_884 = vector.broadcast %squeeze3A_877 : f32 to vector<16xf32>
          %mul3A_885 = arith.mulf %get3A_883, %mul3A_884 : vector<16xf32>
          %add3A_886 = arith.addf %broadcast_in_dim3A_853, %mul3A_885 : vector<16xf32>
          %slice3A_887 = vector.extract_strided_slice %get3A_831 {offsets = [3], sizes = [1], strides = [1]} : vector<16xf32> to vector<1xf32>
          %squeeze3A_888 = vector.extract %slice3A_887[0] : f32 from vector<1xf32>
          %add3A_889 = arith.constant 3 : i32
          %add3A_890 = arith.addi %add3A_839, %add3A_889 : i32
          %get3A_891 = arith.index_cast %add3A_890 : i32 to index
          %get3A_892 = arith.index_cast %multiple_of3A : i32 to index
          %get3A_893 = tpu.vector_load %arg9[%get3A_891, %get3A_892] {strides = array<i32>} : memref<384x256xf32, #tpu.memory_space<vmem>>, vector<1x16xf32>,
          %get3A_894 = vector.shape_cast %get3A_893 : vector<1x16xf32> to vector<16xf32>
          %mul3A_895 = vector.broadcast %squeeze3A_888 : f32 to vector<16xf32>
          %mul3A_896 = arith.mulf %get3A_894, %mul3A_895 : vector<16xf32>
          %add3A_897 = arith.addf %broadcast_in_dim3A_855, %mul3A_896 : vector<16xf32>
          %slice3A_898 = vector.extract_strided_slice %get3A_831 {offsets = [4], sizes = [1], strides = [1]} : vector<16xf32> to vector<1xf32>
          %squeeze3A_899 = vector.extract %slice3A_898[0] : f32 from vector<1xf32>
          %add3A_900 = arith.constant 4 : i32
          %add3A_901 = arith.addi %add3A_839, %add3A_900 : i32
          %get3A_902 = arith.index_cast %add3A_901 : i32 to index
          %get3A_903 = arith.index_cast %multiple_of3A : i32 to index
          %get3A_904 = tpu.vector_load %arg9[%get3A_902, %get3A_903] {strides = array<i32>} : memref<384x256xf32, #tpu.memory_space<vmem>>, vector<1x16xf32>,
          %get3A_905 = vector.shape_cast %get3A_904 : vector<1x16xf32> to vector<16xf32>
          %mul3A_906 = vector.broadcast %squeeze3A_899 : f32 to vector<16xf32>
          %mul3A_907 = arith.mulf %get3A_905, %mul3A_906 : vector<16xf32>
          %add3A_908 = arith.addf %add3A_864, %mul3A_907 : vector<16xf32>
          %slice3A_909 = vector.extract_strided_slice %get3A_831 {offsets = [5], sizes = [1], strides = [1]} : vector<16xf32> to vector<1xf32>
          %squeeze3A_910 = vector.extract %slice3A_909[0] : f32 from vector<1xf32>
          %add3A_911 = arith.constant 5 : i32
          %add3A_912 = arith.addi %add3A_839, %add3A_911 : i32
          %get3A_913 = arith.index_cast %add3A_912 : i32 to index
          %get3A_914 = arith.index_cast %multiple_of3A : i32 to index
          %get3A_915 = tpu.vector_load %arg9[%get3A_913, %get3A_914] {strides = array<i32>} : memref<384x256xf32, #tpu.memory_space<vmem>>, vector<1x16xf32>,
          %get3A_916 = vector.shape_cast %get3A_915 : vector<1x16xf32> to vector<16xf32>
          %mul3A_917 = vector.broadcast %squeeze3A_910 : f32 to vector<16xf32>
          %mul3A_918 = arith.mulf %get3A_916, %mul3A_917 : vector<16xf32>
          %add3A_919 = arith.addf %add3A_875, %mul3A_918 : vector<16xf32>
          %slice3A_920 = vector.extract_strided_slice %get3A_831 {offsets = [6], sizes = [1], strides = [1]} : vector<16xf32> to vector<1xf32>
          %squeeze3A_921 = vector.extract %slice3A_920[0] : f32 from vector<1xf32>
          %add3A_922 = arith.constant 6 : i32
          %add3A_923 = arith.addi %add3A_839, %add3A_922 : i32
          %get3A_924 = arith.index_cast %add3A_923 : i32 to index
          %get3A_925 = arith.index_cast %multiple_of3A : i32 to index
          %get3A_926 = tpu.vector_load %arg9[%get3A_924, %get3A_925] {strides = array<i32>} : memref<384x256xf32, #tpu.memory_space<vmem>>, vector<1x16xf32>,
          %get3A_927 = vector.shape_cast %get3A_926 : vector<1x16xf32> to vector<16xf32>
          %mul3A_928 = vector.broadcast %squeeze3A_921 : f32 to vector<16xf32>
          %mul3A_929 = arith.mulf %get3A_927, %mul3A_928 : vector<16xf32>
          %add3A_930 = arith.addf %add3A_886, %mul3A_929 : vector<16xf32>
          %slice3A_931 = vector.extract_strided_slice %get3A_831 {offsets = [7], sizes = [1], strides = [1]} : vector<16xf32> to vector<1xf32>
          %squeeze3A_932 = vector.extract %slice3A_931[0] : f32 from vector<1xf32>
          %add3A_933 = arith.constant 7 : i32
          %add3A_934 = arith.addi %add3A_839, %add3A_933 : i32
          %get3A_935 = arith.index_cast %add3A_934 : i32 to index
          %get3A_936 = arith.index_cast %multiple_of3A : i32 to index
          %get3A_937 = tpu.vector_load %arg9[%get3A_935, %get3A_936] {strides = array<i32>} : memref<384x256xf32, #tpu.memory_space<vmem>>, vector<1x16xf32>,
          %get3A_938 = vector.shape_cast %get3A_937 : vector<1x16xf32> to vector<16xf32>
          %mul3A_939 = vector.broadcast %squeeze3A_932 : f32 to vector<16xf32>
          %mul3A_940 = arith.mulf %get3A_938, %mul3A_939 : vector<16xf32>
          %add3A_941 = arith.addf %add3A_897, %mul3A_940 : vector<16xf32>
          %slice3A_942 = vector.extract_strided_slice %get3A_831 {offsets = [8], sizes = [1], strides = [1]} : vector<16xf32> to vector<1xf32>
          %squeeze3A_943 = vector.extract %slice3A_942[0] : f32 from vector<1xf32>
          %add3A_944 = arith.constant 8 : i32
          %add3A_945 = arith.addi %add3A_839, %add3A_944 : i32
          %get3A_946 = arith.index_cast %add3A_945 : i32 to index
          %get3A_947 = arith.index_cast %multiple_of3A : i32 to index
          %get3A_948 = tpu.vector_load %arg9[%get3A_946, %get3A_947] {strides = array<i32>} : memref<384x256xf32, #tpu.memory_space<vmem>>, vector<1x16xf32>,
          %get3A_949 = vector.shape_cast %get3A_948 : vector<1x16xf32> to vector<16xf32>
          %mul3A_950 = vector.broadcast %squeeze3A_943 : f32 to vector<16xf32>
          %mul3A_951 = arith.mulf %get3A_949, %mul3A_950 : vector<16xf32>
          %add3A_952 = arith.addf %add3A_908, %mul3A_951 : vector<16xf32>
          %slice3A_953 = vector.extract_strided_slice %get3A_831 {offsets = [9], sizes = [1], strides = [1]} : vector<16xf32> to vector<1xf32>
          %squeeze3A_954 = vector.extract %slice3A_953[0] : f32 from vector<1xf32>
          %add3A_955 = arith.constant 9 : i32
          %add3A_956 = arith.addi %add3A_839, %add3A_955 : i32
          %get3A_957 = arith.index_cast %add3A_956 : i32 to index
          %get3A_958 = arith.index_cast %multiple_of3A : i32 to index
          %get3A_959 = tpu.vector_load %arg9[%get3A_957, %get3A_958] {strides = array<i32>} : memref<384x256xf32, #tpu.memory_space<vmem>>, vector<1x16xf32>,
          %get3A_960 = vector.shape_cast %get3A_959 : vector<1x16xf32> to vector<16xf32>
          %mul3A_961 = vector.broadcast %squeeze3A_954 : f32 to vector<16xf32>
          %mul3A_962 = arith.mulf %get3A_960, %mul3A_961 : vector<16xf32>
          %add3A_963 = arith.addf %add3A_919, %mul3A_962 : vector<16xf32>
          %slice3A_964 = vector.extract_strided_slice %get3A_831 {offsets = [10], sizes = [1], strides = [1]} : vector<16xf32> to vector<1xf32>
          %squeeze3A_965 = vector.extract %slice3A_964[0] : f32 from vector<1xf32>
          %add3A_966 = arith.constant 10 : i32
          %add3A_967 = arith.addi %add3A_839, %add3A_966 : i32
          %get3A_968 = arith.index_cast %add3A_967 : i32 to index
          %get3A_969 = arith.index_cast %multiple_of3A : i32 to index
          %get3A_970 = tpu.vector_load %arg9[%get3A_968, %get3A_969] {strides = array<i32>} : memref<384x256xf32, #tpu.memory_space<vmem>>, vector<1x16xf32>,
          %get3A_971 = vector.shape_cast %get3A_970 : vector<1x16xf32> to vector<16xf32>
          %mul3A_972 = vector.broadcast %squeeze3A_965 : f32 to vector<16xf32>
          %mul3A_973 = arith.mulf %get3A_971, %mul3A_972 : vector<16xf32>
          %add3A_974 = arith.addf %add3A_930, %mul3A_973 : vector<16xf32>
          %slice3A_975 = vector.extract_strided_slice %get3A_831 {offsets = [11], sizes = [1], strides = [1]} : vector<16xf32> to vector<1xf32>
          %squeeze3A_976 = vector.extract %slice3A_975[0] : f32 from vector<1xf32>
          %add3A_977 = arith.constant 11 : i32
          %add3A_978 = arith.addi %add3A_839, %add3A_977 : i32
          %get3A_979 = arith.index_cast %add3A_978 : i32 to index
          %get3A_980 = arith.index_cast %multiple_of3A : i32 to index
          %get3A_981 = tpu.vector_load %arg9[%get3A_979, %get3A_980] {strides = array<i32>} : memref<384x256xf32, #tpu.memory_space<vmem>>, vector<1x16xf32>,
          %get3A_982 = vector.shape_cast %get3A_981 : vector<1x16xf32> to vector<16xf32>
          %mul3A_983 = vector.broadcast %squeeze3A_976 : f32 to vector<16xf32>
          %mul3A_984 = arith.mulf %get3A_982, %mul3A_983 : vector<16xf32>
          %add3A_985 = arith.addf %add3A_941, %mul3A_984 : vector<16xf32>
          %slice3A_986 = vector.extract_strided_slice %get3A_831 {offsets = [12], sizes = [1], strides = [1]} : vector<16xf32> to vector<1xf32>
          %squeeze3A_987 = vector.extract %slice3A_986[0] : f32 from vector<1xf32>
          %add3A_988 = arith.constant 12 : i32
          %add3A_989 = arith.addi %add3A_839, %add3A_988 : i32
          %get3A_990 = arith.index_cast %add3A_989 : i32 to index
          %get3A_991 = arith.index_cast %multiple_of3A : i32 to index
          %get3A_992 = tpu.vector_load %arg9[%get3A_990, %get3A_991] {strides = array<i32>} : memref<384x256xf32, #tpu.memory_space<vmem>>, vector<1x16xf32>,
          %get3A_993 = vector.shape_cast %get3A_992 : vector<1x16xf32> to vector<16xf32>
          %mul3A_994 = vector.broadcast %squeeze3A_987 : f32 to vector<16xf32>
          %mul3A_995 = arith.mulf %get3A_993, %mul3A_994 : vector<16xf32>
          %add3A_996 = arith.addf %add3A_952, %mul3A_995 : vector<16xf32>
          %slice3A_997 = vector.extract_strided_slice %get3A_831 {offsets = [13], sizes = [1], strides = [1]} : vector<16xf32> to vector<1xf32>
          %squeeze3A_998 = vector.extract %slice3A_997[0] : f32 from vector<1xf32>
          %add3A_999 = arith.constant 13 : i32
          %add3A_1000 = arith.addi %add3A_839, %add3A_999 : i32
          %get3A_1001 = arith.index_cast %add3A_1000 : i32 to index
          %get3A_1002 = arith.index_cast %multiple_of3A : i32 to index
          %get3A_1003 = tpu.vector_load %arg9[%get3A_1001, %get3A_1002] {strides = array<i32>} : memref<384x256xf32, #tpu.memory_space<vmem>>, vector<1x16xf32>,
          %get3A_1004 = vector.shape_cast %get3A_1003 : vector<1x16xf32> to vector<16xf32>
          %mul3A_1005 = vector.broadcast %squeeze3A_998 : f32 to vector<16xf32>
          %mul3A_1006 = arith.mulf %get3A_1004, %mul3A_1005 : vector<16xf32>
          %add3A_1007 = arith.addf %add3A_963, %mul3A_1006 : vector<16xf32>
          %slice3A_1008 = vector.extract_strided_slice %get3A_831 {offsets = [14], sizes = [1], strides = [1]} : vector<16xf32> to vector<1xf32>
          %squeeze3A_1009 = vector.extract %slice3A_1008[0] : f32 from vector<1xf32>
          %add3A_1010 = arith.constant 14 : i32
          %add3A_1011 = arith.addi %add3A_839, %add3A_1010 : i32
          %get3A_1012 = arith.index_cast %add3A_1011 : i32 to index
          %get3A_1013 = arith.index_cast %multiple_of3A : i32 to index
          %get3A_1014 = tpu.vector_load %arg9[%get3A_1012, %get3A_1013] {strides = array<i32>} : memref<384x256xf32, #tpu.memory_space<vmem>>, vector<1x16xf32>,
          %get3A_1015 = vector.shape_cast %get3A_1014 : vector<1x16xf32> to vector<16xf32>
          %mul3A_1016 = vector.broadcast %squeeze3A_1009 : f32 to vector<16xf32>
          %mul3A_1017 = arith.mulf %get3A_1015, %mul3A_1016 : vector<16xf32>
          %add3A_1018 = arith.addf %add3A_974, %mul3A_1017 : vector<16xf32>
          %slice3A_1019 = vector.extract_strided_slice %get3A_831 {offsets = [15], sizes = [1], strides = [1]} : vector<16xf32> to vector<1xf32>
          %squeeze3A_1020 = vector.extract %slice3A_1019[0] : f32 from vector<1xf32>
          %add3A_1021 = arith.constant 15 : i32
          %add3A_1022 = arith.addi %add3A_839, %add3A_1021 : i32
          %get3A_1023 = arith.index_cast %add3A_1022 : i32 to index
          %get3A_1024 = arith.index_cast %multiple_of3A : i32 to index
          %get3A_1025 = tpu.vector_load %arg9[%get3A_1023, %get3A_1024] {strides = array<i32>} : memref<384x256xf32, #tpu.memory_space<vmem>>, vector<1x16xf32>,
          %get3A_1026 = vector.shape_cast %get3A_1025 : vector<1x16xf32> to vector<16xf32>
          %mul3A_1027 = vector.broadcast %squeeze3A_1020 : f32 to vector<16xf32>
          %mul3A_1028 = arith.mulf %get3A_1026, %mul3A_1027 : vector<16xf32>
          %add3A_1029 = arith.addf %add3A_985, %mul3A_1028 : vector<16xf32>
          %slice3A_1030 = vector.extract_strided_slice %get3A_835 {offsets = [0], sizes = [1], strides = [1]} : vector<16xf32> to vector<1xf32>
          %squeeze3A_1031 = vector.extract %slice3A_1030[0] : f32 from vector<1xf32>
          %add3A_1032 = arith.constant 16 : i32
          %add3A_1033 = arith.addi %add3A_839, %add3A_1032 : i32
          %get3A_1034 = arith.index_cast %add3A_1033 : i32 to index
          %get3A_1035 = arith.index_cast %multiple_of3A : i32 to index
          %get3A_1036 = tpu.vector_load %arg9[%get3A_1034, %get3A_1035] {strides = array<i32>} : memref<384x256xf32, #tpu.memory_space<vmem>>, vector<1x16xf32>,
          %get3A_1037 = vector.shape_cast %get3A_1036 : vector<1x16xf32> to vector<16xf32>
          %mul3A_1038 = vector.broadcast %squeeze3A_1031 : f32 to vector<16xf32>
          %mul3A_1039 = arith.mulf %get3A_1037, %mul3A_1038 : vector<16xf32>
          %add3A_1040 = arith.addf %add3A_996, %mul3A_1039 : vector<16xf32>
          %slice3A_1041 = vector.extract_strided_slice %get3A_835 {offsets = [1], sizes = [1], strides = [1]} : vector<16xf32> to vector<1xf32>
          %squeeze3A_1042 = vector.extract %slice3A_1041[0] : f32 from vector<1xf32>
          %add3A_1043 = arith.constant 17 : i32
          %add3A_1044 = arith.addi %add3A_839, %add3A_1043 : i32
          %get3A_1045 = arith.index_cast %add3A_1044 : i32 to index
          %get3A_1046 = arith.index_cast %multiple_of3A : i32 to index
          %get3A_1047 = tpu.vector_load %arg9[%get3A_1045, %get3A_1046] {strides = array<i32>} : memref<384x256xf32, #tpu.memory_space<vmem>>, vector<1x16xf32>,
          %get3A_1048 = vector.shape_cast %get3A_1047 : vector<1x16xf32> to vector<16xf32>
          %mul3A_1049 = vector.broadcast %squeeze3A_1042 : f32 to vector<16xf32>
          %mul3A_1050 = arith.mulf %get3A_1048, %mul3A_1049 : vector<16xf32>
          %add3A_1051 = arith.addf %add3A_1007, %mul3A_1050 : vector<16xf32>
          %slice3A_1052 = vector.extract_strided_slice %get3A_835 {offsets = [2], sizes = [1], strides = [1]} : vector<16xf32> to vector<1xf32>
          %squeeze3A_1053 = vector.extract %slice3A_1052[0] : f32 from vector<1xf32>
          %add3A_1054 = arith.constant 18 : i32
          %add3A_1055 = arith.addi %add3A_839, %add3A_1054 : i32
          %get3A_1056 = arith.index_cast %add3A_1055 : i32 to index
          %get3A_1057 = arith.index_cast %multiple_of3A : i32 to index
          %get3A_1058 = tpu.vector_load %arg9[%get3A_1056, %get3A_1057] {strides = array<i32>} : memref<384x256xf32, #tpu.memory_space<vmem>>, vector<1x16xf32>,
          %get3A_1059 = vector.shape_cast %get3A_1058 : vector<1x16xf32> to vector<16xf32>
          %mul3A_1060 = vector.broadcast %squeeze3A_1053 : f32 to vector<16xf32>
          %mul3A_1061 = arith.mulf %get3A_1059, %mul3A_1060 : vector<16xf32>
          %add3A_1062 = arith.addf %add3A_1018, %mul3A_1061 : vector<16xf32>
          %slice3A_1063 = vector.extract_strided_slice %get3A_835 {offsets = [3], sizes = [1], strides = [1]} : vector<16xf32> to vector<1xf32>
          %squeeze3A_1064 = vector.extract %slice3A_1063[0] : f32 from vector<1xf32>
          %add3A_1065 = arith.constant 19 : i32
          %add3A_1066 = arith.addi %add3A_839, %add3A_1065 : i32
          %get3A_1067 = arith.index_cast %add3A_1066 : i32 to index
          %get3A_1068 = arith.index_cast %multiple_of3A : i32 to index
          %get3A_1069 = tpu.vector_load %arg9[%get3A_1067, %get3A_1068] {strides = array<i32>} : memref<384x256xf32, #tpu.memory_space<vmem>>, vector<1x16xf32>,
          %get3A_1070 = vector.shape_cast %get3A_1069 : vector<1x16xf32> to vector<16xf32>
          %mul3A_1071 = vector.broadcast %squeeze3A_1064 : f32 to vector<16xf32>
          %mul3A_1072 = arith.mulf %get3A_1070, %mul3A_1071 : vector<16xf32>
          %add3A_1073 = arith.addf %add3A_1029, %mul3A_1072 : vector<16xf32>
          %slice3A_1074 = vector.extract_strided_slice %get3A_835 {offsets = [4], sizes = [1], strides = [1]} : vector<16xf32> to vector<1xf32>
          %squeeze3A_1075 = vector.extract %slice3A_1074[0] : f32 from vector<1xf32>
          %add3A_1076 = arith.constant 20 : i32
          %add3A_1077 = arith.addi %add3A_839, %add3A_1076 : i32
          %get3A_1078 = arith.index_cast %add3A_1077 : i32 to index
          %get3A_1079 = arith.index_cast %multiple_of3A : i32 to index
          %get3A_1080 = tpu.vector_load %arg9[%get3A_1078, %get3A_1079] {strides = array<i32>} : memref<384x256xf32, #tpu.memory_space<vmem>>, vector<1x16xf32>,
          %get3A_1081 = vector.shape_cast %get3A_1080 : vector<1x16xf32> to vector<16xf32>
          %mul3A_1082 = vector.broadcast %squeeze3A_1075 : f32 to vector<16xf32>
          %mul3A_1083 = arith.mulf %get3A_1081, %mul3A_1082 : vector<16xf32>
          %add3A_1084 = arith.addf %add3A_1040, %mul3A_1083 : vector<16xf32>
          %slice3A_1085 = vector.extract_strided_slice %get3A_835 {offsets = [5], sizes = [1], strides = [1]} : vector<16xf32> to vector<1xf32>
          %squeeze3A_1086 = vector.extract %slice3A_1085[0] : f32 from vector<1xf32>
          %add3A_1087 = arith.constant 21 : i32
          %add3A_1088 = arith.addi %add3A_839, %add3A_1087 : i32
          %get3A_1089 = arith.index_cast %add3A_1088 : i32 to index
          %get3A_1090 = arith.index_cast %multiple_of3A : i32 to index
          %get3A_1091 = tpu.vector_load %arg9[%get3A_1089, %get3A_1090] {strides = array<i32>} : memref<384x256xf32, #tpu.memory_space<vmem>>, vector<1x16xf32>,
          %get3A_1092 = vector.shape_cast %get3A_1091 : vector<1x16xf32> to vector<16xf32>
          %mul3A_1093 = vector.broadcast %squeeze3A_1086 : f32 to vector<16xf32>
          %mul3A_1094 = arith.mulf %get3A_1092, %mul3A_1093 : vector<16xf32>
          %add3A_1095 = arith.addf %add3A_1051, %mul3A_1094 : vector<16xf32>
          %slice3A_1096 = vector.extract_strided_slice %get3A_835 {offsets = [6], sizes = [1], strides = [1]} : vector<16xf32> to vector<1xf32>
          %squeeze3A_1097 = vector.extract %slice3A_1096[0] : f32 from vector<1xf32>
          %add3A_1098 = arith.constant 22 : i32
          %add3A_1099 = arith.addi %add3A_839, %add3A_1098 : i32
          %get3A_1100 = arith.index_cast %add3A_1099 : i32 to index
          %get3A_1101 = arith.index_cast %multiple_of3A : i32 to index
          %get3A_1102 = tpu.vector_load %arg9[%get3A_1100, %get3A_1101] {strides = array<i32>} : memref<384x256xf32, #tpu.memory_space<vmem>>, vector<1x16xf32>,
          %get3A_1103 = vector.shape_cast %get3A_1102 : vector<1x16xf32> to vector<16xf32>
          %mul3A_1104 = vector.broadcast %squeeze3A_1097 : f32 to vector<16xf32>
          %mul3A_1105 = arith.mulf %get3A_1103, %mul3A_1104 : vector<16xf32>
          %add3A_1106 = arith.addf %add3A_1062, %mul3A_1105 : vector<16xf32>
          %slice3A_1107 = vector.extract_strided_slice %get3A_835 {offsets = [7], sizes = [1], strides = [1]} : vector<16xf32> to vector<1xf32>
          %squeeze3A_1108 = vector.extract %slice3A_1107[0] : f32 from vector<1xf32>
          %add3A_1109 = arith.constant 23 : i32
          %add3A_1110 = arith.addi %add3A_839, %add3A_1109 : i32
          %get3A_1111 = arith.index_cast %add3A_1110 : i32 to index
          %get3A_1112 = arith.index_cast %multiple_of3A : i32 to index
          %get3A_1113 = tpu.vector_load %arg9[%get3A_1111, %get3A_1112] {strides = array<i32>} : memref<384x256xf32, #tpu.memory_space<vmem>>, vector<1x16xf32>,
          %get3A_1114 = vector.shape_cast %get3A_1113 : vector<1x16xf32> to vector<16xf32>
          %mul3A_1115 = vector.broadcast %squeeze3A_1108 : f32 to vector<16xf32>
          %mul3A_1116 = arith.mulf %get3A_1114, %mul3A_1115 : vector<16xf32>
          %add3A_1117 = arith.addf %add3A_1073, %mul3A_1116 : vector<16xf32>
          %slice3A_1118 = vector.extract_strided_slice %get3A_835 {offsets = [8], sizes = [1], strides = [1]} : vector<16xf32> to vector<1xf32>
          %squeeze3A_1119 = vector.extract %slice3A_1118[0] : f32 from vector<1xf32>
          %add3A_1120 = arith.constant 24 : i32
          %add3A_1121 = arith.addi %add3A_839, %add3A_1120 : i32
          %get3A_1122 = arith.index_cast %add3A_1121 : i32 to index
          %get3A_1123 = arith.index_cast %multiple_of3A : i32 to index
          %get3A_1124 = tpu.vector_load %arg9[%get3A_1122, %get3A_1123] {strides = array<i32>} : memref<384x256xf32, #tpu.memory_space<vmem>>, vector<1x16xf32>,
          %get3A_1125 = vector.shape_cast %get3A_1124 : vector<1x16xf32> to vector<16xf32>
          %mul3A_1126 = vector.broadcast %squeeze3A_1119 : f32 to vector<16xf32>
          %mul3A_1127 = arith.mulf %get3A_1125, %mul3A_1126 : vector<16xf32>
          %add3A_1128 = arith.addf %add3A_1084, %mul3A_1127 : vector<16xf32>
          %slice3A_1129 = vector.extract_strided_slice %get3A_835 {offsets = [9], sizes = [1], strides = [1]} : vector<16xf32> to vector<1xf32>
          %squeeze3A_1130 = vector.extract %slice3A_1129[0] : f32 from vector<1xf32>
          %add3A_1131 = arith.constant 25 : i32
          %add3A_1132 = arith.addi %add3A_839, %add3A_1131 : i32
          %get3A_1133 = arith.index_cast %add3A_1132 : i32 to index
          %get3A_1134 = arith.index_cast %multiple_of3A : i32 to index
          %get3A_1135 = tpu.vector_load %arg9[%get3A_1133, %get3A_1134] {strides = array<i32>} : memref<384x256xf32, #tpu.memory_space<vmem>>, vector<1x16xf32>,
          %get3A_1136 = vector.shape_cast %get3A_1135 : vector<1x16xf32> to vector<16xf32>
          %mul3A_1137 = vector.broadcast %squeeze3A_1130 : f32 to vector<16xf32>
          %mul3A_1138 = arith.mulf %get3A_1136, %mul3A_1137 : vector<16xf32>
          %add3A_1139 = arith.addf %add3A_1095, %mul3A_1138 : vector<16xf32>
          %slice3A_1140 = vector.extract_strided_slice %get3A_835 {offsets = [10], sizes = [1], strides = [1]} : vector<16xf32> to vector<1xf32>
          %squeeze3A_1141 = vector.extract %slice3A_1140[0] : f32 from vector<1xf32>
          %add3A_1142 = arith.constant 26 : i32
          %add3A_1143 = arith.addi %add3A_839, %add3A_1142 : i32
          %get3A_1144 = arith.index_cast %add3A_1143 : i32 to index
          %get3A_1145 = arith.index_cast %multiple_of3A : i32 to index
          %get3A_1146 = tpu.vector_load %arg9[%get3A_1144, %get3A_1145] {strides = array<i32>} : memref<384x256xf32, #tpu.memory_space<vmem>>, vector<1x16xf32>,
          %get3A_1147 = vector.shape_cast %get3A_1146 : vector<1x16xf32> to vector<16xf32>
          %mul3A_1148 = vector.broadcast %squeeze3A_1141 : f32 to vector<16xf32>
          %mul3A_1149 = arith.mulf %get3A_1147, %mul3A_1148 : vector<16xf32>
          %add3A_1150 = arith.addf %add3A_1106, %mul3A_1149 : vector<16xf32>
          %slice3A_1151 = vector.extract_strided_slice %get3A_835 {offsets = [11], sizes = [1], strides = [1]} : vector<16xf32> to vector<1xf32>
          %squeeze3A_1152 = vector.extract %slice3A_1151[0] : f32 from vector<1xf32>
          %add3A_1153 = arith.constant 27 : i32
          %add3A_1154 = arith.addi %add3A_839, %add3A_1153 : i32
          %get3A_1155 = arith.index_cast %add3A_1154 : i32 to index
          %get3A_1156 = arith.index_cast %multiple_of3A : i32 to index
          %get3A_1157 = tpu.vector_load %arg9[%get3A_1155, %get3A_1156] {strides = array<i32>} : memref<384x256xf32, #tpu.memory_space<vmem>>, vector<1x16xf32>,
          %get3A_1158 = vector.shape_cast %get3A_1157 : vector<1x16xf32> to vector<16xf32>
          %mul3A_1159 = vector.broadcast %squeeze3A_1152 : f32 to vector<16xf32>
          %mul3A_1160 = arith.mulf %get3A_1158, %mul3A_1159 : vector<16xf32>
          %add3A_1161 = arith.addf %add3A_1117, %mul3A_1160 : vector<16xf32>
          %slice3A_1162 = vector.extract_strided_slice %get3A_835 {offsets = [12], sizes = [1], strides = [1]} : vector<16xf32> to vector<1xf32>
          %squeeze3A_1163 = vector.extract %slice3A_1162[0] : f32 from vector<1xf32>
          %add3A_1164 = arith.constant 28 : i32
          %add3A_1165 = arith.addi %add3A_839, %add3A_1164 : i32
          %get3A_1166 = arith.index_cast %add3A_1165 : i32 to index
          %get3A_1167 = arith.index_cast %multiple_of3A : i32 to index
          %get3A_1168 = tpu.vector_load %arg9[%get3A_1166, %get3A_1167] {strides = array<i32>} : memref<384x256xf32, #tpu.memory_space<vmem>>, vector<1x16xf32>,
          %get3A_1169 = vector.shape_cast %get3A_1168 : vector<1x16xf32> to vector<16xf32>
          %mul3A_1170 = vector.broadcast %squeeze3A_1163 : f32 to vector<16xf32>
          %mul3A_1171 = arith.mulf %get3A_1169, %mul3A_1170 : vector<16xf32>
          %add3A_1172 = arith.addf %add3A_1128, %mul3A_1171 : vector<16xf32>
          %slice3A_1173 = vector.extract_strided_slice %get3A_835 {offsets = [13], sizes = [1], strides = [1]} : vector<16xf32> to vector<1xf32>
          %squeeze3A_1174 = vector.extract %slice3A_1173[0] : f32 from vector<1xf32>
          %add3A_1175 = arith.constant 29 : i32
          %add3A_1176 = arith.addi %add3A_839, %add3A_1175 : i32
          %get3A_1177 = arith.index_cast %add3A_1176 : i32 to index
          %get3A_1178 = arith.index_cast %multiple_of3A : i32 to index
          %get3A_1179 = tpu.vector_load %arg9[%get3A_1177, %get3A_1178] {strides = array<i32>} : memref<384x256xf32, #tpu.memory_space<vmem>>, vector<1x16xf32>,
          %get3A_1180 = vector.shape_cast %get3A_1179 : vector<1x16xf32> to vector<16xf32>
          %mul3A_1181 = vector.broadcast %squeeze3A_1174 : f32 to vector<16xf32>
          %mul3A_1182 = arith.mulf %get3A_1180, %mul3A_1181 : vector<16xf32>
          %add3A_1183 = arith.addf %add3A_1139, %mul3A_1182 : vector<16xf32>
          %slice3A_1184 = vector.extract_strided_slice %get3A_835 {offsets = [14], sizes = [1], strides = [1]} : vector<16xf32> to vector<1xf32>
          %squeeze3A_1185 = vector.extract %slice3A_1184[0] : f32 from vector<1xf32>
          %add3A_1186 = arith.constant 30 : i32
          %add3A_1187 = arith.addi %add3A_839, %add3A_1186 : i32
          %get3A_1188 = arith.index_cast %add3A_1187 : i32 to index
          %get3A_1189 = arith.index_cast %multiple_of3A : i32 to index
          %get3A_1190 = tpu.vector_load %arg9[%get3A_1188, %get3A_1189] {strides = array<i32>} : memref<384x256xf32, #tpu.memory_space<vmem>>, vector<1x16xf32>,
          %get3A_1191 = vector.shape_cast %get3A_1190 : vector<1x16xf32> to vector<16xf32>
          %mul3A_1192 = vector.broadcast %squeeze3A_1185 : f32 to vector<16xf32>
          %mul3A_1193 = arith.mulf %get3A_1191, %mul3A_1192 : vector<16xf32>
          %add3A_1194 = arith.addf %add3A_1150, %mul3A_1193 : vector<16xf32>
          %slice3A_1195 = vector.extract_strided_slice %get3A_835 {offsets = [15], sizes = [1], strides = [1]} : vector<16xf32> to vector<1xf32>
          %squeeze3A_1196 = vector.extract %slice3A_1195[0] : f32 from vector<1xf32>
          %add3A_1197 = arith.constant 31 : i32
          %add3A_1198 = arith.addi %add3A_839, %add3A_1197 : i32
          %get3A_1199 = arith.index_cast %add3A_1198 : i32 to index
          %get3A_1200 = arith.index_cast %multiple_of3A : i32 to index
          %get3A_1201 = tpu.vector_load %arg9[%get3A_1199, %get3A_1200] {strides = array<i32>} : memref<384x256xf32, #tpu.memory_space<vmem>>, vector<1x16xf32>,
          %get3A_1202 = vector.shape_cast %get3A_1201 : vector<1x16xf32> to vector<16xf32>
          %mul3A_1203 = vector.broadcast %squeeze3A_1196 : f32 to vector<16xf32>
          %mul3A_1204 = arith.mulf %get3A_1202, %mul3A_1203 : vector<16xf32>
          %add3A_1205 = arith.addf %add3A_1161, %mul3A_1204 : vector<16xf32>
          %add3A_1206 = arith.addf %add3A_1172, %add3A_1183 : vector<16xf32>
          %add3A_1207 = arith.addf %add3A_1194, %add3A_1205 : vector<16xf32>
          %add3A_1208 = arith.addf %add3A_1206, %add3A_1207 : vector<16xf32>
          %add3A_1209 = arith.constant 4 : i32
          %add3A_1210 = arith.addi %add3A_1209, %scan3A_805 : i32
          %swap3A_1211 = arith.index_cast %add3A_1210 : i32 to index
          %swap3A_1212 = arith.index_cast %multiple_of3A : i32 to index
          %swap3A_1213 = tpu.vector_load %arg10[%swap3A_1211, %swap3A_1212] {strides = array<i32>} : memref<12x256xf32, #tpu.memory_space<vmem>>, vector<1x16xf32>,
          %swap3A_1214 = vector.shape_cast %swap3A_1213 : vector<1x16xf32> to vector<16xf32>
          %swap3A_1215 = vector.shape_cast %add3A_1208 : vector<16xf32> to vector<1x16xf32>
          tpu.vector_store %arg10[%swap3A_1211, %swap3A_1212], %swap3A_1215 {strides = array<i32>} : memref<12x256xf32, #tpu.memory_space<vmem>>, vector<1x16xf32>,
        }
        %scan3A_845 = arith.constant 16 : i32
      }
      %scan3A_634 = arith.constant 4 : i32
      %mul3A_635 = arith.constant 4 : i32
      %mul3A_636 = arith.muli %add3A_536, %mul3A_635 : i32
      %add3A_637 = arith.addi %mul3A_2, %mul3A_636 : i32
      %dma_start3A_638 = arith.constant 4 : i32
      %dma_start3A_639 = arith.constant 0 : i32
      %dma_start3A_640 = tpu.memref_slice %arg10[%dma_start3A_638, %dma_start3A_639] : memref<12x256xf32, #tpu.memory_space<vmem>> -> memref<4x256xf32, #tpu.memory_space<vmem>>
      %dma_start3A_641 = arith.constant 0 : i32
      %dma_start3A_642 = tpu.memref_slice %arg5[%add3A_637, %dma_start3A_641] : memref<32768x256xf32, #tpu.memory_space<hbm>> -> memref<4x256xf32, #tpu.memory_space<hbm>>
      %dma_start3A_643 = arith.constant 0 : i32
      %dma_start3A_644 = tpu.memref_slice %arg5[%add3A_637, %dma_start3A_643] : memref<32768x256xf32, #tpu.memory_space<hbm>> -> memref<4x256xf32, #tpu.memory_space<hbm>>
      %dma_start3A_645 = arith.constant 4 : i32
      %dma_start3A_646 = arith.constant 0 : i32
      %dma_start3A_647 = tpu.memref_slice %arg10[%dma_start3A_645, %dma_start3A_646] : memref<12x256xf32, #tpu.memory_space<vmem>> -> memref<4x256xf32, #tpu.memory_space<vmem>>
      tpu.enqueue_dma source(%dma_start3A_647 : memref<4x256xf32, #tpu.memory_space<vmem>>) target(%dma_start3A_644 : memref<4x256xf32, #tpu.memory_space<hbm>>) target_semaphore(%arg17 : memref<!tpu.dma_semaphore, #tpu.memory_space<semaphore_mem>>)
      %jit3A_648 = arith.constant 8 : i32
      %eq3A_649 = arith.constant 0 : i32
      %eq3A_650 = arith.cmpi eq, %jit3A_648, %eq3A_649 : i32
      %jit3A_651 = arith.constant 1 : i32
      %select_n3A_652 = arith.select %eq3A_650, %jit3A_651, %jit3A_648 : i32
      %rem3A_653 = arith.remsi %add3A_536, %select_n3A_652 : i32
      %ne3A_654 = arith.constant 0 : i32
      %ne3A_655 = arith.cmpi ne, %rem3A_653, %ne3A_654 : i32
      %lt3A_656 = arith.constant 0 : i32
      %lt3A_657 = arith.cmpi slt, %rem3A_653, %lt3A_656 : i32
      %lt3A_658 = arith.constant 0 : i32
      %lt3A_659 = arith.cmpi slt, %select_n3A_652, %lt3A_658 : i32
      %ne3A_660 = arith.xori %lt3A_657, %lt3A_659 : i1
      %and3A_661 = arith.andi %ne3A_660, %ne3A_655 : i1
      %add3A_662 = arith.addi %rem3A_653, %select_n3A_652 : i32
      %select_n3A_663 = arith.select %and3A_661, %add3A_662, %rem3A_653 : i32
      %eq3A_664 = arith.constant 7 : i32
      %eq3A_665 = arith.cmpi eq, %select_n3A_663, %eq3A_664 : i32
      %convert_element_type3A_666 = arith.extui %eq3A_665 : i1 to i32
      %cond3A_667 = arith.constant 0 : i32
      %cond3A_668 = arith.cmpi ne, %convert_element_type3A_666, %cond3A_667 : i32
      scf.if %cond3A_668 {
        %jit3A_805 = arith.constant 8 : i32
        %div3A_806 = arith.divsi %add3A_536, %jit3A_805 : i32
        %sign3A_807 = arith.constant 0 : i32
        %sign3A_808 = arith.cmpi sgt, %add3A_536, %sign3A_807 : i32
        %sign3A_809 = arith.extui %sign3A_808 : i1 to i32
        %sign3A_810 = arith.constant 0 : i32
        %sign3A_811 = arith.cmpi slt, %add3A_536, %sign3A_810 : i32
        %sign3A_812 = arith.extui %sign3A_811 : i1 to i32
        %sign3A_813 = arith.subi %sign3A_809, %sign3A_812 : i32
        %sign3A_814 = arith.constant 0 : i32
        %sign3A_815 = arith.cmpi sgt, %jit3A_805, %sign3A_814 : i32
        %sign3A_816 = arith.extui %sign3A_815 : i1 to i32
        %sign3A_817 = arith.constant 0 : i32
        %sign3A_818 = arith.cmpi slt, %jit3A_805, %sign3A_817 : i32
        %sign3A_819 = arith.extui %sign3A_818 : i1 to i32
        %sign3A_820 = arith.subi %sign3A_816, %sign3A_819 : i32
        %ne3A_821 = arith.cmpi ne, %sign3A_813, %sign3A_820 : i32
        %rem3A_822 = arith.remsi %add3A_536, %jit3A_805 : i32
        %ne3A_823 = arith.constant 0 : i32
        %ne3A_824 = arith.cmpi ne, %rem3A_822, %ne3A_823 : i32
        %and3A_825 = arith.andi %ne3A_821, %ne3A_824 : i1
        %sub3A_826 = arith.constant 1 : i32
        %sub3A_827 = arith.subi %div3A_806, %sub3A_826 : i32
        %select_n3A_828 = arith.select %and3A_825, %sub3A_827, %div3A_806 : i32
        %add3A_829 = arith.constant 2 : i32
        %add3A_830 = arith.addi %select_n3A_828, %add3A_829 : i32
        %lt3A_831 = arith.constant 32 : i32
        %lt3A_832 = arith.cmpi slt, %add3A_830, %lt3A_831 : i32
        %convert_element_type3A_833 = arith.extui %lt3A_832 : i1 to i32
        %cond3A_834 = arith.constant 0 : i32
        %cond3A_835 = arith.cmpi ne, %convert_element_type3A_833, %cond3A_834 : i32
        scf.if %cond3A_835 {
          %jit3A_836 = arith.constant 2 : i32
          %eq3A_837 = arith.constant 0 : i32
          %eq3A_838 = arith.cmpi eq, %jit3A_836, %eq3A_837 : i32
          %jit3A_839 = arith.constant 1 : i32
          %select_n3A_840 = arith.select %eq3A_838, %jit3A_839, %jit3A_836 : i32
          %rem3A_841 = arith.remsi %add3A_830, %select_n3A_840 : i32
          %ne3A_842 = arith.constant 0 : i32
          %ne3A_843 = arith.cmpi ne, %rem3A_841, %ne3A_842 : i32
          %lt3A_844 = arith.constant 0 : i32
          %lt3A_845 = arith.cmpi slt, %rem3A_841, %lt3A_844 : i32
          %lt3A_846 = arith.constant 0 : i32
          %lt3A_847 = arith.cmpi slt, %select_n3A_840, %lt3A_846 : i32
          %ne3A_848 = arith.xori %lt3A_845, %lt3A_847 : i1
          %and3A_849 = arith.andi %ne3A_848, %ne3A_843 : i1
          %add3A_850 = arith.addi %rem3A_841, %select_n3A_840 : i32
          %select_n3A_851 = arith.select %and3A_849, %add3A_850, %rem3A_841 : i32
          %eq3A_852 = arith.constant 0 : i32
          %eq3A_853 = arith.cmpi eq, %select_n3A_851, %eq3A_852 : i32
          %convert_element_type3A_854 = arith.extui %eq3A_853 : i1 to i32
          %cond3A_855 = arith.constant 0 : i32
          %cond3A_856 = arith.cmpi ne, %convert_element_type3A_854, %cond3A_855 : i32
          scf.if %cond3A_856 {
            %mul3A_862 = arith.constant 32 : i32
            %mul3A_863 = arith.muli %add3A_830, %mul3A_862 : i32
            %add3A_864 = arith.addi %mul3A_2, %mul3A_863 : i32
            %dma_start3A_865 = arith.constant 0 : i32
            %dma_start3A_866 = arith.constant 0 : i32
            %dma_start3A_867 = tpu.memref_slice %arg6[%dma_start3A_865, %dma_start3A_866] : memref<64x32xi32, #tpu.memory_space<vmem>> -> memref<32x32xi32, #tpu.memory_space<vmem>>
            %dma_start3A_868 = arith.constant 0 : i32
            %dma_start3A_869 = tpu.memref_slice %arg2[%add3A_864, %dma_start3A_868] : memref<32768x32xi32, #tpu.memory_space<hbm>> -> memref<32x32xi32, #tpu.memory_space<hbm>>
            %dma_start3A_870 = arith.constant 0 : i32
            %dma_start3A_871 = arith.constant 0 : i32
            %dma_start3A_872 = tpu.memref_slice %arg6[%dma_start3A_870, %dma_start3A_871] : memref<64x32xi32, #tpu.memory_space<vmem>> -> memref<32x32xi32, #tpu.memory_space<vmem>>
            %dma_start3A_873 = arith.constant 0 : i32
            %dma_start3A_874 = tpu.memref_slice %arg2[%add3A_864, %dma_start3A_873] : memref<32768x32xi32, #tpu.memory_space<hbm>> -> memref<32x32xi32, #tpu.memory_space<hbm>>
            tpu.enqueue_dma source(%dma_start3A_874 : memref<32x32xi32, #tpu.memory_space<hbm>>) target(%dma_start3A_872 : memref<32x32xi32, #tpu.memory_space<vmem>>) target_semaphore(%arg11 : memref<!tpu.dma_semaphore, #tpu.memory_space<semaphore_mem>>)
            %mul3A_875 = arith.constant 32 : i32
            %mul3A_876 = arith.muli %add3A_830, %mul3A_875 : i32
            %add3A_877 = arith.addi %mul3A_2, %mul3A_876 : i32
            %dma_start3A_878 = arith.constant 0 : i32
            %dma_start3A_879 = arith.constant 0 : i32
            %dma_start3A_880 = tpu.memref_slice %arg7[%dma_start3A_878, %dma_start3A_879] : memref<64x32xf32, #tpu.memory_space<vmem>> -> memref<32x32xf32, #tpu.memory_space<vmem>>
            %dma_start3A_881 = arith.constant 0 : i32
            %dma_start3A_882 = tpu.memref_slice %arg3[%add3A_877, %dma_start3A_881] : memref<32768x32xf32, #tpu.memory_space<hbm>> -> memref<32x32xf32, #tpu.memory_space<hbm>>
            %dma_start3A_883 = arith.constant 0 : i32
            %dma_start3A_884 = arith.constant 0 : i32
            %dma_start3A_885 = tpu.memref_slice %arg7[%dma_start3A_883, %dma_start3A_884] : memref<64x32xf32, #tpu.memory_space<vmem>> -> memref<32x32xf32, #tpu.memory_space<vmem>>
            %dma_start3A_886 = arith.constant 0 : i32
            %dma_start3A_887 = tpu.memref_slice %arg3[%add3A_877, %dma_start3A_886] : memref<32768x32xf32, #tpu.memory_space<hbm>> -> memref<32x32xf32, #tpu.memory_space<hbm>>
            tpu.enqueue_dma source(%dma_start3A_887 : memref<32x32xf32, #tpu.memory_space<hbm>>) target(%dma_start3A_885 : memref<32x32xf32, #tpu.memory_space<vmem>>) target_semaphore(%arg11 : memref<!tpu.dma_semaphore, #tpu.memory_space<semaphore_mem>>)
          } else {
          }
          %eq3A_857 = arith.constant 1 : i32
          %eq3A_858 = arith.cmpi eq, %select_n3A_851, %eq3A_857 : i32
          %convert_element_type3A_859 = arith.extui %eq3A_858 : i1 to i32
          %cond3A_860 = arith.constant 0 : i32
          %cond3A_861 = arith.cmpi ne, %convert_element_type3A_859, %cond3A_860 : i32
          scf.if %cond3A_861 {
            %mul3A_862 = arith.constant 32 : i32
            %mul3A_863 = arith.muli %add3A_830, %mul3A_862 : i32
            %add3A_864 = arith.addi %mul3A_2, %mul3A_863 : i32
            %dma_start3A_865 = arith.constant 32 : i32
            %dma_start3A_866 = arith.constant 0 : i32
            %dma_start3A_867 = tpu.memref_slice %arg6[%dma_start3A_865, %dma_start3A_866] : memref<64x32xi32, #tpu.memory_space<vmem>> -> memref<32x32xi32, #tpu.memory_space<vmem>>
            %dma_start3A_868 = arith.constant 0 : i32
            %dma_start3A_869 = tpu.memref_slice %arg2[%add3A_864, %dma_start3A_868] : memref<32768x32xi32, #tpu.memory_space<hbm>> -> memref<32x32xi32, #tpu.memory_space<hbm>>
            %dma_start3A_870 = arith.constant 32 : i32
            %dma_start3A_871 = arith.constant 0 : i32
            %dma_start3A_872 = tpu.memref_slice %arg6[%dma_start3A_870, %dma_start3A_871] : memref<64x32xi32, #tpu.memory_space<vmem>> -> memref<32x32xi32, #tpu.memory_space<vmem>>
            %dma_start3A_873 = arith.constant 0 : i32
            %dma_start3A_874 = tpu.memref_slice %arg2[%add3A_864, %dma_start3A_873] : memref<32768x32xi32, #tpu.memory_space<hbm>> -> memref<32x32xi32, #tpu.memory_space<hbm>>
            tpu.enqueue_dma source(%dma_start3A_874 : memref<32x32xi32, #tpu.memory_space<hbm>>) target(%dma_start3A_872 : memref<32x32xi32, #tpu.memory_space<vmem>>) target_semaphore(%arg12 : memref<!tpu.dma_semaphore, #tpu.memory_space<semaphore_mem>>)
            %mul3A_875 = arith.constant 32 : i32
            %mul3A_876 = arith.muli %add3A_830, %mul3A_875 : i32
            %add3A_877 = arith.addi %mul3A_2, %mul3A_876 : i32
            %dma_start3A_878 = arith.constant 32 : i32
            %dma_start3A_879 = arith.constant 0 : i32
            %dma_start3A_880 = tpu.memref_slice %arg7[%dma_start3A_878, %dma_start3A_879] : memref<64x32xf32, #tpu.memory_space<vmem>> -> memref<32x32xf32, #tpu.memory_space<vmem>>
            %dma_start3A_881 = arith.constant 0 : i32
            %dma_start3A_882 = tpu.memref_slice %arg3[%add3A_877, %dma_start3A_881] : memref<32768x32xf32, #tpu.memory_space<hbm>> -> memref<32x32xf32, #tpu.memory_space<hbm>>
            %dma_start3A_883 = arith.constant 32 : i32
            %dma_start3A_884 = arith.constant 0 : i32
            %dma_start3A_885 = tpu.memref_slice %arg7[%dma_start3A_883, %dma_start3A_884] : memref<64x32xf32, #tpu.memory_space<vmem>> -> memref<32x32xf32, #tpu.memory_space<vmem>>
            %dma_start3A_886 = arith.constant 0 : i32
            %dma_start3A_887 = tpu.memref_slice %arg3[%add3A_877, %dma_start3A_886] : memref<32768x32xf32, #tpu.memory_space<hbm>> -> memref<32x32xf32, #tpu.memory_space<hbm>>
            tpu.enqueue_dma source(%dma_start3A_887 : memref<32x32xf32, #tpu.memory_space<hbm>>) target(%dma_start3A_885 : memref<32x32xf32, #tpu.memory_space<vmem>>) target_semaphore(%arg12 : memref<!tpu.dma_semaphore, #tpu.memory_space<semaphore_mem>>)
          } else {
          }
        } else {
        }
      } else {
      }
      %mul3A_669 = arith.constant 3 : i32
      %mul3A_670 = arith.muli %mul3A_669, %scan3A_396 : i32
      %add3A_671 = arith.constant 2 : i32
      %add3A_672 = arith.addi %mul3A_670, %add3A_671 : i32
      %lt3A_673 = arith.constant 1 : i32
      %lt3A_674 = arith.cmpi slt, %scan3A_396, %lt3A_673 : i32
      %dma_wait3A_675 = arith.constant 256 : i32
      %dma_wait3A_676 = arith.constant 0 : i32
      %dma_wait3A_677 = tpu.memref_slice %arg9[%dma_wait3A_675, %dma_wait3A_676] : memref<384x256xf32, #tpu.memory_space<vmem>> -> memref<128x256xf32, #tpu.memory_space<vmem>>
      %dma_wait3A_678 = arith.constant 0 : i32
      %dma_wait3A_679 = arith.constant 0 : i32
      %dma_wait3A_680 = tpu.memref_slice %arg4[%dma_wait3A_678, %dma_wait3A_679] : memref<100000x256xf32, #tpu.memory_space<hbm>> -> memref<128x256xf32, #tpu.memory_space<hbm>>
      %dma_wait3A_681 = arith.constant 256 : i32
      %dma_wait3A_682 = arith.constant 0 : i32
      %dma_wait3A_683 = tpu.memref_slice %arg9[%dma_wait3A_681, %dma_wait3A_682] : memref<384x256xf32, #tpu.memory_space<vmem>> -> memref<128x256xf32, #tpu.memory_space<vmem>>
      %dma_wait3A_684 = arith.constant 0 : i32
      %dma_wait3A_685 = arith.constant 0 : i32
      %dma_wait3A_686 = tpu.memref_slice %arg4[%dma_wait3A_684, %dma_wait3A_685] : memref<100000x256xf32, #tpu.memory_space<hbm>> -> memref<128x256xf32, #tpu.memory_space<hbm>>
      tpu.wait_dma2 semaphore(%arg15 : memref<!tpu.dma_semaphore, #tpu.memory_space<semaphore_mem>>) src(%dma_wait3A_686 : memref<128x256xf32, #tpu.memory_space<hbm>>) dst(%dma_wait3A_683 : memref<128x256xf32, #tpu.memory_space<vmem>>)
      %add3A_687 = arith.constant 3 : i32
      %add3A_688 = arith.addi %add3A_672, %add3A_687 : i32
      %sub3A_689 = arith.constant 1 : i32
      %sub3A_690 = arith.subi %add3A_688, %sub3A_689 : i32
      %lt3A_691 = arith.constant 256 : i32
      %lt3A_692 = arith.cmpi slt, %sub3A_690, %lt3A_691 : i32
      %jit3A_693 = arith.constant 8 : i32
      %eq3A_694 = arith.constant 0 : i32
      %eq3A_695 = arith.cmpi eq, %jit3A_693, %eq3A_694 : i32
      %jit3A_696 = arith.constant 1 : i32
      %select_n3A_697 = arith.select %eq3A_695, %jit3A_696, %jit3A_693 : i32
      %rem3A_698 = arith.remsi %sub3A_690, %select_n3A_697 : i32
      %ne3A_699 = arith.constant 0 : i32
      %ne3A_700 = arith.cmpi ne, %rem3A_698, %ne3A_699 : i32
      %lt3A_701 = arith.constant 0 : i32
      %lt3A_702 = arith.cmpi slt, %rem3A_698, %lt3A_701 : i32
      %lt3A_703 = arith.constant 0 : i32
      %lt3A_704 = arith.cmpi slt, %select_n3A_697, %lt3A_703 : i32
      %ne3A_705 = arith.xori %lt3A_702, %lt3A_704 : i1
      %and3A_706 = arith.andi %ne3A_705, %ne3A_700 : i1
      %add3A_707 = arith.addi %rem3A_698, %select_n3A_697 : i32
      %select_n3A_708 = arith.select %and3A_706, %add3A_707, %rem3A_698 : i32
      %eq3A_709 = arith.constant 0 : i32
      %eq3A_710 = arith.cmpi eq, %select_n3A_708, %eq3A_709 : i32
      %and3A_711 = arith.andi %lt3A_692, %eq3A_710 : i1
      %convert_element_type3A_712 = arith.extui %and3A_711 : i1 to i32
      %cond3A_713 = arith.constant 0 : i32
      %cond3A_714 = arith.cmpi ne, %convert_element_type3A_712, %cond3A_713 : i32
      scf.if %cond3A_714 {
        %jit3A_805 = arith.constant 8 : i32
        %div3A_806 = arith.divsi %sub3A_690, %jit3A_805 : i32
        %sign3A_807 = arith.constant 0 : i32
        %sign3A_808 = arith.cmpi sgt, %sub3A_690, %sign3A_807 : i32
        %sign3A_809 = arith.extui %sign3A_808 : i1 to i32
        %sign3A_810 = arith.constant 0 : i32
        %sign3A_811 = arith.cmpi slt, %sub3A_690, %sign3A_810 : i32
        %sign3A_812 = arith.extui %sign3A_811 : i1 to i32
        %sign3A_813 = arith.subi %sign3A_809, %sign3A_812 : i32
        %sign3A_814 = arith.constant 0 : i32
        %sign3A_815 = arith.cmpi sgt, %jit3A_805, %sign3A_814 : i32
        %sign3A_816 = arith.extui %sign3A_815 : i1 to i32
        %sign3A_817 = arith.constant 0 : i32
        %sign3A_818 = arith.cmpi slt, %jit3A_805, %sign3A_817 : i32
        %sign3A_819 = arith.extui %sign3A_818 : i1 to i32
        %sign3A_820 = arith.subi %sign3A_816, %sign3A_819 : i32
        %ne3A_821 = arith.cmpi ne, %sign3A_813, %sign3A_820 : i32
        %rem3A_822 = arith.remsi %sub3A_690, %jit3A_805 : i32
        %ne3A_823 = arith.constant 0 : i32
        %ne3A_824 = arith.cmpi ne, %rem3A_822, %ne3A_823 : i32
        %and3A_825 = arith.andi %ne3A_821, %ne3A_824 : i1
        %sub3A_826 = arith.constant 1 : i32
        %sub3A_827 = arith.subi %div3A_806, %sub3A_826 : i32
        %select_n3A_828 = arith.select %and3A_825, %sub3A_827, %div3A_806 : i32
        %jit3A_829 = arith.constant 2 : i32
        %eq3A_830 = arith.constant 0 : i32
        %eq3A_831 = arith.cmpi eq, %jit3A_829, %eq3A_830 : i32
        %jit3A_832 = arith.constant 1 : i32
        %select_n3A_833 = arith.select %eq3A_831, %jit3A_832, %jit3A_829 : i32
        %rem3A_834 = arith.remsi %select_n3A_828, %select_n3A_833 : i32
        %ne3A_835 = arith.constant 0 : i32
        %ne3A_836 = arith.cmpi ne, %rem3A_834, %ne3A_835 : i32
        %lt3A_837 = arith.constant 0 : i32
        %lt3A_838 = arith.cmpi slt, %rem3A_834, %lt3A_837 : i32
        %lt3A_839 = arith.constant 0 : i32
        %lt3A_840 = arith.cmpi slt, %select_n3A_833, %lt3A_839 : i32
        %ne3A_841 = arith.xori %lt3A_838, %lt3A_840 : i1
        %and3A_842 = arith.andi %ne3A_841, %ne3A_836 : i1
        %add3A_843 = arith.addi %rem3A_834, %select_n3A_833 : i32
        %select_n3A_844 = arith.select %and3A_842, %add3A_843, %rem3A_834 : i32
        %eq3A_845 = arith.constant 0 : i32
        %eq3A_846 = arith.cmpi eq, %select_n3A_844, %eq3A_845 : i32
        %convert_element_type3A_847 = arith.extui %eq3A_846 : i1 to i32
        %cond3A_848 = arith.constant 0 : i32
        %cond3A_849 = arith.cmpi ne, %convert_element_type3A_847, %cond3A_848 : i32
        scf.if %cond3A_849 {
          %dma_wait3A_855 = arith.constant 0 : i32
          %dma_wait3A_856 = arith.constant 0 : i32
          %dma_wait3A_857 = tpu.memref_slice %arg6[%dma_wait3A_855, %dma_wait3A_856] : memref<64x32xi32, #tpu.memory_space<vmem>> -> memref<32x32xi32, #tpu.memory_space<vmem>>
          %dma_wait3A_858 = arith.constant 0 : i32
          %dma_wait3A_859 = arith.constant 0 : i32
          %dma_wait3A_860 = tpu.memref_slice %arg2[%dma_wait3A_858, %dma_wait3A_859] : memref<32768x32xi32, #tpu.memory_space<hbm>> -> memref<32x32xi32, #tpu.memory_space<hbm>>
          %dma_wait3A_861 = arith.constant 0 : i32
          %dma_wait3A_862 = arith.constant 0 : i32
          %dma_wait3A_863 = tpu.memref_slice %arg6[%dma_wait3A_861, %dma_wait3A_862] : memref<64x32xi32, #tpu.memory_space<vmem>> -> memref<32x32xi32, #tpu.memory_space<vmem>>
          %dma_wait3A_864 = arith.constant 0 : i32
          %dma_wait3A_865 = arith.constant 0 : i32
          %dma_wait3A_866 = tpu.memref_slice %arg2[%dma_wait3A_864, %dma_wait3A_865] : memref<32768x32xi32, #tpu.memory_space<hbm>> -> memref<32x32xi32, #tpu.memory_space<hbm>>
          tpu.wait_dma2 semaphore(%arg11 : memref<!tpu.dma_semaphore, #tpu.memory_space<semaphore_mem>>) src(%dma_wait3A_866 : memref<32x32xi32, #tpu.memory_space<hbm>>) dst(%dma_wait3A_863 : memref<32x32xi32, #tpu.memory_space<vmem>>)
          %dma_wait3A_867 = arith.constant 0 : i32
          %dma_wait3A_868 = arith.constant 0 : i32
          %dma_wait3A_869 = tpu.memref_slice %arg7[%dma_wait3A_867, %dma_wait3A_868] : memref<64x32xf32, #tpu.memory_space<vmem>> -> memref<32x32xf32, #tpu.memory_space<vmem>>
          %dma_wait3A_870 = arith.constant 0 : i32
          %dma_wait3A_871 = arith.constant 0 : i32
          %dma_wait3A_872 = tpu.memref_slice %arg3[%dma_wait3A_870, %dma_wait3A_871] : memref<32768x32xf32, #tpu.memory_space<hbm>> -> memref<32x32xf32, #tpu.memory_space<hbm>>
          %dma_wait3A_873 = arith.constant 0 : i32
          %dma_wait3A_874 = arith.constant 0 : i32
          %dma_wait3A_875 = tpu.memref_slice %arg7[%dma_wait3A_873, %dma_wait3A_874] : memref<64x32xf32, #tpu.memory_space<vmem>> -> memref<32x32xf32, #tpu.memory_space<vmem>>
          %dma_wait3A_876 = arith.constant 0 : i32
          %dma_wait3A_877 = arith.constant 0 : i32
          %dma_wait3A_878 = tpu.memref_slice %arg3[%dma_wait3A_876, %dma_wait3A_877] : memref<32768x32xf32, #tpu.memory_space<hbm>> -> memref<32x32xf32, #tpu.memory_space<hbm>>
          tpu.wait_dma2 semaphore(%arg11 : memref<!tpu.dma_semaphore, #tpu.memory_space<semaphore_mem>>) src(%dma_wait3A_878 : memref<32x32xf32, #tpu.memory_space<hbm>>) dst(%dma_wait3A_875 : memref<32x32xf32, #tpu.memory_space<vmem>>)
        } else {
        }
        %eq3A_850 = arith.constant 1 : i32
        %eq3A_851 = arith.cmpi eq, %select_n3A_844, %eq3A_850 : i32
        %convert_element_type3A_852 = arith.extui %eq3A_851 : i1 to i32
        %cond3A_853 = arith.constant 0 : i32
        %cond3A_854 = arith.cmpi ne, %convert_element_type3A_852, %cond3A_853 : i32
        scf.if %cond3A_854 {
          %dma_wait3A_855 = arith.constant 32 : i32
          %dma_wait3A_856 = arith.constant 0 : i32
          %dma_wait3A_857 = tpu.memref_slice %arg6[%dma_wait3A_855, %dma_wait3A_856] : memref<64x32xi32, #tpu.memory_space<vmem>> -> memref<32x32xi32, #tpu.memory_space<vmem>>
          %dma_wait3A_858 = arith.constant 0 : i32
          %dma_wait3A_859 = arith.constant 0 : i32
          %dma_wait3A_860 = tpu.memref_slice %arg2[%dma_wait3A_858, %dma_wait3A_859] : memref<32768x32xi32, #tpu.memory_space<hbm>> -> memref<32x32xi32, #tpu.memory_space<hbm>>
          %dma_wait3A_861 = arith.constant 32 : i32
          %dma_wait3A_862 = arith.constant 0 : i32
          %dma_wait3A_863 = tpu.memref_slice %arg6[%dma_wait3A_861, %dma_wait3A_862] : memref<64x32xi32, #tpu.memory_space<vmem>> -> memref<32x32xi32, #tpu.memory_space<vmem>>
          %dma_wait3A_864 = arith.constant 0 : i32
          %dma_wait3A_865 = arith.constant 0 : i32
          %dma_wait3A_866 = tpu.memref_slice %arg2[%dma_wait3A_864, %dma_wait3A_865] : memref<32768x32xi32, #tpu.memory_space<hbm>> -> memref<32x32xi32, #tpu.memory_space<hbm>>
          tpu.wait_dma2 semaphore(%arg12 : memref<!tpu.dma_semaphore, #tpu.memory_space<semaphore_mem>>) src(%dma_wait3A_866 : memref<32x32xi32, #tpu.memory_space<hbm>>) dst(%dma_wait3A_863 : memref<32x32xi32, #tpu.memory_space<vmem>>)
          %dma_wait3A_867 = arith.constant 32 : i32
          %dma_wait3A_868 = arith.constant 0 : i32
          %dma_wait3A_869 = tpu.memref_slice %arg7[%dma_wait3A_867, %dma_wait3A_868] : memref<64x32xf32, #tpu.memory_space<vmem>> -> memref<32x32xf32, #tpu.memory_space<vmem>>
          %dma_wait3A_870 = arith.constant 0 : i32
          %dma_wait3A_871 = arith.constant 0 : i32
          %dma_wait3A_872 = tpu.memref_slice %arg3[%dma_wait3A_870, %dma_wait3A_871] : memref<32768x32xf32, #tpu.memory_space<hbm>> -> memref<32x32xf32, #tpu.memory_space<hbm>>
          %dma_wait3A_873 = arith.constant 32 : i32
          %dma_wait3A_874 = arith.constant 0 : i32
          %dma_wait3A_875 = tpu.memref_slice %arg7[%dma_wait3A_873, %dma_wait3A_874] : memref<64x32xf32, #tpu.memory_space<vmem>> -> memref<32x32xf32, #tpu.memory_space<vmem>>
          %dma_wait3A_876 = arith.constant 0 : i32
          %dma_wait3A_877 = arith.constant 0 : i32
          %dma_wait3A_878 = tpu.memref_slice %arg3[%dma_wait3A_876, %dma_wait3A_877] : memref<32768x32xf32, #tpu.memory_space<hbm>> -> memref<32x32xf32, #tpu.memory_space<hbm>>
          tpu.wait_dma2 semaphore(%arg12 : memref<!tpu.dma_semaphore, #tpu.memory_space<semaphore_mem>>) src(%dma_wait3A_878 : memref<32x32xf32, #tpu.memory_space<hbm>>) dst(%dma_wait3A_875 : memref<32x32xf32, #tpu.memory_space<vmem>>)
        } else {
        }
      } else {
      }
      %lt3A_715 = arith.constant 256 : i32
      %lt3A_716 = arith.cmpi slt, %sub3A_690, %lt3A_715 : i32
      %convert_element_type3A_717 = arith.extui %lt3A_716 : i1 to i32
      %cond3A_718 = arith.constant 0 : i32
      %cond3A_719 = arith.cmpi ne, %convert_element_type3A_717, %cond3A_718 : i32
      scf.if %cond3A_719 {
        %jit3A_805 = arith.constant 8 : i32
        %div3A_806 = arith.divsi %sub3A_690, %jit3A_805 : i32
        %sign3A_807 = arith.constant 0 : i32
        %sign3A_808 = arith.cmpi sgt, %sub3A_690, %sign3A_807 : i32
        %sign3A_809 = arith.extui %sign3A_808 : i1 to i32
        %sign3A_810 = arith.constant 0 : i32
        %sign3A_811 = arith.cmpi slt, %sub3A_690, %sign3A_810 : i32
        %sign3A_812 = arith.extui %sign3A_811 : i1 to i32
        %sign3A_813 = arith.subi %sign3A_809, %sign3A_812 : i32
        %sign3A_814 = arith.constant 0 : i32
        %sign3A_815 = arith.cmpi sgt, %jit3A_805, %sign3A_814 : i32
        %sign3A_816 = arith.extui %sign3A_815 : i1 to i32
        %sign3A_817 = arith.constant 0 : i32
        %sign3A_818 = arith.cmpi slt, %jit3A_805, %sign3A_817 : i32
        %sign3A_819 = arith.extui %sign3A_818 : i1 to i32
        %sign3A_820 = arith.subi %sign3A_816, %sign3A_819 : i32
        %ne3A_821 = arith.cmpi ne, %sign3A_813, %sign3A_820 : i32
        %rem3A_822 = arith.remsi %sub3A_690, %jit3A_805 : i32
        %ne3A_823 = arith.constant 0 : i32
        %ne3A_824 = arith.cmpi ne, %rem3A_822, %ne3A_823 : i32
        %and3A_825 = arith.andi %ne3A_821, %ne3A_824 : i1
        %sub3A_826 = arith.constant 1 : i32
        %sub3A_827 = arith.subi %div3A_806, %sub3A_826 : i32
        %select_n3A_828 = arith.select %and3A_825, %sub3A_827, %div3A_806 : i32
        %jit3A_829 = arith.constant 2 : i32
        %eq3A_830 = arith.constant 0 : i32
        %eq3A_831 = arith.cmpi eq, %jit3A_829, %eq3A_830 : i32
        %jit3A_832 = arith.constant 1 : i32
        %select_n3A_833 = arith.select %eq3A_831, %jit3A_832, %jit3A_829 : i32
        %rem3A_834 = arith.remsi %select_n3A_828, %select_n3A_833 : i32
        %ne3A_835 = arith.constant 0 : i32
        %ne3A_836 = arith.cmpi ne, %rem3A_834, %ne3A_835 : i32
        %lt3A_837 = arith.constant 0 : i32
        %lt3A_838 = arith.cmpi slt, %rem3A_834, %lt3A_837 : i32
        %lt3A_839 = arith.constant 0 : i32
        %lt3A_840 = arith.cmpi slt, %select_n3A_833, %lt3A_839 : i32
        %ne3A_841 = arith.xori %lt3A_838, %lt3A_840 : i1
        %and3A_842 = arith.andi %ne3A_841, %ne3A_836 : i1
        %add3A_843 = arith.addi %rem3A_834, %select_n3A_833 : i32
        %select_n3A_844 = arith.select %and3A_842, %add3A_843, %rem3A_834 : i32
        %eq3A_845 = arith.constant 0 : i32
        %eq3A_846 = arith.cmpi eq, %select_n3A_844, %eq3A_845 : i32
        %convert_element_type3A_847 = arith.extui %eq3A_846 : i1 to i32
        %cond3A_848 = arith.constant 0 : i32
        %cond3A_849 = arith.cmpi ne, %convert_element_type3A_847, %cond3A_848 : i32
        scf.if %cond3A_849 {
          %jit3A_855 = arith.constant 8 : i32
          %eq3A_856 = arith.constant 0 : i32
          %eq3A_857 = arith.cmpi eq, %jit3A_855, %eq3A_856 : i32
          %jit3A_858 = arith.constant 1 : i32
          %select_n3A_859 = arith.select %eq3A_857, %jit3A_858, %jit3A_855 : i32
          %rem3A_860 = arith.remsi %sub3A_690, %select_n3A_859 : i32
          %ne3A_861 = arith.constant 0 : i32
          %ne3A_862 = arith.cmpi ne, %rem3A_860, %ne3A_861 : i32
          %lt3A_863 = arith.constant 0 : i32
          %lt3A_864 = arith.cmpi slt, %rem3A_860, %lt3A_863 : i32
          %lt3A_865 = arith.constant 0 : i32
          %lt3A_866 = arith.cmpi slt, %select_n3A_859, %lt3A_865 : i32
          %ne3A_867 = arith.xori %lt3A_864, %lt3A_866 : i1
          %and3A_868 = arith.andi %ne3A_867, %ne3A_862 : i1
          %add3A_869 = arith.addi %rem3A_860, %select_n3A_859 : i32
          %select_n3A_870 = arith.select %and3A_868, %add3A_869, %rem3A_860 : i32
          %mul3A_871 = arith.constant 4 : i32
          %mul3A_872 = arith.muli %select_n3A_870, %mul3A_871 : i32
          %add3A_873 = arith.constant 0 : i32
          %add3A_874 = arith.addi %add3A_873, %mul3A_872 : i32
          %add3A_875 = arith.constant 0 : i32
          %add3A_876 = arith.addi %add3A_874, %add3A_875 : i32
          %get3A_877 = arith.index_cast %add3A_876 : i32 to index
          %get3A_878 = arith.constant 0 : index
          %get3A_879 = tpu.vector_load %arg6[%get3A_877, %get3A_878] {strides = array<i32>} : memref<64x32xi32, #tpu.memory_space<vmem>>, vector<1x16xi32>,
          %get3A_880 = vector.shape_cast %get3A_879 : vector<1x16xi32> to vector<16xi32>
          %swap3A_881 = arith.constant 128 : index
          %swap3A_882 = tpu.vector_load %arg8[%swap3A_881] {strides = array<i32>} : memref<384xi32, #tpu.memory_space<vmem>>, vector<16xi32>,
          %swap3A_883 = vector.shape_cast %swap3A_882 : vector<16xi32> to vector<16xi32>
          %swap3A_884 = vector.shape_cast %get3A_880 : vector<16xi32> to vector<16xi32>
          tpu.vector_store %arg8[%swap3A_881], %swap3A_884 {strides = array<i32>} : memref<384xi32, #tpu.memory_space<vmem>>, vector<16xi32>,
          %get3A_885 = arith.index_cast %add3A_876 : i32 to index
          %get3A_886 = arith.constant 16 : index
          %get3A_887 = tpu.vector_load %arg6[%get3A_885, %get3A_886] {strides = array<i32>} : memref<64x32xi32, #tpu.memory_space<vmem>>, vector<1x16xi32>,
          %get3A_888 = vector.shape_cast %get3A_887 : vector<1x16xi32> to vector<16xi32>
          %swap3A_889 = arith.constant 144 : index
          %swap3A_890 = tpu.vector_load %arg8[%swap3A_889] {strides = array<i32>} : memref<384xi32, #tpu.memory_space<vmem>>, vector<16xi32>,
          %swap3A_891 = vector.shape_cast %swap3A_890 : vector<16xi32> to vector<16xi32>
          %swap3A_892 = vector.shape_cast %get3A_888 : vector<16xi32> to vector<16xi32>
          tpu.vector_store %arg8[%swap3A_889], %swap3A_892 {strides = array<i32>} : memref<384xi32, #tpu.memory_space<vmem>>, vector<16xi32>,
          %jit3A_893 = arith.constant 8 : i32
          %eq3A_894 = arith.constant 0 : i32
          %eq3A_895 = arith.cmpi eq, %jit3A_893, %eq3A_894 : i32
          %jit3A_896 = arith.constant 1 : i32
          %select_n3A_897 = arith.select %eq3A_895, %jit3A_896, %jit3A_893 : i32
          %rem3A_898 = arith.remsi %sub3A_690, %select_n3A_897 : i32
          %ne3A_899 = arith.constant 0 : i32
          %ne3A_900 = arith.cmpi ne, %rem3A_898, %ne3A_899 : i32
          %lt3A_901 = arith.constant 0 : i32
          %lt3A_902 = arith.cmpi slt, %rem3A_898, %lt3A_901 : i32
          %lt3A_903 = arith.constant 0 : i32
          %lt3A_904 = arith.cmpi slt, %select_n3A_897, %lt3A_903 : i32
          %ne3A_905 = arith.xori %lt3A_902, %lt3A_904 : i1
          %and3A_906 = arith.andi %ne3A_905, %ne3A_900 : i1
          %add3A_907 = arith.addi %rem3A_898, %select_n3A_897 : i32
          %select_n3A_908 = arith.select %and3A_906, %add3A_907, %rem3A_898 : i32
          %mul3A_909 = arith.constant 4 : i32
          %mul3A_910 = arith.muli %select_n3A_908, %mul3A_909 : i32
          %add3A_911 = arith.constant 0 : i32
          %add3A_912 = arith.addi %add3A_911, %mul3A_910 : i32
          %add3A_913 = arith.constant 1 : i32
          %add3A_914 = arith.addi %add3A_912, %add3A_913 : i32
          %get3A_915 = arith.index_cast %add3A_914 : i32 to index
          %get3A_916 = arith.constant 0 : index
          %get3A_917 = tpu.vector_load %arg6[%get3A_915, %get3A_916] {strides = array<i32>} : memref<64x32xi32, #tpu.memory_space<vmem>>, vector<1x16xi32>,
          %get3A_918 = vector.shape_cast %get3A_917 : vector<1x16xi32> to vector<16xi32>
          %swap3A_919 = arith.constant 160 : index
          %swap3A_920 = tpu.vector_load %arg8[%swap3A_919] {strides = array<i32>} : memref<384xi32, #tpu.memory_space<vmem>>, vector<16xi32>,
          %swap3A_921 = vector.shape_cast %swap3A_920 : vector<16xi32> to vector<16xi32>
          %swap3A_922 = vector.shape_cast %get3A_918 : vector<16xi32> to vector<16xi32>
          tpu.vector_store %arg8[%swap3A_919], %swap3A_922 {strides = array<i32>} : memref<384xi32, #tpu.memory_space<vmem>>, vector<16xi32>,
          %get3A_923 = arith.index_cast %add3A_914 : i32 to index
          %get3A_924 = arith.constant 16 : index
          %get3A_925 = tpu.vector_load %arg6[%get3A_923, %get3A_924] {strides = array<i32>} : memref<64x32xi32, #tpu.memory_space<vmem>>, vector<1x16xi32>,
          %get3A_926 = vector.shape_cast %get3A_925 : vector<1x16xi32> to vector<16xi32>
          %swap3A_927 = arith.constant 176 : index
          %swap3A_928 = tpu.vector_load %arg8[%swap3A_927] {strides = array<i32>} : memref<384xi32, #tpu.memory_space<vmem>>, vector<16xi32>,
          %swap3A_929 = vector.shape_cast %swap3A_928 : vector<16xi32> to vector<16xi32>
          %swap3A_930 = vector.shape_cast %get3A_926 : vector<16xi32> to vector<16xi32>
          tpu.vector_store %arg8[%swap3A_927], %swap3A_930 {strides = array<i32>} : memref<384xi32, #tpu.memory_space<vmem>>, vector<16xi32>,
          %jit3A_931 = arith.constant 8 : i32
          %eq3A_932 = arith.constant 0 : i32
          %eq3A_933 = arith.cmpi eq, %jit3A_931, %eq3A_932 : i32
          %jit3A_934 = arith.constant 1 : i32
          %select_n3A_935 = arith.select %eq3A_933, %jit3A_934, %jit3A_931 : i32
          %rem3A_936 = arith.remsi %sub3A_690, %select_n3A_935 : i32
          %ne3A_937 = arith.constant 0 : i32
          %ne3A_938 = arith.cmpi ne, %rem3A_936, %ne3A_937 : i32
          %lt3A_939 = arith.constant 0 : i32
          %lt3A_940 = arith.cmpi slt, %rem3A_936, %lt3A_939 : i32
          %lt3A_941 = arith.constant 0 : i32
          %lt3A_942 = arith.cmpi slt, %select_n3A_935, %lt3A_941 : i32
          %ne3A_943 = arith.xori %lt3A_940, %lt3A_942 : i1
          %and3A_944 = arith.andi %ne3A_943, %ne3A_938 : i1
          %add3A_945 = arith.addi %rem3A_936, %select_n3A_935 : i32
          %select_n3A_946 = arith.select %and3A_944, %add3A_945, %rem3A_936 : i32
          %mul3A_947 = arith.constant 4 : i32
          %mul3A_948 = arith.muli %select_n3A_946, %mul3A_947 : i32
          %add3A_949 = arith.constant 0 : i32
          %add3A_950 = arith.addi %add3A_949, %mul3A_948 : i32
          %add3A_951 = arith.constant 2 : i32
          %add3A_952 = arith.addi %add3A_950, %add3A_951 : i32
          %get3A_953 = arith.index_cast %add3A_952 : i32 to index
          %get3A_954 = arith.constant 0 : index
          %get3A_955 = tpu.vector_load %arg6[%get3A_953, %get3A_954] {strides = array<i32>} : memref<64x32xi32, #tpu.memory_space<vmem>>, vector<1x16xi32>,
          %get3A_956 = vector.shape_cast %get3A_955 : vector<1x16xi32> to vector<16xi32>
          %swap3A_957 = arith.constant 192 : index
          %swap3A_958 = tpu.vector_load %arg8[%swap3A_957] {strides = array<i32>} : memref<384xi32, #tpu.memory_space<vmem>>, vector<16xi32>,
          %swap3A_959 = vector.shape_cast %swap3A_958 : vector<16xi32> to vector<16xi32>
          %swap3A_960 = vector.shape_cast %get3A_956 : vector<16xi32> to vector<16xi32>
          tpu.vector_store %arg8[%swap3A_957], %swap3A_960 {strides = array<i32>} : memref<384xi32, #tpu.memory_space<vmem>>, vector<16xi32>,
          %get3A_961 = arith.index_cast %add3A_952 : i32 to index
          %get3A_962 = arith.constant 16 : index
          %get3A_963 = tpu.vector_load %arg6[%get3A_961, %get3A_962] {strides = array<i32>} : memref<64x32xi32, #tpu.memory_space<vmem>>, vector<1x16xi32>,
          %get3A_964 = vector.shape_cast %get3A_963 : vector<1x16xi32> to vector<16xi32>
          %swap3A_965 = arith.constant 208 : index
          %swap3A_966 = tpu.vector_load %arg8[%swap3A_965] {strides = array<i32>} : memref<384xi32, #tpu.memory_space<vmem>>, vector<16xi32>,
          %swap3A_967 = vector.shape_cast %swap3A_966 : vector<16xi32> to vector<16xi32>
          %swap3A_968 = vector.shape_cast %get3A_964 : vector<16xi32> to vector<16xi32>
          tpu.vector_store %arg8[%swap3A_965], %swap3A_968 {strides = array<i32>} : memref<384xi32, #tpu.memory_space<vmem>>, vector<16xi32>,
          %jit3A_969 = arith.constant 8 : i32
          %eq3A_970 = arith.constant 0 : i32
          %eq3A_971 = arith.cmpi eq, %jit3A_969, %eq3A_970 : i32
          %jit3A_972 = arith.constant 1 : i32
          %select_n3A_973 = arith.select %eq3A_971, %jit3A_972, %jit3A_969 : i32
          %rem3A_974 = arith.remsi %sub3A_690, %select_n3A_973 : i32
          %ne3A_975 = arith.constant 0 : i32
          %ne3A_976 = arith.cmpi ne, %rem3A_974, %ne3A_975 : i32
          %lt3A_977 = arith.constant 0 : i32
          %lt3A_978 = arith.cmpi slt, %rem3A_974, %lt3A_977 : i32
          %lt3A_979 = arith.constant 0 : i32
          %lt3A_980 = arith.cmpi slt, %select_n3A_973, %lt3A_979 : i32
          %ne3A_981 = arith.xori %lt3A_978, %lt3A_980 : i1
          %and3A_982 = arith.andi %ne3A_981, %ne3A_976 : i1
          %add3A_983 = arith.addi %rem3A_974, %select_n3A_973 : i32
          %select_n3A_984 = arith.select %and3A_982, %add3A_983, %rem3A_974 : i32
          %mul3A_985 = arith.constant 4 : i32
          %mul3A_986 = arith.muli %select_n3A_984, %mul3A_985 : i32
          %add3A_987 = arith.constant 0 : i32
          %add3A_988 = arith.addi %add3A_987, %mul3A_986 : i32
          %add3A_989 = arith.constant 3 : i32
          %add3A_990 = arith.addi %add3A_988, %add3A_989 : i32
          %get3A_991 = arith.index_cast %add3A_990 : i32 to index
          %get3A_992 = arith.constant 0 : index
          %get3A_993 = tpu.vector_load %arg6[%get3A_991, %get3A_992] {strides = array<i32>} : memref<64x32xi32, #tpu.memory_space<vmem>>, vector<1x16xi32>,
          %get3A_994 = vector.shape_cast %get3A_993 : vector<1x16xi32> to vector<16xi32>
          %swap3A_995 = arith.constant 224 : index
          %swap3A_996 = tpu.vector_load %arg8[%swap3A_995] {strides = array<i32>} : memref<384xi32, #tpu.memory_space<vmem>>, vector<16xi32>,
          %swap3A_997 = vector.shape_cast %swap3A_996 : vector<16xi32> to vector<16xi32>
          %swap3A_998 = vector.shape_cast %get3A_994 : vector<16xi32> to vector<16xi32>
          tpu.vector_store %arg8[%swap3A_995], %swap3A_998 {strides = array<i32>} : memref<384xi32, #tpu.memory_space<vmem>>, vector<16xi32>,
          %get3A_999 = arith.index_cast %add3A_990 : i32 to index
          %get3A_1000 = arith.constant 16 : index
          %get3A_1001 = tpu.vector_load %arg6[%get3A_999, %get3A_1000] {strides = array<i32>} : memref<64x32xi32, #tpu.memory_space<vmem>>, vector<1x16xi32>,
          %get3A_1002 = vector.shape_cast %get3A_1001 : vector<1x16xi32> to vector<16xi32>
          %swap3A_1003 = arith.constant 240 : index
          %swap3A_1004 = tpu.vector_load %arg8[%swap3A_1003] {strides = array<i32>} : memref<384xi32, #tpu.memory_space<vmem>>, vector<16xi32>,
          %swap3A_1005 = vector.shape_cast %swap3A_1004 : vector<16xi32> to vector<16xi32>
          %swap3A_1006 = vector.shape_cast %get3A_1002 : vector<16xi32> to vector<16xi32>
          tpu.vector_store %arg8[%swap3A_1003], %swap3A_1006 {strides = array<i32>} : memref<384xi32, #tpu.memory_space<vmem>>, vector<16xi32>,
          %dma_start3A_1007 = arith.constant 128 : i32
          %dma_start3A_1008 = arith.constant 0 : i32
          %dma_start3A_1009 = tpu.memref_slice %arg9[%dma_start3A_1007, %dma_start3A_1008] : memref<384x256xf32, #tpu.memory_space<vmem>> -> memref<128x256xf32, #tpu.memory_space<vmem>>
          %dma_start3A_1010 = arith.constant 128 : i32
          %dma_start3A_1011 = tpu.memref_slice %arg8[%dma_start3A_1010] : memref<384xi32, #tpu.memory_space<vmem>> -> memref<128xi32, #tpu.memory_space<vmem>>
          %dma_start3A_1012 = arith.constant 0 : i32
          %dma_start3A_1013 = arith.constant 0 : i32
          %dma_start3A_1014 = tpu.memref_slice %arg4[%dma_start3A_1012, %dma_start3A_1013] : memref<100000x256xf32, #tpu.memory_space<hbm>> -> memref<100000x256xf32, #tpu.memory_space<hbm>>
          tpu.enqueue_indirect_dma source(%dma_start3A_1014 : memref<100000x256xf32, #tpu.memory_space<hbm>>) target(%dma_start3A_1009 : memref<128x256xf32, #tpu.memory_space<vmem>>) offsets(%dma_start3A_1011 : memref<128xi32, #tpu.memory_space<vmem>>) semaphore(%arg14 : memref<!tpu.dma_semaphore, #tpu.memory_space<semaphore_mem>>)
        } else {
        }
        %eq3A_850 = arith.constant 1 : i32
        %eq3A_851 = arith.cmpi eq, %select_n3A_844, %eq3A_850 : i32
        %convert_element_type3A_852 = arith.extui %eq3A_851 : i1 to i32
        %cond3A_853 = arith.constant 0 : i32
        %cond3A_854 = arith.cmpi ne, %convert_element_type3A_852, %cond3A_853 : i32
        scf.if %cond3A_854 {
          %jit3A_855 = arith.constant 8 : i32
          %eq3A_856 = arith.constant 0 : i32
          %eq3A_857 = arith.cmpi eq, %jit3A_855, %eq3A_856 : i32
          %jit3A_858 = arith.constant 1 : i32
          %select_n3A_859 = arith.select %eq3A_857, %jit3A_858, %jit3A_855 : i32
          %rem3A_860 = arith.remsi %sub3A_690, %select_n3A_859 : i32
          %ne3A_861 = arith.constant 0 : i32
          %ne3A_862 = arith.cmpi ne, %rem3A_860, %ne3A_861 : i32
          %lt3A_863 = arith.constant 0 : i32
          %lt3A_864 = arith.cmpi slt, %rem3A_860, %lt3A_863 : i32
          %lt3A_865 = arith.constant 0 : i32
          %lt3A_866 = arith.cmpi slt, %select_n3A_859, %lt3A_865 : i32
          %ne3A_867 = arith.xori %lt3A_864, %lt3A_866 : i1
          %and3A_868 = arith.andi %ne3A_867, %ne3A_862 : i1
          %add3A_869 = arith.addi %rem3A_860, %select_n3A_859 : i32
          %select_n3A_870 = arith.select %and3A_868, %add3A_869, %rem3A_860 : i32
          %mul3A_871 = arith.constant 4 : i32
          %mul3A_872 = arith.muli %select_n3A_870, %mul3A_871 : i32
          %add3A_873 = arith.constant 32 : i32
          %add3A_874 = arith.addi %add3A_873, %mul3A_872 : i32
          %add3A_875 = arith.constant 0 : i32
          %add3A_876 = arith.addi %add3A_874, %add3A_875 : i32
          %get3A_877 = arith.index_cast %add3A_876 : i32 to index
          %get3A_878 = arith.constant 0 : index
          %get3A_879 = tpu.vector_load %arg6[%get3A_877, %get3A_878] {strides = array<i32>} : memref<64x32xi32, #tpu.memory_space<vmem>>, vector<1x16xi32>,
          %get3A_880 = vector.shape_cast %get3A_879 : vector<1x16xi32> to vector<16xi32>
          %swap3A_881 = arith.constant 128 : index
          %swap3A_882 = tpu.vector_load %arg8[%swap3A_881] {strides = array<i32>} : memref<384xi32, #tpu.memory_space<vmem>>, vector<16xi32>,
          %swap3A_883 = vector.shape_cast %swap3A_882 : vector<16xi32> to vector<16xi32>
          %swap3A_884 = vector.shape_cast %get3A_880 : vector<16xi32> to vector<16xi32>
          tpu.vector_store %arg8[%swap3A_881], %swap3A_884 {strides = array<i32>} : memref<384xi32, #tpu.memory_space<vmem>>, vector<16xi32>,
          %get3A_885 = arith.index_cast %add3A_876 : i32 to index
          %get3A_886 = arith.constant 16 : index
          %get3A_887 = tpu.vector_load %arg6[%get3A_885, %get3A_886] {strides = array<i32>} : memref<64x32xi32, #tpu.memory_space<vmem>>, vector<1x16xi32>,
          %get3A_888 = vector.shape_cast %get3A_887 : vector<1x16xi32> to vector<16xi32>
          %swap3A_889 = arith.constant 144 : index
          %swap3A_890 = tpu.vector_load %arg8[%swap3A_889] {strides = array<i32>} : memref<384xi32, #tpu.memory_space<vmem>>, vector<16xi32>,
          %swap3A_891 = vector.shape_cast %swap3A_890 : vector<16xi32> to vector<16xi32>
          %swap3A_892 = vector.shape_cast %get3A_888 : vector<16xi32> to vector<16xi32>
          tpu.vector_store %arg8[%swap3A_889], %swap3A_892 {strides = array<i32>} : memref<384xi32, #tpu.memory_space<vmem>>, vector<16xi32>,
          %jit3A_893 = arith.constant 8 : i32
          %eq3A_894 = arith.constant 0 : i32
          %eq3A_895 = arith.cmpi eq, %jit3A_893, %eq3A_894 : i32
          %jit3A_896 = arith.constant 1 : i32
          %select_n3A_897 = arith.select %eq3A_895, %jit3A_896, %jit3A_893 : i32
          %rem3A_898 = arith.remsi %sub3A_690, %select_n3A_897 : i32
          %ne3A_899 = arith.constant 0 : i32
          %ne3A_900 = arith.cmpi ne, %rem3A_898, %ne3A_899 : i32
          %lt3A_901 = arith.constant 0 : i32
          %lt3A_902 = arith.cmpi slt, %rem3A_898, %lt3A_901 : i32
          %lt3A_903 = arith.constant 0 : i32
          %lt3A_904 = arith.cmpi slt, %select_n3A_897, %lt3A_903 : i32
          %ne3A_905 = arith.xori %lt3A_902, %lt3A_904 : i1
          %and3A_906 = arith.andi %ne3A_905, %ne3A_900 : i1
          %add3A_907 = arith.addi %rem3A_898, %select_n3A_897 : i32
          %select_n3A_908 = arith.select %and3A_906, %add3A_907, %rem3A_898 : i32
          %mul3A_909 = arith.constant 4 : i32
          %mul3A_910 = arith.muli %select_n3A_908, %mul3A_909 : i32
          %add3A_911 = arith.constant 32 : i32
          %add3A_912 = arith.addi %add3A_911, %mul3A_910 : i32
          %add3A_913 = arith.constant 1 : i32
          %add3A_914 = arith.addi %add3A_912, %add3A_913 : i32
          %get3A_915 = arith.index_cast %add3A_914 : i32 to index
          %get3A_916 = arith.constant 0 : index
          %get3A_917 = tpu.vector_load %arg6[%get3A_915, %get3A_916] {strides = array<i32>} : memref<64x32xi32, #tpu.memory_space<vmem>>, vector<1x16xi32>,
          %get3A_918 = vector.shape_cast %get3A_917 : vector<1x16xi32> to vector<16xi32>
          %swap3A_919 = arith.constant 160 : index
          %swap3A_920 = tpu.vector_load %arg8[%swap3A_919] {strides = array<i32>} : memref<384xi32, #tpu.memory_space<vmem>>, vector<16xi32>,
          %swap3A_921 = vector.shape_cast %swap3A_920 : vector<16xi32> to vector<16xi32>
          %swap3A_922 = vector.shape_cast %get3A_918 : vector<16xi32> to vector<16xi32>
          tpu.vector_store %arg8[%swap3A_919], %swap3A_922 {strides = array<i32>} : memref<384xi32, #tpu.memory_space<vmem>>, vector<16xi32>,
          %get3A_923 = arith.index_cast %add3A_914 : i32 to index
          %get3A_924 = arith.constant 16 : index
          %get3A_925 = tpu.vector_load %arg6[%get3A_923, %get3A_924] {strides = array<i32>} : memref<64x32xi32, #tpu.memory_space<vmem>>, vector<1x16xi32>,
          %get3A_926 = vector.shape_cast %get3A_925 : vector<1x16xi32> to vector<16xi32>
          %swap3A_927 = arith.constant 176 : index
          %swap3A_928 = tpu.vector_load %arg8[%swap3A_927] {strides = array<i32>} : memref<384xi32, #tpu.memory_space<vmem>>, vector<16xi32>,
          %swap3A_929 = vector.shape_cast %swap3A_928 : vector<16xi32> to vector<16xi32>
          %swap3A_930 = vector.shape_cast %get3A_926 : vector<16xi32> to vector<16xi32>
          tpu.vector_store %arg8[%swap3A_927], %swap3A_930 {strides = array<i32>} : memref<384xi32, #tpu.memory_space<vmem>>, vector<16xi32>,
          %jit3A_931 = arith.constant 8 : i32
          %eq3A_932 = arith.constant 0 : i32
          %eq3A_933 = arith.cmpi eq, %jit3A_931, %eq3A_932 : i32
          %jit3A_934 = arith.constant 1 : i32
          %select_n3A_935 = arith.select %eq3A_933, %jit3A_934, %jit3A_931 : i32
          %rem3A_936 = arith.remsi %sub3A_690, %select_n3A_935 : i32
          %ne3A_937 = arith.constant 0 : i32
          %ne3A_938 = arith.cmpi ne, %rem3A_936, %ne3A_937 : i32
          %lt3A_939 = arith.constant 0 : i32
          %lt3A_940 = arith.cmpi slt, %rem3A_936, %lt3A_939 : i32
          %lt3A_941 = arith.constant 0 : i32
          %lt3A_942 = arith.cmpi slt, %select_n3A_935, %lt3A_941 : i32
          %ne3A_943 = arith.xori %lt3A_940, %lt3A_942 : i1
          %and3A_944 = arith.andi %ne3A_943, %ne3A_938 : i1
          %add3A_945 = arith.addi %rem3A_936, %select_n3A_935 : i32
          %select_n3A_946 = arith.select %and3A_944, %add3A_945, %rem3A_936 : i32
          %mul3A_947 = arith.constant 4 : i32
          %mul3A_948 = arith.muli %select_n3A_946, %mul3A_947 : i32
          %add3A_949 = arith.constant 32 : i32
          %add3A_950 = arith.addi %add3A_949, %mul3A_948 : i32
          %add3A_951 = arith.constant 2 : i32
          %add3A_952 = arith.addi %add3A_950, %add3A_951 : i32
          %get3A_953 = arith.index_cast %add3A_952 : i32 to index
          %get3A_954 = arith.constant 0 : index
          %get3A_955 = tpu.vector_load %arg6[%get3A_953, %get3A_954] {strides = array<i32>} : memref<64x32xi32, #tpu.memory_space<vmem>>, vector<1x16xi32>,
          %get3A_956 = vector.shape_cast %get3A_955 : vector<1x16xi32> to vector<16xi32>
          %swap3A_957 = arith.constant 192 : index
          %swap3A_958 = tpu.vector_load %arg8[%swap3A_957] {strides = array<i32>} : memref<384xi32, #tpu.memory_space<vmem>>, vector<16xi32>,
          %swap3A_959 = vector.shape_cast %swap3A_958 : vector<16xi32> to vector<16xi32>
          %swap3A_960 = vector.shape_cast %get3A_956 : vector<16xi32> to vector<16xi32>
          tpu.vector_store %arg8[%swap3A_957], %swap3A_960 {strides = array<i32>} : memref<384xi32, #tpu.memory_space<vmem>>, vector<16xi32>,
          %get3A_961 = arith.index_cast %add3A_952 : i32 to index
          %get3A_962 = arith.constant 16 : index
          %get3A_963 = tpu.vector_load %arg6[%get3A_961, %get3A_962] {strides = array<i32>} : memref<64x32xi32, #tpu.memory_space<vmem>>, vector<1x16xi32>,
          %get3A_964 = vector.shape_cast %get3A_963 : vector<1x16xi32> to vector<16xi32>
          %swap3A_965 = arith.constant 208 : index
          %swap3A_966 = tpu.vector_load %arg8[%swap3A_965] {strides = array<i32>} : memref<384xi32, #tpu.memory_space<vmem>>, vector<16xi32>,
          %swap3A_967 = vector.shape_cast %swap3A_966 : vector<16xi32> to vector<16xi32>
          %swap3A_968 = vector.shape_cast %get3A_964 : vector<16xi32> to vector<16xi32>
          tpu.vector_store %arg8[%swap3A_965], %swap3A_968 {strides = array<i32>} : memref<384xi32, #tpu.memory_space<vmem>>, vector<16xi32>,
          %jit3A_969 = arith.constant 8 : i32
          %eq3A_970 = arith.constant 0 : i32
          %eq3A_971 = arith.cmpi eq, %jit3A_969, %eq3A_970 : i32
          %jit3A_972 = arith.constant 1 : i32
          %select_n3A_973 = arith.select %eq3A_971, %jit3A_972, %jit3A_969 : i32
          %rem3A_974 = arith.remsi %sub3A_690, %select_n3A_973 : i32
          %ne3A_975 = arith.constant 0 : i32
          %ne3A_976 = arith.cmpi ne, %rem3A_974, %ne3A_975 : i32
          %lt3A_977 = arith.constant 0 : i32
          %lt3A_978 = arith.cmpi slt, %rem3A_974, %lt3A_977 : i32
          %lt3A_979 = arith.constant 0 : i32
          %lt3A_980 = arith.cmpi slt, %select_n3A_973, %lt3A_979 : i32
          %ne3A_981 = arith.xori %lt3A_978, %lt3A_980 : i1
          %and3A_982 = arith.andi %ne3A_981, %ne3A_976 : i1
          %add3A_983 = arith.addi %rem3A_974, %select_n3A_973 : i32
          %select_n3A_984 = arith.select %and3A_982, %add3A_983, %rem3A_974 : i32
          %mul3A_985 = arith.constant 4 : i32
          %mul3A_986 = arith.muli %select_n3A_984, %mul3A_985 : i32
          %add3A_987 = arith.constant 32 : i32
          %add3A_988 = arith.addi %add3A_987, %mul3A_986 : i32
          %add3A_989 = arith.constant 3 : i32
          %add3A_990 = arith.addi %add3A_988, %add3A_989 : i32
          %get3A_991 = arith.index_cast %add3A_990 : i32 to index
          %get3A_992 = arith.constant 0 : index
          %get3A_993 = tpu.vector_load %arg6[%get3A_991, %get3A_992] {strides = array<i32>} : memref<64x32xi32, #tpu.memory_space<vmem>>, vector<1x16xi32>,
          %get3A_994 = vector.shape_cast %get3A_993 : vector<1x16xi32> to vector<16xi32>
          %swap3A_995 = arith.constant 224 : index
          %swap3A_996 = tpu.vector_load %arg8[%swap3A_995] {strides = array<i32>} : memref<384xi32, #tpu.memory_space<vmem>>, vector<16xi32>,
          %swap3A_997 = vector.shape_cast %swap3A_996 : vector<16xi32> to vector<16xi32>
          %swap3A_998 = vector.shape_cast %get3A_994 : vector<16xi32> to vector<16xi32>
          tpu.vector_store %arg8[%swap3A_995], %swap3A_998 {strides = array<i32>} : memref<384xi32, #tpu.memory_space<vmem>>, vector<16xi32>,
          %get3A_999 = arith.index_cast %add3A_990 : i32 to index
          %get3A_1000 = arith.constant 16 : index
          %get3A_1001 = tpu.vector_load %arg6[%get3A_999, %get3A_1000] {strides = array<i32>} : memref<64x32xi32, #tpu.memory_space<vmem>>, vector<1x16xi32>,
          %get3A_1002 = vector.shape_cast %get3A_1001 : vector<1x16xi32> to vector<16xi32>
          %swap3A_1003 = arith.constant 240 : index
          %swap3A_1004 = tpu.vector_load %arg8[%swap3A_1003] {strides = array<i32>} : memref<384xi32, #tpu.memory_space<vmem>>, vector<16xi32>,
          %swap3A_1005 = vector.shape_cast %swap3A_1004 : vector<16xi32> to vector<16xi32>
          %swap3A_1006 = vector.shape_cast %get3A_1002 : vector<16xi32> to vector<16xi32>
          tpu.vector_store %arg8[%swap3A_1003], %swap3A_1006 {strides = array<i32>} : memref<384xi32, #tpu.memory_space<vmem>>, vector<16xi32>,
          %dma_start3A_1007 = arith.constant 128 : i32
          %dma_start3A_1008 = arith.constant 0 : i32
          %dma_start3A_1009 = tpu.memref_slice %arg9[%dma_start3A_1007, %dma_start3A_1008] : memref<384x256xf32, #tpu.memory_space<vmem>> -> memref<128x256xf32, #tpu.memory_space<vmem>>
          %dma_start3A_1010 = arith.constant 128 : i32
          %dma_start3A_1011 = tpu.memref_slice %arg8[%dma_start3A_1010] : memref<384xi32, #tpu.memory_space<vmem>> -> memref<128xi32, #tpu.memory_space<vmem>>
          %dma_start3A_1012 = arith.constant 0 : i32
          %dma_start3A_1013 = arith.constant 0 : i32
          %dma_start3A_1014 = tpu.memref_slice %arg4[%dma_start3A_1012, %dma_start3A_1013] : memref<100000x256xf32, #tpu.memory_space<hbm>> -> memref<100000x256xf32, #tpu.memory_space<hbm>>
          tpu.enqueue_indirect_dma source(%dma_start3A_1014 : memref<100000x256xf32, #tpu.memory_space<hbm>>) target(%dma_start3A_1009 : memref<128x256xf32, #tpu.memory_space<vmem>>) offsets(%dma_start3A_1011 : memref<128xi32, #tpu.memory_space<vmem>>) semaphore(%arg14 : memref<!tpu.dma_semaphore, #tpu.memory_space<semaphore_mem>>)
        } else {
        }
      } else {
      }
      %not3A_720 = arith.constant true
      %not3A_721 = arith.xori %lt3A_674, %not3A_720 : i1
      %convert_element_type3A_722 = arith.extui %not3A_721 : i1 to i32
      %cond3A_723 = arith.constant 0 : i32
      %cond3A_724 = arith.cmpi ne, %convert_element_type3A_722, %cond3A_723 : i32
      scf.if %cond3A_724 {
        %dma_wait3A_805 = arith.constant 8 : i32
        %dma_wait3A_806 = arith.constant 0 : i32
        %dma_wait3A_807 = tpu.memref_slice %arg10[%dma_wait3A_805, %dma_wait3A_806] : memref<12x256xf32, #tpu.memory_space<vmem>> -> memref<4x256xf32, #tpu.memory_space<vmem>>
        %dma_wait3A_808 = arith.constant 0 : i32
        %dma_wait3A_809 = arith.constant 0 : i32
        %dma_wait3A_810 = tpu.memref_slice %arg5[%dma_wait3A_808, %dma_wait3A_809] : memref<32768x256xf32, #tpu.memory_space<hbm>> -> memref<4x256xf32, #tpu.memory_space<hbm>>
        %dma_wait3A_811 = arith.constant 0 : i32
        %dma_wait3A_812 = arith.constant 0 : i32
        %dma_wait3A_813 = tpu.memref_slice %arg5[%dma_wait3A_811, %dma_wait3A_812] : memref<32768x256xf32, #tpu.memory_space<hbm>> -> memref<4x256xf32, #tpu.memory_space<hbm>>
        %dma_wait3A_814 = arith.constant 8 : i32
        %dma_wait3A_815 = arith.constant 0 : i32
        %dma_wait3A_816 = tpu.memref_slice %arg10[%dma_wait3A_814, %dma_wait3A_815] : memref<12x256xf32, #tpu.memory_space<vmem>> -> memref<4x256xf32, #tpu.memory_space<vmem>>
        tpu.wait_dma2 semaphore(%arg18 : memref<!tpu.dma_semaphore, #tpu.memory_space<semaphore_mem>>) src(%dma_wait3A_816 : memref<4x256xf32, #tpu.memory_space<vmem>>) dst(%dma_wait3A_813 : memref<4x256xf32, #tpu.memory_space<hbm>>)
      } else {
      }
      %jit3A_725 = arith.constant 8 : i32
      %div3A_726 = arith.divsi %add3A_672, %jit3A_725 : i32
      %sign3A_727 = arith.constant 0 : i32
      %sign3A_728 = arith.cmpi sgt, %add3A_672, %sign3A_727 : i32
      %sign3A_729 = arith.extui %sign3A_728 : i1 to i32
      %sign3A_730 = arith.constant 0 : i32
      %sign3A_731 = arith.cmpi slt, %add3A_672, %sign3A_730 : i32
      %sign3A_732 = arith.extui %sign3A_731 : i1 to i32
      %sign3A_733 = arith.subi %sign3A_729, %sign3A_732 : i32
      %sign3A_734 = arith.constant 0 : i32
      %sign3A_735 = arith.cmpi sgt, %jit3A_725, %sign3A_734 : i32
      %sign3A_736 = arith.extui %sign3A_735 : i1 to i32
      %sign3A_737 = arith.constant 0 : i32
      %sign3A_738 = arith.cmpi slt, %jit3A_725, %sign3A_737 : i32
      %sign3A_739 = arith.extui %sign3A_738 : i1 to i32
      %sign3A_740 = arith.subi %sign3A_736, %sign3A_739 : i32
      %ne3A_741 = arith.cmpi ne, %sign3A_733, %sign3A_740 : i32
      %rem3A_742 = arith.remsi %add3A_672, %jit3A_725 : i32
      %ne3A_743 = arith.constant 0 : i32
      %ne3A_744 = arith.cmpi ne, %rem3A_742, %ne3A_743 : i32
      %and3A_745 = arith.andi %ne3A_741, %ne3A_744 : i1
      %sub3A_746 = arith.constant 1 : i32
      %sub3A_747 = arith.subi %div3A_726, %sub3A_746 : i32
      %select_n3A_748 = arith.select %and3A_745, %sub3A_747, %div3A_726 : i32
      %jit3A_749 = arith.constant 2 : i32
      %eq3A_750 = arith.constant 0 : i32
      %eq3A_751 = arith.cmpi eq, %jit3A_749, %eq3A_750 : i32
      %jit3A_752 = arith.constant 1 : i32
      %select_n3A_753 = arith.select %eq3A_751, %jit3A_752, %jit3A_749 : i32
      %rem3A_754 = arith.remsi %select_n3A_748, %select_n3A_753 : i32
      %ne3A_755 = arith.constant 0 : i32
      %ne3A_756 = arith.cmpi ne, %rem3A_754, %ne3A_755 : i32
      %lt3A_757 = arith.constant 0 : i32
      %lt3A_758 = arith.cmpi slt, %rem3A_754, %lt3A_757 : i32
      %lt3A_759 = arith.constant 0 : i32
      %lt3A_760 = arith.cmpi slt, %select_n3A_753, %lt3A_759 : i32
      %ne3A_761 = arith.xori %lt3A_758, %lt3A_760 : i1
      %and3A_762 = arith.andi %ne3A_761, %ne3A_756 : i1
      %add3A_763 = arith.addi %rem3A_754, %select_n3A_753 : i32
      %select_n3A_764 = arith.select %and3A_762, %add3A_763, %rem3A_754 : i32
      %scan3A_765 = arith.constant 0 : i32
      %scan3A_766 = arith.constant 0 : i32
      %scan3A_767 = arith.constant 4 : i32
      %scan3A_768 = arith.addi %scan3A_766, %scan3A_767 : i32
      %scan3A_769 = arith.constant 1 : i32
      scf.for %scan3A_805 = %scan3A_766 to %scan3A_768 step %scan3A_769  : i32 {
        %mul3A_806 = arith.constant 32 : i32
        %mul3A_807 = arith.muli %select_n3A_764, %mul3A_806 : i32
        %jit3A_808 = arith.constant 8 : i32
        %eq3A_809 = arith.constant 0 : i32
        %eq3A_810 = arith.cmpi eq, %jit3A_808, %eq3A_809 : i32
        %jit3A_811 = arith.constant 1 : i32
        %select_n3A_812 = arith.select %eq3A_810, %jit3A_811, %jit3A_808 : i32
        %rem3A_813 = arith.remsi %add3A_672, %select_n3A_812 : i32
        %ne3A_814 = arith.constant 0 : i32
        %ne3A_815 = arith.cmpi ne, %rem3A_813, %ne3A_814 : i32
        %lt3A_816 = arith.constant 0 : i32
        %lt3A_817 = arith.cmpi slt, %rem3A_813, %lt3A_816 : i32
        %lt3A_818 = arith.constant 0 : i32
        %lt3A_819 = arith.cmpi slt, %select_n3A_812, %lt3A_818 : i32
        %ne3A_820 = arith.xori %lt3A_817, %lt3A_819 : i1
        %and3A_821 = arith.andi %ne3A_820, %ne3A_815 : i1
        %add3A_822 = arith.addi %rem3A_813, %select_n3A_812 : i32
        %select_n3A_823 = arith.select %and3A_821, %add3A_822, %rem3A_813 : i32
        %mul3A_824 = arith.constant 4 : i32
        %mul3A_825 = arith.muli %select_n3A_823, %mul3A_824 : i32
        %add3A_826 = arith.addi %mul3A_807, %mul3A_825 : i32
        %add3A_827 = arith.addi %add3A_826, %scan3A_805 : i32
        %get3A_828 = arith.index_cast %add3A_827 : i32 to index
        %get3A_829 = arith.constant 0 : index
        %get3A_830 = tpu.vector_load %arg7[%get3A_828, %get3A_829] {strides = array<i32>} : memref<64x32xf32, #tpu.memory_space<vmem>>, vector<1x16xf32>,
        %get3A_831 = vector.shape_cast %get3A_830 : vector<1x16xf32> to vector<16xf32>
        %get3A_832 = arith.index_cast %add3A_827 : i32 to index
        %get3A_833 = arith.constant 16 : index
        %get3A_834 = tpu.vector_load %arg7[%get3A_832, %get3A_833] {strides = array<i32>} : memref<64x32xf32, #tpu.memory_space<vmem>>, vector<1x16xf32>,
        %get3A_835 = vector.shape_cast %get3A_834 : vector<1x16xf32> to vector<16xf32>
        %mul3A_836 = arith.constant 32 : i32
        %mul3A_837 = arith.muli %scan3A_805, %mul3A_836 : i32
        %add3A_838 = arith.constant 256 : i32
        %add3A_839 = arith.addi %add3A_838, %mul3A_837 : i32
        %scan3A_840 = arith.constant 0 : i32
        %scan3A_841 = arith.constant 0 : i32
        %scan3A_842 = arith.constant 16 : i32
        %scan3A_843 = arith.addi %scan3A_841, %scan3A_842 : i32
        %scan3A_844 = arith.constant 1 : i32
        scf.for %scan3A_846 = %scan3A_841 to %scan3A_843 step %scan3A_844  : i32 {
          %mul3A_847 = arith.constant 16 : i32
          %mul3A_848 = arith.muli %scan3A_846, %mul3A_847 : i32
          %multiple_of3A = tpu.assume_multiple %mul3A_848, 16 : i32
          %broadcast_in_dim3A = arith.constant 0.000000e+00 : f32
          %broadcast_in_dim3A_849 = vector.broadcast %broadcast_in_dim3A : f32 to vector<16xf32>
          %broadcast_in_dim3A_850 = arith.constant 0.000000e+00 : f32
          %broadcast_in_dim3A_851 = vector.broadcast %broadcast_in_dim3A_850 : f32 to vector<16xf32>
          %broadcast_in_dim3A_852 = arith.constant 0.000000e+00 : f32
          %broadcast_in_dim3A_853 = vector.broadcast %broadcast_in_dim3A_852 : f32 to vector<16xf32>
          %broadcast_in_dim3A_854 = arith.constant 0.000000e+00 : f32
          %broadcast_in_dim3A_855 = vector.broadcast %broadcast_in_dim3A_854 : f32 to vector<16xf32>
          %slice3A = vector.extract_strided_slice %get3A_831 {offsets = [0], sizes = [1], strides = [1]} : vector<16xf32> to vector<1xf32>
          %squeeze3A = vector.extract %slice3A[0] : f32 from vector<1xf32>
          %add3A_856 = arith.constant 0 : i32
          %add3A_857 = arith.addi %add3A_839, %add3A_856 : i32
          %get3A_858 = arith.index_cast %add3A_857 : i32 to index
          %get3A_859 = arith.index_cast %multiple_of3A : i32 to index
          %get3A_860 = tpu.vector_load %arg9[%get3A_858, %get3A_859] {strides = array<i32>} : memref<384x256xf32, #tpu.memory_space<vmem>>, vector<1x16xf32>,
          %get3A_861 = vector.shape_cast %get3A_860 : vector<1x16xf32> to vector<16xf32>
          %mul3A_862 = vector.broadcast %squeeze3A : f32 to vector<16xf32>
          %mul3A_863 = arith.mulf %get3A_861, %mul3A_862 : vector<16xf32>
          %add3A_864 = arith.addf %broadcast_in_dim3A_849, %mul3A_863 : vector<16xf32>
          %slice3A_865 = vector.extract_strided_slice %get3A_831 {offsets = [1], sizes = [1], strides = [1]} : vector<16xf32> to vector<1xf32>
          %squeeze3A_866 = vector.extract %slice3A_865[0] : f32 from vector<1xf32>
          %add3A_867 = arith.constant 1 : i32
          %add3A_868 = arith.addi %add3A_839, %add3A_867 : i32
          %get3A_869 = arith.index_cast %add3A_868 : i32 to index
          %get3A_870 = arith.index_cast %multiple_of3A : i32 to index
          %get3A_871 = tpu.vector_load %arg9[%get3A_869, %get3A_870] {strides = array<i32>} : memref<384x256xf32, #tpu.memory_space<vmem>>, vector<1x16xf32>,
          %get3A_872 = vector.shape_cast %get3A_871 : vector<1x16xf32> to vector<16xf32>
          %mul3A_873 = vector.broadcast %squeeze3A_866 : f32 to vector<16xf32>
          %mul3A_874 = arith.mulf %get3A_872, %mul3A_873 : vector<16xf32>
          %add3A_875 = arith.addf %broadcast_in_dim3A_851, %mul3A_874 : vector<16xf32>
          %slice3A_876 = vector.extract_strided_slice %get3A_831 {offsets = [2], sizes = [1], strides = [1]} : vector<16xf32> to vector<1xf32>
          %squeeze3A_877 = vector.extract %slice3A_876[0] : f32 from vector<1xf32>
          %add3A_878 = arith.constant 2 : i32
          %add3A_879 = arith.addi %add3A_839, %add3A_878 : i32
          %get3A_880 = arith.index_cast %add3A_879 : i32 to index
          %get3A_881 = arith.index_cast %multiple_of3A : i32 to index
          %get3A_882 = tpu.vector_load %arg9[%get3A_880, %get3A_881] {strides = array<i32>} : memref<384x256xf32, #tpu.memory_space<vmem>>, vector<1x16xf32>,
          %get3A_883 = vector.shape_cast %get3A_882 : vector<1x16xf32> to vector<16xf32>
          %mul3A_884 = vector.broadcast %squeeze3A_877 : f32 to vector<16xf32>
          %mul3A_885 = arith.mulf %get3A_883, %mul3A_884 : vector<16xf32>
          %add3A_886 = arith.addf %broadcast_in_dim3A_853, %mul3A_885 : vector<16xf32>
          %slice3A_887 = vector.extract_strided_slice %get3A_831 {offsets = [3], sizes = [1], strides = [1]} : vector<16xf32> to vector<1xf32>
          %squeeze3A_888 = vector.extract %slice3A_887[0] : f32 from vector<1xf32>
          %add3A_889 = arith.constant 3 : i32
          %add3A_890 = arith.addi %add3A_839, %add3A_889 : i32
          %get3A_891 = arith.index_cast %add3A_890 : i32 to index
          %get3A_892 = arith.index_cast %multiple_of3A : i32 to index
          %get3A_893 = tpu.vector_load %arg9[%get3A_891, %get3A_892] {strides = array<i32>} : memref<384x256xf32, #tpu.memory_space<vmem>>, vector<1x16xf32>,
          %get3A_894 = vector.shape_cast %get3A_893 : vector<1x16xf32> to vector<16xf32>
          %mul3A_895 = vector.broadcast %squeeze3A_888 : f32 to vector<16xf32>
          %mul3A_896 = arith.mulf %get3A_894, %mul3A_895 : vector<16xf32>
          %add3A_897 = arith.addf %broadcast_in_dim3A_855, %mul3A_896 : vector<16xf32>
          %slice3A_898 = vector.extract_strided_slice %get3A_831 {offsets = [4], sizes = [1], strides = [1]} : vector<16xf32> to vector<1xf32>
          %squeeze3A_899 = vector.extract %slice3A_898[0] : f32 from vector<1xf32>
          %add3A_900 = arith.constant 4 : i32
          %add3A_901 = arith.addi %add3A_839, %add3A_900 : i32
          %get3A_902 = arith.index_cast %add3A_901 : i32 to index
          %get3A_903 = arith.index_cast %multiple_of3A : i32 to index
          %get3A_904 = tpu.vector_load %arg9[%get3A_902, %get3A_903] {strides = array<i32>} : memref<384x256xf32, #tpu.memory_space<vmem>>, vector<1x16xf32>,
          %get3A_905 = vector.shape_cast %get3A_904 : vector<1x16xf32> to vector<16xf32>
          %mul3A_906 = vector.broadcast %squeeze3A_899 : f32 to vector<16xf32>
          %mul3A_907 = arith.mulf %get3A_905, %mul3A_906 : vector<16xf32>
          %add3A_908 = arith.addf %add3A_864, %mul3A_907 : vector<16xf32>
          %slice3A_909 = vector.extract_strided_slice %get3A_831 {offsets = [5], sizes = [1], strides = [1]} : vector<16xf32> to vector<1xf32>
          %squeeze3A_910 = vector.extract %slice3A_909[0] : f32 from vector<1xf32>
          %add3A_911 = arith.constant 5 : i32
          %add3A_912 = arith.addi %add3A_839, %add3A_911 : i32
          %get3A_913 = arith.index_cast %add3A_912 : i32 to index
          %get3A_914 = arith.index_cast %multiple_of3A : i32 to index
          %get3A_915 = tpu.vector_load %arg9[%get3A_913, %get3A_914] {strides = array<i32>} : memref<384x256xf32, #tpu.memory_space<vmem>>, vector<1x16xf32>,
          %get3A_916 = vector.shape_cast %get3A_915 : vector<1x16xf32> to vector<16xf32>
          %mul3A_917 = vector.broadcast %squeeze3A_910 : f32 to vector<16xf32>
          %mul3A_918 = arith.mulf %get3A_916, %mul3A_917 : vector<16xf32>
          %add3A_919 = arith.addf %add3A_875, %mul3A_918 : vector<16xf32>
          %slice3A_920 = vector.extract_strided_slice %get3A_831 {offsets = [6], sizes = [1], strides = [1]} : vector<16xf32> to vector<1xf32>
          %squeeze3A_921 = vector.extract %slice3A_920[0] : f32 from vector<1xf32>
          %add3A_922 = arith.constant 6 : i32
          %add3A_923 = arith.addi %add3A_839, %add3A_922 : i32
          %get3A_924 = arith.index_cast %add3A_923 : i32 to index
          %get3A_925 = arith.index_cast %multiple_of3A : i32 to index
          %get3A_926 = tpu.vector_load %arg9[%get3A_924, %get3A_925] {strides = array<i32>} : memref<384x256xf32, #tpu.memory_space<vmem>>, vector<1x16xf32>,
          %get3A_927 = vector.shape_cast %get3A_926 : vector<1x16xf32> to vector<16xf32>
          %mul3A_928 = vector.broadcast %squeeze3A_921 : f32 to vector<16xf32>
          %mul3A_929 = arith.mulf %get3A_927, %mul3A_928 : vector<16xf32>
          %add3A_930 = arith.addf %add3A_886, %mul3A_929 : vector<16xf32>
          %slice3A_931 = vector.extract_strided_slice %get3A_831 {offsets = [7], sizes = [1], strides = [1]} : vector<16xf32> to vector<1xf32>
          %squeeze3A_932 = vector.extract %slice3A_931[0] : f32 from vector<1xf32>
          %add3A_933 = arith.constant 7 : i32
          %add3A_934 = arith.addi %add3A_839, %add3A_933 : i32
          %get3A_935 = arith.index_cast %add3A_934 : i32 to index
          %get3A_936 = arith.index_cast %multiple_of3A : i32 to index
          %get3A_937 = tpu.vector_load %arg9[%get3A_935, %get3A_936] {strides = array<i32>} : memref<384x256xf32, #tpu.memory_space<vmem>>, vector<1x16xf32>,
          %get3A_938 = vector.shape_cast %get3A_937 : vector<1x16xf32> to vector<16xf32>
          %mul3A_939 = vector.broadcast %squeeze3A_932 : f32 to vector<16xf32>
          %mul3A_940 = arith.mulf %get3A_938, %mul3A_939 : vector<16xf32>
          %add3A_941 = arith.addf %add3A_897, %mul3A_940 : vector<16xf32>
          %slice3A_942 = vector.extract_strided_slice %get3A_831 {offsets = [8], sizes = [1], strides = [1]} : vector<16xf32> to vector<1xf32>
          %squeeze3A_943 = vector.extract %slice3A_942[0] : f32 from vector<1xf32>
          %add3A_944 = arith.constant 8 : i32
          %add3A_945 = arith.addi %add3A_839, %add3A_944 : i32
          %get3A_946 = arith.index_cast %add3A_945 : i32 to index
          %get3A_947 = arith.index_cast %multiple_of3A : i32 to index
          %get3A_948 = tpu.vector_load %arg9[%get3A_946, %get3A_947] {strides = array<i32>} : memref<384x256xf32, #tpu.memory_space<vmem>>, vector<1x16xf32>,
          %get3A_949 = vector.shape_cast %get3A_948 : vector<1x16xf32> to vector<16xf32>
          %mul3A_950 = vector.broadcast %squeeze3A_943 : f32 to vector<16xf32>
          %mul3A_951 = arith.mulf %get3A_949, %mul3A_950 : vector<16xf32>
          %add3A_952 = arith.addf %add3A_908, %mul3A_951 : vector<16xf32>
          %slice3A_953 = vector.extract_strided_slice %get3A_831 {offsets = [9], sizes = [1], strides = [1]} : vector<16xf32> to vector<1xf32>
          %squeeze3A_954 = vector.extract %slice3A_953[0] : f32 from vector<1xf32>
          %add3A_955 = arith.constant 9 : i32
          %add3A_956 = arith.addi %add3A_839, %add3A_955 : i32
          %get3A_957 = arith.index_cast %add3A_956 : i32 to index
          %get3A_958 = arith.index_cast %multiple_of3A : i32 to index
          %get3A_959 = tpu.vector_load %arg9[%get3A_957, %get3A_958] {strides = array<i32>} : memref<384x256xf32, #tpu.memory_space<vmem>>, vector<1x16xf32>,
          %get3A_960 = vector.shape_cast %get3A_959 : vector<1x16xf32> to vector<16xf32>
          %mul3A_961 = vector.broadcast %squeeze3A_954 : f32 to vector<16xf32>
          %mul3A_962 = arith.mulf %get3A_960, %mul3A_961 : vector<16xf32>
          %add3A_963 = arith.addf %add3A_919, %mul3A_962 : vector<16xf32>
          %slice3A_964 = vector.extract_strided_slice %get3A_831 {offsets = [10], sizes = [1], strides = [1]} : vector<16xf32> to vector<1xf32>
          %squeeze3A_965 = vector.extract %slice3A_964[0] : f32 from vector<1xf32>
          %add3A_966 = arith.constant 10 : i32
          %add3A_967 = arith.addi %add3A_839, %add3A_966 : i32
          %get3A_968 = arith.index_cast %add3A_967 : i32 to index
          %get3A_969 = arith.index_cast %multiple_of3A : i32 to index
          %get3A_970 = tpu.vector_load %arg9[%get3A_968, %get3A_969] {strides = array<i32>} : memref<384x256xf32, #tpu.memory_space<vmem>>, vector<1x16xf32>,
          %get3A_971 = vector.shape_cast %get3A_970 : vector<1x16xf32> to vector<16xf32>
          %mul3A_972 = vector.broadcast %squeeze3A_965 : f32 to vector<16xf32>
          %mul3A_973 = arith.mulf %get3A_971, %mul3A_972 : vector<16xf32>
          %add3A_974 = arith.addf %add3A_930, %mul3A_973 : vector<16xf32>
          %slice3A_975 = vector.extract_strided_slice %get3A_831 {offsets = [11], sizes = [1], strides = [1]} : vector<16xf32> to vector<1xf32>
          %squeeze3A_976 = vector.extract %slice3A_975[0] : f32 from vector<1xf32>
          %add3A_977 = arith.constant 11 : i32
          %add3A_978 = arith.addi %add3A_839, %add3A_977 : i32
          %get3A_979 = arith.index_cast %add3A_978 : i32 to index
          %get3A_980 = arith.index_cast %multiple_of3A : i32 to index
          %get3A_981 = tpu.vector_load %arg9[%get3A_979, %get3A_980] {strides = array<i32>} : memref<384x256xf32, #tpu.memory_space<vmem>>, vector<1x16xf32>,
          %get3A_982 = vector.shape_cast %get3A_981 : vector<1x16xf32> to vector<16xf32>
          %mul3A_983 = vector.broadcast %squeeze3A_976 : f32 to vector<16xf32>
          %mul3A_984 = arith.mulf %get3A_982, %mul3A_983 : vector<16xf32>
          %add3A_985 = arith.addf %add3A_941, %mul3A_984 : vector<16xf32>
          %slice3A_986 = vector.extract_strided_slice %get3A_831 {offsets = [12], sizes = [1], strides = [1]} : vector<16xf32> to vector<1xf32>
          %squeeze3A_987 = vector.extract %slice3A_986[0] : f32 from vector<1xf32>
          %add3A_988 = arith.constant 12 : i32
          %add3A_989 = arith.addi %add3A_839, %add3A_988 : i32
          %get3A_990 = arith.index_cast %add3A_989 : i32 to index
          %get3A_991 = arith.index_cast %multiple_of3A : i32 to index
          %get3A_992 = tpu.vector_load %arg9[%get3A_990, %get3A_991] {strides = array<i32>} : memref<384x256xf32, #tpu.memory_space<vmem>>, vector<1x16xf32>,
          %get3A_993 = vector.shape_cast %get3A_992 : vector<1x16xf32> to vector<16xf32>
          %mul3A_994 = vector.broadcast %squeeze3A_987 : f32 to vector<16xf32>
          %mul3A_995 = arith.mulf %get3A_993, %mul3A_994 : vector<16xf32>
          %add3A_996 = arith.addf %add3A_952, %mul3A_995 : vector<16xf32>
          %slice3A_997 = vector.extract_strided_slice %get3A_831 {offsets = [13], sizes = [1], strides = [1]} : vector<16xf32> to vector<1xf32>
          %squeeze3A_998 = vector.extract %slice3A_997[0] : f32 from vector<1xf32>
          %add3A_999 = arith.constant 13 : i32
          %add3A_1000 = arith.addi %add3A_839, %add3A_999 : i32
          %get3A_1001 = arith.index_cast %add3A_1000 : i32 to index
          %get3A_1002 = arith.index_cast %multiple_of3A : i32 to index
          %get3A_1003 = tpu.vector_load %arg9[%get3A_1001, %get3A_1002] {strides = array<i32>} : memref<384x256xf32, #tpu.memory_space<vmem>>, vector<1x16xf32>,
          %get3A_1004 = vector.shape_cast %get3A_1003 : vector<1x16xf32> to vector<16xf32>
          %mul3A_1005 = vector.broadcast %squeeze3A_998 : f32 to vector<16xf32>
          %mul3A_1006 = arith.mulf %get3A_1004, %mul3A_1005 : vector<16xf32>
          %add3A_1007 = arith.addf %add3A_963, %mul3A_1006 : vector<16xf32>
          %slice3A_1008 = vector.extract_strided_slice %get3A_831 {offsets = [14], sizes = [1], strides = [1]} : vector<16xf32> to vector<1xf32>
          %squeeze3A_1009 = vector.extract %slice3A_1008[0] : f32 from vector<1xf32>
          %add3A_1010 = arith.constant 14 : i32
          %add3A_1011 = arith.addi %add3A_839, %add3A_1010 : i32
          %get3A_1012 = arith.index_cast %add3A_1011 : i32 to index
          %get3A_1013 = arith.index_cast %multiple_of3A : i32 to index
          %get3A_1014 = tpu.vector_load %arg9[%get3A_1012, %get3A_1013] {strides = array<i32>} : memref<384x256xf32, #tpu.memory_space<vmem>>, vector<1x16xf32>,
          %get3A_1015 = vector.shape_cast %get3A_1014 : vector<1x16xf32> to vector<16xf32>
          %mul3A_1016 = vector.broadcast %squeeze3A_1009 : f32 to vector<16xf32>
          %mul3A_1017 = arith.mulf %get3A_1015, %mul3A_1016 : vector<16xf32>
          %add3A_1018 = arith.addf %add3A_974, %mul3A_1017 : vector<16xf32>
          %slice3A_1019 = vector.extract_strided_slice %get3A_831 {offsets = [15], sizes = [1], strides = [1]} : vector<16xf32> to vector<1xf32>
          %squeeze3A_1020 = vector.extract %slice3A_1019[0] : f32 from vector<1xf32>
          %add3A_1021 = arith.constant 15 : i32
          %add3A_1022 = arith.addi %add3A_839, %add3A_1021 : i32
          %get3A_1023 = arith.index_cast %add3A_1022 : i32 to index
          %get3A_1024 = arith.index_cast %multiple_of3A : i32 to index
          %get3A_1025 = tpu.vector_load %arg9[%get3A_1023, %get3A_1024] {strides = array<i32>} : memref<384x256xf32, #tpu.memory_space<vmem>>, vector<1x16xf32>,
          %get3A_1026 = vector.shape_cast %get3A_1025 : vector<1x16xf32> to vector<16xf32>
          %mul3A_1027 = vector.broadcast %squeeze3A_1020 : f32 to vector<16xf32>
          %mul3A_1028 = arith.mulf %get3A_1026, %mul3A_1027 : vector<16xf32>
          %add3A_1029 = arith.addf %add3A_985, %mul3A_1028 : vector<16xf32>
          %slice3A_1030 = vector.extract_strided_slice %get3A_835 {offsets = [0], sizes = [1], strides = [1]} : vector<16xf32> to vector<1xf32>
          %squeeze3A_1031 = vector.extract %slice3A_1030[0] : f32 from vector<1xf32>
          %add3A_1032 = arith.constant 16 : i32
          %add3A_1033 = arith.addi %add3A_839, %add3A_1032 : i32
          %get3A_1034 = arith.index_cast %add3A_1033 : i32 to index
          %get3A_1035 = arith.index_cast %multiple_of3A : i32 to index
          %get3A_1036 = tpu.vector_load %arg9[%get3A_1034, %get3A_1035] {strides = array<i32>} : memref<384x256xf32, #tpu.memory_space<vmem>>, vector<1x16xf32>,
          %get3A_1037 = vector.shape_cast %get3A_1036 : vector<1x16xf32> to vector<16xf32>
          %mul3A_1038 = vector.broadcast %squeeze3A_1031 : f32 to vector<16xf32>
          %mul3A_1039 = arith.mulf %get3A_1037, %mul3A_1038 : vector<16xf32>
          %add3A_1040 = arith.addf %add3A_996, %mul3A_1039 : vector<16xf32>
          %slice3A_1041 = vector.extract_strided_slice %get3A_835 {offsets = [1], sizes = [1], strides = [1]} : vector<16xf32> to vector<1xf32>
          %squeeze3A_1042 = vector.extract %slice3A_1041[0] : f32 from vector<1xf32>
          %add3A_1043 = arith.constant 17 : i32
          %add3A_1044 = arith.addi %add3A_839, %add3A_1043 : i32
          %get3A_1045 = arith.index_cast %add3A_1044 : i32 to index
          %get3A_1046 = arith.index_cast %multiple_of3A : i32 to index
          %get3A_1047 = tpu.vector_load %arg9[%get3A_1045, %get3A_1046] {strides = array<i32>} : memref<384x256xf32, #tpu.memory_space<vmem>>, vector<1x16xf32>,
          %get3A_1048 = vector.shape_cast %get3A_1047 : vector<1x16xf32> to vector<16xf32>
          %mul3A_1049 = vector.broadcast %squeeze3A_1042 : f32 to vector<16xf32>
          %mul3A_1050 = arith.mulf %get3A_1048, %mul3A_1049 : vector<16xf32>
          %add3A_1051 = arith.addf %add3A_1007, %mul3A_1050 : vector<16xf32>
          %slice3A_1052 = vector.extract_strided_slice %get3A_835 {offsets = [2], sizes = [1], strides = [1]} : vector<16xf32> to vector<1xf32>
          %squeeze3A_1053 = vector.extract %slice3A_1052[0] : f32 from vector<1xf32>
          %add3A_1054 = arith.constant 18 : i32
          %add3A_1055 = arith.addi %add3A_839, %add3A_1054 : i32
          %get3A_1056 = arith.index_cast %add3A_1055 : i32 to index
          %get3A_1057 = arith.index_cast %multiple_of3A : i32 to index
          %get3A_1058 = tpu.vector_load %arg9[%get3A_1056, %get3A_1057] {strides = array<i32>} : memref<384x256xf32, #tpu.memory_space<vmem>>, vector<1x16xf32>,
          %get3A_1059 = vector.shape_cast %get3A_1058 : vector<1x16xf32> to vector<16xf32>
          %mul3A_1060 = vector.broadcast %squeeze3A_1053 : f32 to vector<16xf32>
          %mul3A_1061 = arith.mulf %get3A_1059, %mul3A_1060 : vector<16xf32>
          %add3A_1062 = arith.addf %add3A_1018, %mul3A_1061 : vector<16xf32>
          %slice3A_1063 = vector.extract_strided_slice %get3A_835 {offsets = [3], sizes = [1], strides = [1]} : vector<16xf32> to vector<1xf32>
          %squeeze3A_1064 = vector.extract %slice3A_1063[0] : f32 from vector<1xf32>
          %add3A_1065 = arith.constant 19 : i32
          %add3A_1066 = arith.addi %add3A_839, %add3A_1065 : i32
          %get3A_1067 = arith.index_cast %add3A_1066 : i32 to index
          %get3A_1068 = arith.index_cast %multiple_of3A : i32 to index
          %get3A_1069 = tpu.vector_load %arg9[%get3A_1067, %get3A_1068] {strides = array<i32>} : memref<384x256xf32, #tpu.memory_space<vmem>>, vector<1x16xf32>,
          %get3A_1070 = vector.shape_cast %get3A_1069 : vector<1x16xf32> to vector<16xf32>
          %mul3A_1071 = vector.broadcast %squeeze3A_1064 : f32 to vector<16xf32>
          %mul3A_1072 = arith.mulf %get3A_1070, %mul3A_1071 : vector<16xf32>
          %add3A_1073 = arith.addf %add3A_1029, %mul3A_1072 : vector<16xf32>
          %slice3A_1074 = vector.extract_strided_slice %get3A_835 {offsets = [4], sizes = [1], strides = [1]} : vector<16xf32> to vector<1xf32>
          %squeeze3A_1075 = vector.extract %slice3A_1074[0] : f32 from vector<1xf32>
          %add3A_1076 = arith.constant 20 : i32
          %add3A_1077 = arith.addi %add3A_839, %add3A_1076 : i32
          %get3A_1078 = arith.index_cast %add3A_1077 : i32 to index
          %get3A_1079 = arith.index_cast %multiple_of3A : i32 to index
          %get3A_1080 = tpu.vector_load %arg9[%get3A_1078, %get3A_1079] {strides = array<i32>} : memref<384x256xf32, #tpu.memory_space<vmem>>, vector<1x16xf32>,
          %get3A_1081 = vector.shape_cast %get3A_1080 : vector<1x16xf32> to vector<16xf32>
          %mul3A_1082 = vector.broadcast %squeeze3A_1075 : f32 to vector<16xf32>
          %mul3A_1083 = arith.mulf %get3A_1081, %mul3A_1082 : vector<16xf32>
          %add3A_1084 = arith.addf %add3A_1040, %mul3A_1083 : vector<16xf32>
          %slice3A_1085 = vector.extract_strided_slice %get3A_835 {offsets = [5], sizes = [1], strides = [1]} : vector<16xf32> to vector<1xf32>
          %squeeze3A_1086 = vector.extract %slice3A_1085[0] : f32 from vector<1xf32>
          %add3A_1087 = arith.constant 21 : i32
          %add3A_1088 = arith.addi %add3A_839, %add3A_1087 : i32
          %get3A_1089 = arith.index_cast %add3A_1088 : i32 to index
          %get3A_1090 = arith.index_cast %multiple_of3A : i32 to index
          %get3A_1091 = tpu.vector_load %arg9[%get3A_1089, %get3A_1090] {strides = array<i32>} : memref<384x256xf32, #tpu.memory_space<vmem>>, vector<1x16xf32>,
          %get3A_1092 = vector.shape_cast %get3A_1091 : vector<1x16xf32> to vector<16xf32>
          %mul3A_1093 = vector.broadcast %squeeze3A_1086 : f32 to vector<16xf32>
          %mul3A_1094 = arith.mulf %get3A_1092, %mul3A_1093 : vector<16xf32>
          %add3A_1095 = arith.addf %add3A_1051, %mul3A_1094 : vector<16xf32>
          %slice3A_1096 = vector.extract_strided_slice %get3A_835 {offsets = [6], sizes = [1], strides = [1]} : vector<16xf32> to vector<1xf32>
          %squeeze3A_1097 = vector.extract %slice3A_1096[0] : f32 from vector<1xf32>
          %add3A_1098 = arith.constant 22 : i32
          %add3A_1099 = arith.addi %add3A_839, %add3A_1098 : i32
          %get3A_1100 = arith.index_cast %add3A_1099 : i32 to index
          %get3A_1101 = arith.index_cast %multiple_of3A : i32 to index
          %get3A_1102 = tpu.vector_load %arg9[%get3A_1100, %get3A_1101] {strides = array<i32>} : memref<384x256xf32, #tpu.memory_space<vmem>>, vector<1x16xf32>,
          %get3A_1103 = vector.shape_cast %get3A_1102 : vector<1x16xf32> to vector<16xf32>
          %mul3A_1104 = vector.broadcast %squeeze3A_1097 : f32 to vector<16xf32>
          %mul3A_1105 = arith.mulf %get3A_1103, %mul3A_1104 : vector<16xf32>
          %add3A_1106 = arith.addf %add3A_1062, %mul3A_1105 : vector<16xf32>
          %slice3A_1107 = vector.extract_strided_slice %get3A_835 {offsets = [7], sizes = [1], strides = [1]} : vector<16xf32> to vector<1xf32>
          %squeeze3A_1108 = vector.extract %slice3A_1107[0] : f32 from vector<1xf32>
          %add3A_1109 = arith.constant 23 : i32
          %add3A_1110 = arith.addi %add3A_839, %add3A_1109 : i32
          %get3A_1111 = arith.index_cast %add3A_1110 : i32 to index
          %get3A_1112 = arith.index_cast %multiple_of3A : i32 to index
          %get3A_1113 = tpu.vector_load %arg9[%get3A_1111, %get3A_1112] {strides = array<i32>} : memref<384x256xf32, #tpu.memory_space<vmem>>, vector<1x16xf32>,
          %get3A_1114 = vector.shape_cast %get3A_1113 : vector<1x16xf32> to vector<16xf32>
          %mul3A_1115 = vector.broadcast %squeeze3A_1108 : f32 to vector<16xf32>
          %mul3A_1116 = arith.mulf %get3A_1114, %mul3A_1115 : vector<16xf32>
          %add3A_1117 = arith.addf %add3A_1073, %mul3A_1116 : vector<16xf32>
          %slice3A_1118 = vector.extract_strided_slice %get3A_835 {offsets = [8], sizes = [1], strides = [1]} : vector<16xf32> to vector<1xf32>
          %squeeze3A_1119 = vector.extract %slice3A_1118[0] : f32 from vector<1xf32>
          %add3A_1120 = arith.constant 24 : i32
          %add3A_1121 = arith.addi %add3A_839, %add3A_1120 : i32
          %get3A_1122 = arith.index_cast %add3A_1121 : i32 to index
          %get3A_1123 = arith.index_cast %multiple_of3A : i32 to index
          %get3A_1124 = tpu.vector_load %arg9[%get3A_1122, %get3A_1123] {strides = array<i32>} : memref<384x256xf32, #tpu.memory_space<vmem>>, vector<1x16xf32>,
          %get3A_1125 = vector.shape_cast %get3A_1124 : vector<1x16xf32> to vector<16xf32>
          %mul3A_1126 = vector.broadcast %squeeze3A_1119 : f32 to vector<16xf32>
          %mul3A_1127 = arith.mulf %get3A_1125, %mul3A_1126 : vector<16xf32>
          %add3A_1128 = arith.addf %add3A_1084, %mul3A_1127 : vector<16xf32>
          %slice3A_1129 = vector.extract_strided_slice %get3A_835 {offsets = [9], sizes = [1], strides = [1]} : vector<16xf32> to vector<1xf32>
          %squeeze3A_1130 = vector.extract %slice3A_1129[0] : f32 from vector<1xf32>
          %add3A_1131 = arith.constant 25 : i32
          %add3A_1132 = arith.addi %add3A_839, %add3A_1131 : i32
          %get3A_1133 = arith.index_cast %add3A_1132 : i32 to index
          %get3A_1134 = arith.index_cast %multiple_of3A : i32 to index
          %get3A_1135 = tpu.vector_load %arg9[%get3A_1133, %get3A_1134] {strides = array<i32>} : memref<384x256xf32, #tpu.memory_space<vmem>>, vector<1x16xf32>,
          %get3A_1136 = vector.shape_cast %get3A_1135 : vector<1x16xf32> to vector<16xf32>
          %mul3A_1137 = vector.broadcast %squeeze3A_1130 : f32 to vector<16xf32>
          %mul3A_1138 = arith.mulf %get3A_1136, %mul3A_1137 : vector<16xf32>
          %add3A_1139 = arith.addf %add3A_1095, %mul3A_1138 : vector<16xf32>
          %slice3A_1140 = vector.extract_strided_slice %get3A_835 {offsets = [10], sizes = [1], strides = [1]} : vector<16xf32> to vector<1xf32>
          %squeeze3A_1141 = vector.extract %slice3A_1140[0] : f32 from vector<1xf32>
          %add3A_1142 = arith.constant 26 : i32
          %add3A_1143 = arith.addi %add3A_839, %add3A_1142 : i32
          %get3A_1144 = arith.index_cast %add3A_1143 : i32 to index
          %get3A_1145 = arith.index_cast %multiple_of3A : i32 to index
          %get3A_1146 = tpu.vector_load %arg9[%get3A_1144, %get3A_1145] {strides = array<i32>} : memref<384x256xf32, #tpu.memory_space<vmem>>, vector<1x16xf32>,
          %get3A_1147 = vector.shape_cast %get3A_1146 : vector<1x16xf32> to vector<16xf32>
          %mul3A_1148 = vector.broadcast %squeeze3A_1141 : f32 to vector<16xf32>
          %mul3A_1149 = arith.mulf %get3A_1147, %mul3A_1148 : vector<16xf32>
          %add3A_1150 = arith.addf %add3A_1106, %mul3A_1149 : vector<16xf32>
          %slice3A_1151 = vector.extract_strided_slice %get3A_835 {offsets = [11], sizes = [1], strides = [1]} : vector<16xf32> to vector<1xf32>
          %squeeze3A_1152 = vector.extract %slice3A_1151[0] : f32 from vector<1xf32>
          %add3A_1153 = arith.constant 27 : i32
          %add3A_1154 = arith.addi %add3A_839, %add3A_1153 : i32
          %get3A_1155 = arith.index_cast %add3A_1154 : i32 to index
          %get3A_1156 = arith.index_cast %multiple_of3A : i32 to index
          %get3A_1157 = tpu.vector_load %arg9[%get3A_1155, %get3A_1156] {strides = array<i32>} : memref<384x256xf32, #tpu.memory_space<vmem>>, vector<1x16xf32>,
          %get3A_1158 = vector.shape_cast %get3A_1157 : vector<1x16xf32> to vector<16xf32>
          %mul3A_1159 = vector.broadcast %squeeze3A_1152 : f32 to vector<16xf32>
          %mul3A_1160 = arith.mulf %get3A_1158, %mul3A_1159 : vector<16xf32>
          %add3A_1161 = arith.addf %add3A_1117, %mul3A_1160 : vector<16xf32>
          %slice3A_1162 = vector.extract_strided_slice %get3A_835 {offsets = [12], sizes = [1], strides = [1]} : vector<16xf32> to vector<1xf32>
          %squeeze3A_1163 = vector.extract %slice3A_1162[0] : f32 from vector<1xf32>
          %add3A_1164 = arith.constant 28 : i32
          %add3A_1165 = arith.addi %add3A_839, %add3A_1164 : i32
          %get3A_1166 = arith.index_cast %add3A_1165 : i32 to index
          %get3A_1167 = arith.index_cast %multiple_of3A : i32 to index
          %get3A_1168 = tpu.vector_load %arg9[%get3A_1166, %get3A_1167] {strides = array<i32>} : memref<384x256xf32, #tpu.memory_space<vmem>>, vector<1x16xf32>,
          %get3A_1169 = vector.shape_cast %get3A_1168 : vector<1x16xf32> to vector<16xf32>
          %mul3A_1170 = vector.broadcast %squeeze3A_1163 : f32 to vector<16xf32>
          %mul3A_1171 = arith.mulf %get3A_1169, %mul3A_1170 : vector<16xf32>
          %add3A_1172 = arith.addf %add3A_1128, %mul3A_1171 : vector<16xf32>
          %slice3A_1173 = vector.extract_strided_slice %get3A_835 {offsets = [13], sizes = [1], strides = [1]} : vector<16xf32> to vector<1xf32>
          %squeeze3A_1174 = vector.extract %slice3A_1173[0] : f32 from vector<1xf32>
          %add3A_1175 = arith.constant 29 : i32
          %add3A_1176 = arith.addi %add3A_839, %add3A_1175 : i32
          %get3A_1177 = arith.index_cast %add3A_1176 : i32 to index
          %get3A_1178 = arith.index_cast %multiple_of3A : i32 to index
          %get3A_1179 = tpu.vector_load %arg9[%get3A_1177, %get3A_1178] {strides = array<i32>} : memref<384x256xf32, #tpu.memory_space<vmem>>, vector<1x16xf32>,
          %get3A_1180 = vector.shape_cast %get3A_1179 : vector<1x16xf32> to vector<16xf32>
          %mul3A_1181 = vector.broadcast %squeeze3A_1174 : f32 to vector<16xf32>
          %mul3A_1182 = arith.mulf %get3A_1180, %mul3A_1181 : vector<16xf32>
          %add3A_1183 = arith.addf %add3A_1139, %mul3A_1182 : vector<16xf32>
          %slice3A_1184 = vector.extract_strided_slice %get3A_835 {offsets = [14], sizes = [1], strides = [1]} : vector<16xf32> to vector<1xf32>
          %squeeze3A_1185 = vector.extract %slice3A_1184[0] : f32 from vector<1xf32>
          %add3A_1186 = arith.constant 30 : i32
          %add3A_1187 = arith.addi %add3A_839, %add3A_1186 : i32
          %get3A_1188 = arith.index_cast %add3A_1187 : i32 to index
          %get3A_1189 = arith.index_cast %multiple_of3A : i32 to index
          %get3A_1190 = tpu.vector_load %arg9[%get3A_1188, %get3A_1189] {strides = array<i32>} : memref<384x256xf32, #tpu.memory_space<vmem>>, vector<1x16xf32>,
          %get3A_1191 = vector.shape_cast %get3A_1190 : vector<1x16xf32> to vector<16xf32>
          %mul3A_1192 = vector.broadcast %squeeze3A_1185 : f32 to vector<16xf32>
          %mul3A_1193 = arith.mulf %get3A_1191, %mul3A_1192 : vector<16xf32>
          %add3A_1194 = arith.addf %add3A_1150, %mul3A_1193 : vector<16xf32>
          %slice3A_1195 = vector.extract_strided_slice %get3A_835 {offsets = [15], sizes = [1], strides = [1]} : vector<16xf32> to vector<1xf32>
          %squeeze3A_1196 = vector.extract %slice3A_1195[0] : f32 from vector<1xf32>
          %add3A_1197 = arith.constant 31 : i32
          %add3A_1198 = arith.addi %add3A_839, %add3A_1197 : i32
          %get3A_1199 = arith.index_cast %add3A_1198 : i32 to index
          %get3A_1200 = arith.index_cast %multiple_of3A : i32 to index
          %get3A_1201 = tpu.vector_load %arg9[%get3A_1199, %get3A_1200] {strides = array<i32>} : memref<384x256xf32, #tpu.memory_space<vmem>>, vector<1x16xf32>,
          %get3A_1202 = vector.shape_cast %get3A_1201 : vector<1x16xf32> to vector<16xf32>
          %mul3A_1203 = vector.broadcast %squeeze3A_1196 : f32 to vector<16xf32>
          %mul3A_1204 = arith.mulf %get3A_1202, %mul3A_1203 : vector<16xf32>
          %add3A_1205 = arith.addf %add3A_1161, %mul3A_1204 : vector<16xf32>
          %add3A_1206 = arith.addf %add3A_1172, %add3A_1183 : vector<16xf32>
          %add3A_1207 = arith.addf %add3A_1194, %add3A_1205 : vector<16xf32>
          %add3A_1208 = arith.addf %add3A_1206, %add3A_1207 : vector<16xf32>
          %add3A_1209 = arith.constant 8 : i32
          %add3A_1210 = arith.addi %add3A_1209, %scan3A_805 : i32
          %swap3A_1211 = arith.index_cast %add3A_1210 : i32 to index
          %swap3A_1212 = arith.index_cast %multiple_of3A : i32 to index
          %swap3A_1213 = tpu.vector_load %arg10[%swap3A_1211, %swap3A_1212] {strides = array<i32>} : memref<12x256xf32, #tpu.memory_space<vmem>>, vector<1x16xf32>,
          %swap3A_1214 = vector.shape_cast %swap3A_1213 : vector<1x16xf32> to vector<16xf32>
          %swap3A_1215 = vector.shape_cast %add3A_1208 : vector<16xf32> to vector<1x16xf32>
          tpu.vector_store %arg10[%swap3A_1211, %swap3A_1212], %swap3A_1215 {strides = array<i32>} : memref<12x256xf32, #tpu.memory_space<vmem>>, vector<1x16xf32>,
        }
        %scan3A_845 = arith.constant 16 : i32
      }
      %scan3A_770 = arith.constant 4 : i32
      %mul3A_771 = arith.constant 4 : i32
      %mul3A_772 = arith.muli %add3A_672, %mul3A_771 : i32
      %add3A_773 = arith.addi %mul3A_2, %mul3A_772 : i32
      %dma_start3A_774 = arith.constant 8 : i32
      %dma_start3A_775 = arith.constant 0 : i32
      %dma_start3A_776 = tpu.memref_slice %arg10[%dma_start3A_774, %dma_start3A_775] : memref<12x256xf32, #tpu.memory_space<vmem>> -> memref<4x256xf32, #tpu.memory_space<vmem>>
      %dma_start3A_777 = arith.constant 0 : i32
      %dma_start3A_778 = tpu.memref_slice %arg5[%add3A_773, %dma_start3A_777] : memref<32768x256xf32, #tpu.memory_space<hbm>> -> memref<4x256xf32, #tpu.memory_space<hbm>>
      %dma_start3A_779 = arith.constant 0 : i32
      %dma_start3A_780 = tpu.memref_slice %arg5[%add3A_773, %dma_start3A_779] : memref<32768x256xf32, #tpu.memory_space<hbm>> -> memref<4x256xf32, #tpu.memory_space<hbm>>
      %dma_start3A_781 = arith.constant 8 : i32
      %dma_start3A_782 = arith.constant 0 : i32
      %dma_start3A_783 = tpu.memref_slice %arg10[%dma_start3A_781, %dma_start3A_782] : memref<12x256xf32, #tpu.memory_space<vmem>> -> memref<4x256xf32, #tpu.memory_space<vmem>>
      tpu.enqueue_dma source(%dma_start3A_783 : memref<4x256xf32, #tpu.memory_space<vmem>>) target(%dma_start3A_780 : memref<4x256xf32, #tpu.memory_space<hbm>>) target_semaphore(%arg18 : memref<!tpu.dma_semaphore, #tpu.memory_space<semaphore_mem>>)
      %jit3A_784 = arith.constant 8 : i32
      %eq3A_785 = arith.constant 0 : i32
      %eq3A_786 = arith.cmpi eq, %jit3A_784, %eq3A_785 : i32
      %jit3A_787 = arith.constant 1 : i32
      %select_n3A_788 = arith.select %eq3A_786, %jit3A_787, %jit3A_784 : i32
      %rem3A_789 = arith.remsi %add3A_672, %select_n3A_788 : i32
      %ne3A_790 = arith.constant 0 : i32
      %ne3A_791 = arith.cmpi ne, %rem3A_789, %ne3A_790 : i32
      %lt3A_792 = arith.constant 0 : i32
      %lt3A_793 = arith.cmpi slt, %rem3A_789, %lt3A_792 : i32
      %lt3A_794 = arith.constant 0 : i32
      %lt3A_795 = arith.cmpi slt, %select_n3A_788, %lt3A_794 : i32
      %ne3A_796 = arith.xori %lt3A_793, %lt3A_795 : i1
      %and3A_797 = arith.andi %ne3A_796, %ne3A_791 : i1
      %add3A_798 = arith.addi %rem3A_789, %select_n3A_788 : i32
      %select_n3A_799 = arith.select %and3A_797, %add3A_798, %rem3A_789 : i32
      %eq3A_800 = arith.constant 7 : i32
      %eq3A_801 = arith.cmpi eq, %select_n3A_799, %eq3A_800 : i32
      %convert_element_type3A_802 = arith.extui %eq3A_801 : i1 to i32
      %cond3A_803 = arith.constant 0 : i32
      %cond3A_804 = arith.cmpi ne, %convert_element_type3A_802, %cond3A_803 : i32
      scf.if %cond3A_804 {
        %jit3A_805 = arith.constant 8 : i32
        %div3A_806 = arith.divsi %add3A_672, %jit3A_805 : i32
        %sign3A_807 = arith.constant 0 : i32
        %sign3A_808 = arith.cmpi sgt, %add3A_672, %sign3A_807 : i32
        %sign3A_809 = arith.extui %sign3A_808 : i1 to i32
        %sign3A_810 = arith.constant 0 : i32
        %sign3A_811 = arith.cmpi slt, %add3A_672, %sign3A_810 : i32
        %sign3A_812 = arith.extui %sign3A_811 : i1 to i32
        %sign3A_813 = arith.subi %sign3A_809, %sign3A_812 : i32
        %sign3A_814 = arith.constant 0 : i32
        %sign3A_815 = arith.cmpi sgt, %jit3A_805, %sign3A_814 : i32
        %sign3A_816 = arith.extui %sign3A_815 : i1 to i32
        %sign3A_817 = arith.constant 0 : i32
        %sign3A_818 = arith.cmpi slt, %jit3A_805, %sign3A_817 : i32
        %sign3A_819 = arith.extui %sign3A_818 : i1 to i32
        %sign3A_820 = arith.subi %sign3A_816, %sign3A_819 : i32
        %ne3A_821 = arith.cmpi ne, %sign3A_813, %sign3A_820 : i32
        %rem3A_822 = arith.remsi %add3A_672, %jit3A_805 : i32
        %ne3A_823 = arith.constant 0 : i32
        %ne3A_824 = arith.cmpi ne, %rem3A_822, %ne3A_823 : i32
        %and3A_825 = arith.andi %ne3A_821, %ne3A_824 : i1
        %sub3A_826 = arith.constant 1 : i32
        %sub3A_827 = arith.subi %div3A_806, %sub3A_826 : i32
        %select_n3A_828 = arith.select %and3A_825, %sub3A_827, %div3A_806 : i32
        %add3A_829 = arith.constant 2 : i32
        %add3A_830 = arith.addi %select_n3A_828, %add3A_829 : i32
        %lt3A_831 = arith.constant 32 : i32
        %lt3A_832 = arith.cmpi slt, %add3A_830, %lt3A_831 : i32
        %convert_element_type3A_833 = arith.extui %lt3A_832 : i1 to i32
        %cond3A_834 = arith.constant 0 : i32
        %cond3A_835 = arith.cmpi ne, %convert_element_type3A_833, %cond3A_834 : i32
        scf.if %cond3A_835 {
          %jit3A_836 = arith.constant 2 : i32
          %eq3A_837 = arith.constant 0 : i32
          %eq3A_838 = arith.cmpi eq, %jit3A_836, %eq3A_837 : i32
          %jit3A_839 = arith.constant 1 : i32
          %select_n3A_840 = arith.select %eq3A_838, %jit3A_839, %jit3A_836 : i32
          %rem3A_841 = arith.remsi %add3A_830, %select_n3A_840 : i32
          %ne3A_842 = arith.constant 0 : i32
          %ne3A_843 = arith.cmpi ne, %rem3A_841, %ne3A_842 : i32
          %lt3A_844 = arith.constant 0 : i32
          %lt3A_845 = arith.cmpi slt, %rem3A_841, %lt3A_844 : i32
          %lt3A_846 = arith.constant 0 : i32
          %lt3A_847 = arith.cmpi slt, %select_n3A_840, %lt3A_846 : i32
          %ne3A_848 = arith.xori %lt3A_845, %lt3A_847 : i1
          %and3A_849 = arith.andi %ne3A_848, %ne3A_843 : i1
          %add3A_850 = arith.addi %rem3A_841, %select_n3A_840 : i32
          %select_n3A_851 = arith.select %and3A_849, %add3A_850, %rem3A_841 : i32
          %eq3A_852 = arith.constant 0 : i32
          %eq3A_853 = arith.cmpi eq, %select_n3A_851, %eq3A_852 : i32
          %convert_element_type3A_854 = arith.extui %eq3A_853 : i1 to i32
          %cond3A_855 = arith.constant 0 : i32
          %cond3A_856 = arith.cmpi ne, %convert_element_type3A_854, %cond3A_855 : i32
          scf.if %cond3A_856 {
            %mul3A_862 = arith.constant 32 : i32
            %mul3A_863 = arith.muli %add3A_830, %mul3A_862 : i32
            %add3A_864 = arith.addi %mul3A_2, %mul3A_863 : i32
            %dma_start3A_865 = arith.constant 0 : i32
            %dma_start3A_866 = arith.constant 0 : i32
            %dma_start3A_867 = tpu.memref_slice %arg6[%dma_start3A_865, %dma_start3A_866] : memref<64x32xi32, #tpu.memory_space<vmem>> -> memref<32x32xi32, #tpu.memory_space<vmem>>
            %dma_start3A_868 = arith.constant 0 : i32
            %dma_start3A_869 = tpu.memref_slice %arg2[%add3A_864, %dma_start3A_868] : memref<32768x32xi32, #tpu.memory_space<hbm>> -> memref<32x32xi32, #tpu.memory_space<hbm>>
            %dma_start3A_870 = arith.constant 0 : i32
            %dma_start3A_871 = arith.constant 0 : i32
            %dma_start3A_872 = tpu.memref_slice %arg6[%dma_start3A_870, %dma_start3A_871] : memref<64x32xi32, #tpu.memory_space<vmem>> -> memref<32x32xi32, #tpu.memory_space<vmem>>
            %dma_start3A_873 = arith.constant 0 : i32
            %dma_start3A_874 = tpu.memref_slice %arg2[%add3A_864, %dma_start3A_873] : memref<32768x32xi32, #tpu.memory_space<hbm>> -> memref<32x32xi32, #tpu.memory_space<hbm>>
            tpu.enqueue_dma source(%dma_start3A_874 : memref<32x32xi32, #tpu.memory_space<hbm>>) target(%dma_start3A_872 : memref<32x32xi32, #tpu.memory_space<vmem>>) target_semaphore(%arg11 : memref<!tpu.dma_semaphore, #tpu.memory_space<semaphore_mem>>)
            %mul3A_875 = arith.constant 32 : i32
            %mul3A_876 = arith.muli %add3A_830, %mul3A_875 : i32
            %add3A_877 = arith.addi %mul3A_2, %mul3A_876 : i32
            %dma_start3A_878 = arith.constant 0 : i32
            %dma_start3A_879 = arith.constant 0 : i32
            %dma_start3A_880 = tpu.memref_slice %arg7[%dma_start3A_878, %dma_start3A_879] : memref<64x32xf32, #tpu.memory_space<vmem>> -> memref<32x32xf32, #tpu.memory_space<vmem>>
            %dma_start3A_881 = arith.constant 0 : i32
            %dma_start3A_882 = tpu.memref_slice %arg3[%add3A_877, %dma_start3A_881] : memref<32768x32xf32, #tpu.memory_space<hbm>> -> memref<32x32xf32, #tpu.memory_space<hbm>>
            %dma_start3A_883 = arith.constant 0 : i32
            %dma_start3A_884 = arith.constant 0 : i32
            %dma_start3A_885 = tpu.memref_slice %arg7[%dma_start3A_883, %dma_start3A_884] : memref<64x32xf32, #tpu.memory_space<vmem>> -> memref<32x32xf32, #tpu.memory_space<vmem>>
            %dma_start3A_886 = arith.constant 0 : i32
            %dma_start3A_887 = tpu.memref_slice %arg3[%add3A_877, %dma_start3A_886] : memref<32768x32xf32, #tpu.memory_space<hbm>> -> memref<32x32xf32, #tpu.memory_space<hbm>>
            tpu.enqueue_dma source(%dma_start3A_887 : memref<32x32xf32, #tpu.memory_space<hbm>>) target(%dma_start3A_885 : memref<32x32xf32, #tpu.memory_space<vmem>>) target_semaphore(%arg11 : memref<!tpu.dma_semaphore, #tpu.memory_space<semaphore_mem>>)
          } else {
          }
          %eq3A_857 = arith.constant 1 : i32
          %eq3A_858 = arith.cmpi eq, %select_n3A_851, %eq3A_857 : i32
          %convert_element_type3A_859 = arith.extui %eq3A_858 : i1 to i32
          %cond3A_860 = arith.constant 0 : i32
          %cond3A_861 = arith.cmpi ne, %convert_element_type3A_859, %cond3A_860 : i32
          scf.if %cond3A_861 {
            %mul3A_862 = arith.constant 32 : i32
            %mul3A_863 = arith.muli %add3A_830, %mul3A_862 : i32
            %add3A_864 = arith.addi %mul3A_2, %mul3A_863 : i32
            %dma_start3A_865 = arith.constant 32 : i32
            %dma_start3A_866 = arith.constant 0 : i32
            %dma_start3A_867 = tpu.memref_slice %arg6[%dma_start3A_865, %dma_start3A_866] : memref<64x32xi32, #tpu.memory_space<vmem>> -> memref<32x32xi32, #tpu.memory_space<vmem>>
            %dma_start3A_868 = arith.constant 0 : i32
            %dma_start3A_869 = tpu.memref_slice %arg2[%add3A_864, %dma_start3A_868] : memref<32768x32xi32, #tpu.memory_space<hbm>> -> memref<32x32xi32, #tpu.memory_space<hbm>>
            %dma_start3A_870 = arith.constant 32 : i32
            %dma_start3A_871 = arith.constant 0 : i32
            %dma_start3A_872 = tpu.memref_slice %arg6[%dma_start3A_870, %dma_start3A_871] : memref<64x32xi32, #tpu.memory_space<vmem>> -> memref<32x32xi32, #tpu.memory_space<vmem>>
            %dma_start3A_873 = arith.constant 0 : i32
            %dma_start3A_874 = tpu.memref_slice %arg2[%add3A_864, %dma_start3A_873] : memref<32768x32xi32, #tpu.memory_space<hbm>> -> memref<32x32xi32, #tpu.memory_space<hbm>>
            tpu.enqueue_dma source(%dma_start3A_874 : memref<32x32xi32, #tpu.memory_space<hbm>>) target(%dma_start3A_872 : memref<32x32xi32, #tpu.memory_space<vmem>>) target_semaphore(%arg12 : memref<!tpu.dma_semaphore, #tpu.memory_space<semaphore_mem>>)
            %mul3A_875 = arith.constant 32 : i32
            %mul3A_876 = arith.muli %add3A_830, %mul3A_875 : i32
            %add3A_877 = arith.addi %mul3A_2, %mul3A_876 : i32
            %dma_start3A_878 = arith.constant 32 : i32
            %dma_start3A_879 = arith.constant 0 : i32
            %dma_start3A_880 = tpu.memref_slice %arg7[%dma_start3A_878, %dma_start3A_879] : memref<64x32xf32, #tpu.memory_space<vmem>> -> memref<32x32xf32, #tpu.memory_space<vmem>>
            %dma_start3A_881 = arith.constant 0 : i32
            %dma_start3A_882 = tpu.memref_slice %arg3[%add3A_877, %dma_start3A_881] : memref<32768x32xf32, #tpu.memory_space<hbm>> -> memref<32x32xf32, #tpu.memory_space<hbm>>
            %dma_start3A_883 = arith.constant 32 : i32
            %dma_start3A_884 = arith.constant 0 : i32
            %dma_start3A_885 = tpu.memref_slice %arg7[%dma_start3A_883, %dma_start3A_884] : memref<64x32xf32, #tpu.memory_space<vmem>> -> memref<32x32xf32, #tpu.memory_space<vmem>>
            %dma_start3A_886 = arith.constant 0 : i32
            %dma_start3A_887 = tpu.memref_slice %arg3[%add3A_877, %dma_start3A_886] : memref<32768x32xf32, #tpu.memory_space<hbm>> -> memref<32x32xf32, #tpu.memory_space<hbm>>
            tpu.enqueue_dma source(%dma_start3A_887 : memref<32x32xf32, #tpu.memory_space<hbm>>) target(%dma_start3A_885 : memref<32x32xf32, #tpu.memory_space<vmem>>) target_semaphore(%arg12 : memref<!tpu.dma_semaphore, #tpu.memory_space<semaphore_mem>>)
          } else {
          }
        } else {
        }
      } else {
      }
    }
    %scan3A_235 = arith.constant 85 : i32
    %dma_wait3A_236 = arith.constant 0 : i32
    %dma_wait3A_237 = arith.constant 0 : i32
    %dma_wait3A_238 = tpu.memref_slice %arg9[%dma_wait3A_236, %dma_wait3A_237] : memref<384x256xf32, #tpu.memory_space<vmem>> -> memref<128x256xf32, #tpu.memory_space<vmem>>
    %dma_wait3A_239 = arith.constant 0 : i32
    %dma_wait3A_240 = arith.constant 0 : i32
    %dma_wait3A_241 = tpu.memref_slice %arg4[%dma_wait3A_239, %dma_wait3A_240] : memref<100000x256xf32, #tpu.memory_space<hbm>> -> memref<128x256xf32, #tpu.memory_space<hbm>>
    %dma_wait3A_242 = arith.constant 0 : i32
    %dma_wait3A_243 = arith.constant 0 : i32
    %dma_wait3A_244 = tpu.memref_slice %arg9[%dma_wait3A_242, %dma_wait3A_243] : memref<384x256xf32, #tpu.memory_space<vmem>> -> memref<128x256xf32, #tpu.memory_space<vmem>>
    %dma_wait3A_245 = arith.constant 0 : i32
    %dma_wait3A_246 = arith.constant 0 : i32
    %dma_wait3A_247 = tpu.memref_slice %arg4[%dma_wait3A_245, %dma_wait3A_246] : memref<100000x256xf32, #tpu.memory_space<hbm>> -> memref<128x256xf32, #tpu.memory_space<hbm>>
    tpu.wait_dma2 semaphore(%arg13 : memref<!tpu.dma_semaphore, #tpu.memory_space<semaphore_mem>>) src(%dma_wait3A_247 : memref<128x256xf32, #tpu.memory_space<hbm>>) dst(%dma_wait3A_244 : memref<128x256xf32, #tpu.memory_space<vmem>>)
    %add3A_248 = arith.constant 255 : i32
    %add3A_249 = arith.constant 3 : i32
    %add3A_250 = arith.addi %add3A_248, %add3A_249 : i32
    %sub3A = arith.constant 1 : i32
    %sub3A_251 = arith.subi %add3A_250, %sub3A : i32
    %lt3A = arith.constant 256 : i32
    %lt3A_252 = arith.cmpi slt, %sub3A_251, %lt3A : i32
    %jit3A = arith.constant 8 : i32
    %eq3A = arith.constant 0 : i32
    %eq3A_253 = arith.cmpi eq, %jit3A, %eq3A : i32
    %jit3A_254 = arith.constant 1 : i32
    %select_n3A = arith.select %eq3A_253, %jit3A_254, %jit3A : i32
    %rem3A = arith.remsi %sub3A_251, %select_n3A : i32
    %ne3A = arith.constant 0 : i32
    %ne3A_255 = arith.cmpi ne, %rem3A, %ne3A : i32
    %lt3A_256 = arith.constant 0 : i32
    %lt3A_257 = arith.cmpi slt, %rem3A, %lt3A_256 : i32
    %lt3A_258 = arith.constant 0 : i32
    %lt3A_259 = arith.cmpi slt, %select_n3A, %lt3A_258 : i32
    %ne3A_260 = arith.xori %lt3A_257, %lt3A_259 : i1
    %and3A = arith.andi %ne3A_260, %ne3A_255 : i1
    %add3A_261 = arith.addi %rem3A, %select_n3A : i32
    %select_n3A_262 = arith.select %and3A, %add3A_261, %rem3A : i32
    %eq3A_263 = arith.constant 0 : i32
    %eq3A_264 = arith.cmpi eq, %select_n3A_262, %eq3A_263 : i32
    %and3A_265 = arith.andi %lt3A_252, %eq3A_264 : i1
    %convert_element_type3A = arith.extui %and3A_265 : i1 to i32
    %cond3A = arith.constant 0 : i32
    %cond3A_266 = arith.cmpi ne, %convert_element_type3A, %cond3A : i32
    scf.if %cond3A_266 {
      %jit3A_396 = arith.constant 8 : i32
      %div3A_397 = arith.divsi %sub3A_251, %jit3A_396 : i32
      %sign3A_398 = arith.constant 0 : i32
      %sign3A_399 = arith.cmpi sgt, %sub3A_251, %sign3A_398 : i32
      %sign3A_400 = arith.extui %sign3A_399 : i1 to i32
      %sign3A_401 = arith.constant 0 : i32
      %sign3A_402 = arith.cmpi slt, %sub3A_251, %sign3A_401 : i32
      %sign3A_403 = arith.extui %sign3A_402 : i1 to i32
      %sign3A_404 = arith.subi %sign3A_400, %sign3A_403 : i32
      %sign3A_405 = arith.constant 0 : i32
      %sign3A_406 = arith.cmpi sgt, %jit3A_396, %sign3A_405 : i32
      %sign3A_407 = arith.extui %sign3A_406 : i1 to i32
      %sign3A_408 = arith.constant 0 : i32
      %sign3A_409 = arith.cmpi slt, %jit3A_396, %sign3A_408 : i32
      %sign3A_410 = arith.extui %sign3A_409 : i1 to i32
      %sign3A_411 = arith.subi %sign3A_407, %sign3A_410 : i32
      %ne3A_412 = arith.cmpi ne, %sign3A_404, %sign3A_411 : i32
      %rem3A_413 = arith.remsi %sub3A_251, %jit3A_396 : i32
      %ne3A_414 = arith.constant 0 : i32
      %ne3A_415 = arith.cmpi ne, %rem3A_413, %ne3A_414 : i32
      %and3A_416 = arith.andi %ne3A_412, %ne3A_415 : i1
      %sub3A_417 = arith.constant 1 : i32
      %sub3A_418 = arith.subi %div3A_397, %sub3A_417 : i32
      %select_n3A_419 = arith.select %and3A_416, %sub3A_418, %div3A_397 : i32
      %jit3A_420 = arith.constant 2 : i32
      %eq3A_421 = arith.constant 0 : i32
      %eq3A_422 = arith.cmpi eq, %jit3A_420, %eq3A_421 : i32
      %jit3A_423 = arith.constant 1 : i32
      %select_n3A_424 = arith.select %eq3A_422, %jit3A_423, %jit3A_420 : i32
      %rem3A_425 = arith.remsi %select_n3A_419, %select_n3A_424 : i32
      %ne3A_426 = arith.constant 0 : i32
      %ne3A_427 = arith.cmpi ne, %rem3A_425, %ne3A_426 : i32
      %lt3A_428 = arith.constant 0 : i32
      %lt3A_429 = arith.cmpi slt, %rem3A_425, %lt3A_428 : i32
      %lt3A_430 = arith.constant 0 : i32
      %lt3A_431 = arith.cmpi slt, %select_n3A_424, %lt3A_430 : i32
      %ne3A_432 = arith.xori %lt3A_429, %lt3A_431 : i1
      %and3A_433 = arith.andi %ne3A_432, %ne3A_427 : i1
      %add3A_434 = arith.addi %rem3A_425, %select_n3A_424 : i32
      %select_n3A_435 = arith.select %and3A_433, %add3A_434, %rem3A_425 : i32
      %eq3A_436 = arith.constant 0 : i32
      %eq3A_437 = arith.cmpi eq, %select_n3A_435, %eq3A_436 : i32
      %convert_element_type3A_438 = arith.extui %eq3A_437 : i1 to i32
      %cond3A_439 = arith.constant 0 : i32
      %cond3A_440 = arith.cmpi ne, %convert_element_type3A_438, %cond3A_439 : i32
      scf.if %cond3A_440 {
        %dma_wait3A_446 = arith.constant 0 : i32
        %dma_wait3A_447 = arith.constant 0 : i32
        %dma_wait3A_448 = tpu.memref_slice %arg6[%dma_wait3A_446, %dma_wait3A_447] : memref<64x32xi32, #tpu.memory_space<vmem>> -> memref<32x32xi32, #tpu.memory_space<vmem>>
        %dma_wait3A_449 = arith.constant 0 : i32
        %dma_wait3A_450 = arith.constant 0 : i32
        %dma_wait3A_451 = tpu.memref_slice %arg2[%dma_wait3A_449, %dma_wait3A_450] : memref<32768x32xi32, #tpu.memory_space<hbm>> -> memref<32x32xi32, #tpu.memory_space<hbm>>
        %dma_wait3A_452 = arith.constant 0 : i32
        %dma_wait3A_453 = arith.constant 0 : i32
        %dma_wait3A_454 = tpu.memref_slice %arg6[%dma_wait3A_452, %dma_wait3A_453] : memref<64x32xi32, #tpu.memory_space<vmem>> -> memref<32x32xi32, #tpu.memory_space<vmem>>
        %dma_wait3A_455 = arith.constant 0 : i32
        %dma_wait3A_456 = arith.constant 0 : i32
        %dma_wait3A_457 = tpu.memref_slice %arg2[%dma_wait3A_455, %dma_wait3A_456] : memref<32768x32xi32, #tpu.memory_space<hbm>> -> memref<32x32xi32, #tpu.memory_space<hbm>>
        tpu.wait_dma2 semaphore(%arg11 : memref<!tpu.dma_semaphore, #tpu.memory_space<semaphore_mem>>) src(%dma_wait3A_457 : memref<32x32xi32, #tpu.memory_space<hbm>>) dst(%dma_wait3A_454 : memref<32x32xi32, #tpu.memory_space<vmem>>)
        %dma_wait3A_458 = arith.constant 0 : i32
        %dma_wait3A_459 = arith.constant 0 : i32
        %dma_wait3A_460 = tpu.memref_slice %arg7[%dma_wait3A_458, %dma_wait3A_459] : memref<64x32xf32, #tpu.memory_space<vmem>> -> memref<32x32xf32, #tpu.memory_space<vmem>>
        %dma_wait3A_461 = arith.constant 0 : i32
        %dma_wait3A_462 = arith.constant 0 : i32
        %dma_wait3A_463 = tpu.memref_slice %arg3[%dma_wait3A_461, %dma_wait3A_462] : memref<32768x32xf32, #tpu.memory_space<hbm>> -> memref<32x32xf32, #tpu.memory_space<hbm>>
        %dma_wait3A_464 = arith.constant 0 : i32
        %dma_wait3A_465 = arith.constant 0 : i32
        %dma_wait3A_466 = tpu.memref_slice %arg7[%dma_wait3A_464, %dma_wait3A_465] : memref<64x32xf32, #tpu.memory_space<vmem>> -> memref<32x32xf32, #tpu.memory_space<vmem>>
        %dma_wait3A_467 = arith.constant 0 : i32
        %dma_wait3A_468 = arith.constant 0 : i32
        %dma_wait3A_469 = tpu.memref_slice %arg3[%dma_wait3A_467, %dma_wait3A_468] : memref<32768x32xf32, #tpu.memory_space<hbm>> -> memref<32x32xf32, #tpu.memory_space<hbm>>
        tpu.wait_dma2 semaphore(%arg11 : memref<!tpu.dma_semaphore, #tpu.memory_space<semaphore_mem>>) src(%dma_wait3A_469 : memref<32x32xf32, #tpu.memory_space<hbm>>) dst(%dma_wait3A_466 : memref<32x32xf32, #tpu.memory_space<vmem>>)
      } else {
      }
      %eq3A_441 = arith.constant 1 : i32
      %eq3A_442 = arith.cmpi eq, %select_n3A_435, %eq3A_441 : i32
      %convert_element_type3A_443 = arith.extui %eq3A_442 : i1 to i32
      %cond3A_444 = arith.constant 0 : i32
      %cond3A_445 = arith.cmpi ne, %convert_element_type3A_443, %cond3A_444 : i32
      scf.if %cond3A_445 {
        %dma_wait3A_446 = arith.constant 32 : i32
        %dma_wait3A_447 = arith.constant 0 : i32
        %dma_wait3A_448 = tpu.memref_slice %arg6[%dma_wait3A_446, %dma_wait3A_447] : memref<64x32xi32, #tpu.memory_space<vmem>> -> memref<32x32xi32, #tpu.memory_space<vmem>>
        %dma_wait3A_449 = arith.constant 0 : i32
        %dma_wait3A_450 = arith.constant 0 : i32
        %dma_wait3A_451 = tpu.memref_slice %arg2[%dma_wait3A_449, %dma_wait3A_450] : memref<32768x32xi32, #tpu.memory_space<hbm>> -> memref<32x32xi32, #tpu.memory_space<hbm>>
        %dma_wait3A_452 = arith.constant 32 : i32
        %dma_wait3A_453 = arith.constant 0 : i32
        %dma_wait3A_454 = tpu.memref_slice %arg6[%dma_wait3A_452, %dma_wait3A_453] : memref<64x32xi32, #tpu.memory_space<vmem>> -> memref<32x32xi32, #tpu.memory_space<vmem>>
        %dma_wait3A_455 = arith.constant 0 : i32
        %dma_wait3A_456 = arith.constant 0 : i32
        %dma_wait3A_457 = tpu.memref_slice %arg2[%dma_wait3A_455, %dma_wait3A_456] : memref<32768x32xi32, #tpu.memory_space<hbm>> -> memref<32x32xi32, #tpu.memory_space<hbm>>
        tpu.wait_dma2 semaphore(%arg12 : memref<!tpu.dma_semaphore, #tpu.memory_space<semaphore_mem>>) src(%dma_wait3A_457 : memref<32x32xi32, #tpu.memory_space<hbm>>) dst(%dma_wait3A_454 : memref<32x32xi32, #tpu.memory_space<vmem>>)
        %dma_wait3A_458 = arith.constant 32 : i32
        %dma_wait3A_459 = arith.constant 0 : i32
        %dma_wait3A_460 = tpu.memref_slice %arg7[%dma_wait3A_458, %dma_wait3A_459] : memref<64x32xf32, #tpu.memory_space<vmem>> -> memref<32x32xf32, #tpu.memory_space<vmem>>
        %dma_wait3A_461 = arith.constant 0 : i32
        %dma_wait3A_462 = arith.constant 0 : i32
        %dma_wait3A_463 = tpu.memref_slice %arg3[%dma_wait3A_461, %dma_wait3A_462] : memref<32768x32xf32, #tpu.memory_space<hbm>> -> memref<32x32xf32, #tpu.memory_space<hbm>>
        %dma_wait3A_464 = arith.constant 32 : i32
        %dma_wait3A_465 = arith.constant 0 : i32
        %dma_wait3A_466 = tpu.memref_slice %arg7[%dma_wait3A_464, %dma_wait3A_465] : memref<64x32xf32, #tpu.memory_space<vmem>> -> memref<32x32xf32, #tpu.memory_space<vmem>>
        %dma_wait3A_467 = arith.constant 0 : i32
        %dma_wait3A_468 = arith.constant 0 : i32
        %dma_wait3A_469 = tpu.memref_slice %arg3[%dma_wait3A_467, %dma_wait3A_468] : memref<32768x32xf32, #tpu.memory_space<hbm>> -> memref<32x32xf32, #tpu.memory_space<hbm>>
        tpu.wait_dma2 semaphore(%arg12 : memref<!tpu.dma_semaphore, #tpu.memory_space<semaphore_mem>>) src(%dma_wait3A_469 : memref<32x32xf32, #tpu.memory_space<hbm>>) dst(%dma_wait3A_466 : memref<32x32xf32, #tpu.memory_space<vmem>>)
      } else {
      }
    } else {
    }
    %lt3A_267 = arith.constant 256 : i32
    %lt3A_268 = arith.cmpi slt, %sub3A_251, %lt3A_267 : i32
    %convert_element_type3A_269 = arith.extui %lt3A_268 : i1 to i32
    %cond3A_270 = arith.constant 0 : i32
    %cond3A_271 = arith.cmpi ne, %convert_element_type3A_269, %cond3A_270 : i32
    scf.if %cond3A_271 {
      %jit3A_396 = arith.constant 8 : i32
      %div3A_397 = arith.divsi %sub3A_251, %jit3A_396 : i32
      %sign3A_398 = arith.constant 0 : i32
      %sign3A_399 = arith.cmpi sgt, %sub3A_251, %sign3A_398 : i32
      %sign3A_400 = arith.extui %sign3A_399 : i1 to i32
      %sign3A_401 = arith.constant 0 : i32
      %sign3A_402 = arith.cmpi slt, %sub3A_251, %sign3A_401 : i32
      %sign3A_403 = arith.extui %sign3A_402 : i1 to i32
      %sign3A_404 = arith.subi %sign3A_400, %sign3A_403 : i32
      %sign3A_405 = arith.constant 0 : i32
      %sign3A_406 = arith.cmpi sgt, %jit3A_396, %sign3A_405 : i32
      %sign3A_407 = arith.extui %sign3A_406 : i1 to i32
      %sign3A_408 = arith.constant 0 : i32
      %sign3A_409 = arith.cmpi slt, %jit3A_396, %sign3A_408 : i32
      %sign3A_410 = arith.extui %sign3A_409 : i1 to i32
      %sign3A_411 = arith.subi %sign3A_407, %sign3A_410 : i32
      %ne3A_412 = arith.cmpi ne, %sign3A_404, %sign3A_411 : i32
      %rem3A_413 = arith.remsi %sub3A_251, %jit3A_396 : i32
      %ne3A_414 = arith.constant 0 : i32
      %ne3A_415 = arith.cmpi ne, %rem3A_413, %ne3A_414 : i32
      %and3A_416 = arith.andi %ne3A_412, %ne3A_415 : i1
      %sub3A_417 = arith.constant 1 : i32
      %sub3A_418 = arith.subi %div3A_397, %sub3A_417 : i32
      %select_n3A_419 = arith.select %and3A_416, %sub3A_418, %div3A_397 : i32
      %jit3A_420 = arith.constant 2 : i32
      %eq3A_421 = arith.constant 0 : i32
      %eq3A_422 = arith.cmpi eq, %jit3A_420, %eq3A_421 : i32
      %jit3A_423 = arith.constant 1 : i32
      %select_n3A_424 = arith.select %eq3A_422, %jit3A_423, %jit3A_420 : i32
      %rem3A_425 = arith.remsi %select_n3A_419, %select_n3A_424 : i32
      %ne3A_426 = arith.constant 0 : i32
      %ne3A_427 = arith.cmpi ne, %rem3A_425, %ne3A_426 : i32
      %lt3A_428 = arith.constant 0 : i32
      %lt3A_429 = arith.cmpi slt, %rem3A_425, %lt3A_428 : i32
      %lt3A_430 = arith.constant 0 : i32
      %lt3A_431 = arith.cmpi slt, %select_n3A_424, %lt3A_430 : i32
      %ne3A_432 = arith.xori %lt3A_429, %lt3A_431 : i1
      %and3A_433 = arith.andi %ne3A_432, %ne3A_427 : i1
      %add3A_434 = arith.addi %rem3A_425, %select_n3A_424 : i32
      %select_n3A_435 = arith.select %and3A_433, %add3A_434, %rem3A_425 : i32
      %eq3A_436 = arith.constant 0 : i32
      %eq3A_437 = arith.cmpi eq, %select_n3A_435, %eq3A_436 : i32
      %convert_element_type3A_438 = arith.extui %eq3A_437 : i1 to i32
      %cond3A_439 = arith.constant 0 : i32
      %cond3A_440 = arith.cmpi ne, %convert_element_type3A_438, %cond3A_439 : i32
      scf.if %cond3A_440 {
        %jit3A_446 = arith.constant 8 : i32
        %eq3A_447 = arith.constant 0 : i32
        %eq3A_448 = arith.cmpi eq, %jit3A_446, %eq3A_447 : i32
        %jit3A_449 = arith.constant 1 : i32
        %select_n3A_450 = arith.select %eq3A_448, %jit3A_449, %jit3A_446 : i32
        %rem3A_451 = arith.remsi %sub3A_251, %select_n3A_450 : i32
        %ne3A_452 = arith.constant 0 : i32
        %ne3A_453 = arith.cmpi ne, %rem3A_451, %ne3A_452 : i32
        %lt3A_454 = arith.constant 0 : i32
        %lt3A_455 = arith.cmpi slt, %rem3A_451, %lt3A_454 : i32
        %lt3A_456 = arith.constant 0 : i32
        %lt3A_457 = arith.cmpi slt, %select_n3A_450, %lt3A_456 : i32
        %ne3A_458 = arith.xori %lt3A_455, %lt3A_457 : i1
        %and3A_459 = arith.andi %ne3A_458, %ne3A_453 : i1
        %add3A_460 = arith.addi %rem3A_451, %select_n3A_450 : i32
        %select_n3A_461 = arith.select %and3A_459, %add3A_460, %rem3A_451 : i32
        %mul3A_462 = arith.constant 4 : i32
        %mul3A_463 = arith.muli %select_n3A_461, %mul3A_462 : i32
        %add3A_464 = arith.constant 0 : i32
        %add3A_465 = arith.addi %add3A_464, %mul3A_463 : i32
        %add3A_466 = arith.constant 0 : i32
        %add3A_467 = arith.addi %add3A_465, %add3A_466 : i32
        %get3A_468 = arith.index_cast %add3A_467 : i32 to index
        %get3A_469 = arith.constant 0 : index
        %get3A_470 = tpu.vector_load %arg6[%get3A_468, %get3A_469] {strides = array<i32>} : memref<64x32xi32, #tpu.memory_space<vmem>>, vector<1x16xi32>,
        %get3A_471 = vector.shape_cast %get3A_470 : vector<1x16xi32> to vector<16xi32>
        %swap3A_472 = arith.constant 256 : index
        %swap3A_473 = tpu.vector_load %arg8[%swap3A_472] {strides = array<i32>} : memref<384xi32, #tpu.memory_space<vmem>>, vector<16xi32>,
        %swap3A_474 = vector.shape_cast %swap3A_473 : vector<16xi32> to vector<16xi32>
        %swap3A_475 = vector.shape_cast %get3A_471 : vector<16xi32> to vector<16xi32>
        tpu.vector_store %arg8[%swap3A_472], %swap3A_475 {strides = array<i32>} : memref<384xi32, #tpu.memory_space<vmem>>, vector<16xi32>,
        %get3A_476 = arith.index_cast %add3A_467 : i32 to index
        %get3A_477 = arith.constant 16 : index
        %get3A_478 = tpu.vector_load %arg6[%get3A_476, %get3A_477] {strides = array<i32>} : memref<64x32xi32, #tpu.memory_space<vmem>>, vector<1x16xi32>,
        %get3A_479 = vector.shape_cast %get3A_478 : vector<1x16xi32> to vector<16xi32>
        %swap3A_480 = arith.constant 272 : index
        %swap3A_481 = tpu.vector_load %arg8[%swap3A_480] {strides = array<i32>} : memref<384xi32, #tpu.memory_space<vmem>>, vector<16xi32>,
        %swap3A_482 = vector.shape_cast %swap3A_481 : vector<16xi32> to vector<16xi32>
        %swap3A_483 = vector.shape_cast %get3A_479 : vector<16xi32> to vector<16xi32>
        tpu.vector_store %arg8[%swap3A_480], %swap3A_483 {strides = array<i32>} : memref<384xi32, #tpu.memory_space<vmem>>, vector<16xi32>,
        %jit3A_484 = arith.constant 8 : i32
        %eq3A_485 = arith.constant 0 : i32
        %eq3A_486 = arith.cmpi eq, %jit3A_484, %eq3A_485 : i32
        %jit3A_487 = arith.constant 1 : i32
        %select_n3A_488 = arith.select %eq3A_486, %jit3A_487, %jit3A_484 : i32
        %rem3A_489 = arith.remsi %sub3A_251, %select_n3A_488 : i32
        %ne3A_490 = arith.constant 0 : i32
        %ne3A_491 = arith.cmpi ne, %rem3A_489, %ne3A_490 : i32
        %lt3A_492 = arith.constant 0 : i32
        %lt3A_493 = arith.cmpi slt, %rem3A_489, %lt3A_492 : i32
        %lt3A_494 = arith.constant 0 : i32
        %lt3A_495 = arith.cmpi slt, %select_n3A_488, %lt3A_494 : i32
        %ne3A_496 = arith.xori %lt3A_493, %lt3A_495 : i1
        %and3A_497 = arith.andi %ne3A_496, %ne3A_491 : i1
        %add3A_498 = arith.addi %rem3A_489, %select_n3A_488 : i32
        %select_n3A_499 = arith.select %and3A_497, %add3A_498, %rem3A_489 : i32
        %mul3A_500 = arith.constant 4 : i32
        %mul3A_501 = arith.muli %select_n3A_499, %mul3A_500 : i32
        %add3A_502 = arith.constant 0 : i32
        %add3A_503 = arith.addi %add3A_502, %mul3A_501 : i32
        %add3A_504 = arith.constant 1 : i32
        %add3A_505 = arith.addi %add3A_503, %add3A_504 : i32
        %get3A_506 = arith.index_cast %add3A_505 : i32 to index
        %get3A_507 = arith.constant 0 : index
        %get3A_508 = tpu.vector_load %arg6[%get3A_506, %get3A_507] {strides = array<i32>} : memref<64x32xi32, #tpu.memory_space<vmem>>, vector<1x16xi32>,
        %get3A_509 = vector.shape_cast %get3A_508 : vector<1x16xi32> to vector<16xi32>
        %swap3A_510 = arith.constant 288 : index
        %swap3A_511 = tpu.vector_load %arg8[%swap3A_510] {strides = array<i32>} : memref<384xi32, #tpu.memory_space<vmem>>, vector<16xi32>,
        %swap3A_512 = vector.shape_cast %swap3A_511 : vector<16xi32> to vector<16xi32>
        %swap3A_513 = vector.shape_cast %get3A_509 : vector<16xi32> to vector<16xi32>
        tpu.vector_store %arg8[%swap3A_510], %swap3A_513 {strides = array<i32>} : memref<384xi32, #tpu.memory_space<vmem>>, vector<16xi32>,
        %get3A_514 = arith.index_cast %add3A_505 : i32 to index
        %get3A_515 = arith.constant 16 : index
        %get3A_516 = tpu.vector_load %arg6[%get3A_514, %get3A_515] {strides = array<i32>} : memref<64x32xi32, #tpu.memory_space<vmem>>, vector<1x16xi32>,
        %get3A_517 = vector.shape_cast %get3A_516 : vector<1x16xi32> to vector<16xi32>
        %swap3A_518 = arith.constant 304 : index
        %swap3A_519 = tpu.vector_load %arg8[%swap3A_518] {strides = array<i32>} : memref<384xi32, #tpu.memory_space<vmem>>, vector<16xi32>,
        %swap3A_520 = vector.shape_cast %swap3A_519 : vector<16xi32> to vector<16xi32>
        %swap3A_521 = vector.shape_cast %get3A_517 : vector<16xi32> to vector<16xi32>
        tpu.vector_store %arg8[%swap3A_518], %swap3A_521 {strides = array<i32>} : memref<384xi32, #tpu.memory_space<vmem>>, vector<16xi32>,
        %jit3A_522 = arith.constant 8 : i32
        %eq3A_523 = arith.constant 0 : i32
        %eq3A_524 = arith.cmpi eq, %jit3A_522, %eq3A_523 : i32
        %jit3A_525 = arith.constant 1 : i32
        %select_n3A_526 = arith.select %eq3A_524, %jit3A_525, %jit3A_522 : i32
        %rem3A_527 = arith.remsi %sub3A_251, %select_n3A_526 : i32
        %ne3A_528 = arith.constant 0 : i32
        %ne3A_529 = arith.cmpi ne, %rem3A_527, %ne3A_528 : i32
        %lt3A_530 = arith.constant 0 : i32
        %lt3A_531 = arith.cmpi slt, %rem3A_527, %lt3A_530 : i32
        %lt3A_532 = arith.constant 0 : i32
        %lt3A_533 = arith.cmpi slt, %select_n3A_526, %lt3A_532 : i32
        %ne3A_534 = arith.xori %lt3A_531, %lt3A_533 : i1
        %and3A_535 = arith.andi %ne3A_534, %ne3A_529 : i1
        %add3A_536 = arith.addi %rem3A_527, %select_n3A_526 : i32
        %select_n3A_537 = arith.select %and3A_535, %add3A_536, %rem3A_527 : i32
        %mul3A_538 = arith.constant 4 : i32
        %mul3A_539 = arith.muli %select_n3A_537, %mul3A_538 : i32
        %add3A_540 = arith.constant 0 : i32
        %add3A_541 = arith.addi %add3A_540, %mul3A_539 : i32
        %add3A_542 = arith.constant 2 : i32
        %add3A_543 = arith.addi %add3A_541, %add3A_542 : i32
        %get3A_544 = arith.index_cast %add3A_543 : i32 to index
        %get3A_545 = arith.constant 0 : index
        %get3A_546 = tpu.vector_load %arg6[%get3A_544, %get3A_545] {strides = array<i32>} : memref<64x32xi32, #tpu.memory_space<vmem>>, vector<1x16xi32>,
        %get3A_547 = vector.shape_cast %get3A_546 : vector<1x16xi32> to vector<16xi32>
        %swap3A_548 = arith.constant 320 : index
        %swap3A_549 = tpu.vector_load %arg8[%swap3A_548] {strides = array<i32>} : memref<384xi32, #tpu.memory_space<vmem>>, vector<16xi32>,
        %swap3A_550 = vector.shape_cast %swap3A_549 : vector<16xi32> to vector<16xi32>
        %swap3A_551 = vector.shape_cast %get3A_547 : vector<16xi32> to vector<16xi32>
        tpu.vector_store %arg8[%swap3A_548], %swap3A_551 {strides = array<i32>} : memref<384xi32, #tpu.memory_space<vmem>>, vector<16xi32>,
        %get3A_552 = arith.index_cast %add3A_543 : i32 to index
        %get3A_553 = arith.constant 16 : index
        %get3A_554 = tpu.vector_load %arg6[%get3A_552, %get3A_553] {strides = array<i32>} : memref<64x32xi32, #tpu.memory_space<vmem>>, vector<1x16xi32>,
        %get3A_555 = vector.shape_cast %get3A_554 : vector<1x16xi32> to vector<16xi32>
        %swap3A_556 = arith.constant 336 : index
        %swap3A_557 = tpu.vector_load %arg8[%swap3A_556] {strides = array<i32>} : memref<384xi32, #tpu.memory_space<vmem>>, vector<16xi32>,
        %swap3A_558 = vector.shape_cast %swap3A_557 : vector<16xi32> to vector<16xi32>
        %swap3A_559 = vector.shape_cast %get3A_555 : vector<16xi32> to vector<16xi32>
        tpu.vector_store %arg8[%swap3A_556], %swap3A_559 {strides = array<i32>} : memref<384xi32, #tpu.memory_space<vmem>>, vector<16xi32>,
        %jit3A_560 = arith.constant 8 : i32
        %eq3A_561 = arith.constant 0 : i32
        %eq3A_562 = arith.cmpi eq, %jit3A_560, %eq3A_561 : i32
        %jit3A_563 = arith.constant 1 : i32
        %select_n3A_564 = arith.select %eq3A_562, %jit3A_563, %jit3A_560 : i32
        %rem3A_565 = arith.remsi %sub3A_251, %select_n3A_564 : i32
        %ne3A_566 = arith.constant 0 : i32
        %ne3A_567 = arith.cmpi ne, %rem3A_565, %ne3A_566 : i32
        %lt3A_568 = arith.constant 0 : i32
        %lt3A_569 = arith.cmpi slt, %rem3A_565, %lt3A_568 : i32
        %lt3A_570 = arith.constant 0 : i32
        %lt3A_571 = arith.cmpi slt, %select_n3A_564, %lt3A_570 : i32
        %ne3A_572 = arith.xori %lt3A_569, %lt3A_571 : i1
        %and3A_573 = arith.andi %ne3A_572, %ne3A_567 : i1
        %add3A_574 = arith.addi %rem3A_565, %select_n3A_564 : i32
        %select_n3A_575 = arith.select %and3A_573, %add3A_574, %rem3A_565 : i32
        %mul3A_576 = arith.constant 4 : i32
        %mul3A_577 = arith.muli %select_n3A_575, %mul3A_576 : i32
        %add3A_578 = arith.constant 0 : i32
        %add3A_579 = arith.addi %add3A_578, %mul3A_577 : i32
        %add3A_580 = arith.constant 3 : i32
        %add3A_581 = arith.addi %add3A_579, %add3A_580 : i32
        %get3A_582 = arith.index_cast %add3A_581 : i32 to index
        %get3A_583 = arith.constant 0 : index
        %get3A_584 = tpu.vector_load %arg6[%get3A_582, %get3A_583] {strides = array<i32>} : memref<64x32xi32, #tpu.memory_space<vmem>>, vector<1x16xi32>,
        %get3A_585 = vector.shape_cast %get3A_584 : vector<1x16xi32> to vector<16xi32>
        %swap3A_586 = arith.constant 352 : index
        %swap3A_587 = tpu.vector_load %arg8[%swap3A_586] {strides = array<i32>} : memref<384xi32, #tpu.memory_space<vmem>>, vector<16xi32>,
        %swap3A_588 = vector.shape_cast %swap3A_587 : vector<16xi32> to vector<16xi32>
        %swap3A_589 = vector.shape_cast %get3A_585 : vector<16xi32> to vector<16xi32>
        tpu.vector_store %arg8[%swap3A_586], %swap3A_589 {strides = array<i32>} : memref<384xi32, #tpu.memory_space<vmem>>, vector<16xi32>,
        %get3A_590 = arith.index_cast %add3A_581 : i32 to index
        %get3A_591 = arith.constant 16 : index
        %get3A_592 = tpu.vector_load %arg6[%get3A_590, %get3A_591] {strides = array<i32>} : memref<64x32xi32, #tpu.memory_space<vmem>>, vector<1x16xi32>,
        %get3A_593 = vector.shape_cast %get3A_592 : vector<1x16xi32> to vector<16xi32>
        %swap3A_594 = arith.constant 368 : index
        %swap3A_595 = tpu.vector_load %arg8[%swap3A_594] {strides = array<i32>} : memref<384xi32, #tpu.memory_space<vmem>>, vector<16xi32>,
        %swap3A_596 = vector.shape_cast %swap3A_595 : vector<16xi32> to vector<16xi32>
        %swap3A_597 = vector.shape_cast %get3A_593 : vector<16xi32> to vector<16xi32>
        tpu.vector_store %arg8[%swap3A_594], %swap3A_597 {strides = array<i32>} : memref<384xi32, #tpu.memory_space<vmem>>, vector<16xi32>,
        %dma_start3A_598 = arith.constant 256 : i32
        %dma_start3A_599 = arith.constant 0 : i32
        %dma_start3A_600 = tpu.memref_slice %arg9[%dma_start3A_598, %dma_start3A_599] : memref<384x256xf32, #tpu.memory_space<vmem>> -> memref<128x256xf32, #tpu.memory_space<vmem>>
        %dma_start3A_601 = arith.constant 256 : i32
        %dma_start3A_602 = tpu.memref_slice %arg8[%dma_start3A_601] : memref<384xi32, #tpu.memory_space<vmem>> -> memref<128xi32, #tpu.memory_space<vmem>>
        %dma_start3A_603 = arith.constant 0 : i32
        %dma_start3A_604 = arith.constant 0 : i32
        %dma_start3A_605 = tpu.memref_slice %arg4[%dma_start3A_603, %dma_start3A_604] : memref<100000x256xf32, #tpu.memory_space<hbm>> -> memref<100000x256xf32, #tpu.memory_space<hbm>>
        tpu.enqueue_indirect_dma source(%dma_start3A_605 : memref<100000x256xf32, #tpu.memory_space<hbm>>) target(%dma_start3A_600 : memref<128x256xf32, #tpu.memory_space<vmem>>) offsets(%dma_start3A_602 : memref<128xi32, #tpu.memory_space<vmem>>) semaphore(%arg15 : memref<!tpu.dma_semaphore, #tpu.memory_space<semaphore_mem>>)
      } else {
      }
      %eq3A_441 = arith.constant 1 : i32
      %eq3A_442 = arith.cmpi eq, %select_n3A_435, %eq3A_441 : i32
      %convert_element_type3A_443 = arith.extui %eq3A_442 : i1 to i32
      %cond3A_444 = arith.constant 0 : i32
      %cond3A_445 = arith.cmpi ne, %convert_element_type3A_443, %cond3A_444 : i32
      scf.if %cond3A_445 {
        %jit3A_446 = arith.constant 8 : i32
        %eq3A_447 = arith.constant 0 : i32
        %eq3A_448 = arith.cmpi eq, %jit3A_446, %eq3A_447 : i32
        %jit3A_449 = arith.constant 1 : i32
        %select_n3A_450 = arith.select %eq3A_448, %jit3A_449, %jit3A_446 : i32
        %rem3A_451 = arith.remsi %sub3A_251, %select_n3A_450 : i32
        %ne3A_452 = arith.constant 0 : i32
        %ne3A_453 = arith.cmpi ne, %rem3A_451, %ne3A_452 : i32
        %lt3A_454 = arith.constant 0 : i32
        %lt3A_455 = arith.cmpi slt, %rem3A_451, %lt3A_454 : i32
        %lt3A_456 = arith.constant 0 : i32
        %lt3A_457 = arith.cmpi slt, %select_n3A_450, %lt3A_456 : i32
        %ne3A_458 = arith.xori %lt3A_455, %lt3A_457 : i1
        %and3A_459 = arith.andi %ne3A_458, %ne3A_453 : i1
        %add3A_460 = arith.addi %rem3A_451, %select_n3A_450 : i32
        %select_n3A_461 = arith.select %and3A_459, %add3A_460, %rem3A_451 : i32
        %mul3A_462 = arith.constant 4 : i32
        %mul3A_463 = arith.muli %select_n3A_461, %mul3A_462 : i32
        %add3A_464 = arith.constant 32 : i32
        %add3A_465 = arith.addi %add3A_464, %mul3A_463 : i32
        %add3A_466 = arith.constant 0 : i32
        %add3A_467 = arith.addi %add3A_465, %add3A_466 : i32
        %get3A_468 = arith.index_cast %add3A_467 : i32 to index
        %get3A_469 = arith.constant 0 : index
        %get3A_470 = tpu.vector_load %arg6[%get3A_468, %get3A_469] {strides = array<i32>} : memref<64x32xi32, #tpu.memory_space<vmem>>, vector<1x16xi32>,
        %get3A_471 = vector.shape_cast %get3A_470 : vector<1x16xi32> to vector<16xi32>
        %swap3A_472 = arith.constant 256 : index
        %swap3A_473 = tpu.vector_load %arg8[%swap3A_472] {strides = array<i32>} : memref<384xi32, #tpu.memory_space<vmem>>, vector<16xi32>,
        %swap3A_474 = vector.shape_cast %swap3A_473 : vector<16xi32> to vector<16xi32>
        %swap3A_475 = vector.shape_cast %get3A_471 : vector<16xi32> to vector<16xi32>
        tpu.vector_store %arg8[%swap3A_472], %swap3A_475 {strides = array<i32>} : memref<384xi32, #tpu.memory_space<vmem>>, vector<16xi32>,
        %get3A_476 = arith.index_cast %add3A_467 : i32 to index
        %get3A_477 = arith.constant 16 : index
        %get3A_478 = tpu.vector_load %arg6[%get3A_476, %get3A_477] {strides = array<i32>} : memref<64x32xi32, #tpu.memory_space<vmem>>, vector<1x16xi32>,
        %get3A_479 = vector.shape_cast %get3A_478 : vector<1x16xi32> to vector<16xi32>
        %swap3A_480 = arith.constant 272 : index
        %swap3A_481 = tpu.vector_load %arg8[%swap3A_480] {strides = array<i32>} : memref<384xi32, #tpu.memory_space<vmem>>, vector<16xi32>,
        %swap3A_482 = vector.shape_cast %swap3A_481 : vector<16xi32> to vector<16xi32>
        %swap3A_483 = vector.shape_cast %get3A_479 : vector<16xi32> to vector<16xi32>
        tpu.vector_store %arg8[%swap3A_480], %swap3A_483 {strides = array<i32>} : memref<384xi32, #tpu.memory_space<vmem>>, vector<16xi32>,
        %jit3A_484 = arith.constant 8 : i32
        %eq3A_485 = arith.constant 0 : i32
        %eq3A_486 = arith.cmpi eq, %jit3A_484, %eq3A_485 : i32
        %jit3A_487 = arith.constant 1 : i32
        %select_n3A_488 = arith.select %eq3A_486, %jit3A_487, %jit3A_484 : i32
        %rem3A_489 = arith.remsi %sub3A_251, %select_n3A_488 : i32
        %ne3A_490 = arith.constant 0 : i32
        %ne3A_491 = arith.cmpi ne, %rem3A_489, %ne3A_490 : i32
        %lt3A_492 = arith.constant 0 : i32
        %lt3A_493 = arith.cmpi slt, %rem3A_489, %lt3A_492 : i32
        %lt3A_494 = arith.constant 0 : i32
        %lt3A_495 = arith.cmpi slt, %select_n3A_488, %lt3A_494 : i32
        %ne3A_496 = arith.xori %lt3A_493, %lt3A_495 : i1
        %and3A_497 = arith.andi %ne3A_496, %ne3A_491 : i1
        %add3A_498 = arith.addi %rem3A_489, %select_n3A_488 : i32
        %select_n3A_499 = arith.select %and3A_497, %add3A_498, %rem3A_489 : i32
        %mul3A_500 = arith.constant 4 : i32
        %mul3A_501 = arith.muli %select_n3A_499, %mul3A_500 : i32
        %add3A_502 = arith.constant 32 : i32
        %add3A_503 = arith.addi %add3A_502, %mul3A_501 : i32
        %add3A_504 = arith.constant 1 : i32
        %add3A_505 = arith.addi %add3A_503, %add3A_504 : i32
        %get3A_506 = arith.index_cast %add3A_505 : i32 to index
        %get3A_507 = arith.constant 0 : index
        %get3A_508 = tpu.vector_load %arg6[%get3A_506, %get3A_507] {strides = array<i32>} : memref<64x32xi32, #tpu.memory_space<vmem>>, vector<1x16xi32>,
        %get3A_509 = vector.shape_cast %get3A_508 : vector<1x16xi32> to vector<16xi32>
        %swap3A_510 = arith.constant 288 : index
        %swap3A_511 = tpu.vector_load %arg8[%swap3A_510] {strides = array<i32>} : memref<384xi32, #tpu.memory_space<vmem>>, vector<16xi32>,
        %swap3A_512 = vector.shape_cast %swap3A_511 : vector<16xi32> to vector<16xi32>
        %swap3A_513 = vector.shape_cast %get3A_509 : vector<16xi32> to vector<16xi32>
        tpu.vector_store %arg8[%swap3A_510], %swap3A_513 {strides = array<i32>} : memref<384xi32, #tpu.memory_space<vmem>>, vector<16xi32>,
        %get3A_514 = arith.index_cast %add3A_505 : i32 to index
        %get3A_515 = arith.constant 16 : index
        %get3A_516 = tpu.vector_load %arg6[%get3A_514, %get3A_515] {strides = array<i32>} : memref<64x32xi32, #tpu.memory_space<vmem>>, vector<1x16xi32>,
        %get3A_517 = vector.shape_cast %get3A_516 : vector<1x16xi32> to vector<16xi32>
        %swap3A_518 = arith.constant 304 : index
        %swap3A_519 = tpu.vector_load %arg8[%swap3A_518] {strides = array<i32>} : memref<384xi32, #tpu.memory_space<vmem>>, vector<16xi32>,
        %swap3A_520 = vector.shape_cast %swap3A_519 : vector<16xi32> to vector<16xi32>
        %swap3A_521 = vector.shape_cast %get3A_517 : vector<16xi32> to vector<16xi32>
        tpu.vector_store %arg8[%swap3A_518], %swap3A_521 {strides = array<i32>} : memref<384xi32, #tpu.memory_space<vmem>>, vector<16xi32>,
        %jit3A_522 = arith.constant 8 : i32
        %eq3A_523 = arith.constant 0 : i32
        %eq3A_524 = arith.cmpi eq, %jit3A_522, %eq3A_523 : i32
        %jit3A_525 = arith.constant 1 : i32
        %select_n3A_526 = arith.select %eq3A_524, %jit3A_525, %jit3A_522 : i32
        %rem3A_527 = arith.remsi %sub3A_251, %select_n3A_526 : i32
        %ne3A_528 = arith.constant 0 : i32
        %ne3A_529 = arith.cmpi ne, %rem3A_527, %ne3A_528 : i32
        %lt3A_530 = arith.constant 0 : i32
        %lt3A_531 = arith.cmpi slt, %rem3A_527, %lt3A_530 : i32
        %lt3A_532 = arith.constant 0 : i32
        %lt3A_533 = arith.cmpi slt, %select_n3A_526, %lt3A_532 : i32
        %ne3A_534 = arith.xori %lt3A_531, %lt3A_533 : i1
        %and3A_535 = arith.andi %ne3A_534, %ne3A_529 : i1
        %add3A_536 = arith.addi %rem3A_527, %select_n3A_526 : i32
        %select_n3A_537 = arith.select %and3A_535, %add3A_536, %rem3A_527 : i32
        %mul3A_538 = arith.constant 4 : i32
        %mul3A_539 = arith.muli %select_n3A_537, %mul3A_538 : i32
        %add3A_540 = arith.constant 32 : i32
        %add3A_541 = arith.addi %add3A_540, %mul3A_539 : i32
        %add3A_542 = arith.constant 2 : i32
        %add3A_543 = arith.addi %add3A_541, %add3A_542 : i32
        %get3A_544 = arith.index_cast %add3A_543 : i32 to index
        %get3A_545 = arith.constant 0 : index
        %get3A_546 = tpu.vector_load %arg6[%get3A_544, %get3A_545] {strides = array<i32>} : memref<64x32xi32, #tpu.memory_space<vmem>>, vector<1x16xi32>,
        %get3A_547 = vector.shape_cast %get3A_546 : vector<1x16xi32> to vector<16xi32>
        %swap3A_548 = arith.constant 320 : index
        %swap3A_549 = tpu.vector_load %arg8[%swap3A_548] {strides = array<i32>} : memref<384xi32, #tpu.memory_space<vmem>>, vector<16xi32>,
        %swap3A_550 = vector.shape_cast %swap3A_549 : vector<16xi32> to vector<16xi32>
        %swap3A_551 = vector.shape_cast %get3A_547 : vector<16xi32> to vector<16xi32>
        tpu.vector_store %arg8[%swap3A_548], %swap3A_551 {strides = array<i32>} : memref<384xi32, #tpu.memory_space<vmem>>, vector<16xi32>,
        %get3A_552 = arith.index_cast %add3A_543 : i32 to index
        %get3A_553 = arith.constant 16 : index
        %get3A_554 = tpu.vector_load %arg6[%get3A_552, %get3A_553] {strides = array<i32>} : memref<64x32xi32, #tpu.memory_space<vmem>>, vector<1x16xi32>,
        %get3A_555 = vector.shape_cast %get3A_554 : vector<1x16xi32> to vector<16xi32>
        %swap3A_556 = arith.constant 336 : index
        %swap3A_557 = tpu.vector_load %arg8[%swap3A_556] {strides = array<i32>} : memref<384xi32, #tpu.memory_space<vmem>>, vector<16xi32>,
        %swap3A_558 = vector.shape_cast %swap3A_557 : vector<16xi32> to vector<16xi32>
        %swap3A_559 = vector.shape_cast %get3A_555 : vector<16xi32> to vector<16xi32>
        tpu.vector_store %arg8[%swap3A_556], %swap3A_559 {strides = array<i32>} : memref<384xi32, #tpu.memory_space<vmem>>, vector<16xi32>,
        %jit3A_560 = arith.constant 8 : i32
        %eq3A_561 = arith.constant 0 : i32
        %eq3A_562 = arith.cmpi eq, %jit3A_560, %eq3A_561 : i32
        %jit3A_563 = arith.constant 1 : i32
        %select_n3A_564 = arith.select %eq3A_562, %jit3A_563, %jit3A_560 : i32
        %rem3A_565 = arith.remsi %sub3A_251, %select_n3A_564 : i32
        %ne3A_566 = arith.constant 0 : i32
        %ne3A_567 = arith.cmpi ne, %rem3A_565, %ne3A_566 : i32
        %lt3A_568 = arith.constant 0 : i32
        %lt3A_569 = arith.cmpi slt, %rem3A_565, %lt3A_568 : i32
        %lt3A_570 = arith.constant 0 : i32
        %lt3A_571 = arith.cmpi slt, %select_n3A_564, %lt3A_570 : i32
        %ne3A_572 = arith.xori %lt3A_569, %lt3A_571 : i1
        %and3A_573 = arith.andi %ne3A_572, %ne3A_567 : i1
        %add3A_574 = arith.addi %rem3A_565, %select_n3A_564 : i32
        %select_n3A_575 = arith.select %and3A_573, %add3A_574, %rem3A_565 : i32
        %mul3A_576 = arith.constant 4 : i32
        %mul3A_577 = arith.muli %select_n3A_575, %mul3A_576 : i32
        %add3A_578 = arith.constant 32 : i32
        %add3A_579 = arith.addi %add3A_578, %mul3A_577 : i32
        %add3A_580 = arith.constant 3 : i32
        %add3A_581 = arith.addi %add3A_579, %add3A_580 : i32
        %get3A_582 = arith.index_cast %add3A_581 : i32 to index
        %get3A_583 = arith.constant 0 : index
        %get3A_584 = tpu.vector_load %arg6[%get3A_582, %get3A_583] {strides = array<i32>} : memref<64x32xi32, #tpu.memory_space<vmem>>, vector<1x16xi32>,
        %get3A_585 = vector.shape_cast %get3A_584 : vector<1x16xi32> to vector<16xi32>
        %swap3A_586 = arith.constant 352 : index
        %swap3A_587 = tpu.vector_load %arg8[%swap3A_586] {strides = array<i32>} : memref<384xi32, #tpu.memory_space<vmem>>, vector<16xi32>,
        %swap3A_588 = vector.shape_cast %swap3A_587 : vector<16xi32> to vector<16xi32>
        %swap3A_589 = vector.shape_cast %get3A_585 : vector<16xi32> to vector<16xi32>
        tpu.vector_store %arg8[%swap3A_586], %swap3A_589 {strides = array<i32>} : memref<384xi32, #tpu.memory_space<vmem>>, vector<16xi32>,
        %get3A_590 = arith.index_cast %add3A_581 : i32 to index
        %get3A_591 = arith.constant 16 : index
        %get3A_592 = tpu.vector_load %arg6[%get3A_590, %get3A_591] {strides = array<i32>} : memref<64x32xi32, #tpu.memory_space<vmem>>, vector<1x16xi32>,
        %get3A_593 = vector.shape_cast %get3A_592 : vector<1x16xi32> to vector<16xi32>
        %swap3A_594 = arith.constant 368 : index
        %swap3A_595 = tpu.vector_load %arg8[%swap3A_594] {strides = array<i32>} : memref<384xi32, #tpu.memory_space<vmem>>, vector<16xi32>,
        %swap3A_596 = vector.shape_cast %swap3A_595 : vector<16xi32> to vector<16xi32>
        %swap3A_597 = vector.shape_cast %get3A_593 : vector<16xi32> to vector<16xi32>
        tpu.vector_store %arg8[%swap3A_594], %swap3A_597 {strides = array<i32>} : memref<384xi32, #tpu.memory_space<vmem>>, vector<16xi32>,
        %dma_start3A_598 = arith.constant 256 : i32
        %dma_start3A_599 = arith.constant 0 : i32
        %dma_start3A_600 = tpu.memref_slice %arg9[%dma_start3A_598, %dma_start3A_599] : memref<384x256xf32, #tpu.memory_space<vmem>> -> memref<128x256xf32, #tpu.memory_space<vmem>>
        %dma_start3A_601 = arith.constant 256 : i32
        %dma_start3A_602 = tpu.memref_slice %arg8[%dma_start3A_601] : memref<384xi32, #tpu.memory_space<vmem>> -> memref<128xi32, #tpu.memory_space<vmem>>
        %dma_start3A_603 = arith.constant 0 : i32
        %dma_start3A_604 = arith.constant 0 : i32
        %dma_start3A_605 = tpu.memref_slice %arg4[%dma_start3A_603, %dma_start3A_604] : memref<100000x256xf32, #tpu.memory_space<hbm>> -> memref<100000x256xf32, #tpu.memory_space<hbm>>
        tpu.enqueue_indirect_dma source(%dma_start3A_605 : memref<100000x256xf32, #tpu.memory_space<hbm>>) target(%dma_start3A_600 : memref<128x256xf32, #tpu.memory_space<vmem>>) offsets(%dma_start3A_602 : memref<128xi32, #tpu.memory_space<vmem>>) semaphore(%arg15 : memref<!tpu.dma_semaphore, #tpu.memory_space<semaphore_mem>>)
      } else {
      }
    } else {
    }
    %not3A = arith.constant false
    %not3A_272 = arith.constant true
    %not3A_273 = arith.xori %not3A, %not3A_272 : i1
    %convert_element_type3A_274 = arith.extui %not3A_273 : i1 to i32
    %cond3A_275 = arith.constant 0 : i32
    %cond3A_276 = arith.cmpi ne, %convert_element_type3A_274, %cond3A_275 : i32
    scf.if %cond3A_276 {
      %dma_wait3A_396 = arith.constant 0 : i32
      %dma_wait3A_397 = arith.constant 0 : i32
      %dma_wait3A_398 = tpu.memref_slice %arg10[%dma_wait3A_396, %dma_wait3A_397] : memref<12x256xf32, #tpu.memory_space<vmem>> -> memref<4x256xf32, #tpu.memory_space<vmem>>
      %dma_wait3A_399 = arith.constant 0 : i32
      %dma_wait3A_400 = arith.constant 0 : i32
      %dma_wait3A_401 = tpu.memref_slice %arg5[%dma_wait3A_399, %dma_wait3A_400] : memref<32768x256xf32, #tpu.memory_space<hbm>> -> memref<4x256xf32, #tpu.memory_space<hbm>>
      %dma_wait3A_402 = arith.constant 0 : i32
      %dma_wait3A_403 = arith.constant 0 : i32
      %dma_wait3A_404 = tpu.memref_slice %arg5[%dma_wait3A_402, %dma_wait3A_403] : memref<32768x256xf32, #tpu.memory_space<hbm>> -> memref<4x256xf32, #tpu.memory_space<hbm>>
      %dma_wait3A_405 = arith.constant 0 : i32
      %dma_wait3A_406 = arith.constant 0 : i32
      %dma_wait3A_407 = tpu.memref_slice %arg10[%dma_wait3A_405, %dma_wait3A_406] : memref<12x256xf32, #tpu.memory_space<vmem>> -> memref<4x256xf32, #tpu.memory_space<vmem>>
      tpu.wait_dma2 semaphore(%arg16 : memref<!tpu.dma_semaphore, #tpu.memory_space<semaphore_mem>>) src(%dma_wait3A_407 : memref<4x256xf32, #tpu.memory_space<vmem>>) dst(%dma_wait3A_404 : memref<4x256xf32, #tpu.memory_space<hbm>>)
    } else {
    }
    %jit3A_277 = arith.constant 255 : i32
    %jit3A_278 = arith.constant 8 : i32
    %div3A = arith.divsi %jit3A_277, %jit3A_278 : i32
    %sign3A = arith.constant 0 : i32
    %sign3A_279 = arith.cmpi sgt, %jit3A_277, %sign3A : i32
    %sign3A_280 = arith.extui %sign3A_279 : i1 to i32
    %sign3A_281 = arith.constant 0 : i32
    %sign3A_282 = arith.cmpi slt, %jit3A_277, %sign3A_281 : i32
    %sign3A_283 = arith.extui %sign3A_282 : i1 to i32
    %sign3A_284 = arith.subi %sign3A_280, %sign3A_283 : i32
    %sign3A_285 = arith.constant 0 : i32
    %sign3A_286 = arith.cmpi sgt, %jit3A_278, %sign3A_285 : i32
    %sign3A_287 = arith.extui %sign3A_286 : i1 to i32
    %sign3A_288 = arith.constant 0 : i32
    %sign3A_289 = arith.cmpi slt, %jit3A_278, %sign3A_288 : i32
    %sign3A_290 = arith.extui %sign3A_289 : i1 to i32
    %sign3A_291 = arith.subi %sign3A_287, %sign3A_290 : i32
    %ne3A_292 = arith.cmpi ne, %sign3A_284, %sign3A_291 : i32
    %rem3A_293 = arith.remsi %jit3A_277, %jit3A_278 : i32
    %ne3A_294 = arith.constant 0 : i32
    %ne3A_295 = arith.cmpi ne, %rem3A_293, %ne3A_294 : i32
    %and3A_296 = arith.andi %ne3A_292, %ne3A_295 : i1
    %sub3A_297 = arith.constant 1 : i32
    %sub3A_298 = arith.subi %div3A, %sub3A_297 : i32
    %select_n3A_299 = arith.select %and3A_296, %sub3A_298, %div3A : i32
    %jit3A_300 = arith.constant 2 : i32
    %eq3A_301 = arith.constant 0 : i32
    %eq3A_302 = arith.cmpi eq, %jit3A_300, %eq3A_301 : i32
    %jit3A_303 = arith.constant 1 : i32
    %select_n3A_304 = arith.select %eq3A_302, %jit3A_303, %jit3A_300 : i32
    %rem3A_305 = arith.remsi %select_n3A_299, %select_n3A_304 : i32
    %ne3A_306 = arith.constant 0 : i32
    %ne3A_307 = arith.cmpi ne, %rem3A_305, %ne3A_306 : i32
    %lt3A_308 = arith.constant 0 : i32
    %lt3A_309 = arith.cmpi slt, %rem3A_305, %lt3A_308 : i32
    %lt3A_310 = arith.constant 0 : i32
    %lt3A_311 = arith.cmpi slt, %select_n3A_304, %lt3A_310 : i32
    %ne3A_312 = arith.xori %lt3A_309, %lt3A_311 : i1
    %and3A_313 = arith.andi %ne3A_312, %ne3A_307 : i1
    %add3A_314 = arith.addi %rem3A_305, %select_n3A_304 : i32
    %select_n3A_315 = arith.select %and3A_313, %add3A_314, %rem3A_305 : i32
    %scan3A_316 = arith.constant 0 : i32
    %scan3A_317 = arith.constant 255 : i32
    %scan3A_318 = arith.constant 0 : i32
    %scan3A_319 = arith.constant 4 : i32
    %scan3A_320 = arith.addi %scan3A_318, %scan3A_319 : i32
    %scan3A_321 = arith.constant 1 : i32
    scf.for %scan3A_396 = %scan3A_318 to %scan3A_320 step %scan3A_321  : i32 {
      %mul3A_397 = arith.constant 32 : i32
      %mul3A_398 = arith.muli %select_n3A_315, %mul3A_397 : i32
      %jit3A_399 = arith.constant 8 : i32
      %eq3A_400 = arith.constant 0 : i32
      %eq3A_401 = arith.cmpi eq, %jit3A_399, %eq3A_400 : i32
      %jit3A_402 = arith.constant 1 : i32
      %select_n3A_403 = arith.select %eq3A_401, %jit3A_402, %jit3A_399 : i32
      %rem3A_404 = arith.remsi %scan3A_317, %select_n3A_403 : i32
      %ne3A_405 = arith.constant 0 : i32
      %ne3A_406 = arith.cmpi ne, %rem3A_404, %ne3A_405 : i32
      %lt3A_407 = arith.constant 0 : i32
      %lt3A_408 = arith.cmpi slt, %rem3A_404, %lt3A_407 : i32
      %lt3A_409 = arith.constant 0 : i32
      %lt3A_410 = arith.cmpi slt, %select_n3A_403, %lt3A_409 : i32
      %ne3A_411 = arith.xori %lt3A_408, %lt3A_410 : i1
      %and3A_412 = arith.andi %ne3A_411, %ne3A_406 : i1
      %add3A_413 = arith.addi %rem3A_404, %select_n3A_403 : i32
      %select_n3A_414 = arith.select %and3A_412, %add3A_413, %rem3A_404 : i32
      %mul3A_415 = arith.constant 4 : i32
      %mul3A_416 = arith.muli %select_n3A_414, %mul3A_415 : i32
      %add3A_417 = arith.addi %mul3A_398, %mul3A_416 : i32
      %add3A_418 = arith.addi %add3A_417, %scan3A_396 : i32
      %get3A_419 = arith.index_cast %add3A_418 : i32 to index
      %get3A_420 = arith.constant 0 : index
      %get3A_421 = tpu.vector_load %arg7[%get3A_419, %get3A_420] {strides = array<i32>} : memref<64x32xf32, #tpu.memory_space<vmem>>, vector<1x16xf32>,
      %get3A_422 = vector.shape_cast %get3A_421 : vector<1x16xf32> to vector<16xf32>
      %get3A_423 = arith.index_cast %add3A_418 : i32 to index
      %get3A_424 = arith.constant 16 : index
      %get3A_425 = tpu.vector_load %arg7[%get3A_423, %get3A_424] {strides = array<i32>} : memref<64x32xf32, #tpu.memory_space<vmem>>, vector<1x16xf32>,
      %get3A_426 = vector.shape_cast %get3A_425 : vector<1x16xf32> to vector<16xf32>
      %mul3A_427 = arith.constant 32 : i32
      %mul3A_428 = arith.muli %scan3A_396, %mul3A_427 : i32
      %add3A_429 = arith.constant 0 : i32
      %add3A_430 = arith.addi %add3A_429, %mul3A_428 : i32
      %scan3A_431 = arith.constant 0 : i32
      %scan3A_432 = arith.constant 0 : i32
      %scan3A_433 = arith.constant 16 : i32
      %scan3A_434 = arith.addi %scan3A_432, %scan3A_433 : i32
      %scan3A_435 = arith.constant 1 : i32
      scf.for %scan3A_437 = %scan3A_432 to %scan3A_434 step %scan3A_435  : i32 {
        %mul3A_438 = arith.constant 16 : i32
        %mul3A_439 = arith.muli %scan3A_437, %mul3A_438 : i32
        %multiple_of3A = tpu.assume_multiple %mul3A_439, 16 : i32
        %broadcast_in_dim3A = arith.constant 0.000000e+00 : f32
        %broadcast_in_dim3A_440 = vector.broadcast %broadcast_in_dim3A : f32 to vector<16xf32>
        %broadcast_in_dim3A_441 = arith.constant 0.000000e+00 : f32
        %broadcast_in_dim3A_442 = vector.broadcast %broadcast_in_dim3A_441 : f32 to vector<16xf32>
        %broadcast_in_dim3A_443 = arith.constant 0.000000e+00 : f32
        %broadcast_in_dim3A_444 = vector.broadcast %broadcast_in_dim3A_443 : f32 to vector<16xf32>
        %broadcast_in_dim3A_445 = arith.constant 0.000000e+00 : f32
        %broadcast_in_dim3A_446 = vector.broadcast %broadcast_in_dim3A_445 : f32 to vector<16xf32>
        %slice3A = vector.extract_strided_slice %get3A_422 {offsets = [0], sizes = [1], strides = [1]} : vector<16xf32> to vector<1xf32>
        %squeeze3A = vector.extract %slice3A[0] : f32 from vector<1xf32>
        %add3A_447 = arith.constant 0 : i32
        %add3A_448 = arith.addi %add3A_430, %add3A_447 : i32
        %get3A_449 = arith.index_cast %add3A_448 : i32 to index
        %get3A_450 = arith.index_cast %multiple_of3A : i32 to index
        %get3A_451 = tpu.vector_load %arg9[%get3A_449, %get3A_450] {strides = array<i32>} : memref<384x256xf32, #tpu.memory_space<vmem>>, vector<1x16xf32>,
        %get3A_452 = vector.shape_cast %get3A_451 : vector<1x16xf32> to vector<16xf32>
        %mul3A_453 = vector.broadcast %squeeze3A : f32 to vector<16xf32>
        %mul3A_454 = arith.mulf %get3A_452, %mul3A_453 : vector<16xf32>
        %add3A_455 = arith.addf %broadcast_in_dim3A_440, %mul3A_454 : vector<16xf32>
        %slice3A_456 = vector.extract_strided_slice %get3A_422 {offsets = [1], sizes = [1], strides = [1]} : vector<16xf32> to vector<1xf32>
        %squeeze3A_457 = vector.extract %slice3A_456[0] : f32 from vector<1xf32>
        %add3A_458 = arith.constant 1 : i32
        %add3A_459 = arith.addi %add3A_430, %add3A_458 : i32
        %get3A_460 = arith.index_cast %add3A_459 : i32 to index
        %get3A_461 = arith.index_cast %multiple_of3A : i32 to index
        %get3A_462 = tpu.vector_load %arg9[%get3A_460, %get3A_461] {strides = array<i32>} : memref<384x256xf32, #tpu.memory_space<vmem>>, vector<1x16xf32>,
        %get3A_463 = vector.shape_cast %get3A_462 : vector<1x16xf32> to vector<16xf32>
        %mul3A_464 = vector.broadcast %squeeze3A_457 : f32 to vector<16xf32>
        %mul3A_465 = arith.mulf %get3A_463, %mul3A_464 : vector<16xf32>
        %add3A_466 = arith.addf %broadcast_in_dim3A_442, %mul3A_465 : vector<16xf32>
        %slice3A_467 = vector.extract_strided_slice %get3A_422 {offsets = [2], sizes = [1], strides = [1]} : vector<16xf32> to vector<1xf32>
        %squeeze3A_468 = vector.extract %slice3A_467[0] : f32 from vector<1xf32>
        %add3A_469 = arith.constant 2 : i32
        %add3A_470 = arith.addi %add3A_430, %add3A_469 : i32
        %get3A_471 = arith.index_cast %add3A_470 : i32 to index
        %get3A_472 = arith.index_cast %multiple_of3A : i32 to index
        %get3A_473 = tpu.vector_load %arg9[%get3A_471, %get3A_472] {strides = array<i32>} : memref<384x256xf32, #tpu.memory_space<vmem>>, vector<1x16xf32>,
        %get3A_474 = vector.shape_cast %get3A_473 : vector<1x16xf32> to vector<16xf32>
        %mul3A_475 = vector.broadcast %squeeze3A_468 : f32 to vector<16xf32>
        %mul3A_476 = arith.mulf %get3A_474, %mul3A_475 : vector<16xf32>
        %add3A_477 = arith.addf %broadcast_in_dim3A_444, %mul3A_476 : vector<16xf32>
        %slice3A_478 = vector.extract_strided_slice %get3A_422 {offsets = [3], sizes = [1], strides = [1]} : vector<16xf32> to vector<1xf32>
        %squeeze3A_479 = vector.extract %slice3A_478[0] : f32 from vector<1xf32>
        %add3A_480 = arith.constant 3 : i32
        %add3A_481 = arith.addi %add3A_430, %add3A_480 : i32
        %get3A_482 = arith.index_cast %add3A_481 : i32 to index
        %get3A_483 = arith.index_cast %multiple_of3A : i32 to index
        %get3A_484 = tpu.vector_load %arg9[%get3A_482, %get3A_483] {strides = array<i32>} : memref<384x256xf32, #tpu.memory_space<vmem>>, vector<1x16xf32>,
        %get3A_485 = vector.shape_cast %get3A_484 : vector<1x16xf32> to vector<16xf32>
        %mul3A_486 = vector.broadcast %squeeze3A_479 : f32 to vector<16xf32>
        %mul3A_487 = arith.mulf %get3A_485, %mul3A_486 : vector<16xf32>
        %add3A_488 = arith.addf %broadcast_in_dim3A_446, %mul3A_487 : vector<16xf32>
        %slice3A_489 = vector.extract_strided_slice %get3A_422 {offsets = [4], sizes = [1], strides = [1]} : vector<16xf32> to vector<1xf32>
        %squeeze3A_490 = vector.extract %slice3A_489[0] : f32 from vector<1xf32>
        %add3A_491 = arith.constant 4 : i32
        %add3A_492 = arith.addi %add3A_430, %add3A_491 : i32
        %get3A_493 = arith.index_cast %add3A_492 : i32 to index
        %get3A_494 = arith.index_cast %multiple_of3A : i32 to index
        %get3A_495 = tpu.vector_load %arg9[%get3A_493, %get3A_494] {strides = array<i32>} : memref<384x256xf32, #tpu.memory_space<vmem>>, vector<1x16xf32>,
        %get3A_496 = vector.shape_cast %get3A_495 : vector<1x16xf32> to vector<16xf32>
        %mul3A_497 = vector.broadcast %squeeze3A_490 : f32 to vector<16xf32>
        %mul3A_498 = arith.mulf %get3A_496, %mul3A_497 : vector<16xf32>
        %add3A_499 = arith.addf %add3A_455, %mul3A_498 : vector<16xf32>
        %slice3A_500 = vector.extract_strided_slice %get3A_422 {offsets = [5], sizes = [1], strides = [1]} : vector<16xf32> to vector<1xf32>
        %squeeze3A_501 = vector.extract %slice3A_500[0] : f32 from vector<1xf32>
        %add3A_502 = arith.constant 5 : i32
        %add3A_503 = arith.addi %add3A_430, %add3A_502 : i32
        %get3A_504 = arith.index_cast %add3A_503 : i32 to index
        %get3A_505 = arith.index_cast %multiple_of3A : i32 to index
        %get3A_506 = tpu.vector_load %arg9[%get3A_504, %get3A_505] {strides = array<i32>} : memref<384x256xf32, #tpu.memory_space<vmem>>, vector<1x16xf32>,
        %get3A_507 = vector.shape_cast %get3A_506 : vector<1x16xf32> to vector<16xf32>
        %mul3A_508 = vector.broadcast %squeeze3A_501 : f32 to vector<16xf32>
        %mul3A_509 = arith.mulf %get3A_507, %mul3A_508 : vector<16xf32>
        %add3A_510 = arith.addf %add3A_466, %mul3A_509 : vector<16xf32>
        %slice3A_511 = vector.extract_strided_slice %get3A_422 {offsets = [6], sizes = [1], strides = [1]} : vector<16xf32> to vector<1xf32>
        %squeeze3A_512 = vector.extract %slice3A_511[0] : f32 from vector<1xf32>
        %add3A_513 = arith.constant 6 : i32
        %add3A_514 = arith.addi %add3A_430, %add3A_513 : i32
        %get3A_515 = arith.index_cast %add3A_514 : i32 to index
        %get3A_516 = arith.index_cast %multiple_of3A : i32 to index
        %get3A_517 = tpu.vector_load %arg9[%get3A_515, %get3A_516] {strides = array<i32>} : memref<384x256xf32, #tpu.memory_space<vmem>>, vector<1x16xf32>,
        %get3A_518 = vector.shape_cast %get3A_517 : vector<1x16xf32> to vector<16xf32>
        %mul3A_519 = vector.broadcast %squeeze3A_512 : f32 to vector<16xf32>
        %mul3A_520 = arith.mulf %get3A_518, %mul3A_519 : vector<16xf32>
        %add3A_521 = arith.addf %add3A_477, %mul3A_520 : vector<16xf32>
        %slice3A_522 = vector.extract_strided_slice %get3A_422 {offsets = [7], sizes = [1], strides = [1]} : vector<16xf32> to vector<1xf32>
        %squeeze3A_523 = vector.extract %slice3A_522[0] : f32 from vector<1xf32>
        %add3A_524 = arith.constant 7 : i32
        %add3A_525 = arith.addi %add3A_430, %add3A_524 : i32
        %get3A_526 = arith.index_cast %add3A_525 : i32 to index
        %get3A_527 = arith.index_cast %multiple_of3A : i32 to index
        %get3A_528 = tpu.vector_load %arg9[%get3A_526, %get3A_527] {strides = array<i32>} : memref<384x256xf32, #tpu.memory_space<vmem>>, vector<1x16xf32>,
        %get3A_529 = vector.shape_cast %get3A_528 : vector<1x16xf32> to vector<16xf32>
        %mul3A_530 = vector.broadcast %squeeze3A_523 : f32 to vector<16xf32>
        %mul3A_531 = arith.mulf %get3A_529, %mul3A_530 : vector<16xf32>
        %add3A_532 = arith.addf %add3A_488, %mul3A_531 : vector<16xf32>
        %slice3A_533 = vector.extract_strided_slice %get3A_422 {offsets = [8], sizes = [1], strides = [1]} : vector<16xf32> to vector<1xf32>
        %squeeze3A_534 = vector.extract %slice3A_533[0] : f32 from vector<1xf32>
        %add3A_535 = arith.constant 8 : i32
        %add3A_536 = arith.addi %add3A_430, %add3A_535 : i32
        %get3A_537 = arith.index_cast %add3A_536 : i32 to index
        %get3A_538 = arith.index_cast %multiple_of3A : i32 to index
        %get3A_539 = tpu.vector_load %arg9[%get3A_537, %get3A_538] {strides = array<i32>} : memref<384x256xf32, #tpu.memory_space<vmem>>, vector<1x16xf32>,
        %get3A_540 = vector.shape_cast %get3A_539 : vector<1x16xf32> to vector<16xf32>
        %mul3A_541 = vector.broadcast %squeeze3A_534 : f32 to vector<16xf32>
        %mul3A_542 = arith.mulf %get3A_540, %mul3A_541 : vector<16xf32>
        %add3A_543 = arith.addf %add3A_499, %mul3A_542 : vector<16xf32>
        %slice3A_544 = vector.extract_strided_slice %get3A_422 {offsets = [9], sizes = [1], strides = [1]} : vector<16xf32> to vector<1xf32>
        %squeeze3A_545 = vector.extract %slice3A_544[0] : f32 from vector<1xf32>
        %add3A_546 = arith.constant 9 : i32
        %add3A_547 = arith.addi %add3A_430, %add3A_546 : i32
        %get3A_548 = arith.index_cast %add3A_547 : i32 to index
        %get3A_549 = arith.index_cast %multiple_of3A : i32 to index
        %get3A_550 = tpu.vector_load %arg9[%get3A_548, %get3A_549] {strides = array<i32>} : memref<384x256xf32, #tpu.memory_space<vmem>>, vector<1x16xf32>,
        %get3A_551 = vector.shape_cast %get3A_550 : vector<1x16xf32> to vector<16xf32>
        %mul3A_552 = vector.broadcast %squeeze3A_545 : f32 to vector<16xf32>
        %mul3A_553 = arith.mulf %get3A_551, %mul3A_552 : vector<16xf32>
        %add3A_554 = arith.addf %add3A_510, %mul3A_553 : vector<16xf32>
        %slice3A_555 = vector.extract_strided_slice %get3A_422 {offsets = [10], sizes = [1], strides = [1]} : vector<16xf32> to vector<1xf32>
        %squeeze3A_556 = vector.extract %slice3A_555[0] : f32 from vector<1xf32>
        %add3A_557 = arith.constant 10 : i32
        %add3A_558 = arith.addi %add3A_430, %add3A_557 : i32
        %get3A_559 = arith.index_cast %add3A_558 : i32 to index
        %get3A_560 = arith.index_cast %multiple_of3A : i32 to index
        %get3A_561 = tpu.vector_load %arg9[%get3A_559, %get3A_560] {strides = array<i32>} : memref<384x256xf32, #tpu.memory_space<vmem>>, vector<1x16xf32>,
        %get3A_562 = vector.shape_cast %get3A_561 : vector<1x16xf32> to vector<16xf32>
        %mul3A_563 = vector.broadcast %squeeze3A_556 : f32 to vector<16xf32>
        %mul3A_564 = arith.mulf %get3A_562, %mul3A_563 : vector<16xf32>
        %add3A_565 = arith.addf %add3A_521, %mul3A_564 : vector<16xf32>
        %slice3A_566 = vector.extract_strided_slice %get3A_422 {offsets = [11], sizes = [1], strides = [1]} : vector<16xf32> to vector<1xf32>
        %squeeze3A_567 = vector.extract %slice3A_566[0] : f32 from vector<1xf32>
        %add3A_568 = arith.constant 11 : i32
        %add3A_569 = arith.addi %add3A_430, %add3A_568 : i32
        %get3A_570 = arith.index_cast %add3A_569 : i32 to index
        %get3A_571 = arith.index_cast %multiple_of3A : i32 to index
        %get3A_572 = tpu.vector_load %arg9[%get3A_570, %get3A_571] {strides = array<i32>} : memref<384x256xf32, #tpu.memory_space<vmem>>, vector<1x16xf32>,
        %get3A_573 = vector.shape_cast %get3A_572 : vector<1x16xf32> to vector<16xf32>
        %mul3A_574 = vector.broadcast %squeeze3A_567 : f32 to vector<16xf32>
        %mul3A_575 = arith.mulf %get3A_573, %mul3A_574 : vector<16xf32>
        %add3A_576 = arith.addf %add3A_532, %mul3A_575 : vector<16xf32>
        %slice3A_577 = vector.extract_strided_slice %get3A_422 {offsets = [12], sizes = [1], strides = [1]} : vector<16xf32> to vector<1xf32>
        %squeeze3A_578 = vector.extract %slice3A_577[0] : f32 from vector<1xf32>
        %add3A_579 = arith.constant 12 : i32
        %add3A_580 = arith.addi %add3A_430, %add3A_579 : i32
        %get3A_581 = arith.index_cast %add3A_580 : i32 to index
        %get3A_582 = arith.index_cast %multiple_of3A : i32 to index
        %get3A_583 = tpu.vector_load %arg9[%get3A_581, %get3A_582] {strides = array<i32>} : memref<384x256xf32, #tpu.memory_space<vmem>>, vector<1x16xf32>,
        %get3A_584 = vector.shape_cast %get3A_583 : vector<1x16xf32> to vector<16xf32>
        %mul3A_585 = vector.broadcast %squeeze3A_578 : f32 to vector<16xf32>
        %mul3A_586 = arith.mulf %get3A_584, %mul3A_585 : vector<16xf32>
        %add3A_587 = arith.addf %add3A_543, %mul3A_586 : vector<16xf32>
        %slice3A_588 = vector.extract_strided_slice %get3A_422 {offsets = [13], sizes = [1], strides = [1]} : vector<16xf32> to vector<1xf32>
        %squeeze3A_589 = vector.extract %slice3A_588[0] : f32 from vector<1xf32>
        %add3A_590 = arith.constant 13 : i32
        %add3A_591 = arith.addi %add3A_430, %add3A_590 : i32
        %get3A_592 = arith.index_cast %add3A_591 : i32 to index
        %get3A_593 = arith.index_cast %multiple_of3A : i32 to index
        %get3A_594 = tpu.vector_load %arg9[%get3A_592, %get3A_593] {strides = array<i32>} : memref<384x256xf32, #tpu.memory_space<vmem>>, vector<1x16xf32>,
        %get3A_595 = vector.shape_cast %get3A_594 : vector<1x16xf32> to vector<16xf32>
        %mul3A_596 = vector.broadcast %squeeze3A_589 : f32 to vector<16xf32>
        %mul3A_597 = arith.mulf %get3A_595, %mul3A_596 : vector<16xf32>
        %add3A_598 = arith.addf %add3A_554, %mul3A_597 : vector<16xf32>
        %slice3A_599 = vector.extract_strided_slice %get3A_422 {offsets = [14], sizes = [1], strides = [1]} : vector<16xf32> to vector<1xf32>
        %squeeze3A_600 = vector.extract %slice3A_599[0] : f32 from vector<1xf32>
        %add3A_601 = arith.constant 14 : i32
        %add3A_602 = arith.addi %add3A_430, %add3A_601 : i32
        %get3A_603 = arith.index_cast %add3A_602 : i32 to index
        %get3A_604 = arith.index_cast %multiple_of3A : i32 to index
        %get3A_605 = tpu.vector_load %arg9[%get3A_603, %get3A_604] {strides = array<i32>} : memref<384x256xf32, #tpu.memory_space<vmem>>, vector<1x16xf32>,
        %get3A_606 = vector.shape_cast %get3A_605 : vector<1x16xf32> to vector<16xf32>
        %mul3A_607 = vector.broadcast %squeeze3A_600 : f32 to vector<16xf32>
        %mul3A_608 = arith.mulf %get3A_606, %mul3A_607 : vector<16xf32>
        %add3A_609 = arith.addf %add3A_565, %mul3A_608 : vector<16xf32>
        %slice3A_610 = vector.extract_strided_slice %get3A_422 {offsets = [15], sizes = [1], strides = [1]} : vector<16xf32> to vector<1xf32>
        %squeeze3A_611 = vector.extract %slice3A_610[0] : f32 from vector<1xf32>
        %add3A_612 = arith.constant 15 : i32
        %add3A_613 = arith.addi %add3A_430, %add3A_612 : i32
        %get3A_614 = arith.index_cast %add3A_613 : i32 to index
        %get3A_615 = arith.index_cast %multiple_of3A : i32 to index
        %get3A_616 = tpu.vector_load %arg9[%get3A_614, %get3A_615] {strides = array<i32>} : memref<384x256xf32, #tpu.memory_space<vmem>>, vector<1x16xf32>,
        %get3A_617 = vector.shape_cast %get3A_616 : vector<1x16xf32> to vector<16xf32>
        %mul3A_618 = vector.broadcast %squeeze3A_611 : f32 to vector<16xf32>
        %mul3A_619 = arith.mulf %get3A_617, %mul3A_618 : vector<16xf32>
        %add3A_620 = arith.addf %add3A_576, %mul3A_619 : vector<16xf32>
        %slice3A_621 = vector.extract_strided_slice %get3A_426 {offsets = [0], sizes = [1], strides = [1]} : vector<16xf32> to vector<1xf32>
        %squeeze3A_622 = vector.extract %slice3A_621[0] : f32 from vector<1xf32>
        %add3A_623 = arith.constant 16 : i32
        %add3A_624 = arith.addi %add3A_430, %add3A_623 : i32
        %get3A_625 = arith.index_cast %add3A_624 : i32 to index
        %get3A_626 = arith.index_cast %multiple_of3A : i32 to index
        %get3A_627 = tpu.vector_load %arg9[%get3A_625, %get3A_626] {strides = array<i32>} : memref<384x256xf32, #tpu.memory_space<vmem>>, vector<1x16xf32>,
        %get3A_628 = vector.shape_cast %get3A_627 : vector<1x16xf32> to vector<16xf32>
        %mul3A_629 = vector.broadcast %squeeze3A_622 : f32 to vector<16xf32>
        %mul3A_630 = arith.mulf %get3A_628, %mul3A_629 : vector<16xf32>
        %add3A_631 = arith.addf %add3A_587, %mul3A_630 : vector<16xf32>
        %slice3A_632 = vector.extract_strided_slice %get3A_426 {offsets = [1], sizes = [1], strides = [1]} : vector<16xf32> to vector<1xf32>
        %squeeze3A_633 = vector.extract %slice3A_632[0] : f32 from vector<1xf32>
        %add3A_634 = arith.constant 17 : i32
        %add3A_635 = arith.addi %add3A_430, %add3A_634 : i32
        %get3A_636 = arith.index_cast %add3A_635 : i32 to index
        %get3A_637 = arith.index_cast %multiple_of3A : i32 to index
        %get3A_638 = tpu.vector_load %arg9[%get3A_636, %get3A_637] {strides = array<i32>} : memref<384x256xf32, #tpu.memory_space<vmem>>, vector<1x16xf32>,
        %get3A_639 = vector.shape_cast %get3A_638 : vector<1x16xf32> to vector<16xf32>
        %mul3A_640 = vector.broadcast %squeeze3A_633 : f32 to vector<16xf32>
        %mul3A_641 = arith.mulf %get3A_639, %mul3A_640 : vector<16xf32>
        %add3A_642 = arith.addf %add3A_598, %mul3A_641 : vector<16xf32>
        %slice3A_643 = vector.extract_strided_slice %get3A_426 {offsets = [2], sizes = [1], strides = [1]} : vector<16xf32> to vector<1xf32>
        %squeeze3A_644 = vector.extract %slice3A_643[0] : f32 from vector<1xf32>
        %add3A_645 = arith.constant 18 : i32
        %add3A_646 = arith.addi %add3A_430, %add3A_645 : i32
        %get3A_647 = arith.index_cast %add3A_646 : i32 to index
        %get3A_648 = arith.index_cast %multiple_of3A : i32 to index
        %get3A_649 = tpu.vector_load %arg9[%get3A_647, %get3A_648] {strides = array<i32>} : memref<384x256xf32, #tpu.memory_space<vmem>>, vector<1x16xf32>,
        %get3A_650 = vector.shape_cast %get3A_649 : vector<1x16xf32> to vector<16xf32>
        %mul3A_651 = vector.broadcast %squeeze3A_644 : f32 to vector<16xf32>
        %mul3A_652 = arith.mulf %get3A_650, %mul3A_651 : vector<16xf32>
        %add3A_653 = arith.addf %add3A_609, %mul3A_652 : vector<16xf32>
        %slice3A_654 = vector.extract_strided_slice %get3A_426 {offsets = [3], sizes = [1], strides = [1]} : vector<16xf32> to vector<1xf32>
        %squeeze3A_655 = vector.extract %slice3A_654[0] : f32 from vector<1xf32>
        %add3A_656 = arith.constant 19 : i32
        %add3A_657 = arith.addi %add3A_430, %add3A_656 : i32
        %get3A_658 = arith.index_cast %add3A_657 : i32 to index
        %get3A_659 = arith.index_cast %multiple_of3A : i32 to index
        %get3A_660 = tpu.vector_load %arg9[%get3A_658, %get3A_659] {strides = array<i32>} : memref<384x256xf32, #tpu.memory_space<vmem>>, vector<1x16xf32>,
        %get3A_661 = vector.shape_cast %get3A_660 : vector<1x16xf32> to vector<16xf32>
        %mul3A_662 = vector.broadcast %squeeze3A_655 : f32 to vector<16xf32>
        %mul3A_663 = arith.mulf %get3A_661, %mul3A_662 : vector<16xf32>
        %add3A_664 = arith.addf %add3A_620, %mul3A_663 : vector<16xf32>
        %slice3A_665 = vector.extract_strided_slice %get3A_426 {offsets = [4], sizes = [1], strides = [1]} : vector<16xf32> to vector<1xf32>
        %squeeze3A_666 = vector.extract %slice3A_665[0] : f32 from vector<1xf32>
        %add3A_667 = arith.constant 20 : i32
        %add3A_668 = arith.addi %add3A_430, %add3A_667 : i32
        %get3A_669 = arith.index_cast %add3A_668 : i32 to index
        %get3A_670 = arith.index_cast %multiple_of3A : i32 to index
        %get3A_671 = tpu.vector_load %arg9[%get3A_669, %get3A_670] {strides = array<i32>} : memref<384x256xf32, #tpu.memory_space<vmem>>, vector<1x16xf32>,
        %get3A_672 = vector.shape_cast %get3A_671 : vector<1x16xf32> to vector<16xf32>
        %mul3A_673 = vector.broadcast %squeeze3A_666 : f32 to vector<16xf32>
        %mul3A_674 = arith.mulf %get3A_672, %mul3A_673 : vector<16xf32>
        %add3A_675 = arith.addf %add3A_631, %mul3A_674 : vector<16xf32>
        %slice3A_676 = vector.extract_strided_slice %get3A_426 {offsets = [5], sizes = [1], strides = [1]} : vector<16xf32> to vector<1xf32>
        %squeeze3A_677 = vector.extract %slice3A_676[0] : f32 from vector<1xf32>
        %add3A_678 = arith.constant 21 : i32
        %add3A_679 = arith.addi %add3A_430, %add3A_678 : i32
        %get3A_680 = arith.index_cast %add3A_679 : i32 to index
        %get3A_681 = arith.index_cast %multiple_of3A : i32 to index
        %get3A_682 = tpu.vector_load %arg9[%get3A_680, %get3A_681] {strides = array<i32>} : memref<384x256xf32, #tpu.memory_space<vmem>>, vector<1x16xf32>,
        %get3A_683 = vector.shape_cast %get3A_682 : vector<1x16xf32> to vector<16xf32>
        %mul3A_684 = vector.broadcast %squeeze3A_677 : f32 to vector<16xf32>
        %mul3A_685 = arith.mulf %get3A_683, %mul3A_684 : vector<16xf32>
        %add3A_686 = arith.addf %add3A_642, %mul3A_685 : vector<16xf32>
        %slice3A_687 = vector.extract_strided_slice %get3A_426 {offsets = [6], sizes = [1], strides = [1]} : vector<16xf32> to vector<1xf32>
        %squeeze3A_688 = vector.extract %slice3A_687[0] : f32 from vector<1xf32>
        %add3A_689 = arith.constant 22 : i32
        %add3A_690 = arith.addi %add3A_430, %add3A_689 : i32
        %get3A_691 = arith.index_cast %add3A_690 : i32 to index
        %get3A_692 = arith.index_cast %multiple_of3A : i32 to index
        %get3A_693 = tpu.vector_load %arg9[%get3A_691, %get3A_692] {strides = array<i32>} : memref<384x256xf32, #tpu.memory_space<vmem>>, vector<1x16xf32>,
        %get3A_694 = vector.shape_cast %get3A_693 : vector<1x16xf32> to vector<16xf32>
        %mul3A_695 = vector.broadcast %squeeze3A_688 : f32 to vector<16xf32>
        %mul3A_696 = arith.mulf %get3A_694, %mul3A_695 : vector<16xf32>
        %add3A_697 = arith.addf %add3A_653, %mul3A_696 : vector<16xf32>
        %slice3A_698 = vector.extract_strided_slice %get3A_426 {offsets = [7], sizes = [1], strides = [1]} : vector<16xf32> to vector<1xf32>
        %squeeze3A_699 = vector.extract %slice3A_698[0] : f32 from vector<1xf32>
        %add3A_700 = arith.constant 23 : i32
        %add3A_701 = arith.addi %add3A_430, %add3A_700 : i32
        %get3A_702 = arith.index_cast %add3A_701 : i32 to index
        %get3A_703 = arith.index_cast %multiple_of3A : i32 to index
        %get3A_704 = tpu.vector_load %arg9[%get3A_702, %get3A_703] {strides = array<i32>} : memref<384x256xf32, #tpu.memory_space<vmem>>, vector<1x16xf32>,
        %get3A_705 = vector.shape_cast %get3A_704 : vector<1x16xf32> to vector<16xf32>
        %mul3A_706 = vector.broadcast %squeeze3A_699 : f32 to vector<16xf32>
        %mul3A_707 = arith.mulf %get3A_705, %mul3A_706 : vector<16xf32>
        %add3A_708 = arith.addf %add3A_664, %mul3A_707 : vector<16xf32>
        %slice3A_709 = vector.extract_strided_slice %get3A_426 {offsets = [8], sizes = [1], strides = [1]} : vector<16xf32> to vector<1xf32>
        %squeeze3A_710 = vector.extract %slice3A_709[0] : f32 from vector<1xf32>
        %add3A_711 = arith.constant 24 : i32
        %add3A_712 = arith.addi %add3A_430, %add3A_711 : i32
        %get3A_713 = arith.index_cast %add3A_712 : i32 to index
        %get3A_714 = arith.index_cast %multiple_of3A : i32 to index
        %get3A_715 = tpu.vector_load %arg9[%get3A_713, %get3A_714] {strides = array<i32>} : memref<384x256xf32, #tpu.memory_space<vmem>>, vector<1x16xf32>,
        %get3A_716 = vector.shape_cast %get3A_715 : vector<1x16xf32> to vector<16xf32>
        %mul3A_717 = vector.broadcast %squeeze3A_710 : f32 to vector<16xf32>
        %mul3A_718 = arith.mulf %get3A_716, %mul3A_717 : vector<16xf32>
        %add3A_719 = arith.addf %add3A_675, %mul3A_718 : vector<16xf32>
        %slice3A_720 = vector.extract_strided_slice %get3A_426 {offsets = [9], sizes = [1], strides = [1]} : vector<16xf32> to vector<1xf32>
        %squeeze3A_721 = vector.extract %slice3A_720[0] : f32 from vector<1xf32>
        %add3A_722 = arith.constant 25 : i32
        %add3A_723 = arith.addi %add3A_430, %add3A_722 : i32
        %get3A_724 = arith.index_cast %add3A_723 : i32 to index
        %get3A_725 = arith.index_cast %multiple_of3A : i32 to index
        %get3A_726 = tpu.vector_load %arg9[%get3A_724, %get3A_725] {strides = array<i32>} : memref<384x256xf32, #tpu.memory_space<vmem>>, vector<1x16xf32>,
        %get3A_727 = vector.shape_cast %get3A_726 : vector<1x16xf32> to vector<16xf32>
        %mul3A_728 = vector.broadcast %squeeze3A_721 : f32 to vector<16xf32>
        %mul3A_729 = arith.mulf %get3A_727, %mul3A_728 : vector<16xf32>
        %add3A_730 = arith.addf %add3A_686, %mul3A_729 : vector<16xf32>
        %slice3A_731 = vector.extract_strided_slice %get3A_426 {offsets = [10], sizes = [1], strides = [1]} : vector<16xf32> to vector<1xf32>
        %squeeze3A_732 = vector.extract %slice3A_731[0] : f32 from vector<1xf32>
        %add3A_733 = arith.constant 26 : i32
        %add3A_734 = arith.addi %add3A_430, %add3A_733 : i32
        %get3A_735 = arith.index_cast %add3A_734 : i32 to index
        %get3A_736 = arith.index_cast %multiple_of3A : i32 to index
        %get3A_737 = tpu.vector_load %arg9[%get3A_735, %get3A_736] {strides = array<i32>} : memref<384x256xf32, #tpu.memory_space<vmem>>, vector<1x16xf32>,
        %get3A_738 = vector.shape_cast %get3A_737 : vector<1x16xf32> to vector<16xf32>
        %mul3A_739 = vector.broadcast %squeeze3A_732 : f32 to vector<16xf32>
        %mul3A_740 = arith.mulf %get3A_738, %mul3A_739 : vector<16xf32>
        %add3A_741 = arith.addf %add3A_697, %mul3A_740 : vector<16xf32>
        %slice3A_742 = vector.extract_strided_slice %get3A_426 {offsets = [11], sizes = [1], strides = [1]} : vector<16xf32> to vector<1xf32>
        %squeeze3A_743 = vector.extract %slice3A_742[0] : f32 from vector<1xf32>
        %add3A_744 = arith.constant 27 : i32
        %add3A_745 = arith.addi %add3A_430, %add3A_744 : i32
        %get3A_746 = arith.index_cast %add3A_745 : i32 to index
        %get3A_747 = arith.index_cast %multiple_of3A : i32 to index
        %get3A_748 = tpu.vector_load %arg9[%get3A_746, %get3A_747] {strides = array<i32>} : memref<384x256xf32, #tpu.memory_space<vmem>>, vector<1x16xf32>,
        %get3A_749 = vector.shape_cast %get3A_748 : vector<1x16xf32> to vector<16xf32>
        %mul3A_750 = vector.broadcast %squeeze3A_743 : f32 to vector<16xf32>
        %mul3A_751 = arith.mulf %get3A_749, %mul3A_750 : vector<16xf32>
        %add3A_752 = arith.addf %add3A_708, %mul3A_751 : vector<16xf32>
        %slice3A_753 = vector.extract_strided_slice %get3A_426 {offsets = [12], sizes = [1], strides = [1]} : vector<16xf32> to vector<1xf32>
        %squeeze3A_754 = vector.extract %slice3A_753[0] : f32 from vector<1xf32>
        %add3A_755 = arith.constant 28 : i32
        %add3A_756 = arith.addi %add3A_430, %add3A_755 : i32
        %get3A_757 = arith.index_cast %add3A_756 : i32 to index
        %get3A_758 = arith.index_cast %multiple_of3A : i32 to index
        %get3A_759 = tpu.vector_load %arg9[%get3A_757, %get3A_758] {strides = array<i32>} : memref<384x256xf32, #tpu.memory_space<vmem>>, vector<1x16xf32>,
        %get3A_760 = vector.shape_cast %get3A_759 : vector<1x16xf32> to vector<16xf32>
        %mul3A_761 = vector.broadcast %squeeze3A_754 : f32 to vector<16xf32>
        %mul3A_762 = arith.mulf %get3A_760, %mul3A_761 : vector<16xf32>
        %add3A_763 = arith.addf %add3A_719, %mul3A_762 : vector<16xf32>
        %slice3A_764 = vector.extract_strided_slice %get3A_426 {offsets = [13], sizes = [1], strides = [1]} : vector<16xf32> to vector<1xf32>
        %squeeze3A_765 = vector.extract %slice3A_764[0] : f32 from vector<1xf32>
        %add3A_766 = arith.constant 29 : i32
        %add3A_767 = arith.addi %add3A_430, %add3A_766 : i32
        %get3A_768 = arith.index_cast %add3A_767 : i32 to index
        %get3A_769 = arith.index_cast %multiple_of3A : i32 to index
        %get3A_770 = tpu.vector_load %arg9[%get3A_768, %get3A_769] {strides = array<i32>} : memref<384x256xf32, #tpu.memory_space<vmem>>, vector<1x16xf32>,
        %get3A_771 = vector.shape_cast %get3A_770 : vector<1x16xf32> to vector<16xf32>
        %mul3A_772 = vector.broadcast %squeeze3A_765 : f32 to vector<16xf32>
        %mul3A_773 = arith.mulf %get3A_771, %mul3A_772 : vector<16xf32>
        %add3A_774 = arith.addf %add3A_730, %mul3A_773 : vector<16xf32>
        %slice3A_775 = vector.extract_strided_slice %get3A_426 {offsets = [14], sizes = [1], strides = [1]} : vector<16xf32> to vector<1xf32>
        %squeeze3A_776 = vector.extract %slice3A_775[0] : f32 from vector<1xf32>
        %add3A_777 = arith.constant 30 : i32
        %add3A_778 = arith.addi %add3A_430, %add3A_777 : i32
        %get3A_779 = arith.index_cast %add3A_778 : i32 to index
        %get3A_780 = arith.index_cast %multiple_of3A : i32 to index
        %get3A_781 = tpu.vector_load %arg9[%get3A_779, %get3A_780] {strides = array<i32>} : memref<384x256xf32, #tpu.memory_space<vmem>>, vector<1x16xf32>,
        %get3A_782 = vector.shape_cast %get3A_781 : vector<1x16xf32> to vector<16xf32>
        %mul3A_783 = vector.broadcast %squeeze3A_776 : f32 to vector<16xf32>
        %mul3A_784 = arith.mulf %get3A_782, %mul3A_783 : vector<16xf32>
        %add3A_785 = arith.addf %add3A_741, %mul3A_784 : vector<16xf32>
        %slice3A_786 = vector.extract_strided_slice %get3A_426 {offsets = [15], sizes = [1], strides = [1]} : vector<16xf32> to vector<1xf32>
        %squeeze3A_787 = vector.extract %slice3A_786[0] : f32 from vector<1xf32>
        %add3A_788 = arith.constant 31 : i32
        %add3A_789 = arith.addi %add3A_430, %add3A_788 : i32
        %get3A_790 = arith.index_cast %add3A_789 : i32 to index
        %get3A_791 = arith.index_cast %multiple_of3A : i32 to index
        %get3A_792 = tpu.vector_load %arg9[%get3A_790, %get3A_791] {strides = array<i32>} : memref<384x256xf32, #tpu.memory_space<vmem>>, vector<1x16xf32>,
        %get3A_793 = vector.shape_cast %get3A_792 : vector<1x16xf32> to vector<16xf32>
        %mul3A_794 = vector.broadcast %squeeze3A_787 : f32 to vector<16xf32>
        %mul3A_795 = arith.mulf %get3A_793, %mul3A_794 : vector<16xf32>
        %add3A_796 = arith.addf %add3A_752, %mul3A_795 : vector<16xf32>
        %add3A_797 = arith.addf %add3A_763, %add3A_774 : vector<16xf32>
        %add3A_798 = arith.addf %add3A_785, %add3A_796 : vector<16xf32>
        %add3A_799 = arith.addf %add3A_797, %add3A_798 : vector<16xf32>
        %add3A_800 = arith.constant 0 : i32
        %add3A_801 = arith.addi %add3A_800, %scan3A_396 : i32
        %swap3A_802 = arith.index_cast %add3A_801 : i32 to index
        %swap3A_803 = arith.index_cast %multiple_of3A : i32 to index
        %swap3A_804 = tpu.vector_load %arg10[%swap3A_802, %swap3A_803] {strides = array<i32>} : memref<12x256xf32, #tpu.memory_space<vmem>>, vector<1x16xf32>,
        %swap3A_805 = vector.shape_cast %swap3A_804 : vector<1x16xf32> to vector<16xf32>
        %swap3A_806 = vector.shape_cast %add3A_799 : vector<16xf32> to vector<1x16xf32>
        tpu.vector_store %arg10[%swap3A_802, %swap3A_803], %swap3A_806 {strides = array<i32>} : memref<12x256xf32, #tpu.memory_space<vmem>>, vector<1x16xf32>,
      }
      %scan3A_436 = arith.constant 16 : i32
    }
    %scan3A_322 = arith.constant 4 : i32
    %mul3A_323 = arith.constant 255 : i32
    %mul3A_324 = arith.constant 4 : i32
    %mul3A_325 = arith.muli %mul3A_323, %mul3A_324 : i32
    %add3A_326 = arith.addi %mul3A_2, %mul3A_325 : i32
    %dma_start3A_327 = arith.constant 0 : i32
    %dma_start3A_328 = arith.constant 0 : i32
    %dma_start3A_329 = tpu.memref_slice %arg10[%dma_start3A_327, %dma_start3A_328] : memref<12x256xf32, #tpu.memory_space<vmem>> -> memref<4x256xf32, #tpu.memory_space<vmem>>
    %dma_start3A_330 = arith.constant 0 : i32
    %dma_start3A_331 = tpu.memref_slice %arg5[%add3A_326, %dma_start3A_330] : memref<32768x256xf32, #tpu.memory_space<hbm>> -> memref<4x256xf32, #tpu.memory_space<hbm>>
    %dma_start3A_332 = arith.constant 0 : i32
    %dma_start3A_333 = tpu.memref_slice %arg5[%add3A_326, %dma_start3A_332] : memref<32768x256xf32, #tpu.memory_space<hbm>> -> memref<4x256xf32, #tpu.memory_space<hbm>>
    %dma_start3A_334 = arith.constant 0 : i32
    %dma_start3A_335 = arith.constant 0 : i32
    %dma_start3A_336 = tpu.memref_slice %arg10[%dma_start3A_334, %dma_start3A_335] : memref<12x256xf32, #tpu.memory_space<vmem>> -> memref<4x256xf32, #tpu.memory_space<vmem>>
    tpu.enqueue_dma source(%dma_start3A_336 : memref<4x256xf32, #tpu.memory_space<vmem>>) target(%dma_start3A_333 : memref<4x256xf32, #tpu.memory_space<hbm>>) target_semaphore(%arg16 : memref<!tpu.dma_semaphore, #tpu.memory_space<semaphore_mem>>)
    %jit3A_337 = arith.constant 255 : i32
    %jit3A_338 = arith.constant 8 : i32
    %eq3A_339 = arith.constant 0 : i32
    %eq3A_340 = arith.cmpi eq, %jit3A_338, %eq3A_339 : i32
    %jit3A_341 = arith.constant 1 : i32
    %select_n3A_342 = arith.select %eq3A_340, %jit3A_341, %jit3A_338 : i32
    %rem3A_343 = arith.remsi %jit3A_337, %select_n3A_342 : i32
    %ne3A_344 = arith.constant 0 : i32
    %ne3A_345 = arith.cmpi ne, %rem3A_343, %ne3A_344 : i32
    %lt3A_346 = arith.constant 0 : i32
    %lt3A_347 = arith.cmpi slt, %rem3A_343, %lt3A_346 : i32
    %lt3A_348 = arith.constant 0 : i32
    %lt3A_349 = arith.cmpi slt, %select_n3A_342, %lt3A_348 : i32
    %ne3A_350 = arith.xori %lt3A_347, %lt3A_349 : i1
    %and3A_351 = arith.andi %ne3A_350, %ne3A_345 : i1
    %add3A_352 = arith.addi %rem3A_343, %select_n3A_342 : i32
    %select_n3A_353 = arith.select %and3A_351, %add3A_352, %rem3A_343 : i32
    %eq3A_354 = arith.constant 7 : i32
    %eq3A_355 = arith.cmpi eq, %select_n3A_353, %eq3A_354 : i32
    %convert_element_type3A_356 = arith.extui %eq3A_355 : i1 to i32
    %cond3A_357 = arith.constant 255 : i32
    %cond3A_358 = arith.constant 0 : i32
    %cond3A_359 = arith.cmpi ne, %convert_element_type3A_356, %cond3A_358 : i32
    scf.if %cond3A_359 {
      %jit3A_396 = arith.constant 8 : i32
      %div3A_397 = arith.divsi %cond3A_357, %jit3A_396 : i32
      %sign3A_398 = arith.constant 0 : i32
      %sign3A_399 = arith.cmpi sgt, %cond3A_357, %sign3A_398 : i32
      %sign3A_400 = arith.extui %sign3A_399 : i1 to i32
      %sign3A_401 = arith.constant 0 : i32
      %sign3A_402 = arith.cmpi slt, %cond3A_357, %sign3A_401 : i32
      %sign3A_403 = arith.extui %sign3A_402 : i1 to i32
      %sign3A_404 = arith.subi %sign3A_400, %sign3A_403 : i32
      %sign3A_405 = arith.constant 0 : i32
      %sign3A_406 = arith.cmpi sgt, %jit3A_396, %sign3A_405 : i32
      %sign3A_407 = arith.extui %sign3A_406 : i1 to i32
      %sign3A_408 = arith.constant 0 : i32
      %sign3A_409 = arith.cmpi slt, %jit3A_396, %sign3A_408 : i32
      %sign3A_410 = arith.extui %sign3A_409 : i1 to i32
      %sign3A_411 = arith.subi %sign3A_407, %sign3A_410 : i32
      %ne3A_412 = arith.cmpi ne, %sign3A_404, %sign3A_411 : i32
      %rem3A_413 = arith.remsi %cond3A_357, %jit3A_396 : i32
      %ne3A_414 = arith.constant 0 : i32
      %ne3A_415 = arith.cmpi ne, %rem3A_413, %ne3A_414 : i32
      %and3A_416 = arith.andi %ne3A_412, %ne3A_415 : i1
      %sub3A_417 = arith.constant 1 : i32
      %sub3A_418 = arith.subi %div3A_397, %sub3A_417 : i32
      %select_n3A_419 = arith.select %and3A_416, %sub3A_418, %div3A_397 : i32
      %add3A_420 = arith.constant 2 : i32
      %add3A_421 = arith.addi %select_n3A_419, %add3A_420 : i32
      %lt3A_422 = arith.constant 32 : i32
      %lt3A_423 = arith.cmpi slt, %add3A_421, %lt3A_422 : i32
      %convert_element_type3A_424 = arith.extui %lt3A_423 : i1 to i32
      %cond3A_425 = arith.constant 0 : i32
      %cond3A_426 = arith.cmpi ne, %convert_element_type3A_424, %cond3A_425 : i32
      scf.if %cond3A_426 {
        %jit3A_427 = arith.constant 2 : i32
        %eq3A_428 = arith.constant 0 : i32
        %eq3A_429 = arith.cmpi eq, %jit3A_427, %eq3A_428 : i32
        %jit3A_430 = arith.constant 1 : i32
        %select_n3A_431 = arith.select %eq3A_429, %jit3A_430, %jit3A_427 : i32
        %rem3A_432 = arith.remsi %add3A_421, %select_n3A_431 : i32
        %ne3A_433 = arith.constant 0 : i32
        %ne3A_434 = arith.cmpi ne, %rem3A_432, %ne3A_433 : i32
        %lt3A_435 = arith.constant 0 : i32
        %lt3A_436 = arith.cmpi slt, %rem3A_432, %lt3A_435 : i32
        %lt3A_437 = arith.constant 0 : i32
        %lt3A_438 = arith.cmpi slt, %select_n3A_431, %lt3A_437 : i32
        %ne3A_439 = arith.xori %lt3A_436, %lt3A_438 : i1
        %and3A_440 = arith.andi %ne3A_439, %ne3A_434 : i1
        %add3A_441 = arith.addi %rem3A_432, %select_n3A_431 : i32
        %select_n3A_442 = arith.select %and3A_440, %add3A_441, %rem3A_432 : i32
        %eq3A_443 = arith.constant 0 : i32
        %eq3A_444 = arith.cmpi eq, %select_n3A_442, %eq3A_443 : i32
        %convert_element_type3A_445 = arith.extui %eq3A_444 : i1 to i32
        %cond3A_446 = arith.constant 0 : i32
        %cond3A_447 = arith.cmpi ne, %convert_element_type3A_445, %cond3A_446 : i32
        scf.if %cond3A_447 {
          %mul3A_453 = arith.constant 32 : i32
          %mul3A_454 = arith.muli %add3A_421, %mul3A_453 : i32
          %add3A_455 = arith.addi %mul3A_2, %mul3A_454 : i32
          %dma_start3A_456 = arith.constant 0 : i32
          %dma_start3A_457 = arith.constant 0 : i32
          %dma_start3A_458 = tpu.memref_slice %arg6[%dma_start3A_456, %dma_start3A_457] : memref<64x32xi32, #tpu.memory_space<vmem>> -> memref<32x32xi32, #tpu.memory_space<vmem>>
          %dma_start3A_459 = arith.constant 0 : i32
          %dma_start3A_460 = tpu.memref_slice %arg2[%add3A_455, %dma_start3A_459] : memref<32768x32xi32, #tpu.memory_space<hbm>> -> memref<32x32xi32, #tpu.memory_space<hbm>>
          %dma_start3A_461 = arith.constant 0 : i32
          %dma_start3A_462 = arith.constant 0 : i32
          %dma_start3A_463 = tpu.memref_slice %arg6[%dma_start3A_461, %dma_start3A_462] : memref<64x32xi32, #tpu.memory_space<vmem>> -> memref<32x32xi32, #tpu.memory_space<vmem>>
          %dma_start3A_464 = arith.constant 0 : i32
          %dma_start3A_465 = tpu.memref_slice %arg2[%add3A_455, %dma_start3A_464] : memref<32768x32xi32, #tpu.memory_space<hbm>> -> memref<32x32xi32, #tpu.memory_space<hbm>>
          tpu.enqueue_dma source(%dma_start3A_465 : memref<32x32xi32, #tpu.memory_space<hbm>>) target(%dma_start3A_463 : memref<32x32xi32, #tpu.memory_space<vmem>>) target_semaphore(%arg11 : memref<!tpu.dma_semaphore, #tpu.memory_space<semaphore_mem>>)
          %mul3A_466 = arith.constant 32 : i32
          %mul3A_467 = arith.muli %add3A_421, %mul3A_466 : i32
          %add3A_468 = arith.addi %mul3A_2, %mul3A_467 : i32
          %dma_start3A_469 = arith.constant 0 : i32
          %dma_start3A_470 = arith.constant 0 : i32
          %dma_start3A_471 = tpu.memref_slice %arg7[%dma_start3A_469, %dma_start3A_470] : memref<64x32xf32, #tpu.memory_space<vmem>> -> memref<32x32xf32, #tpu.memory_space<vmem>>
          %dma_start3A_472 = arith.constant 0 : i32
          %dma_start3A_473 = tpu.memref_slice %arg3[%add3A_468, %dma_start3A_472] : memref<32768x32xf32, #tpu.memory_space<hbm>> -> memref<32x32xf32, #tpu.memory_space<hbm>>
          %dma_start3A_474 = arith.constant 0 : i32
          %dma_start3A_475 = arith.constant 0 : i32
          %dma_start3A_476 = tpu.memref_slice %arg7[%dma_start3A_474, %dma_start3A_475] : memref<64x32xf32, #tpu.memory_space<vmem>> -> memref<32x32xf32, #tpu.memory_space<vmem>>
          %dma_start3A_477 = arith.constant 0 : i32
          %dma_start3A_478 = tpu.memref_slice %arg3[%add3A_468, %dma_start3A_477] : memref<32768x32xf32, #tpu.memory_space<hbm>> -> memref<32x32xf32, #tpu.memory_space<hbm>>
          tpu.enqueue_dma source(%dma_start3A_478 : memref<32x32xf32, #tpu.memory_space<hbm>>) target(%dma_start3A_476 : memref<32x32xf32, #tpu.memory_space<vmem>>) target_semaphore(%arg11 : memref<!tpu.dma_semaphore, #tpu.memory_space<semaphore_mem>>)
        } else {
        }
        %eq3A_448 = arith.constant 1 : i32
        %eq3A_449 = arith.cmpi eq, %select_n3A_442, %eq3A_448 : i32
        %convert_element_type3A_450 = arith.extui %eq3A_449 : i1 to i32
        %cond3A_451 = arith.constant 0 : i32
        %cond3A_452 = arith.cmpi ne, %convert_element_type3A_450, %cond3A_451 : i32
        scf.if %cond3A_452 {
          %mul3A_453 = arith.constant 32 : i32
          %mul3A_454 = arith.muli %add3A_421, %mul3A_453 : i32
          %add3A_455 = arith.addi %mul3A_2, %mul3A_454 : i32
          %dma_start3A_456 = arith.constant 32 : i32
          %dma_start3A_457 = arith.constant 0 : i32
          %dma_start3A_458 = tpu.memref_slice %arg6[%dma_start3A_456, %dma_start3A_457] : memref<64x32xi32, #tpu.memory_space<vmem>> -> memref<32x32xi32, #tpu.memory_space<vmem>>
          %dma_start3A_459 = arith.constant 0 : i32
          %dma_start3A_460 = tpu.memref_slice %arg2[%add3A_455, %dma_start3A_459] : memref<32768x32xi32, #tpu.memory_space<hbm>> -> memref<32x32xi32, #tpu.memory_space<hbm>>
          %dma_start3A_461 = arith.constant 32 : i32
          %dma_start3A_462 = arith.constant 0 : i32
          %dma_start3A_463 = tpu.memref_slice %arg6[%dma_start3A_461, %dma_start3A_462] : memref<64x32xi32, #tpu.memory_space<vmem>> -> memref<32x32xi32, #tpu.memory_space<vmem>>
          %dma_start3A_464 = arith.constant 0 : i32
          %dma_start3A_465 = tpu.memref_slice %arg2[%add3A_455, %dma_start3A_464] : memref<32768x32xi32, #tpu.memory_space<hbm>> -> memref<32x32xi32, #tpu.memory_space<hbm>>
          tpu.enqueue_dma source(%dma_start3A_465 : memref<32x32xi32, #tpu.memory_space<hbm>>) target(%dma_start3A_463 : memref<32x32xi32, #tpu.memory_space<vmem>>) target_semaphore(%arg12 : memref<!tpu.dma_semaphore, #tpu.memory_space<semaphore_mem>>)
          %mul3A_466 = arith.constant 32 : i32
          %mul3A_467 = arith.muli %add3A_421, %mul3A_466 : i32
          %add3A_468 = arith.addi %mul3A_2, %mul3A_467 : i32
          %dma_start3A_469 = arith.constant 32 : i32
          %dma_start3A_470 = arith.constant 0 : i32
          %dma_start3A_471 = tpu.memref_slice %arg7[%dma_start3A_469, %dma_start3A_470] : memref<64x32xf32, #tpu.memory_space<vmem>> -> memref<32x32xf32, #tpu.memory_space<vmem>>
          %dma_start3A_472 = arith.constant 0 : i32
          %dma_start3A_473 = tpu.memref_slice %arg3[%add3A_468, %dma_start3A_472] : memref<32768x32xf32, #tpu.memory_space<hbm>> -> memref<32x32xf32, #tpu.memory_space<hbm>>
          %dma_start3A_474 = arith.constant 32 : i32
          %dma_start3A_475 = arith.constant 0 : i32
          %dma_start3A_476 = tpu.memref_slice %arg7[%dma_start3A_474, %dma_start3A_475] : memref<64x32xf32, #tpu.memory_space<vmem>> -> memref<32x32xf32, #tpu.memory_space<vmem>>
          %dma_start3A_477 = arith.constant 0 : i32
          %dma_start3A_478 = tpu.memref_slice %arg3[%add3A_468, %dma_start3A_477] : memref<32768x32xf32, #tpu.memory_space<hbm>> -> memref<32x32xf32, #tpu.memory_space<hbm>>
          tpu.enqueue_dma source(%dma_start3A_478 : memref<32x32xf32, #tpu.memory_space<hbm>>) target(%dma_start3A_476 : memref<32x32xf32, #tpu.memory_space<vmem>>) target_semaphore(%arg12 : memref<!tpu.dma_semaphore, #tpu.memory_space<semaphore_mem>>)
        } else {
        }
      } else {
      }
    } else {
    }
    %dma_wait3A_360 = arith.constant 0 : i32
    %dma_wait3A_361 = arith.constant 0 : i32
    %dma_wait3A_362 = tpu.memref_slice %arg10[%dma_wait3A_360, %dma_wait3A_361] : memref<12x256xf32, #tpu.memory_space<vmem>> -> memref<4x256xf32, #tpu.memory_space<vmem>>
    %dma_wait3A_363 = arith.constant 0 : i32
    %dma_wait3A_364 = arith.constant 0 : i32
    %dma_wait3A_365 = tpu.memref_slice %arg5[%dma_wait3A_363, %dma_wait3A_364] : memref<32768x256xf32, #tpu.memory_space<hbm>> -> memref<4x256xf32, #tpu.memory_space<hbm>>
    %dma_wait3A_366 = arith.constant 0 : i32
    %dma_wait3A_367 = arith.constant 0 : i32
    %dma_wait3A_368 = tpu.memref_slice %arg5[%dma_wait3A_366, %dma_wait3A_367] : memref<32768x256xf32, #tpu.memory_space<hbm>> -> memref<4x256xf32, #tpu.memory_space<hbm>>
    %dma_wait3A_369 = arith.constant 0 : i32
    %dma_wait3A_370 = arith.constant 0 : i32
    %dma_wait3A_371 = tpu.memref_slice %arg10[%dma_wait3A_369, %dma_wait3A_370] : memref<12x256xf32, #tpu.memory_space<vmem>> -> memref<4x256xf32, #tpu.memory_space<vmem>>
    tpu.wait_dma2 semaphore(%arg16 : memref<!tpu.dma_semaphore, #tpu.memory_space<semaphore_mem>>) src(%dma_wait3A_371 : memref<4x256xf32, #tpu.memory_space<vmem>>) dst(%dma_wait3A_368 : memref<4x256xf32, #tpu.memory_space<hbm>>)
    %dma_wait3A_372 = arith.constant 4 : i32
    %dma_wait3A_373 = arith.constant 0 : i32
    %dma_wait3A_374 = tpu.memref_slice %arg10[%dma_wait3A_372, %dma_wait3A_373] : memref<12x256xf32, #tpu.memory_space<vmem>> -> memref<4x256xf32, #tpu.memory_space<vmem>>
    %dma_wait3A_375 = arith.constant 0 : i32
    %dma_wait3A_376 = arith.constant 0 : i32
    %dma_wait3A_377 = tpu.memref_slice %arg5[%dma_wait3A_375, %dma_wait3A_376] : memref<32768x256xf32, #tpu.memory_space<hbm>> -> memref<4x256xf32, #tpu.memory_space<hbm>>
    %dma_wait3A_378 = arith.constant 0 : i32
    %dma_wait3A_379 = arith.constant 0 : i32
    %dma_wait3A_380 = tpu.memref_slice %arg5[%dma_wait3A_378, %dma_wait3A_379] : memref<32768x256xf32, #tpu.memory_space<hbm>> -> memref<4x256xf32, #tpu.memory_space<hbm>>
    %dma_wait3A_381 = arith.constant 4 : i32
    %dma_wait3A_382 = arith.constant 0 : i32
    %dma_wait3A_383 = tpu.memref_slice %arg10[%dma_wait3A_381, %dma_wait3A_382] : memref<12x256xf32, #tpu.memory_space<vmem>> -> memref<4x256xf32, #tpu.memory_space<vmem>>
    tpu.wait_dma2 semaphore(%arg17 : memref<!tpu.dma_semaphore, #tpu.memory_space<semaphore_mem>>) src(%dma_wait3A_383 : memref<4x256xf32, #tpu.memory_space<vmem>>) dst(%dma_wait3A_380 : memref<4x256xf32, #tpu.memory_space<hbm>>)
    %dma_wait3A_384 = arith.constant 8 : i32
    %dma_wait3A_385 = arith.constant 0 : i32
    %dma_wait3A_386 = tpu.memref_slice %arg10[%dma_wait3A_384, %dma_wait3A_385] : memref<12x256xf32, #tpu.memory_space<vmem>> -> memref<4x256xf32, #tpu.memory_space<vmem>>
    %dma_wait3A_387 = arith.constant 0 : i32
    %dma_wait3A_388 = arith.constant 0 : i32
    %dma_wait3A_389 = tpu.memref_slice %arg5[%dma_wait3A_387, %dma_wait3A_388] : memref<32768x256xf32, #tpu.memory_space<hbm>> -> memref<4x256xf32, #tpu.memory_space<hbm>>
    %dma_wait3A_390 = arith.constant 0 : i32
    %dma_wait3A_391 = arith.constant 0 : i32
    %dma_wait3A_392 = tpu.memref_slice %arg5[%dma_wait3A_390, %dma_wait3A_391] : memref<32768x256xf32, #tpu.memory_space<hbm>> -> memref<4x256xf32, #tpu.memory_space<hbm>>
    %dma_wait3A_393 = arith.constant 8 : i32
    %dma_wait3A_394 = arith.constant 0 : i32
    %dma_wait3A_395 = tpu.memref_slice %arg10[%dma_wait3A_393, %dma_wait3A_394] : memref<12x256xf32, #tpu.memory_space<vmem>> -> memref<4x256xf32, #tpu.memory_space<vmem>>
    tpu.wait_dma2 semaphore(%arg18 : memref<!tpu.dma_semaphore, #tpu.memory_space<semaphore_mem>>) src(%dma_wait3A_395 : memref<4x256xf32, #tpu.memory_space<vmem>>) dst(%dma_wait3A_392 : memref<4x256xf32, #tpu.memory_space<hbm>>)
    return
  }
}

module attributes {stable_mosaic.version = 14 : i64} {
  func.func @_mlp_body(%arg0: i32, %arg1: memref<2048x256xf32, #tpu.memory_space<vmem>>, %arg2: memref<2048x256xf32, #tpu.memory_space<vmem>>, %arg3: memref<2048x1xf32, #tpu.memory_space<vmem>>, %arg4: memref<1x256xf32, #tpu.memory_space<vmem>>, %arg5: memref<32x512xf32, #tpu.memory_space<vmem>>, %arg6: memref<1x32xf32, #tpu.memory_space<vmem>>, %arg7: memref<32x32xf32, #tpu.memory_space<vmem>>, %arg8: memref<1x32xf32, #tpu.memory_space<vmem>>, %arg9: memref<1x32xf32, #tpu.memory_space<vmem>>, %arg10: memref<1x1xf32, #tpu.memory_space<vmem>>, %arg11: memref<2048x1xf32, #tpu.memory_space<vmem>>) attributes {dimension_semantics = [#tpu.dimension_semantics<arbitrary>], iteration_bounds = array<i64: 8>, scalar_prefetch = 0 : i64, scratch_operands = 0 : i64, tpu.core_type = #tpu.core_type<tc>, window_params = [{transform_indices = @transform_0, window_bounds = array<i64: 2048, 256>}, {transform_indices = @transform_1, window_bounds = array<i64: 2048, 256>}, {transform_indices = @transform_2, window_bounds = array<i64: 2048, 1>}, {pipeline_mode = #tpu.pipeline_mode<synchronous>, transform_indices = @transform_3, window_bounds = array<i64: 1, 256>}, {pipeline_mode = #tpu.pipeline_mode<synchronous>, transform_indices = @transform_4, window_bounds = array<i64: 32, 512>}, {pipeline_mode = #tpu.pipeline_mode<synchronous>, transform_indices = @transform_5, window_bounds = array<i64: 1, 32>}, {pipeline_mode = #tpu.pipeline_mode<synchronous>, transform_indices = @transform_6, window_bounds = array<i64: 32, 32>}, {pipeline_mode = #tpu.pipeline_mode<synchronous>, transform_indices = @transform_7, window_bounds = array<i64: 1, 32>}, {pipeline_mode = #tpu.pipeline_mode<synchronous>, transform_indices = @transform_8, window_bounds = array<i64: 1, 32>}, {pipeline_mode = #tpu.pipeline_mode<synchronous>, transform_indices = @transform_9, window_bounds = array<i64: 1, 1>}, {transform_indices = @transform_10, window_bounds = array<i64: 2048, 1>}]} {
    %get3A = arith.constant 0 : index
    %get3A_0 = arith.constant 0 : index
    %get3A_1 = vector.load %arg4[%get3A, %get3A_0] : memref<1x256xf32, #tpu.memory_space<vmem>>, vector<1x256xf32>
    %get3A_2 = arith.constant 0 : index
    %get3A_3 = arith.constant 0 : index
    %get3A_4 = vector.load %arg1[%get3A_2, %get3A_3] : memref<2048x256xf32, #tpu.memory_space<vmem>>, vector<2048x256xf32>
    %add3A = vector.broadcast %get3A_1 : vector<1x256xf32> to vector<2048x256xf32>
    %add3A_5 = arith.addf %get3A_4, %add3A : vector<2048x256xf32>
    %get3A_6 = arith.constant 0 : index
    %get3A_7 = arith.constant 0 : index
    %get3A_8 = vector.load %arg2[%get3A_6, %get3A_7] : memref<2048x256xf32, #tpu.memory_space<vmem>>, vector<2048x256xf32>
    %add3A_9 = vector.broadcast %get3A_1 : vector<1x256xf32> to vector<2048x256xf32>
    %add3A_10 = arith.addf %get3A_8, %add3A_9 : vector<2048x256xf32>
    %get3A_11 = arith.constant 0 : index
    %get3A_12 = arith.constant 0 : index
    %get3A_13 = vector.load %arg3[%get3A_11, %get3A_12] : memref<2048x1xf32, #tpu.memory_space<vmem>>, vector<2048x1xf32>
    %sub3A = arith.constant 1.000000e+00 : f32
    %sub3A_14 = vector.broadcast %sub3A : f32 to vector<2048x1xf32>
    %sub3A_15 = arith.subf %sub3A_14, %get3A_13 : vector<2048x1xf32>
    %mul3A = vector.broadcast %sub3A_15 : vector<2048x1xf32> to vector<2048x256xf32>
    %mul3A_16 = arith.mulf %mul3A, %add3A_5 : vector<2048x256xf32>
    %mul3A_17 = vector.broadcast %get3A_13 : vector<2048x1xf32> to vector<2048x256xf32>
    %mul3A_18 = arith.mulf %mul3A_17, %add3A_10 : vector<2048x256xf32>
    %add3A_19 = arith.addf %mul3A_16, %mul3A_18 : vector<2048x256xf32>
    %jit3A = arith.constant 0.000000e+00 : f32
    %jit3A_20 = arith.constant 1.000000e+00 : f32
    %max3A = vector.broadcast %jit3A : f32 to vector<2048x256xf32>
    %max3A_21 = arith.maximumf %max3A, %add3A_19 : vector<2048x256xf32>
    %min3A = vector.broadcast %jit3A_20 : f32 to vector<2048x256xf32>
    %min3A_22 = arith.minimumf %min3A, %max3A_21 : vector<2048x256xf32>
    %sub3A_23 = arith.constant 1.000000e+00 : f32
    %sub3A_24 = vector.broadcast %sub3A_23 : f32 to vector<2048x1xf32>
    %sub3A_25 = arith.subf %sub3A_24, %get3A_13 : vector<2048x1xf32>
    %mul3A_26 = vector.broadcast %sub3A_25 : vector<2048x1xf32> to vector<2048x256xf32>
    %mul3A_27 = arith.mulf %mul3A_26, %add3A_10 : vector<2048x256xf32>
    %mul3A_28 = vector.broadcast %get3A_13 : vector<2048x1xf32> to vector<2048x256xf32>
    %mul3A_29 = arith.mulf %mul3A_28, %add3A_5 : vector<2048x256xf32>
    %add3A_30 = arith.addf %mul3A_27, %mul3A_29 : vector<2048x256xf32>
    %jit3A_31 = arith.constant 0.000000e+00 : f32
    %jit3A_32 = arith.constant 1.000000e+00 : f32
    %max3A_33 = vector.broadcast %jit3A_31 : f32 to vector<2048x256xf32>
    %max3A_34 = arith.maximumf %max3A_33, %add3A_30 : vector<2048x256xf32>
    %min3A_35 = vector.broadcast %jit3A_32 : f32 to vector<2048x256xf32>
    %min3A_36 = arith.minimumf %min3A_35, %max3A_34 : vector<2048x256xf32>
    %get3A_37 = arith.constant 0 : index
    %get3A_38 = arith.constant 0 : index
    %get3A_39 = vector.load %arg5[%get3A_37, %get3A_38] : memref<32x512xf32, #tpu.memory_space<vmem>>, vector<32x256xf32>
    %dot_general3A = arith.constant dense<0.000000e+00> : vector<2048x32xf32>
    %dot_general3A_40 = tpu.matmul %min3A_22, %get3A_39, %dot_general3A {dimension_numbers = #tpu.dot_dimension_numbers<[1], [1], [0], [0], [0, 0, 1, 0], [], []>, transpose_lhs_hint = false} : vector<2048x256xf32>, vector<32x256xf32>, vector<2048x32xf32> -> vector<2048x32xf32>
    %get3A_41 = arith.constant 0 : index
    %get3A_42 = arith.constant 256 : index
    %get3A_43 = vector.load %arg5[%get3A_41, %get3A_42] : memref<32x512xf32, #tpu.memory_space<vmem>>, vector<32x256xf32>
    %dot_general3A_44 = arith.constant dense<0.000000e+00> : vector<2048x32xf32>
    %dot_general3A_45 = tpu.matmul %min3A_36, %get3A_43, %dot_general3A_44 {dimension_numbers = #tpu.dot_dimension_numbers<[1], [1], [0], [0], [0, 0, 1, 0], [], []>, transpose_lhs_hint = false} : vector<2048x256xf32>, vector<32x256xf32>, vector<2048x32xf32> -> vector<2048x32xf32>
    %add3A_46 = arith.addf %dot_general3A_40, %dot_general3A_45 : vector<2048x32xf32>
    %get3A_47 = arith.constant 0 : index
    %get3A_48 = arith.constant 0 : index
    %get3A_49 = vector.load %arg6[%get3A_47, %get3A_48] : memref<1x32xf32, #tpu.memory_space<vmem>>, vector<1x32xf32>
    %add3A_50 = vector.broadcast %get3A_49 : vector<1x32xf32> to vector<2048x32xf32>
    %add3A_51 = arith.addf %add3A_46, %add3A_50 : vector<2048x32xf32>
    %jit3A_52 = arith.constant 0.000000e+00 : f32
    %jit3A_53 = arith.constant 1.000000e+00 : f32
    %max3A_54 = vector.broadcast %jit3A_52 : f32 to vector<2048x32xf32>
    %max3A_55 = arith.maximumf %max3A_54, %add3A_51 : vector<2048x32xf32>
    %min3A_56 = vector.broadcast %jit3A_53 : f32 to vector<2048x32xf32>
    %min3A_57 = arith.minimumf %min3A_56, %max3A_55 : vector<2048x32xf32>
    %get3A_58 = arith.constant 0 : index
    %get3A_59 = arith.constant 0 : index
    %get3A_60 = vector.load %arg7[%get3A_58, %get3A_59] : memref<32x32xf32, #tpu.memory_space<vmem>>, vector<32x32xf32>
    %dot_general3A_61 = arith.constant dense<0.000000e+00> : vector<2048x32xf32>
    %dot_general3A_62 = tpu.matmul %min3A_57, %get3A_60, %dot_general3A_61 {dimension_numbers = #tpu.dot_dimension_numbers<[1], [1], [0], [0], [0, 0, 1, 0], [], []>, transpose_lhs_hint = false} : vector<2048x32xf32>, vector<32x32xf32>, vector<2048x32xf32> -> vector<2048x32xf32>
    %get3A_63 = arith.constant 0 : index
    %get3A_64 = arith.constant 0 : index
    %get3A_65 = vector.load %arg8[%get3A_63, %get3A_64] : memref<1x32xf32, #tpu.memory_space<vmem>>, vector<1x32xf32>
    %add3A_66 = vector.broadcast %get3A_65 : vector<1x32xf32> to vector<2048x32xf32>
    %add3A_67 = arith.addf %dot_general3A_62, %add3A_66 : vector<2048x32xf32>
    %jit3A_68 = arith.constant 0.000000e+00 : f32
    %jit3A_69 = arith.constant 1.000000e+00 : f32
    %max3A_70 = vector.broadcast %jit3A_68 : f32 to vector<2048x32xf32>
    %max3A_71 = arith.maximumf %max3A_70, %add3A_67 : vector<2048x32xf32>
    %min3A_72 = vector.broadcast %jit3A_69 : f32 to vector<2048x32xf32>
    %min3A_73 = arith.minimumf %min3A_72, %max3A_71 : vector<2048x32xf32>
    %get3A_74 = arith.constant 0 : index
    %get3A_75 = arith.constant 0 : index
    %get3A_76 = vector.load %arg9[%get3A_74, %get3A_75] : memref<1x32xf32, #tpu.memory_space<vmem>>, vector<1x32xf32>
    %mul3A_77 = vector.broadcast %get3A_76 : vector<1x32xf32> to vector<2048x32xf32>
    %mul3A_78 = arith.mulf %min3A_73, %mul3A_77 : vector<2048x32xf32>
    %reduce_sum3A = arith.constant dense<0.000000e+00> : vector<2048xf32>
    %reduce_sum3A_79 = vector.multi_reduction <add>, %mul3A_78, %reduce_sum3A [1] : vector<2048x32xf32> to vector<2048xf32>
    %broadcast_in_dim3A = vector.shape_cast %reduce_sum3A_79 : vector<2048xf32> to vector<2048x1xf32>
    %get3A_80 = arith.constant 0 : index
    %get3A_81 = arith.constant 0 : index
    %get3A_82 = vector.load %arg10[%get3A_80, %get3A_81] : memref<1x1xf32, #tpu.memory_space<vmem>>, vector<1x1xf32>
    %add3A_83 = vector.broadcast %get3A_82 : vector<1x1xf32> to vector<2048x1xf32>
    %add3A_84 = arith.addf %broadcast_in_dim3A, %add3A_83 : vector<2048x1xf32>
    %swap3A = arith.constant 0 : index
    %swap3A_85 = arith.constant 0 : index
    %swap3A_86 = vector.load %arg11[%swap3A, %swap3A_85] : memref<2048x1xf32, #tpu.memory_space<vmem>>, vector<2048x1xf32>
    tpu.vector_store %arg11[%swap3A, %swap3A_85], %add3A_84 {strides = array<i32>} : memref<2048x1xf32, #tpu.memory_space<vmem>>, vector<2048x1xf32>,
    return
  }
  func.func @transform_0(%arg0: i32) -> (i32, i32) {
    %c0_i32 = arith.constant 0 : i32
    %c0_i32_0 = arith.constant 0 : i32
    return %arg0, %c0_i32 : i32, i32
  }
  func.func @transform_1(%arg0: i32) -> (i32, i32) {
    %add3A = arith.constant 8 : i32
    %add3A_0 = arith.addi %add3A, %arg0 : i32
    %c0_i32 = arith.constant 0 : i32
    %c0_i32_1 = arith.constant 0 : i32
    return %add3A_0, %c0_i32 : i32, i32
  }
  func.func @transform_2(%arg0: i32) -> (i32, i32) {
    %c0_i32 = arith.constant 0 : i32
    %c0_i32_0 = arith.constant 0 : i32
    return %arg0, %c0_i32 : i32, i32
  }
  func.func @transform_3(%arg0: i32) -> (i32, i32) {
    %c0_i32 = arith.constant 0 : i32
    %c0_i32_0 = arith.constant 0 : i32
    %c0_i32_1 = arith.constant 0 : i32
    return %c0_i32, %c0_i32_0 : i32, i32
  }
  func.func @transform_4(%arg0: i32) -> (i32, i32) {
    %c0_i32 = arith.constant 0 : i32
    %c0_i32_0 = arith.constant 0 : i32
    %c0_i32_1 = arith.constant 0 : i32
    return %c0_i32, %c0_i32_0 : i32, i32
  }
  func.func @transform_5(%arg0: i32) -> (i32, i32) {
    %c0_i32 = arith.constant 0 : i32
    %c0_i32_0 = arith.constant 0 : i32
    %c0_i32_1 = arith.constant 0 : i32
    return %c0_i32, %c0_i32_0 : i32, i32
  }
  func.func @transform_6(%arg0: i32) -> (i32, i32) {
    %c0_i32 = arith.constant 0 : i32
    %c0_i32_0 = arith.constant 0 : i32
    %c0_i32_1 = arith.constant 0 : i32
    return %c0_i32, %c0_i32_0 : i32, i32
  }
  func.func @transform_7(%arg0: i32) -> (i32, i32) {
    %c0_i32 = arith.constant 0 : i32
    %c0_i32_0 = arith.constant 0 : i32
    %c0_i32_1 = arith.constant 0 : i32
    return %c0_i32, %c0_i32_0 : i32, i32
  }
  func.func @transform_8(%arg0: i32) -> (i32, i32) {
    %c0_i32 = arith.constant 0 : i32
    %c0_i32_0 = arith.constant 0 : i32
    %c0_i32_1 = arith.constant 0 : i32
    return %c0_i32, %c0_i32_0 : i32, i32
  }
  func.func @transform_9(%arg0: i32) -> (i32, i32) {
    %c0_i32 = arith.constant 0 : i32
    %c0_i32_0 = arith.constant 0 : i32
    %c0_i32_1 = arith.constant 0 : i32
    return %c0_i32, %c0_i32_0 : i32, i32
  }
  func.func @transform_10(%arg0: i32) -> (i32, i32) {
    %c0_i32 = arith.constant 0 : i32
    %c0_i32_0 = arith.constant 0 : i32
    return %arg0, %c0_i32 : i32, i32
  }
}

</mosaic_0001>

<sc_bundles>
// kernel: nnue_feature_transform.3.cloned.1.call-start
scs
__scs_entry_jumppad:
0x0: {  	(pc) =	sbr.rel $0x88, $3  }
0x1: {  	(tag) =	ssettag $0x0;
	lr =	simm.s32 $0x1  }
0x2: {  	[smem:$0x3F94] =	sst lr;
	_ =	strace $0xD0000000  }
0x3: {  	_ = 	snop  }
0x4: {  	_ = 	snop  }
0x5: {  	_ = 	snop  }
0x6: {  	_ = 	snop  }
0x7: {  	_ = 	snop  }
__scs_overlays_trampoline_lowered:
0x8: {  	[smem:$0x3FA3] =	sst s0  }
0x9: {  	[smem:$0x3FA4] =	sst s1  }
0xa: {  	[smem:$0x3FA5] =	sst s2  }
0xb: {  	[smem:$0x3FA6] =	sst s3  }
0xc: {  	[smem:$0x3FA7] =	sst s4  }
0xd: {  	[smem:$0x3FA8] =	sst s5  }
0xe: {  	[smem:$0x3FA9] =	sst s6  }
0xf: {  	[smem:$0x3FAA] =	sst s7  }
0x10: {  	[smem:$0x3FAB] =	sst s8  }
0x11: {  	[smem:$0x3FAC] =	sst s9;
	s0 =	simm.s32 @!p0 $0x0  }
0x12: {  	s1 =	sld [smem:$0x3F92];
	s0 =	simm.s32 @p0 $0x1  }
0x13: {  	[smem:$0x3FAD] =	sst s0;
	s0 =	simm.s32 @!p1 $0x0  }
0x14: {  	s2 =	sld [smem:$0x3F91];
	s0 =	simm.s32 @p1 $0x1  }
0x15: {  	[smem:$0x3FAE] =	sst s0;
	s0 =	simm.s32 @!p2 $0x0  }
0x16: {  	s3 =	sld [smem:$0x3FDB];
	s0 =	simm.s32 @p2 $0x1  }
0x17: {  	s4 =	simm.s32 $0x1BF5;
	[smem:$0x3FB0] =	sst s0  }
0x18: {  	s0 =	sld [smem:$0x3F93];
	_ =	swait.ge [sflag:s4], $0x0  }
0x19: {  	s7 =	sld [smem:$0x3F94]  }
0x1a: {  	s8 =	sadd.s32 $0xFFFFE003, lr  }
0x1b: {  	s9 =	sadd.s32 $0xFFFFFEF7, lr;
	s5 =	simm.s32 $0xFFFFFFFF;
	p2 =	slt.u32 s8, $0xFFFFF086  }
0x1c: {  	p1 =	slt.u32 s9, $0xF7A;
	s5 =	simm.s32 @!p2 $0x0  }
0x1d: {  	s5 =	simm.s32 @p1 $0x1;
	p0 =	seq.s32 s7, s2  }
0x1e: {  	s7 =	smul.u32 @!p0 $0xF7A, s2;
	p2 =	seq.s32 @!p0 s5, $0x0  }
0x1f: {  	s9 =	smul.u32 $0xF7A, s1;
	s8 =	simm.s32 @!p0 $0x1BF5;
	p2 =	por !p2, p0  }
0x20: {  	[sflag:s8] =	ssyncset.s32 @!p0 $0xFFFFF086;
	s6 =	sadd.s32 @!p0 s3, s7;
	s7 =	simm.s32 @!p0 $0x108  }
0x21: {  	s3 =	sadd.s32 s3, s9;
	s6 =	sadd.s32 @!p0 $0x88, s6;
	s7 =	simm.s32 @p2 $0x1082  }
0x22: {  	[simem:s7], [sflag:s8] =	dma.local @!p0 [hbm:s6], $0xF7A  }
0x23: {  	s9 =	sor.u32 $0xD0000000, s2;
	s6 =	simm.s32 $0x108;
	_ =	swait.ge @!p0 [sflag:s8], $0x0  }
0x24: {  	s3 =	sadd.s32 $0x88, s3;
	s6 =	simm.s32 @!p1 $0x1082;
	[sflag:s4] =	ssyncset.s32 $0xFFFFF086  }
0x25: {  	[simem:s6], [sflag:s4] =	dma.local [hbm:s3], $0xF7A  }
0x26: {  	[smem:$0x3F94] =	sst s1;
	(tag) =	ssettag s2;
	_ =	strace s9  }
0x27: {  	s1 =	sld [smem:$0x3FA4]  }
0x28: {  	s2 =	sld [smem:$0x3FA5]  }
0x29: {  	s4 =	sld [smem:$0x3FA7]  }
0x2a: {  	p0 =	seq.s32 s5, $0x0;
	s5 =	sld [smem:$0x3FA8]  }
0x2b: {  	s6 =	sld [smem:$0x3FA9]  }
0x2c: {  	s7 =	sld [smem:$0x3FAA]  }
0x2d: {  	s3 =	simm.s32 $0x108;
	s8 =	sld [smem:$0x3FAB]  }
0x2e: {  	s3 =	simm.s32 @!p0 $0x1082;
	s9 =	sld [smem:$0x3FAC]  }
0x2f: {  	lr =	sadd.s32 s0, s3;
	s0 =	sld [smem:$0x3FA3]  }
0x30: {  	s3 =	sld [smem:$0x3FA6]  }
0x31: {  	[smem:$0x3FAF] =	sst s10  }
0x32: {  	s10 =	sld [smem:$0x3FAD];
	_ =	sdelay $0x3  }
0x33: {  	p0 =	seq.s32 s10, $0x1;
	s10 =	sld [smem:$0x3FAF];
	_ =	sdelay $0x3  }
0x34: {  	[smem:$0x3FAF] =	sst s10  }
0x35: {  	s10 =	sld [smem:$0x3FAE];
	_ =	sdelay $0x3  }
0x36: {  	p1 =	seq.s32 s10, $0x1;
	s10 =	sld [smem:$0x3FAF];
	_ =	sdelay $0x3  }
0x37: {  	[smem:$0x3FAF] =	sst s10  }
0x38: {  	s10 =	sld [smem:$0x3FB0]  }
0x39: {  	_ = 	snop;
	(pc) =	sbr.ind lr, $3  }
0x3a: {  	_ = 	snop  }
0x3b: {  	_ = 	snop  }
0x3c: {  	p2 =	seq.s32 s10, $0x1;
	s10 =	sld [smem:$0x3FAF]  }
0x3d: {  	_ =	shalt  }
0x3e: {  	_ =	shalt  }
0x3f: {  	_ =	shalt  }
0x40: {  	_ =	shalt  }
0x41: {  	_ =	shalt  }
0x42: {  	_ =	shalt  }
0x43: {  	_ =	shalt  }
0x44: {  	_ =	shalt  }
0x45: {  	_ =	shalt  }
0x46: {  	_ =	shalt  }
0x47: {  	_ =	shalt  }
0x48: {  	_ =	shalt  }
0x49: {  	_ =	shalt  }
0x4a: {  	_ =	shalt  }
0x4b: {  	_ =	shalt  }
0x4c: {  	_ =	shalt  }
0x4d: {  	_ =	shalt  }
0x4e: {  	_ =	shalt  }
0x4f: {  	_ =	shalt  }
0x50: {  	_ =	shalt  }
0x51: {  	_ =	shalt  }
0x52: {  	_ =	shalt  }
0x53: {  	_ =	shalt  }
0x54: {  	_ =	shalt  }
0x55: {  	_ =	shalt  }
0x56: {  	_ =	shalt  }
0x57: {  	_ =	shalt  }
0x58: {  	_ =	shalt  }
0x59: {  	_ =	shalt  }
0x5a: {  	_ =	shalt  }
0x5b: {  	_ =	shalt  }
0x5c: {  	_ =	shalt  }
0x5d: {  	_ =	shalt  }
0x5e: {  	_ =	shalt  }
0x5f: {  	_ =	shalt  }
0x60: {  	_ =	shalt  }
0x61: {  	_ =	shalt  }
0x62: {  	_ =	shalt  }
0x63: {  	_ =	shalt  }
0x64: {  	_ =	shalt  }
0x65: {  	_ =	shalt  }
0x66: {  	_ =	shalt  }
0x67: {  	_ =	shalt  }
0x68: {  	_ =	shalt  }
0x69: {  	_ =	shalt  }
0x6a: {  	_ =	shalt  }
0x6b: {  	_ =	shalt  }
0x6c: {  	_ =	shalt  }
0x6d: {  	_ =	shalt  }
0x6e: {  	_ =	shalt  }
0x6f: {  	_ =	shalt  }
0x70: {  	_ =	shalt  }
0x71: {  	_ =	shalt  }
0x72: {  	_ =	shalt  }
0x73: {  	_ =	shalt  }
0x74: {  	_ =	shalt  }
0x75: {  	_ =	shalt  }
0x76: {  	_ =	shalt  }
0x77: {  	_ =	shalt  }
0x78: {  	_ =	shalt  }
0x79: {  	_ =	shalt  }
0x7a: {  	_ =	shalt  }
0x7b: {  	_ =	shalt  }
0x7c: {  	_ =	shalt  }
0x7d: {  	_ =	shalt  }
0x7e: {  	_ =	shalt  }
0x7f: {  	_ =	shalt  }
0x80: {  	_ =	shalt  }
0x81: {  	_ =	shalt  }
0x82: {  	_ =	shalt  }
0x83: {  	_ =	shalt  }
0x84: {  	_ =	shalt  }
0x85: {  	_ =	shalt  }
0x86: {  	_ =	shalt  }
0x87: {  	_ =	shalt  }
.Lfunc_end0:
.L_simem_size_0:
called_computation_lowered:
.L_overlay_start_0:
0x88: {  	s2 =	sld [smem:$0x3FD9]  }
0x89: {  	s3 =	sld [smem:$0x3FFE];
	_ =	sdelay $0x1  }
0x8a: {  	s1 =	srdreg.scid  }
0x8b: {  	s0 =	sand.u32 $0x1, s1  }
0x8c: {  	s17 =	sshll.u32 s0, $0xA;
	s2 =	sadd.s32 s3, s2  }
0x8d: {  	s2 =	sadd.s32 s2, s17  }
0x8e: {  	[smem:$0x3FBB] =	sst s2  }
0x8f: {  	_ = 	snop  }
0x90: {  	s2 =	sld [smem:$0x3FC4];
	(tm) =	ssettm $0x1  }
0x91: {  	s18 =	sld [smem:$0x3FFB];
	_ =	sdelay $0x3  }
0x92: {  	_ =	strace s18  }
0x93: {  	s3 =	sld [smem:$0x3FFC];
	_ =	sdelay $0x3  }
0x94: {  	_ =	strace s3  }
0x95: {  	s3 =	sld [smem:$0x3FFD];
	_ =	sdelay $0x3  }
0x96: {  	_ =	strace s3  }
0x97: {  	_ =	strace $0x8FFFFFFF  }
0x98: {  	s19 =	sld [smem:$0x3FDB];
	_ =	sdelay $0x1  }
0x99: {  	s4 =	simm.s32 $_scs_section_size  }
0x9a: {  	s5 =	simm.s32 $_size__tile_overlayer_lowered;
	s6 =	simm.s32 $_tile_overlayer_lowered  }
0x9b: {  	s22 =	simm.s32 $0x1BFF;
	s21 =	sshll.u32 s6, $0x1;
	s3 =	sadd.s32 s4, s19  }
0x9c: {  	s7 =	simm.s32 $0x0;
	s20 =	sshll.u32 s5, $0x1;
	s5 =	sadd.s32 s21, s3  }
0x9d: {  	[timem:s7], [sflag:s22] =	dma.local [hbm:s5], s20  }
0x9e: {  	_ =	swait.ge [sflag:s22], s20  }
0x9f: {  	s4 =	ssub.s32 $0x0, s20;
	[sflag:s22] =	ssyncset.done $0x0  }
0xa0: {  	[sflag:s22] =	ssyncadd.s32 s4;
	_ =	sdelay $0x1  }
0xa1: {  	s23 =	simm.s32 $0x1B8B  }
0xa2: {  	_ =	swait.ge [sflag:s23], $0x1  }
0xa3: {  	[sflag:s23] =	ssyncset.done $0x0  }
0xa4: {  	s25 =	simm.s32 $0x1B8E;
	s24 =	sld [smem:$0x3FFE];
	[sflag:s23] =	ssyncadd.s32 $0xFFFFFFFF  }
0xa5: {  	s26 =	simm.s32 $execute0_lowered;
	[smem:$0x3FD2] =	sst s25  }
0xa6: {  	s5 =	sshll.u32 s26, $0x1;
	_ =	strace $0x80000046;
	[dreg:$0x1] =	wrdreg $0xFFFFFFFF  }
0xa7: {  	s28 =	simm.s32 $_size_execute0_lowered;
	s3 =	sadd.s32 s3, s5;
	[dreg:$0x0] =	wrdreg $0x0  }
0xa8: {  	s5 =	sshll.u32 s28, $0x1;
	[dreg:$0x2] =	wrdreg s3  }
0xa9: {  	[dreg:$0x3] =	wrdreg s5  }
0xaa: {  	[dreg:$0x4] =	wrdreg $0xC0  }
0xab: {  	_ =	task [dreg:s7], $0x5FFFF  }
0xac: {  	[dreg:$0x1] =	wrdreg $0xFFFFFFFF  }
0xad: {  	[dreg:$0x0] =	wrdreg $0x60  }
0xae: {  	[dreg:$0x2] =	wrdreg s24  }
0xaf: {  	[dreg:$0x3] =	wrdreg s2  }
0xb0: {  	[dreg:$0x4] =	wrdreg $0x9  }
0xb1: {  	_ =	task.clear_ibuf [dreg:s7], $0x5FFFF;
	_ =	strace $0x90000046  }
0xb2: {  	s29 =	simm.s32 $0x9;
	_ =	strace $0x80000048  }
0xb3: {  	_ =	swait.ge [sflag:s29], $0x1  }
0xb4: {  	[sflag:s29] =	ssyncadd.s32 $0xFFFFFFFF  }
0xb5: {  	_ =	strace $0x90000048  }
0xb6: {  	_ =	sfence  }
0xb7: {  	s30 =	sld [smem:$0x0];
	_ =	sdelay $0x2  }
0xb8: {  	s31 =	sshll.u32 s1, $0xD;
	s1 =	sshrl.u32 s1, $0x2  }
0xb9: {  	s3 =	sand.u32 $0x4000, s31;
	s1 =	sadd.s32 s1, s30  }
0xba: {  	s0 =	sor.u32 s3, s0;
	s1 =	sshll.u32 s1, $0x11  }
0xbb: {  	s0 =	sor.u32 s1, s0  }
0xbc: {  	s0 =	sadd.s32 $0x8F2B, s0  }
0xbd: {  	[sflag:s0] =	ssyncadd.remote.s32 $0x1  }
0xbe: {  	_ =	sfence.sel $0xFFFF  }
0xbf: {  	[dreg:$0x0] =	wrdreg $0xFFFFFFFF;
	(pc) =	sbr.abs _section_cstart, $3  }
0xc0: {  	[dreg:$0x1] =	wrdreg $0xFFFFFFFF  }
0xc1: {  	_ =	task.clear_ibuf [dreg:s7], $0x2FFFF;
	_ =	strace $0x9FFFFFFF  }
0xc2: {  	(tm) =	ssettm $0x7FFFFFFF  }
0xc3: {  	_ =	shalt  }
tec
execute0_lowered:
.L_overlay_start_1:
0x0: {  	(tag) =	ssettag $0x1  }
0x1: {  	s0 =	rddreg [dreg:$0x0]  }
0x2: {  	s1 =	rddreg [dreg:$0x1];
	s2 =	simm.s32 $0x0;
	s3 =	srdreg.scid  }
0x3: {  	s4 =	stileid.u32;
	s19 =	simm.s32 $0x1;
	s13 =	simm.s32 $0x2  }
0x4: {  	[smem:$0x7FF] =	sst s2;
	s10 =	sadd.s32 $0x1600, s0;
	s3 =	sand.u32 $0x1, s3  }
0x5: {  	s7 =	sshll.u32 s4, $0xB;
	s6 =	ssub.s32 $0x2, s3;
	s3 =	sshll.u32 s3, $0xA  }
0x6: {  	s22 =	sadd.s32 $0x81600, s0;
	s23 =	sadd.s32 $0x101600, s0;
	s5 =	sor.u32 s3, s7  }
0x7: {  	_ =	strace $0x80000047;
	s8 =	sshrl.u32 s6, $0x1;
	s3 =	sshll.u32 s5, $0x4  }
0x8: {  	s7 =	smov.u32 s22;
	[dreg:$0x3] =	wrdreg s5;
	s25 =	sadd.s32 s10, s3  }
0x9: {  	s24 =	ssub.s32 s6, s8;
	s29 =	sadd.s32 s22, s3;
	[dreg:$0x4] =	wrdreg s25  }
0xa: {  	s28 =	sshll.u32 s5, $0x5;
	s0 =	smax.u32 s24, $0x1;
	[dreg:$0x5] =	wrdreg s29  }
0xb: {  	s26 =	sor.u32 $0x200, s3;
	s31 =	sor.u32 $0x400, s3;
	[dreg:$0x9] =	wrdreg s0  }
0xc: {  	s5 =	smov.u32 s10;
	s9 =	sadd.s32 s10, s26;
	[dreg:$0xa] =	wrdreg s31  }
0xd: {  	v2 =	vlaneseq.u32;
	s8 =	sadd.s32 s28, s23;
	s4 =	sadd.s32 s22, s26;
	[dreg:$0x6] =	wrdreg s9  }
0xe: {  	vm0 =	vmmov $0xffff;
	v1 =	vshrl.u32 v2, $0x3;
	s15 =	smov.u32 s28;
	s30 =	sadd.s32 $0x7F40, s8;
	[dreg:$0x7] =	wrdreg s4  }
0xf: {  	v0 =	vand.u32 $0x7, v2;
	v2 =	vor.u32 $0x8, v2;
	v1 =	vmul.u32 $0x8, v1;
	s9 =	smov.u32 s23;
	[dreg:$0x8] =	wrdreg s30;
	s4 =	simm.s32 $0x0  }
.LBB2_1:
0x10: {  	[dreg:$0xb] =	wrdreg s4  }
0x11: {  	s0 =	rddreg [dreg:$0x4]  }
0x12: {  	[tilespmem:s2], [sflag:$0x1] =	stream.linear.gather [hbm4b:s0+s2], $0x1000, $0x38;
	[tilespmem:$0x1D180] =	vst v63  }
0x13: {  	s14 =	rddreg [dreg:$0x5];
	s3 =	simm.s32 $0x2000  }
0x14: {  	[tilespmem:s3], [sflag:$0x1] =	stream.linear.gather [hbm4b:s14+s2], $0x1000, $0x38;
	[tilespmem:$0x1D180] =	vst v63  }
0x15: {  	s16 =	rddreg [dreg:$0x6];
	s17 =	simm.s32 $0x1000  }
0x16: {  	[tilespmem:s17], [sflag:$0x2] =	stream.linear.gather [hbm4b:s16+s2], $0x1000, $0x38;
	[tilespmem:$0x1D180] =	vst v63  }
0x17: {  	s18 =	rddreg [dreg:$0x7];
	s20 =	simm.s32 $0x3000  }
0x18: {  	[tilespmem:s20], [sflag:$0x2] =	stream.linear.gather [hbm4b:s18+s2], $0x1000, $0x38;
	[tilespmem:$0x1D180] =	vst v63  }
0x19: {  	_ =	swait.ge [sflag:s19], $0x1000  }
0x1a: {  	[sflag:s19] =	ssyncset.done $0x0  }
0x1b: {  	[sflag:s19] =	ssyncadd.s32 $0xFFFFF000  }
0x1c: {  	_ =	swait.ge [sflag:s19], $0x1000  }
0x1d: {  	[sflag:s19] =	ssyncset.done $0x0  }
0x1e: {  	[sflag:s19] =	ssyncadd.s32 $0xFFFFF000  }
0x1f: {  	v3 =	vld [tilespmem:$0x0];
	_ =	sdelay $0x2  }
0x20: {  	v4 =	vld [tilespmem:$0x10]  }
0x21: {  	v5 =	vld [tilespmem:$0x80]  }
0x22: {  	v6 =	vld [tilespmem:$0x90];
	v7 =	vshll.u32 v3, $0x1  }
0x23: {  	v8 =	vld [tilespmem:$0x100];
	v9 =	vand.u32 $0x7, v3;
	v7 =	vand.u32 $0xFFFFFFF0, v7  }
0x24: {  	[tilespmem:$0x4000] =	vst v3;
	v3 =	vld [tilespmem:$0x110];
	v7 =	vor.u32 v9, v7  }
0x25: {  	v40 =	vld [tilespmem:$0x180];
	[tilespmem:$0x4010] =	vst v4;
	v9 =	vperm.xlane v7, v0  }
0x26: {  	v41 =	vld [tilespmem:$0x190];
	[tilespmem:$0x4020] =	vst v5  }
0x27: {  	[tilespmem:$0x4030] =	vst v6;
	v7 =	vperm.xlane v7, v2;
	v42 =	vadd.s32 v1, v9  }
0x28: {  	[tilespmem:$0x4040] =	vst v8  }
0x29: {  	[tilespmem:$0x4050] =	vst v3;
	v3 =	vadd.s32 v1, v7  }
0x2a: {  	[tilespmem:$0x4060] =	vst v40  }
0x2b: {  	s21 =	simm.s32 $0x4180;
	[tilespmem:$0x4070] =	vst v41  }
0x2c: {  	[tilespmem:s21], [sflag:$0x3] =	stream.indirect_vreg.gather [hbm4b:s1+s2], $0x80, v42, vm0, $0xb8;
	[tilespmem:$0x1D180] =	vst v63  }
0x2d: {  	s22 =	simm.s32 $0x4980  }
0x2e: {  	[tilespmem:s22], [sflag:$0x3] =	stream.indirect_vreg.gather [hbm4b:s1+s2], $0x80, v3, vm0, $0xb8;
	[tilespmem:$0x1D180] =	vst v63  }
0x2f: {  	v3 =	vld [tilespmem:$0x4010];
	_ =	sdelay $0x4  }
0x30: {  	v43 =	vshll.u32 v3, $0x1  }
0x31: {  	v3 =	vand.u32 $0x7, v3;
	v4 =	vand.u32 $0xFFFFFFF0, v43  }
0x32: {  	v3 =	vor.u32 v3, v4  }
0x33: {  	v4 =	vperm.xlane v3, v0;
	_ =	sdelay $0x1  }
0x34: {  	v3 =	vperm.xlane v3, v2;
	v4 =	vadd.s32 v1, v4;
	_ =	sdelay $0x1  }
0x35: {  	v3 =	vadd.s32 v1, v3;
	_ =	sdelay $0x1  }
0x36: {  	s23 =	simm.s32 $0x5180  }
0x37: {  	[tilespmem:s23], [sflag:$0x3] =	stream.indirect_vreg.gather [hbm4b:s1+s2], $0x80, v4, vm0, $0xb8;
	[tilespmem:$0x1D180] =	vst v63  }
0x38: {  	s24 =	simm.s32 $0x5980  }
0x39: {  	[tilespmem:s24], [sflag:$0x3] =	stream.indirect_vreg.gather [hbm4b:s1+s2], $0x80, v3, vm0, $0xb8;
	[tilespmem:$0x1D180] =	vst v63  }
0x3a: {  	v3 =	vld [tilespmem:$0x4020];
	_ =	sdelay $0x4  }
0x3b: {  	v44 =	vshll.u32 v3, $0x1  }
0x3c: {  	v3 =	vand.u32 $0x7, v3;
	v4 =	vand.u32 $0xFFFFFFF0, v44  }
0x3d: {  	v3 =	vor.u32 v3, v4  }
0x3e: {  	v4 =	vperm.xlane v3, v0;
	_ =	sdelay $0x1  }
0x3f: {  	v3 =	vperm.xlane v3, v2;
	v4 =	vadd.s32 v1, v4;
	_ =	sdelay $0x1  }
0x40: {  	v3 =	vadd.s32 v1, v3;
	_ =	sdelay $0x1  }
0x41: {  	s25 =	simm.s32 $0x6180  }
0x42: {  	[tilespmem:s25], [sflag:$0x3] =	stream.indirect_vreg.gather [hbm4b:s1+s2], $0x80, v4, vm0, $0xb8;
	[tilespmem:$0x1D180] =	vst v63  }
0x43: {  	s26 =	simm.s32 $0x6980  }
0x44: {  	[tilespmem:s26], [sflag:$0x3] =	stream.indirect_vreg.gather [hbm4b:s1+s2], $0x80, v3, vm0, $0xb8;
	[tilespmem:$0x1D180] =	vst v63  }
0x45: {  	v3 =	vld [tilespmem:$0x4030];
	_ =	sdelay $0x4  }
0x46: {  	v45 =	vshll.u32 v3, $0x1  }
0x47: {  	v3 =	vand.u32 $0x7, v3;
	v4 =	vand.u32 $0xFFFFFFF0, v45  }
0x48: {  	v3 =	vor.u32 v3, v4  }
0x49: {  	v4 =	vperm.xlane v3, v0;
	_ =	sdelay $0x1  }
0x4a: {  	v3 =	vperm.xlane v3, v2;
	v4 =	vadd.s32 v1, v4;
	_ =	sdelay $0x1  }
0x4b: {  	v3 =	vadd.s32 v1, v3;
	_ =	sdelay $0x1  }
0x4c: {  	s28 =	simm.s32 $0x7180  }
0x4d: {  	[tilespmem:s28], [sflag:$0x3] =	stream.indirect_vreg.gather [hbm4b:s1+s2], $0x80, v4, vm0, $0xb8;
	[tilespmem:$0x1D180] =	vst v63  }
0x4e: {  	s29 =	simm.s32 $0x7980  }
0x4f: {  	[tilespmem:s29], [sflag:$0x3] =	stream.indirect_vreg.gather [hbm4b:s1+s2], $0x80, v3, vm0, $0xb8;
	[tilespmem:$0x1D180] =	vst v63  }
0x50: {  	v3 =	vld [tilespmem:$0x4040];
	_ =	sdelay $0x4  }
0x51: {  	v46 =	vshll.u32 v3, $0x1  }
0x52: {  	v3 =	vand.u32 $0x7, v3;
	v4 =	vand.u32 $0xFFFFFFF0, v46  }
0x53: {  	v3 =	vor.u32 v3, v4  }
0x54: {  	v4 =	vperm.xlane v3, v0;
	_ =	sdelay $0x1  }
0x55: {  	v3 =	vperm.xlane v3, v2;
	v4 =	vadd.s32 v1, v4;
	_ =	sdelay $0x1  }
0x56: {  	v3 =	vadd.s32 v1, v3;
	_ =	sdelay $0x1  }
0x57: {  	s30 =	simm.s32 $0x8180  }
0x58: {  	[tilespmem:s30], [sflag:$0x3] =	stream.indirect_vreg.gather [hbm4b:s1+s2], $0x80, v4, vm0, $0xb8;
	[tilespmem:$0x1D180] =	vst v63  }
0x59: {  	s31 =	simm.s32 $0x8980  }
0x5a: {  	[tilespmem:s31], [sflag:$0x3] =	stream.indirect_vreg.gather [hbm4b:s1+s2], $0x80, v3, vm0, $0xb8;
	[tilespmem:$0x1D180] =	vst v63  }
0x5b: {  	v3 =	vld [tilespmem:$0x4050];
	_ =	sdelay $0x4  }
0x5c: {  	v47 =	vshll.u32 v3, $0x1  }
0x5d: {  	v3 =	vand.u32 $0x7, v3;
	v4 =	vand.u32 $0xFFFFFFF0, v47  }
0x5e: {  	v3 =	vor.u32 v3, v4  }
0x5f: {  	v4 =	vperm.xlane v3, v0;
	_ =	sdelay $0x1  }
0x60: {  	v3 =	vperm.xlane v3, v2;
	v4 =	vadd.s32 v1, v4;
	_ =	sdelay $0x1  }
0x61: {  	v3 =	vadd.s32 v1, v3;
	_ =	sdelay $0x1  }
0x62: {  	s3 =	simm.s32 $0x9180  }
0x63: {  	[tilespmem:s3], [sflag:$0x3] =	stream.indirect_vreg.gather [hbm4b:s1+s2], $0x80, v4, vm0, $0xb8;
	[tilespmem:$0x1D180] =	vst v63  }
0x64: {  	s4 =	simm.s32 $0x9980  }
0x65: {  	[tilespmem:s4], [sflag:$0x3] =	stream.indirect_vreg.gather [hbm4b:s1+s2], $0x80, v3, vm0, $0xb8;
	[tilespmem:$0x1D180] =	vst v63  }
0x66: {  	v3 =	vld [tilespmem:$0x4060];
	_ =	sdelay $0x4  }
0x67: {  	v48 =	vshll.u32 v3, $0x1  }
0x68: {  	v3 =	vand.u32 $0x7, v3;
	v4 =	vand.u32 $0xFFFFFFF0, v48  }
0x69: {  	v3 =	vor.u32 v3, v4  }
0x6a: {  	v4 =	vperm.xlane v3, v0;
	_ =	sdelay $0x1  }
0x6b: {  	v3 =	vperm.xlane v3, v2;
	v4 =	vadd.s32 v1, v4;
	_ =	sdelay $0x1  }
0x6c: {  	v3 =	vadd.s32 v1, v3;
	_ =	sdelay $0x1  }
0x6d: {  	s6 =	simm.s32 $0xA180  }
0x6e: {  	[tilespmem:s6], [sflag:$0x3] =	stream.indirect_vreg.gather [hbm4b:s1+s2], $0x80, v4, vm0, $0xb8;
	[tilespmem:$0x1D180] =	vst v63  }
0x6f: {  	s8 =	simm.s32 $0xA980  }
0x70: {  	[tilespmem:s8], [sflag:$0x3] =	stream.indirect_vreg.gather [hbm4b:s1+s2], $0x80, v3, vm0, $0xb8;
	[tilespmem:$0x1D180] =	vst v63  }
0x71: {  	v3 =	vld [tilespmem:$0x4070];
	_ =	sdelay $0x4  }
0x72: {  	v49 =	vshll.u32 v3, $0x1  }
0x73: {  	v3 =	vand.u32 $0x7, v3;
	v4 =	vand.u32 $0xFFFFFFF0, v49  }
0x74: {  	v3 =	vor.u32 v3, v4  }
0x75: {  	v4 =	vperm.xlane v3, v0;
	_ =	sdelay $0x1  }
0x76: {  	v3 =	vperm.xlane v3, v2;
	v4 =	vadd.s32 v1, v4;
	_ =	sdelay $0x1  }
0x77: {  	v3 =	vadd.s32 v1, v3;
	_ =	sdelay $0x1  }
0x78: {  	s10 =	simm.s32 $0xB180  }
0x79: {  	[tilespmem:s10], [sflag:$0x3] =	stream.indirect_vreg.gather [hbm4b:s1+s2], $0x80, v4, vm0, $0xb8;
	[tilespmem:$0x1D180] =	vst v63  }
0x7a: {  	s11 =	simm.s32 $0xB980  }
0x7b: {  	[tilespmem:s11], [sflag:$0x3] =	stream.indirect_vreg.gather [hbm4b:s1+s2], $0x80, v3, vm0, $0xb8;
	[tilespmem:$0x1D180] =	vst v63  }
0x7c: {  	v3 =	vld [tilespmem:$0x200];
	_ =	sdelay $0x2  }
0x7d: {  	v4 =	vld [tilespmem:$0x210]  }
0x7e: {  	v50 =	vld [tilespmem:$0x280]  }
0x7f: {  	v6 =	vld [tilespmem:$0x290];
	v51 =	vshll.u32 v3, $0x1  }
0x80: {  	v52 =	vld [tilespmem:$0x300];
	v53 =	vand.u32 $0x7, v3;
	v7 =	vand.u32 $0xFFFFFFF0, v51  }
0x81: {  	[tilespmem:$0x4080] =	vst v3;
	v3 =	vld [tilespmem:$0x310];
	v7 =	vor.u32 v53, v7  }
0x82: {  	v54 =	vld [tilespmem:$0x380];
	[tilespmem:$0x4090] =	vst v4;
	v9 =	vperm.xlane v7, v0  }
0x83: {  	v55 =	vld [tilespmem:$0x390];
	[tilespmem:$0x40A0] =	vst v50  }
0x84: {  	[tilespmem:$0x40B0] =	vst v6;
	v7 =	vperm.xlane v7, v2;
	v56 =	vadd.s32 v1, v9  }
0x85: {  	[tilespmem:$0x40C0] =	vst v52  }
0x86: {  	[tilespmem:$0x40D0] =	vst v3;
	v3 =	vadd.s32 v1, v7  }
0x87: {  	[tilespmem:$0x40E0] =	vst v54  }
0x88: {  	s12 =	simm.s32 $0xC180;
	[tilespmem:$0x40F0] =	vst v55  }
0x89: {  	[tilespmem:s12], [sflag:$0x4] =	stream.indirect_vreg.gather [hbm4b:s1+s2], $0x80, v56, vm0, $0xb8;
	[tilespmem:$0x1D180] =	vst v63  }
0x8a: {  	s14 =	simm.s32 $0xC980  }
0x8b: {  	[tilespmem:s14], [sflag:$0x4] =	stream.indirect_vreg.gather [hbm4b:s1+s2], $0x80, v3, vm0, $0xb8;
	[tilespmem:$0x1D180] =	vst v63  }
0x8c: {  	v3 =	vld [tilespmem:$0x4090];
	_ =	sdelay $0x4  }
0x8d: {  	v57 =	vshll.u32 v3, $0x1  }
0x8e: {  	v3 =	vand.u32 $0x7, v3;
	v4 =	vand.u32 $0xFFFFFFF0, v57  }
0x8f: {  	v3 =	vor.u32 v3, v4  }
0x90: {  	v4 =	vperm.xlane v3, v0;
	_ =	sdelay $0x1  }
0x91: {  	v3 =	vperm.xlane v3, v2;
	v4 =	vadd.s32 v1, v4;
	_ =	sdelay $0x1  }
0x92: {  	v3 =	vadd.s32 v1, v3;
	_ =	sdelay $0x1  }
0x93: {  	s16 =	simm.s32 $0xD180  }
0x94: {  	[tilespmem:s16], [sflag:$0x4] =	stream.indirect_vreg.gather [hbm4b:s1+s2], $0x80, v4, vm0, $0xb8;
	[tilespmem:$0x1D180] =	vst v63  }
0x95: {  	s17 =	simm.s32 $0xD980  }
0x96: {  	[tilespmem:s17], [sflag:$0x4] =	stream.indirect_vreg.gather [hbm4b:s1+s2], $0x80, v3, vm0, $0xb8;
	[tilespmem:$0x1D180] =	vst v63  }
0x97: {  	v3 =	vld [tilespmem:$0x40A0];
	_ =	sdelay $0x4  }
0x98: {  	v58 =	vshll.u32 v3, $0x1  }
0x99: {  	v3 =	vand.u32 $0x7, v3;
	v4 =	vand.u32 $0xFFFFFFF0, v58  }
0x9a: {  	v3 =	vor.u32 v3, v4  }
0x9b: {  	v4 =	vperm.xlane v3, v0;
	_ =	sdelay $0x1  }
0x9c: {  	v3 =	vperm.xlane v3, v2;
	v4 =	vadd.s32 v1, v4;
	_ =	sdelay $0x1  }
0x9d: {  	v3 =	vadd.s32 v1, v3;
	_ =	sdelay $0x1  }
0x9e: {  	s18 =	simm.s32 $0xE180  }
0x9f: {  	[tilespmem:s18], [sflag:$0x4] =	stream.indirect_vreg.gather [hbm4b:s1+s2], $0x80, v4, vm0, $0xb8;
	[tilespmem:$0x1D180] =	vst v63  }
0xa0: {  	s20 =	simm.s32 $0xE980  }
0xa1: {  	[tilespmem:s20], [sflag:$0x4] =	stream.indirect_vreg.gather [hbm4b:s1+s2], $0x80, v3, vm0, $0xb8;
	[tilespmem:$0x1D180] =	vst v63  }
0xa2: {  	v3 =	vld [tilespmem:$0x40B0];
	_ =	sdelay $0x4  }
0xa3: {  	v59 =	vshll.u32 v3, $0x1  }
0xa4: {  	v3 =	vand.u32 $0x7, v3;
	v4 =	vand.u32 $0xFFFFFFF0, v59  }
0xa5: {  	v3 =	vor.u32 v3, v4  }
0xa6: {  	v4 =	vperm.xlane v3, v0;
	_ =	sdelay $0x1  }
0xa7: {  	v3 =	vperm.xlane v3, v2;
	v4 =	vadd.s32 v1, v4;
	_ =	sdelay $0x1  }
0xa8: {  	v3 =	vadd.s32 v1, v3;
	_ =	sdelay $0x1  }
0xa9: {  	s21 =	simm.s32 $0xF180  }
0xaa: {  	[tilespmem:s21], [sflag:$0x4] =	stream.indirect_vreg.gather [hbm4b:s1+s2], $0x80, v4, vm0, $0xb8;
	[tilespmem:$0x1D180] =	vst v63  }
0xab: {  	s22 =	simm.s32 $0xF980  }
0xac: {  	[tilespmem:s22], [sflag:$0x4] =	stream.indirect_vreg.gather [hbm4b:s1+s2], $0x80, v3, vm0, $0xb8;
	[tilespmem:$0x1D180] =	vst v63  }
0xad: {  	v3 =	vld [tilespmem:$0x40C0];
	_ =	sdelay $0x4  }
0xae: {  	v60 =	vshll.u32 v3, $0x1  }
0xaf: {  	v3 =	vand.u32 $0x7, v3;
	v4 =	vand.u32 $0xFFFFFFF0, v60  }
0xb0: {  	v3 =	vor.u32 v3, v4  }
0xb1: {  	v4 =	vperm.xlane v3, v0;
	_ =	sdelay $0x1  }
0xb2: {  	v3 =	vperm.xlane v3, v2;
	v4 =	vadd.s32 v1, v4;
	_ =	sdelay $0x1  }
0xb3: {  	v3 =	vadd.s32 v1, v3;
	_ =	sdelay $0x1  }
0xb4: {  	s23 =	simm.s32 $0x10180  }
0xb5: {  	[tilespmem:s23], [sflag:$0x4] =	stream.indirect_vreg.gather [hbm4b:s1+s2], $0x80, v4, vm0, $0xb8;
	[tilespmem:$0x1D180] =	vst v63  }
0xb6: {  	s24 =	simm.s32 $0x10980  }
0xb7: {  	[tilespmem:s24], [sflag:$0x4] =	stream.indirect_vreg.gather [hbm4b:s1+s2], $0x80, v3, vm0, $0xb8;
	[tilespmem:$0x1D180] =	vst v63  }
0xb8: {  	v3 =	vld [tilespmem:$0x40D0];
	_ =	sdelay $0x4  }
0xb9: {  	v61 =	vshll.u32 v3, $0x1  }
0xba: {  	v3 =	vand.u32 $0x7, v3;
	v4 =	vand.u32 $0xFFFFFFF0, v61  }
0xbb: {  	v3 =	vor.u32 v3, v4  }
0xbc: {  	v4 =	vperm.xlane v3, v0;
	_ =	sdelay $0x1  }
0xbd: {  	v3 =	vperm.xlane v3, v2;
	v4 =	vadd.s32 v1, v4;
	_ =	sdelay $0x1  }
0xbe: {  	v3 =	vadd.s32 v1, v3;
	_ =	sdelay $0x1  }
0xbf: {  	s25 =	simm.s32 $0x11180  }
0xc0: {  	[tilespmem:s25], [sflag:$0x4] =	stream.indirect_vreg.gather [hbm4b:s1+s2], $0x80, v4, vm0, $0xb8;
	[tilespmem:$0x1D180] =	vst v63  }
0xc1: {  	s26 =	simm.s32 $0x11980  }
0xc2: {  	[tilespmem:s26], [sflag:$0x4] =	stream.indirect_vreg.gather [hbm4b:s1+s2], $0x80, v3, vm0, $0xb8;
	[tilespmem:$0x1D180] =	vst v63  }
0xc3: {  	v3 =	vld [tilespmem:$0x40E0];
	_ =	sdelay $0x4  }
0xc4: {  	v62 =	vshll.u32 v3, $0x1  }
0xc5: {  	v3 =	vand.u32 $0x7, v3;
	v4 =	vand.u32 $0xFFFFFFF0, v62  }
0xc6: {  	v3 =	vor.u32 v3, v4  }
0xc7: {  	v4 =	vperm.xlane v3, v0;
	_ =	sdelay $0x1  }
0xc8: {  	v3 =	vperm.xlane v3, v2;
	v4 =	vadd.s32 v1, v4;
	_ =	sdelay $0x1  }
0xc9: {  	v3 =	vadd.s32 v1, v3;
	_ =	sdelay $0x1  }
0xca: {  	s28 =	simm.s32 $0x12180  }
0xcb: {  	[tilespmem:s28], [sflag:$0x4] =	stream.indirect_vreg.gather [hbm4b:s1+s2], $0x80, v4, vm0, $0xb8;
	[tilespmem:$0x1D180] =	vst v63  }
0xcc: {  	s29 =	simm.s32 $0x12980  }
0xcd: {  	[tilespmem:s29], [sflag:$0x4] =	stream.indirect_vreg.gather [hbm4b:s1+s2], $0x80, v3, vm0, $0xb8;
	[tilespmem:$0x1D180] =	vst v63  }
0xce: {  	v3 =	vld [tilespmem:$0x40F0];
	_ =	sdelay $0x4  }
0xcf: {  	v63 =	vshll.u32 v3, $0x1  }
0xd0: {  	v3 =	vand.u32 $0x7, v3;
	v4 =	vand.u32 $0xFFFFFFF0, v63  }
0xd1: {  	v3 =	vor.u32 v3, v4  }
0xd2: {  	v4 =	vperm.xlane v3, v0;
	_ =	sdelay $0x1  }
0xd3: {  	v3 =	vperm.xlane v3, v2;
	v4 =	vadd.s32 v1, v4;
	_ =	sdelay $0x1  }
0xd4: {  	v3 =	vadd.s32 v1, v3  }
.Ltmp0:
0xd5: {  	_ = 	snop;
	(pc) =	sbr.rel .LBB2_2-.Ltmp0, $4  }
0xd6: {  	s30 =	simm.s32 $0x13180  }
0xd7: {  	[tilespmem:s30], [sflag:$0x4] =	stream.indirect_vreg.gather [hbm4b:s1+s2], $0x80, v4, vm0, $0xb8;
	[tilespmem:$0x1D180] =	vst v63  }
0xd8: {  	s31 =	simm.s32 $0x13980;
	s24 =	simm.s32 $0x0  }
0xd9: {  	[tilespmem:s31], [sflag:$0x4] =	stream.indirect_vreg.gather [hbm4b:s1+s2], $0x80, v3, vm0, $0xb8;
	[tilespmem:$0x1D180] =	vst v63  }
.LBB2_49:
0xda: {  	s4 =	simm.s32 $0x1000  }
0xdb: {  	[tilespmem:s4], [sflag:$0x2] =	stream.linear.gather [hbm4b:s0+s2], $0x1000, $0x38;
	[tilespmem:$0x1D180] =	vst v63  }
0xdc: {  	s31 =	simm.s32 $0x3000  }
0xdd: {  	[tilespmem:s31], [sflag:$0x2] =	stream.linear.gather [hbm4b:s3+s2], $0x1000, $0x38;
	[tilespmem:$0x1D180] =	vst v63  }
.LBB2_50:
0xde: {  	s24 =	sadd.s32 $0x1, s24  }
0xdf: {  	p0 =	sne.s32 s24, $0x55  }
.Ltmp1:
0xe0: {  	_ = 	snop;
	(pc) =	sbr.rel @!p0 .LBB2_51-.Ltmp1, $1  }
0xe1: {  	_ =	sdelay $0x3  }
.LBB2_2:
0xe2: {  	s29 =	smul.u32 $0x3, s24;
	_ =	sdelay $0x1  }
0xe3: {  	s26 =	sadd.s32 $0x2, s29  }
0xe4: {  	s25 =	sand.u32 $0x7, s26  }
0xe5: {  	p1 =	sne.s32 s25, $0x0  }
.Ltmp2:
0xe6: {  	_ = 	snop;
	(pc) =	sbr.rel @!p1 .LBB2_3-.Ltmp2, $4  }
0xe7: {  	s3 =	simm.s32 $0x3  }
0xe8: {  	_ =	swait.ge [sflag:s3], $0x8000  }
0xe9: {  	[sflag:s3] =	ssyncset.done $0x0;
	s0 =	sand.u32 $0x8, s26  }
0xea: {  	[sflag:s3] =	ssyncadd.s32 $0xFFFF8000;
	p0 =	sne.s32 s0, $0x0  }
.Ltmp3:
0xeb: {  	(pc) =	sbr.rel @p0 .LBB2_8-.Ltmp3, $4  }
.Ltmp4:
0xec: {  	(pc) =	sbr.rel @!p0 .LBB2_6-.Ltmp4, $4  }
0xed: {  	_ = 	snop  }
0xee: {  	_ = 	snop  }
0xef: {  	_ = 	snop  }
0xf0: {  	_ = 	snop  }
.LBB2_3:
.Ltmp5:
0xf1: {  	(pc) =	sbr.rel @p0 .LBB2_7-.Ltmp5, $1  }
0xf2: {  	_ =	sdelay $0x3  }
0xf3: {  	_ =	swait.ge [sflag:s19], $0x1000  }
0xf4: {  	[sflag:s19] =	ssyncset.done $0x0  }
0xf5: {  	[sflag:s19] =	ssyncadd.s32 $0xFFFFF000  }
0xf6: {  	_ =	swait.ge [sflag:s19], $0x1000  }
0xf7: {  	[sflag:s19] =	ssyncset.done $0x0  }
0xf8: {  	[sflag:s19] =	ssyncadd.s32 $0xFFFFF000  }
.LBB2_6:
0xf9: {  	s0 =	sshll.u32 s25, $0x9  }
0xfa: {  	v3 =	vld [tilespmem:s0+$0x0];
	_ =	sdelay $0x4  }
0xfb: {  	[tilespmem:$0x4100] =	vst v3  }
0xfc: {  	v4 =	vld [tilespmem:s0+$0x10];
	_ =	sdelay $0x4  }
0xfd: {  	[tilespmem:$0x4110] =	vst v4  }
0xfe: {  	v4 =	vld [tilespmem:s0+$0x80];
	_ =	sdelay $0x4  }
0xff: {  	[tilespmem:$0x4120] =	vst v4  }
0x100: {  	v4 =	vld [tilespmem:s0+$0x90];
	_ =	sdelay $0x4  }
0x101: {  	[tilespmem:$0x4130] =	vst v4  }
0x102: {  	v4 =	vld [tilespmem:s0+$0x100];
	_ =	sdelay $0x4  }
0x103: {  	[tilespmem:$0x4140] =	vst v4  }
0x104: {  	v4 =	vld [tilespmem:s0+$0x110];
	_ =	sdelay $0x4  }
0x105: {  	[tilespmem:$0x4150] =	vst v4  }
0x106: {  	v4 =	vld [tilespmem:s0+$0x180]  }
.Ltmp6:
0x107: {  	_ = 	snop;
	(pc) =	sbr.rel .LBB2_9-.Ltmp6, $2  }
0x108: {  	_ =	sdelay $0x2  }
0x109: {  	p0 =	por $0x1, $0x1;
	s0 =	sor.u32 $0x190, s0;
	[tilespmem:$0x4160] =	vst v4  }
.LBB2_7:
0x10a: {  	_ =	swait.ge [sflag:s13], $0x1000  }
0x10b: {  	[sflag:s13] =	ssyncset.done $0x0  }
0x10c: {  	[sflag:s13] =	ssyncadd.s32 $0xFFFFF000  }
0x10d: {  	_ =	swait.ge [sflag:s13], $0x1000  }
0x10e: {  	[sflag:s13] =	ssyncset.done $0x0  }
0x10f: {  	[sflag:s13] =	ssyncadd.s32 $0xFFFFF000  }
.LBB2_8:
0x110: {  	s0 =	sshll.u32 s25, $0x9  }
0x111: {  	v3 =	vld [tilespmem:s0+$0x1000];
	_ =	sdelay $0x4  }
0x112: {  	[tilespmem:$0x4100] =	vst v3  }
0x113: {  	v4 =	vld [tilespmem:s0+$0x1010];
	_ =	sdelay $0x4  }
0x114: {  	[tilespmem:$0x4110] =	vst v4  }
0x115: {  	v4 =	vld [tilespmem:s0+$0x1080];
	_ =	sdelay $0x4  }
0x116: {  	[tilespmem:$0x4120] =	vst v4  }
0x117: {  	v4 =	vld [tilespmem:s0+$0x1090];
	_ =	sdelay $0x4  }
0x118: {  	[tilespmem:$0x4130] =	vst v4  }
0x119: {  	v4 =	vld [tilespmem:s0+$0x1100];
	_ =	sdelay $0x4  }
0x11a: {  	[tilespmem:$0x4140] =	vst v4  }
0x11b: {  	v4 =	vld [tilespmem:s0+$0x1110];
	_ =	sdelay $0x4  }
0x11c: {  	[tilespmem:$0x4150] =	vst v4  }
0x11d: {  	v4 =	vld [tilespmem:s0+$0x1180];
	_ =	sdelay $0x4  }
0x11e: {  	p0 =	por $0x0, $0x0;
	s0 =	sor.u32 $0x1190, s0;
	[tilespmem:$0x4160] =	vst v4  }
.LBB2_9:
0x11f: {  	v4 =	vshll.u32 v3, $0x1  }
0x120: {  	v3 =	vand.u32 $0x7, v3;
	v4 =	vand.u32 $0xFFFFFFF0, v4  }
0x121: {  	v3 =	vor.u32 v3, v4  }
0x122: {  	v4 =	vperm.xlane v3, v0  }
0x123: {  	v5 =	vld [tilespmem:s0+$0x0]  }
0x124: {  	v3 =	vperm.xlane v3, v2;
	v4 =	vadd.s32 v1, v4;
	_ =	sdelay $0x1  }
0x125: {  	v3 =	vadd.s32 v1, v3;
	_ =	sdelay $0x1  }
0x126: {  	s31 =	simm.s32 $0x14180;
	[tilespmem:$0x4170] =	vst v5  }
0x127: {  	[tilespmem:s31], [sflag:$0x5] =	stream.indirect_vreg.gather [hbm4b:s1+s2], $0x80, v4, vm0, $0xb8;
	[tilespmem:$0x1D180] =	vst v63  }
0x128: {  	s3 =	simm.s32 $0x14980  }
0x129: {  	[tilespmem:s3], [sflag:$0x5] =	stream.indirect_vreg.gather [hbm4b:s1+s2], $0x80, v3, vm0, $0xb8;
	[tilespmem:$0x1D180] =	vst v63  }
0x12a: {  	v3 =	vld [tilespmem:$0x4110];
	_ =	sdelay $0x4  }
0x12b: {  	v57 =	vshll.u32 v3, $0x1  }
0x12c: {  	v3 =	vand.u32 $0x7, v3;
	v4 =	vand.u32 $0xFFFFFFF0, v57  }
0x12d: {  	v3 =	vor.u32 v3, v4  }
0x12e: {  	v4 =	vperm.xlane v3, v0;
	_ =	sdelay $0x1  }
0x12f: {  	v3 =	vperm.xlane v3, v2;
	v4 =	vadd.s32 v1, v4;
	_ =	sdelay $0x1  }
0x130: {  	v3 =	vadd.s32 v1, v3;
	_ =	sdelay $0x1  }
0x131: {  	s4 =	simm.s32 $0x15180  }
0x132: {  	[tilespmem:s4], [sflag:$0x5] =	stream.indirect_vreg.gather [hbm4b:s1+s2], $0x80, v4, vm0, $0xb8;
	[tilespmem:$0x1D180] =	vst v63  }
0x133: {  	s6 =	simm.s32 $0x15980  }
0x134: {  	[tilespmem:s6], [sflag:$0x5] =	stream.indirect_vreg.gather [hbm4b:s1+s2], $0x80, v3, vm0, $0xb8;
	[tilespmem:$0x1D180] =	vst v63  }
0x135: {  	v3 =	vld [tilespmem:$0x4120];
	_ =	sdelay $0x4  }
0x136: {  	v58 =	vshll.u32 v3, $0x1  }
0x137: {  	v3 =	vand.u32 $0x7, v3;
	v4 =	vand.u32 $0xFFFFFFF0, v58  }
0x138: {  	v3 =	vor.u32 v3, v4  }
0x139: {  	v4 =	vperm.xlane v3, v0;
	_ =	sdelay $0x1  }
0x13a: {  	v3 =	vperm.xlane v3, v2;
	v4 =	vadd.s32 v1, v4;
	_ =	sdelay $0x1  }
0x13b: {  	v3 =	vadd.s32 v1, v3;
	_ =	sdelay $0x1  }
0x13c: {  	s8 =	simm.s32 $0x16180  }
0x13d: {  	[tilespmem:s8], [sflag:$0x5] =	stream.indirect_vreg.gather [hbm4b:s1+s2], $0x80, v4, vm0, $0xb8;
	[tilespmem:$0x1D180] =	vst v63  }
0x13e: {  	s10 =	simm.s32 $0x16980  }
0x13f: {  	[tilespmem:s10], [sflag:$0x5] =	stream.indirect_vreg.gather [hbm4b:s1+s2], $0x80, v3, vm0, $0xb8;
	[tilespmem:$0x1D180] =	vst v63  }
0x140: {  	v3 =	vld [tilespmem:$0x4130];
	_ =	sdelay $0x4  }
0x141: {  	v59 =	vshll.u32 v3, $0x1  }
0x142: {  	v3 =	vand.u32 $0x7, v3;
	v4 =	vand.u32 $0xFFFFFFF0, v59  }
0x143: {  	v3 =	vor.u32 v3, v4  }
0x144: {  	v4 =	vperm.xlane v3, v0;
	_ =	sdelay $0x1  }
0x145: {  	v3 =	vperm.xlane v3, v2;
	v4 =	vadd.s32 v1, v4;
	_ =	sdelay $0x1  }
0x146: {  	v3 =	vadd.s32 v1, v3;
	_ =	sdelay $0x1  }
0x147: {  	s11 =	simm.s32 $0x17180  }
0x148: {  	[tilespmem:s11], [sflag:$0x5] =	stream.indirect_vreg.gather [hbm4b:s1+s2], $0x80, v4, vm0, $0xb8;
	[tilespmem:$0x1D180] =	vst v63  }
0x149: {  	s12 =	simm.s32 $0x17980  }
0x14a: {  	[tilespmem:s12], [sflag:$0x5] =	stream.indirect_vreg.gather [hbm4b:s1+s2], $0x80, v3, vm0, $0xb8;
	[tilespmem:$0x1D180] =	vst v63  }
0x14b: {  	v3 =	vld [tilespmem:$0x4140];
	_ =	sdelay $0x4  }
0x14c: {  	v60 =	vshll.u32 v3, $0x1  }
0x14d: {  	v3 =	vand.u32 $0x7, v3;
	v4 =	vand.u32 $0xFFFFFFF0, v60  }
0x14e: {  	v3 =	vor.u32 v3, v4  }
0x14f: {  	v4 =	vperm.xlane v3, v0;
	_ =	sdelay $0x1  }
0x150: {  	v3 =	vperm.xlane v3, v2;
	v4 =	vadd.s32 v1, v4;
	_ =	sdelay $0x1  }
0x151: {  	v3 =	vadd.s32 v1, v3;
	_ =	sdelay $0x1  }
0x152: {  	s14 =	simm.s32 $0x18180  }
0x153: {  	[tilespmem:s14], [sflag:$0x5] =	stream.indirect_vreg.gather [hbm4b:s1+s2], $0x80, v4, vm0, $0xb8;
	[tilespmem:$0x1D180] =	vst v63  }
0x154: {  	s16 =	simm.s32 $0x18980  }
0x155: {  	[tilespmem:s16], [sflag:$0x5] =	stream.indirect_vreg.gather [hbm4b:s1+s2], $0x80, v3, vm0, $0xb8;
	[tilespmem:$0x1D180] =	vst v63  }
0x156: {  	v3 =	vld [tilespmem:$0x4150];
	_ =	sdelay $0x4  }
0x157: {  	v61 =	vshll.u32 v3, $0x1  }
0x158: {  	v3 =	vand.u32 $0x7, v3;
	v4 =	vand.u32 $0xFFFFFFF0, v61  }
0x159: {  	v3 =	vor.u32 v3, v4  }
0x15a: {  	v4 =	vperm.xlane v3, v0;
	_ =	sdelay $0x1  }
0x15b: {  	v3 =	vperm.xlane v3, v2;
	v4 =	vadd.s32 v1, v4;
	_ =	sdelay $0x1  }
0x15c: {  	v3 =	vadd.s32 v1, v3;
	_ =	sdelay $0x1  }
0x15d: {  	s17 =	simm.s32 $0x19180  }
0x15e: {  	[tilespmem:s17], [sflag:$0x5] =	stream.indirect_vreg.gather [hbm4b:s1+s2], $0x80, v4, vm0, $0xb8;
	[tilespmem:$0x1D180] =	vst v63  }
0x15f: {  	s18 =	simm.s32 $0x19980  }
0x160: {  	[tilespmem:s18], [sflag:$0x5] =	stream.indirect_vreg.gather [hbm4b:s1+s2], $0x80, v3, vm0, $0xb8;
	[tilespmem:$0x1D180] =	vst v63  }
0x161: {  	v3 =	vld [tilespmem:$0x4160];
	_ =	sdelay $0x4  }
0x162: {  	v62 =	vshll.u32 v3, $0x1  }
0x163: {  	v3 =	vand.u32 $0x7, v3;
	v4 =	vand.u32 $0xFFFFFFF0, v62  }
0x164: {  	v3 =	vor.u32 v3, v4  }
0x165: {  	v4 =	vperm.xlane v3, v0;
	_ =	sdelay $0x1  }
0x166: {  	v3 =	vperm.xlane v3, v2;
	v4 =	vadd.s32 v1, v4;
	_ =	sdelay $0x1  }
0x167: {  	v3 =	vadd.s32 v1, v3;
	_ =	sdelay $0x1  }
0x168: {  	s20 =	simm.s32 $0x1A180  }
0x169: {  	[tilespmem:s20], [sflag:$0x5] =	stream.indirect_vreg.gather [hbm4b:s1+s2], $0x80, v4, vm0, $0xb8;
	[tilespmem:$0x1D180] =	vst v63  }
0x16a: {  	s21 =	simm.s32 $0x1A980  }
0x16b: {  	[tilespmem:s21], [sflag:$0x5] =	stream.indirect_vreg.gather [hbm4b:s1+s2], $0x80, v3, vm0, $0xb8;
	[tilespmem:$0x1D180] =	vst v63  }
0x16c: {  	v3 =	vld [tilespmem:$0x4170];
	_ =	sdelay $0x4  }
0x16d: {  	v63 =	vshll.u32 v3, $0x1  }
0x16e: {  	v3 =	vand.u32 $0x7, v3;
	v4 =	vand.u32 $0xFFFFFFF0, v63  }
0x16f: {  	v3 =	vor.u32 v3, v4  }
0x170: {  	v4 =	vperm.xlane v3, v0;
	_ =	sdelay $0x1  }
0x171: {  	v3 =	vperm.xlane v3, v2;
	v4 =	vadd.s32 v1, v4;
	_ =	sdelay $0x1  }
0x172: {  	v3 =	vadd.s32 v1, v3;
	_ =	sdelay $0x1  }
0x173: {  	s22 =	simm.s32 $0x1B180;
	p1 =	seq.s32 s24, $0x0  }
0x174: {  	[tilespmem:s22], [sflag:$0x5] =	stream.indirect_vreg.gather [hbm4b:s1+s2], $0x80, v4, vm0, $0xb8;
	[tilespmem:$0x1D180] =	vst v63  }
0x175: {  	s23 =	simm.s32 $0x1B980;
	s0 =	simm.s32 @!p1 $0x6  }
0x176: {  	[tilespmem:s23], [sflag:$0x5] =	stream.indirect_vreg.gather [hbm4b:s1+s2], $0x80, v3, vm0, $0xb8;
	[tilespmem:$0x1D180] =	vst v63  }
0x177: {  	s28 =	smul.u32 $0xC, s24;
	_ =	swait.ge @!p1 [sflag:s0], $0x400  }
0x178: {  	s30 =	sshrl.u32 s29, $0x3;
	s31 =	sshll.u32 s29, $0x2;
	[sflag:s0] =	ssyncset.done @!p1 $0x0  }
0x179: {  	s3 =	sand.u32 $0x1C, s28;
	[sflag:s0] =	ssyncadd.s32 @!p1 $0xFFFFFC00;
	s0 =	sand.u32 $0x20, s31  }
0x17a: {  	s8 =	simm.s32 $0x0;
	s0 =	sor.u32 s0, s3;
	s3 =	simm.s32 $0x0  }
.LBB2_10:
0x17b: {  	s6 =	sadd.s32 s0, s8  }
0x17c: {  	s6 =	sshll.u32 s6, $0x7  }
0x17d: {  	s6 =	sand.u32 $0x3FFFFF80, s6  }
0x17e: {  	v5 =	vld [tilespmem:s6+$0x2000];
	_ =	sdelay $0x1  }
0x17f: {  	s10 =	sshll.u32 s8, $0xD  }
0x180: {  	s12 =	sand.u32 $0x3FFFE000, s10  }
0x181: {  	s10 =	sand.u32 $0x400, s3;
	s17 =	sadd.s32 $0x4180, s12  }
0x182: {  	s11 =	sand.u32 $0x70, s3;
	s16 =	sadd.s32 s10, s17;
	v3 =	vbroadcast v5, $0x0;
	v4 =	vbroadcast v5, $0x1  }
0x183: {  	s18 =	sadd.s32 $0x5980, s12;
	v13 =	vld [tilespmem:s6+$0x2010];
	s16 =	sadd.s32 s11, s16;
	v10 =	vbroadcast v5, $0x2;
	v11 =	vbroadcast v5, $0x3  }
0x184: {  	s23 =	sadd.s32 s10, s18;
	v33 =	vld [tilespmem:s16+$0x1A00];
	v21 =	vbroadcast v5, $0x4;
	v22 =	vbroadcast v5, $0x5  }
0x185: {  	s6 =	sadd.s32 s11, s23;
	v34 =	vld [tilespmem:s16+$0x1A80];
	v20 =	vbroadcast v5, $0x6;
	v12 =	vbroadcast v5, $0x7  }
0x186: {  	v37 =	vld [tilespmem:s6+$0x0];
	v23 =	vbroadcast v5, $0x8;
	v24 =	vbroadcast v5, $0x9  }
0x187: {  	v38 =	vld [tilespmem:s16+$0x1880];
	v16 =	vbroadcast v5, $0xA;
	v6 =	vbroadcast v5, $0xB  }
0x188: {  	v39 =	vld [tilespmem:s16+$0x1200];
	v25 =	vbroadcast v5, $0xC;
	v26 =	vbroadcast v5, $0xD  }
0x189: {  	v40 =	vld [tilespmem:s16+$0x1280];
	v17 =	vbroadcast v5, $0xE;
	v7 =	vbroadcast v5, $0xF  }
0x18a: {  	v42 =	vld [tilespmem:s16+$0x1080];
	v27 =	vbroadcast v13, $0x0;
	v28 =	vbroadcast v13, $0x1  }
0x18b: {  	v43 =	vld [tilespmem:s16+$0xA00];
	v18 =	vbroadcast v13, $0x2;
	v8 =	vbroadcast v13, $0x3  }
0x18c: {  	v44 =	vld [tilespmem:s16+$0xA80];
	v29 =	vbroadcast v13, $0x4;
	v30 =	vbroadcast v13, $0x5  }
0x18d: {  	s6 =	sadd.s32 $0x5180, s12;
	v46 =	vld [tilespmem:s16+$0x880];
	v14 =	vbroadcast v13, $0x6;
	v5 =	vbroadcast v13, $0x7  }
0x18e: {  	s22 =	sadd.s32 $0x4980, s12;
	v47 =	vld [tilespmem:s16+$0x200];
	s20 =	sadd.s32 s10, s6;
	v31 =	vbroadcast v13, $0x8;
	v32 =	vbroadcast v13, $0x9  }
0x18f: {  	s12 =	sadd.s32 s10, s22;
	v49 =	vld [tilespmem:s16+$0x280];
	s20 =	sadd.s32 s11, s20;
	v15 =	vbroadcast v13, $0xA;
	v9 =	vbroadcast v13, $0xB  }
0x190: {  	s31 =	sshll.u32 s8, $0x7;
	s12 =	sadd.s32 s11, s12;
	v41 =	vld [tilespmem:s20+$0x0];
	v35 =	vbroadcast v13, $0xC;
	v36 =	vbroadcast v13, $0xD  }
0x191: {  	v45 =	vld [tilespmem:s12+$0x0];
	s12 =	sand.u32 $0x3FFFFF80, s31;
	v19 =	vbroadcast v13, $0xE;
	v13 =	vbroadcast v13, $0xF  }
0x192: {  	s21 =	simm.s32 $0x0;
	v48 =	vld [tilespmem:s16+$0x0];
	s12 =	sadd.s32 $0x1C180, s12;
	s20 =	simm.s32 $0x10;
	v33 =	vmul.f32 v33, v35;
	v34 =	vmul.f32 v34, v36  }
.LBB2_11:
0x193: {  	p2 =	sne.s32 s20, $0xF0;
	v50 =	vld [tilespmem:s16+$0x80];
	v37 =	vmul.f32 v37, v31;
	v38 =	vmul.f32 v38, v32  }
0x194: {  	v39 =	vmul.f32 v39, v29;
	v40 =	vmul.f32 v40, v30;
	v51 =	vld [tilespmem:s16+$0x100]  }
0x195: {  	v41 =	vmul.f32 v41, v27;
	v42 =	vmul.f32 v42, v28;
	v52 =	vld [tilespmem:s16+$0x180]  }
0x196: {  	v43 =	vmul.f32 v43, v25;
	v44 =	vmul.f32 v44, v26;
	v53 =	vld [tilespmem:s16+$0x300]  }
0x197: {  	v45 =	vmul.f32 v45, v23;
	v46 =	vmul.f32 v46, v24;
	v54 =	vld [tilespmem:s16+$0x380]  }
0x198: {  	v47 =	vmul.f32 v47, v21;
	v49 =	vmul.f32 v49, v22;
	v55 =	vld [tilespmem:s16+$0x900]  }
0x199: {  	v48 =	vmul.f32 v48, v3;
	v50 =	vmul.f32 v50, v4;
	v56 =	vld [tilespmem:s16+$0x980]  }
0x19a: {  	v51 =	vmul.f32 v51, v10;
	v52 =	vmul.f32 v52, v11;
	v57 =	vld [tilespmem:s16+$0xB00]  }
0x19b: {  	v48 =	vadd.f32 $0.0e+00, v48;
	v50 =	vadd.f32 $0.0e+00, v50;
	v53 =	vmul.f32 v53, v20;
	v58 =	vld [tilespmem:s16+$0xB80]  }
0x19c: {  	v51 =	vadd.f32 $0.0e+00, v51;
	v52 =	vadd.f32 $0.0e+00, v52;
	v54 =	vmul.f32 v54, v12;
	v59 =	vld [tilespmem:s16+$0x1100]  }
0x19d: {  	v47 =	vadd.f32 v47, v48;
	v48 =	vadd.f32 v49, v50;
	v49 =	vmul.f32 v55, v16;
	v50 =	vld [tilespmem:s16+$0x1180]  }
0x19e: {  	v51 =	vadd.f32 v53, v51;
	v52 =	vadd.f32 v54, v52;
	v53 =	vmul.f32 v56, v6;
	v54 =	vld [tilespmem:s16+$0x1300]  }
0x19f: {  	v45 =	vadd.f32 v45, v47;
	v46 =	vadd.f32 v46, v48;
	v47 =	vmul.f32 v57, v17;
	v48 =	vld [tilespmem:s16+$0x1380]  }
0x1a0: {  	v49 =	vadd.f32 v49, v51;
	v51 =	vadd.f32 v53, v52;
	v52 =	vmul.f32 v58, v7;
	v53 =	vld [tilespmem:s16+$0x1900]  }
0x1a1: {  	v43 =	vadd.f32 v43, v45;
	v44 =	vadd.f32 v44, v46;
	v45 =	vmul.f32 v59, v18;
	v46 =	vld [tilespmem:s16+$0x1980]  }
0x1a2: {  	v47 =	vadd.f32 v47, v49;
	v49 =	vadd.f32 v52, v51;
	v50 =	vmul.f32 v50, v8;
	v51 =	vld [tilespmem:s16+$0x1B00]  }
0x1a3: {  	v41 =	vadd.f32 v41, v43;
	v42 =	vadd.f32 v42, v44;
	v43 =	vmul.f32 v54, v14;
	v44 =	vld [tilespmem:s16+$0x1B80]  }
0x1a4: {  	v45 =	vadd.f32 v45, v47;
	v47 =	vadd.f32 v50, v49;
	v48 =	vmul.f32 v48, v5  }
0x1a5: {  	v39 =	vadd.f32 v39, v41;
	v40 =	vadd.f32 v40, v42;
	v41 =	vmul.f32 v53, v15  }
0x1a6: {  	v42 =	vadd.f32 v43, v45;
	v43 =	vadd.f32 v48, v47;
	v45 =	vmul.f32 v46, v9  }
0x1a7: {  	v37 =	vadd.f32 v37, v39;
	v38 =	vadd.f32 v38, v40;
	v39 =	vmul.f32 v51, v19  }
0x1a8: {  	v40 =	vadd.f32 v41, v42;
	v41 =	vadd.f32 v45, v43;
	v42 =	vmul.f32 v44, v13  }
0x1a9: {  	v33 =	vadd.f32 v33, v37;
	v34 =	vadd.f32 v34, v38  }
0x1aa: {  	v37 =	vadd.f32 v39, v40;
	v38 =	vadd.f32 v42, v41;
	_ =	sdelay $0x1  }
0x1ab: {  	v33 =	vadd.f32 v34, v33;
	v34 =	vadd.f32 v38, v37  }
0x1ac: {  	s21 =	sadd.s32 $0x80, s21  }
0x1ad: {  	s16 =	sadd.s32 s10, s12;
	s10 =	sand.u32 $0x400, s21;
	v33 =	vadd.f32 v34, v33  }
0x1ae: {  	s23 =	sadd.s32 s10, s17;
	s31 =	sadd.s32 s11, s16;
	s11 =	sand.u32 $0x70, s20  }
0x1af: {  	s16 =	sadd.s32 s11, s23;
	[tilespmem:s31+$0x0] =	vst v33  }
0x1b0: {  	s23 =	sadd.s32 s10, s18;
	v33 =	vld [tilespmem:s16+$0x1A00]  }
0x1b1: {  	s23 =	sadd.s32 s11, s23;
	v34 =	vld [tilespmem:s16+$0x1A80]  }
0x1b2: {  	v37 =	vld [tilespmem:s23+$0x0]  }
0x1b3: {  	v38 =	vld [tilespmem:s16+$0x1880]  }
0x1b4: {  	s23 =	sadd.s32 s10, s6;
	v39 =	vld [tilespmem:s16+$0x1200]  }
0x1b5: {  	s23 =	sadd.s32 s11, s23;
	v40 =	vld [tilespmem:s16+$0x1280]  }
0x1b6: {  	v41 =	vld [tilespmem:s23+$0x0]  }
0x1b7: {  	v42 =	vld [tilespmem:s16+$0x1080]  }
0x1b8: {  	s23 =	sadd.s32 s10, s22;
	v43 =	vld [tilespmem:s16+$0xA00]  }
0x1b9: {  	s23 =	sadd.s32 s11, s23;
	v44 =	vld [tilespmem:s16+$0xA80]  }
.Ltmp7:
0x1ba: {  	v45 =	vld [tilespmem:s23+$0x0];
	(pc) =	sbr.rel @p2 .LBB2_11-.Ltmp7, $4  }
0x1bb: {  	v46 =	vld [tilespmem:s16+$0x880]  }
0x1bc: {  	v47 =	vld [tilespmem:s16+$0x200]  }
0x1bd: {  	v49 =	vld [tilespmem:s16+$0x280]  }
0x1be: {  	s20 =	sadd.s32 $0x10, s20;
	v33 =	vmul.f32 v33, v35;
	v34 =	vmul.f32 v34, v36;
	v48 =	vld [tilespmem:s16+$0x0]  }
0x1bf: {  	v35 =	vld [tilespmem:s16+$0x80];
	v31 =	vmul.f32 v37, v31;
	v32 =	vmul.f32 v38, v32  }
0x1c0: {  	v36 =	vld [tilespmem:s16+$0x100];
	v29 =	vmul.f32 v39, v29;
	v30 =	vmul.f32 v40, v30  }
0x1c1: {  	v62 =	vld [tilespmem:s16+$0x180];
	v27 =	vmul.f32 v41, v27;
	v28 =	vmul.f32 v42, v28  }
0x1c2: {  	v63 =	vld [tilespmem:s16+$0x300];
	v25 =	vmul.f32 v43, v25;
	v26 =	vmul.f32 v44, v26  }
0x1c3: {  	v44 =	vld [tilespmem:s16+$0x380];
	v23 =	vmul.f32 v45, v23;
	v24 =	vmul.f32 v46, v24  }
0x1c4: {  	v46 =	vld [tilespmem:s16+$0x900];
	v21 =	vmul.f32 v47, v21;
	v22 =	vmul.f32 v49, v22  }
0x1c5: {  	v47 =	vld [tilespmem:s16+$0x980];
	v3 =	vmul.f32 v48, v3;
	v4 =	vmul.f32 v35, v4  }
0x1c6: {  	v49 =	vld [tilespmem:s16+$0xB80];
	v10 =	vmul.f32 v36, v10;
	v11 =	vmul.f32 v62, v11  }
0x1c7: {  	v48 =	vld [tilespmem:s16+$0xB00];
	v20 =	vmul.f32 v63, v20;
	v3 =	vadd.f32 $0.0e+00, v3;
	v4 =	vadd.f32 $0.0e+00, v4  }
0x1c8: {  	v50 =	vld [tilespmem:s16+$0x1100];
	v12 =	vmul.f32 v44, v12;
	v10 =	vadd.f32 $0.0e+00, v10;
	v11 =	vadd.f32 $0.0e+00, v11  }
0x1c9: {  	v51 =	vld [tilespmem:s16+$0x1180];
	v16 =	vmul.f32 v46, v16;
	v3 =	vadd.f32 v21, v3;
	v4 =	vadd.f32 v22, v4  }
0x1ca: {  	v53 =	vld [tilespmem:s16+$0x1380];
	v6 =	vmul.f32 v47, v6;
	v10 =	vadd.f32 v20, v10;
	v11 =	vadd.f32 v12, v11  }
0x1cb: {  	v52 =	vld [tilespmem:s16+$0x1300];
	v7 =	vmul.f32 v49, v7;
	v3 =	vadd.f32 v23, v3;
	v4 =	vadd.f32 v24, v4  }
0x1cc: {  	v54 =	vld [tilespmem:s16+$0x1900];
	v17 =	vmul.f32 v48, v17;
	v10 =	vadd.f32 v16, v10;
	v6 =	vadd.f32 v6, v11  }
0x1cd: {  	v56 =	vld [tilespmem:s16+$0x1980];
	v55 =	vmul.f32 v50, v18;
	v3 =	vadd.f32 v25, v3;
	v4 =	vadd.f32 v26, v4  }
0x1ce: {  	v58 =	vld [tilespmem:s16+$0x1B00];
	v57 =	vmul.f32 v51, v8;
	v10 =	vadd.f32 v17, v10;
	v6 =	vadd.f32 v7, v6  }
0x1cf: {  	v59 =	vld [tilespmem:s16+$0x1B80];
	v5 =	vmul.f32 v53, v5;
	v3 =	vadd.f32 v27, v3;
	v4 =	vadd.f32 v28, v4  }
0x1d0: {  	v12 =	vmul.f32 v52, v14;
	v10 =	vadd.f32 v55, v10;
	v6 =	vadd.f32 v57, v6  }
0x1d1: {  	v60 =	vmul.f32 v54, v15;
	v3 =	vadd.f32 v29, v3;
	v4 =	vadd.f32 v30, v4  }
0x1d2: {  	v61 =	vmul.f32 v56, v9;
	v10 =	vadd.f32 v12, v10;
	v5 =	vadd.f32 v5, v6  }
0x1d3: {  	v8 =	vmul.f32 v58, v19;
	v3 =	vadd.f32 v31, v3;
	v4 =	vadd.f32 v32, v4  }
0x1d4: {  	v62 =	vmul.f32 v59, v13;
	v7 =	vadd.f32 v60, v10;
	v5 =	vadd.f32 v61, v5  }
0x1d5: {  	v3 =	vadd.f32 v33, v3;
	v4 =	vadd.f32 v34, v4  }
0x1d6: {  	s8 =	sadd.s32 $0x1, s8;
	v7 =	vadd.f32 v8, v7;
	v5 =	vadd.f32 v62, v5  }
0x1d7: {  	p2 =	sne.s32 s8, $0x4  }
.Ltmp8:
0x1d8: {  	v3 =	vadd.f32 v4, v3;
	v63 =	vadd.f32 v5, v7;
	(pc) =	sbr.rel @p2 .LBB2_10-.Ltmp8, $4  }
0x1d9: {  	_ = 	snop  }
0x1da: {  	s6 =	sadd.s32 s10, s12;
	v3 =	vadd.f32 v63, v3  }
0x1db: {  	s6 =	sadd.s32 s11, s6  }
0x1dc: {  	[tilespmem:s6+$0x0] =	vst v3  }
0x1dd: {  	s31 =	sand.u32 $0x7, s29  }
0x1de: {  	s0 =	rddreg [dreg:$0x3];
	p2 =	sne.s32 s31, $0x7  }
0x1df: {  	s3 =	sshll.u32 s24, $0x6;
	s0 =	sadd.s32 s0, s28;
	p3 =	sgt.u32 @!p2 s24, $0x4F  }
0x1e0: {  	s3 =	sand.u32 $0x40, s3;
	s0 =	sshll.u32 s0, $0x5;
	p2 =	por p2, p3  }
.Ltmp9:
0x1e1: {  	s28 =	sadd.s32 s9, s3;
	s0 =	sand.u32 $0x1FFF00, s0;
	(pc) =	sbr.rel @p2 .LBB2_17-.Ltmp9, $4  }
0x1e2: {  	s22 =	simm.s32 $0x1C180;
	s0 =	sadd.s32 s0, s28  }
0x1e3: {  	[hbm4b:s0+s2] =	stream.linear.scatter [tilespmem:s22], [sflag:$0x6], $0x200, $0x38;
	[tilespmem:$0x1D180] =	vst v63  }
0x1e4: {  	s23 =	simm.s32 $0x1C580;
	s0 =	sadd.s32 $0x80, s0  }
0x1e5: {  	[hbm4b:s0+s2] =	stream.linear.scatter [tilespmem:s23], [sflag:$0x6], $0x200, $0x38;
	[tilespmem:$0x1D180] =	vst v63  }
0x1e6: {  	s3 =	sand.u32 $0x1, s30  }
0x1e7: {  	p2 =	seq.s32 s3, $0x0  }
.Ltmp10:
0x1e8: {  	_ = 	snop;
	(pc) =	sbr.rel @!p2 .LBB2_16-.Ltmp10, $4  }
0x1e9: {  	_ = 	snop  }
0x1ea: {  	s0 =	sshll.u32 s30, $0x9;
	s4 =	rddreg [dreg:$0xa]  }
0x1eb: {  	s6 =	sadd.s32 s4, s0  }
0x1ec: {  	s0 =	sadd.s32 s5, s6;
	s3 =	sadd.s32 s7, s6  }
0x1ed: {  	s6 =	sand.u32 $0x8, s29  }
0x1ee: {  	p2 =	seq.s32 s6, $0x0  }
.Ltmp11:
0x1ef: {  	_ = 	snop;
	(pc) =	sbr.rel @p2 .LBB2_17-.Ltmp11, $4  }
0x1f0: {  	_ = 	snop  }
0x1f1: {  	[tilespmem:s2], [sflag:$0x1] =	stream.linear.gather [hbm4b:s0+s2], $0x1000, $0x38;
	[tilespmem:$0x1D180] =	vst v63  }
0x1f2: {  	s4 =	simm.s32 $0x2000  }
0x1f3: {  	[tilespmem:s4], [sflag:$0x1] =	stream.linear.gather [hbm4b:s3+s2], $0x1000, $0x38;
	[tilespmem:$0x1D180] =	vst v63  }
.LBB2_16:
0x1f4: {  	s4 =	simm.s32 $0x1000  }
0x1f5: {  	[tilespmem:s4], [sflag:$0x2] =	stream.linear.gather [hbm4b:s0+s2], $0x1000, $0x38;
	[tilespmem:$0x1D180] =	vst v63  }
0x1f6: {  	s31 =	simm.s32 $0x3000  }
0x1f7: {  	[tilespmem:s31], [sflag:$0x2] =	stream.linear.gather [hbm4b:s3+s2], $0x1000, $0x38;
	[tilespmem:$0x1D180] =	vst v63  }
.LBB2_17:
0x1f8: {  	s3 =	sadd.s32 $0x3, s29  }
0x1f9: {  	s0 =	sand.u32 $0x7, s3  }
0x1fa: {  	p3 =	sne.s32 s0, $0x0  }
.Ltmp12:
0x1fb: {  	_ = 	snop;
	(pc) =	sbr.rel @!p3 .LBB2_18-.Ltmp12, $4  }
0x1fc: {  	s4 =	simm.s32 $0x4  }
0x1fd: {  	_ =	swait.ge [sflag:s4], $0x8000  }
0x1fe: {  	s3 =	sand.u32 $0x8, s3;
	[sflag:s4] =	ssyncset.done $0x0  }
0x1ff: {  	p2 =	sne.s32 s3, $0x0;
	[sflag:s4] =	ssyncadd.s32 $0xFFFF8000  }
.Ltmp13:
0x200: {  	(pc) =	sbr.rel @p2 .LBB2_23-.Ltmp13, $4  }
.Ltmp14:
0x201: {  	(pc) =	sbr.rel @!p2 .LBB2_21-.Ltmp14, $4  }
0x202: {  	_ = 	snop  }
0x203: {  	_ = 	snop  }
0x204: {  	_ = 	snop  }
0x205: {  	_ = 	snop  }
.LBB2_18:
.Ltmp15:
0x206: {  	(pc) =	sbr.rel @p2 .LBB2_22-.Ltmp15, $1  }
0x207: {  	_ =	sdelay $0x3  }
0x208: {  	_ =	swait.ge [sflag:s19], $0x1000  }
0x209: {  	[sflag:s19] =	ssyncset.done $0x0  }
0x20a: {  	[sflag:s19] =	ssyncadd.s32 $0xFFFFF000  }
0x20b: {  	_ =	swait.ge [sflag:s19], $0x1000  }
0x20c: {  	[sflag:s19] =	ssyncset.done $0x0  }
0x20d: {  	[sflag:s19] =	ssyncadd.s32 $0xFFFFF000  }
.LBB2_21:
0x20e: {  	s0 =	sshll.u32 s0, $0x9  }
0x20f: {  	v3 =	vld [tilespmem:s0+$0x0];
	_ =	sdelay $0x4  }
0x210: {  	[tilespmem:$0x4000] =	vst v3  }
0x211: {  	v4 =	vld [tilespmem:s0+$0x10];
	_ =	sdelay $0x4  }
0x212: {  	[tilespmem:$0x4010] =	vst v4  }
0x213: {  	v4 =	vld [tilespmem:s0+$0x80];
	_ =	sdelay $0x4  }
0x214: {  	[tilespmem:$0x4020] =	vst v4  }
0x215: {  	v4 =	vld [tilespmem:s0+$0x90];
	_ =	sdelay $0x4  }
0x216: {  	[tilespmem:$0x4030] =	vst v4  }
0x217: {  	v4 =	vld [tilespmem:s0+$0x100];
	_ =	sdelay $0x4  }
0x218: {  	[tilespmem:$0x4040] =	vst v4  }
0x219: {  	v4 =	vld [tilespmem:s0+$0x110];
	_ =	sdelay $0x4  }
0x21a: {  	[tilespmem:$0x4050] =	vst v4  }
0x21b: {  	v4 =	vld [tilespmem:s0+$0x180]  }
.Ltmp16:
0x21c: {  	_ = 	snop;
	(pc) =	sbr.rel .LBB2_24-.Ltmp16, $2  }
0x21d: {  	_ =	sdelay $0x2  }
0x21e: {  	s0 =	sor.u32 $0x190, s0;
	[tilespmem:$0x4060] =	vst v4  }
.LBB2_22:
0x21f: {  	_ =	swait.ge [sflag:s13], $0x1000  }
0x220: {  	[sflag:s13] =	ssyncset.done $0x0  }
0x221: {  	[sflag:s13] =	ssyncadd.s32 $0xFFFFF000  }
0x222: {  	_ =	swait.ge [sflag:s13], $0x1000  }
0x223: {  	[sflag:s13] =	ssyncset.done $0x0  }
0x224: {  	[sflag:s13] =	ssyncadd.s32 $0xFFFFF000  }
.LBB2_23:
0x225: {  	s0 =	sshll.u32 s0, $0x9  }
0x226: {  	v3 =	vld [tilespmem:s0+$0x1000];
	_ =	sdelay $0x4  }
0x227: {  	[tilespmem:$0x4000] =	vst v3  }
0x228: {  	v4 =	vld [tilespmem:s0+$0x1010];
	_ =	sdelay $0x4  }
0x229: {  	[tilespmem:$0x4010] =	vst v4  }
0x22a: {  	v4 =	vld [tilespmem:s0+$0x1080];
	_ =	sdelay $0x4  }
0x22b: {  	[tilespmem:$0x4020] =	vst v4  }
0x22c: {  	v4 =	vld [tilespmem:s0+$0x1090];
	_ =	sdelay $0x4  }
0x22d: {  	[tilespmem:$0x4030] =	vst v4  }
0x22e: {  	v4 =	vld [tilespmem:s0+$0x1100];
	_ =	sdelay $0x4  }
0x22f: {  	[tilespmem:$0x4040] =	vst v4  }
0x230: {  	v4 =	vld [tilespmem:s0+$0x1110];
	_ =	sdelay $0x4  }
0x231: {  	[tilespmem:$0x4050] =	vst v4  }
0x232: {  	v4 =	vld [tilespmem:s0+$0x1180];
	_ =	sdelay $0x4  }
0x233: {  	s0 =	sor.u32 $0x1190, s0;
	[tilespmem:$0x4060] =	vst v4  }
.LBB2_24:
0x234: {  	v4 =	vshll.u32 v3, $0x1  }
0x235: {  	v3 =	vand.u32 $0x7, v3;
	v4 =	vand.u32 $0xFFFFFFF0, v4  }
0x236: {  	v3 =	vor.u32 v3, v4  }
0x237: {  	v4 =	vperm.xlane v3, v0  }
0x238: {  	v5 =	vld [tilespmem:s0+$0x0]  }
0x239: {  	v3 =	vperm.xlane v3, v2;
	v4 =	vadd.s32 v1, v4;
	_ =	sdelay $0x1  }
0x23a: {  	v3 =	vadd.s32 v1, v3;
	_ =	sdelay $0x1  }
0x23b: {  	s22 =	simm.s32 $0x4180;
	[tilespmem:$0x4070] =	vst v5  }
0x23c: {  	[tilespmem:s22], [sflag:$0x3] =	stream.indirect_vreg.gather [hbm4b:s1+s2], $0x80, v4, vm0, $0xb8;
	[tilespmem:$0x1D180] =	vst v63  }
0x23d: {  	s23 =	simm.s32 $0x4980  }
0x23e: {  	[tilespmem:s23], [sflag:$0x3] =	stream.indirect_vreg.gather [hbm4b:s1+s2], $0x80, v3, vm0, $0xb8;
	[tilespmem:$0x1D180] =	vst v63  }
0x23f: {  	v3 =	vld [tilespmem:$0x4010];
	_ =	sdelay $0x4  }
0x240: {  	v57 =	vshll.u32 v3, $0x1  }
0x241: {  	v3 =	vand.u32 $0x7, v3;
	v4 =	vand.u32 $0xFFFFFFF0, v57  }
0x242: {  	v3 =	vor.u32 v3, v4  }
0x243: {  	v4 =	vperm.xlane v3, v0;
	_ =	sdelay $0x1  }
0x244: {  	v3 =	vperm.xlane v3, v2;
	v4 =	vadd.s32 v1, v4;
	_ =	sdelay $0x1  }
0x245: {  	v3 =	vadd.s32 v1, v3;
	_ =	sdelay $0x1  }
0x246: {  	s3 =	simm.s32 $0x5180  }
0x247: {  	[tilespmem:s3], [sflag:$0x3] =	stream.indirect_vreg.gather [hbm4b:s1+s2], $0x80, v4, vm0, $0xb8;
	[tilespmem:$0x1D180] =	vst v63  }
0x248: {  	s4 =	simm.s32 $0x5980  }
0x249: {  	[tilespmem:s4], [sflag:$0x3] =	stream.indirect_vreg.gather [hbm4b:s1+s2], $0x80, v3, vm0, $0xb8;
	[tilespmem:$0x1D180] =	vst v63  }
0x24a: {  	v3 =	vld [tilespmem:$0x4020];
	_ =	sdelay $0x4  }
0x24b: {  	v58 =	vshll.u32 v3, $0x1  }
0x24c: {  	v3 =	vand.u32 $0x7, v3;
	v4 =	vand.u32 $0xFFFFFFF0, v58  }
0x24d: {  	v3 =	vor.u32 v3, v4  }
0x24e: {  	v4 =	vperm.xlane v3, v0;
	_ =	sdelay $0x1  }
0x24f: {  	v3 =	vperm.xlane v3, v2;
	v4 =	vadd.s32 v1, v4;
	_ =	sdelay $0x1  }
0x250: {  	v3 =	vadd.s32 v1, v3;
	_ =	sdelay $0x1  }
0x251: {  	s6 =	simm.s32 $0x6180  }
0x252: {  	[tilespmem:s6], [sflag:$0x3] =	stream.indirect_vreg.gather [hbm4b:s1+s2], $0x80, v4, vm0, $0xb8;
	[tilespmem:$0x1D180] =	vst v63  }
0x253: {  	s8 =	simm.s32 $0x6980  }
0x254: {  	[tilespmem:s8], [sflag:$0x3] =	stream.indirect_vreg.gather [hbm4b:s1+s2], $0x80, v3, vm0, $0xb8;
	[tilespmem:$0x1D180] =	vst v63  }
0x255: {  	v3 =	vld [tilespmem:$0x4030];
	_ =	sdelay $0x4  }
0x256: {  	v59 =	vshll.u32 v3, $0x1  }
0x257: {  	v3 =	vand.u32 $0x7, v3;
	v4 =	vand.u32 $0xFFFFFFF0, v59  }
0x258: {  	v3 =	vor.u32 v3, v4  }
0x259: {  	v4 =	vperm.xlane v3, v0;
	_ =	sdelay $0x1  }
0x25a: {  	v3 =	vperm.xlane v3, v2;
	v4 =	vadd.s32 v1, v4;
	_ =	sdelay $0x1  }
0x25b: {  	v3 =	vadd.s32 v1, v3;
	_ =	sdelay $0x1  }
0x25c: {  	s10 =	simm.s32 $0x7180  }
0x25d: {  	[tilespmem:s10], [sflag:$0x3] =	stream.indirect_vreg.gather [hbm4b:s1+s2], $0x80, v4, vm0, $0xb8;
	[tilespmem:$0x1D180] =	vst v63  }
0x25e: {  	s11 =	simm.s32 $0x7980  }
0x25f: {  	[tilespmem:s11], [sflag:$0x3] =	stream.indirect_vreg.gather [hbm4b:s1+s2], $0x80, v3, vm0, $0xb8;
	[tilespmem:$0x1D180] =	vst v63  }
0x260: {  	v3 =	vld [tilespmem:$0x4040];
	_ =	sdelay $0x4  }
0x261: {  	v60 =	vshll.u32 v3, $0x1  }
0x262: {  	v3 =	vand.u32 $0x7, v3;
	v4 =	vand.u32 $0xFFFFFFF0, v60  }
0x263: {  	v3 =	vor.u32 v3, v4  }
0x264: {  	v4 =	vperm.xlane v3, v0;
	_ =	sdelay $0x1  }
0x265: {  	v3 =	vperm.xlane v3, v2;
	v4 =	vadd.s32 v1, v4;
	_ =	sdelay $0x1  }
0x266: {  	v3 =	vadd.s32 v1, v3;
	_ =	sdelay $0x1  }
0x267: {  	s12 =	simm.s32 $0x8180  }
0x268: {  	[tilespmem:s12], [sflag:$0x3] =	stream.indirect_vreg.gather [hbm4b:s1+s2], $0x80, v4, vm0, $0xb8;
	[tilespmem:$0x1D180] =	vst v63  }
0x269: {  	s14 =	simm.s32 $0x8980  }
0x26a: {  	[tilespmem:s14], [sflag:$0x3] =	stream.indirect_vreg.gather [hbm4b:s1+s2], $0x80, v3, vm0, $0xb8;
	[tilespmem:$0x1D180] =	vst v63  }
0x26b: {  	v3 =	vld [tilespmem:$0x4050];
	_ =	sdelay $0x4  }
0x26c: {  	v61 =	vshll.u32 v3, $0x1  }
0x26d: {  	v3 =	vand.u32 $0x7, v3;
	v4 =	vand.u32 $0xFFFFFFF0, v61  }
0x26e: {  	v3 =	vor.u32 v3, v4  }
0x26f: {  	v4 =	vperm.xlane v3, v0;
	_ =	sdelay $0x1  }
0x270: {  	v3 =	vperm.xlane v3, v2;
	v4 =	vadd.s32 v1, v4;
	_ =	sdelay $0x1  }
0x271: {  	v3 =	vadd.s32 v1, v3;
	_ =	sdelay $0x1  }
0x272: {  	s16 =	simm.s32 $0x9180  }
0x273: {  	[tilespmem:s16], [sflag:$0x3] =	stream.indirect_vreg.gather [hbm4b:s1+s2], $0x80, v4, vm0, $0xb8;
	[tilespmem:$0x1D180] =	vst v63  }
0x274: {  	s17 =	simm.s32 $0x9980  }
0x275: {  	[tilespmem:s17], [sflag:$0x3] =	stream.indirect_vreg.gather [hbm4b:s1+s2], $0x80, v3, vm0, $0xb8;
	[tilespmem:$0x1D180] =	vst v63  }
0x276: {  	v3 =	vld [tilespmem:$0x4060];
	_ =	sdelay $0x4  }
0x277: {  	v62 =	vshll.u32 v3, $0x1  }
0x278: {  	v3 =	vand.u32 $0x7, v3;
	v4 =	vand.u32 $0xFFFFFFF0, v62  }
0x279: {  	v3 =	vor.u32 v3, v4  }
0x27a: {  	v4 =	vperm.xlane v3, v0;
	_ =	sdelay $0x1  }
0x27b: {  	v3 =	vperm.xlane v3, v2;
	v4 =	vadd.s32 v1, v4;
	_ =	sdelay $0x1  }
0x27c: {  	v3 =	vadd.s32 v1, v3;
	_ =	sdelay $0x1  }
0x27d: {  	s18 =	simm.s32 $0xA180  }
0x27e: {  	[tilespmem:s18], [sflag:$0x3] =	stream.indirect_vreg.gather [hbm4b:s1+s2], $0x80, v4, vm0, $0xb8;
	[tilespmem:$0x1D180] =	vst v63  }
0x27f: {  	s20 =	simm.s32 $0xA980  }
0x280: {  	[tilespmem:s20], [sflag:$0x3] =	stream.indirect_vreg.gather [hbm4b:s1+s2], $0x80, v3, vm0, $0xb8;
	[tilespmem:$0x1D180] =	vst v63  }
0x281: {  	v3 =	vld [tilespmem:$0x4070];
	_ =	sdelay $0x4  }
0x282: {  	v63 =	vshll.u32 v3, $0x1  }
0x283: {  	v3 =	vand.u32 $0x7, v3;
	v4 =	vand.u32 $0xFFFFFFF0, v63  }
0x284: {  	v3 =	vor.u32 v3, v4  }
0x285: {  	v4 =	vperm.xlane v3, v0;
	_ =	sdelay $0x1  }
0x286: {  	v3 =	vperm.xlane v3, v2;
	v4 =	vadd.s32 v1, v4;
	_ =	sdelay $0x1  }
0x287: {  	v3 =	vadd.s32 v1, v3;
	_ =	sdelay $0x1  }
0x288: {  	s21 =	simm.s32 $0xB180  }
0x289: {  	[tilespmem:s21], [sflag:$0x3] =	stream.indirect_vreg.gather [hbm4b:s1+s2], $0x80, v4, vm0, $0xb8;
	[tilespmem:$0x1D180] =	vst v63  }
0x28a: {  	s0 =	simm.s32 @!p1 $0x7;
	s30 =	sadd.s32 $0x1, s29;
	s22 =	simm.s32 $0xB980  }
0x28b: {  	[tilespmem:s22], [sflag:$0x3] =	stream.indirect_vreg.gather [hbm4b:s1+s2], $0x80, v3, vm0, $0xb8;
	[tilespmem:$0x1D180] =	vst v63  }
0x28c: {  	s31 =	sshrl.u32 s30, $0x3;
	_ =	swait.ge @!p1 [sflag:s0], $0x400  }
0x28d: {  	s23 =	sshll.u32 s30, $0x2;
	s3 =	simm.s32 $0x0;
	[sflag:s0] =	ssyncset.done @!p1 $0x0  }
0x28e: {  	s8 =	simm.s32 $0x0;
	[sflag:s0] =	ssyncadd.s32 @!p1 $0xFFFFFC00;
	s0 =	sand.u32 $0x3C, s23  }
.LBB2_25:
0x28f: {  	s6 =	sadd.s32 s0, s8  }
0x290: {  	s6 =	sshll.u32 s6, $0x7  }
0x291: {  	s6 =	sand.u32 $0x3FFFFF80, s6  }
0x292: {  	v5 =	vld [tilespmem:s6+$0x2000];
	_ =	sdelay $0x1  }
0x293: {  	s10 =	sshll.u32 s8, $0xD  }
0x294: {  	s12 =	sand.u32 $0x3FFFE000, s10  }
0x295: {  	s10 =	sand.u32 $0x400, s3;
	s17 =	sadd.s32 $0x4180, s12  }
0x296: {  	s11 =	sand.u32 $0x70, s3;
	s16 =	sadd.s32 s10, s17;
	v3 =	vbroadcast v5, $0x0;
	v4 =	vbroadcast v5, $0x1  }
0x297: {  	s18 =	sadd.s32 $0xD980, s12;
	v18 =	vld [tilespmem:s6+$0x2010];
	s16 =	sadd.s32 s11, s16;
	v9 =	vbroadcast v5, $0x2;
	v10 =	vbroadcast v5, $0x3  }
0x298: {  	s4 =	sadd.s32 s10, s18;
	v33 =	vld [tilespmem:s16+$0x9A00];
	v21 =	vbroadcast v5, $0x4;
	v22 =	vbroadcast v5, $0x5  }
0x299: {  	s6 =	sadd.s32 s11, s4;
	v34 =	vld [tilespmem:s16+$0x9A80];
	v19 =	vbroadcast v5, $0x6;
	v11 =	vbroadcast v5, $0x7  }
0x29a: {  	v37 =	vld [tilespmem:s6+$0x0];
	v23 =	vbroadcast v5, $0x8;
	v24 =	vbroadcast v5, $0x9  }
0x29b: {  	v38 =	vld [tilespmem:s16+$0x9880];
	v14 =	vbroadcast v5, $0xA;
	v6 =	vbroadcast v5, $0xB  }
0x29c: {  	v39 =	vld [tilespmem:s16+$0x9200];
	v25 =	vbroadcast v5, $0xC;
	v26 =	vbroadcast v5, $0xD  }
0x29d: {  	v40 =	vld [tilespmem:s16+$0x9280];
	v15 =	vbroadcast v5, $0xE;
	v7 =	vbroadcast v5, $0xF  }
0x29e: {  	v42 =	vld [tilespmem:s16+$0x9080];
	v27 =	vbroadcast v18, $0x0;
	v28 =	vbroadcast v18, $0x1  }
0x29f: {  	v43 =	vld [tilespmem:s16+$0x8A00];
	v16 =	vbroadcast v18, $0x2;
	v8 =	vbroadcast v18, $0x3  }
0x2a0: {  	s6 =	sadd.s32 $0xD180, s12;
	v44 =	vld [tilespmem:s16+$0x8A80];
	v29 =	vbroadcast v18, $0x4;
	v30 =	vbroadcast v18, $0x5  }
0x2a1: {  	s22 =	sadd.s32 $0xC980, s12;
	v46 =	vld [tilespmem:s16+$0x8880];
	s20 =	sadd.s32 s10, s6;
	v13 =	vbroadcast v18, $0x6;
	v5 =	vbroadcast v18, $0x7  }
0x2a2: {  	s14 =	sadd.s32 s10, s22;
	v47 =	vld [tilespmem:s16+$0x8200];
	s20 =	sadd.s32 s11, s20;
	v31 =	vbroadcast v18, $0x8;
	v32 =	vbroadcast v18, $0x9  }
0x2a3: {  	s23 =	sadd.s32 $0xC180, s12;
	v41 =	vld [tilespmem:s20+$0x0];
	s20 =	sadd.s32 s11, s14;
	v17 =	vbroadcast v18, $0xA;
	v12 =	vbroadcast v18, $0xB  }
0x2a4: {  	s21 =	sadd.s32 s10, s23;
	v35 =	vbroadcast v18, $0xC;
	v36 =	vbroadcast v18, $0xD;
	v45 =	vld [tilespmem:s20+$0x0];
	s20 =	sshll.u32 s8, $0x7  }
0x2a5: {  	v49 =	vld [tilespmem:s16+$0x8280];
	v20 =	vbroadcast v18, $0xE;
	v18 =	vbroadcast v18, $0xF;
	s12 =	sand.u32 $0x3FFFFF80, s20;
	s20 =	sadd.s32 s11, s21  }
0x2a6: {  	v33 =	vmul.f32 v33, v35;
	v34 =	vmul.f32 v34, v36;
	s21 =	simm.s32 $0x0;
	s12 =	sadd.s32 $0x1C180, s12;
	v48 =	vld [tilespmem:s20+$0x0];
	s20 =	simm.s32 $0x10  }
.LBB2_26:
0x2a7: {  	p2 =	sne.s32 s20, $0xF0;
	v50 =	vld [tilespmem:s16+$0x8080];
	v37 =	vmul.f32 v37, v31;
	v38 =	vmul.f32 v38, v32  }
0x2a8: {  	v39 =	vmul.f32 v39, v29;
	v40 =	vmul.f32 v40, v30;
	v51 =	vld [tilespmem:s16+$0x8100]  }
0x2a9: {  	v41 =	vmul.f32 v41, v27;
	v42 =	vmul.f32 v42, v28;
	v52 =	vld [tilespmem:s16+$0x8180]  }
0x2aa: {  	v43 =	vmul.f32 v43, v25;
	v44 =	vmul.f32 v44, v26;
	v53 =	vld [tilespmem:s16+$0x8300]  }
0x2ab: {  	v45 =	vmul.f32 v45, v23;
	v46 =	vmul.f32 v46, v24;
	v54 =	vld [tilespmem:s16+$0x8380]  }
0x2ac: {  	v47 =	vmul.f32 v47, v21;
	v49 =	vmul.f32 v49, v22;
	v55 =	vld [tilespmem:s16+$0x8900]  }
0x2ad: {  	v48 =	vmul.f32 v48, v3;
	v50 =	vmul.f32 v50, v4;
	v56 =	vld [tilespmem:s16+$0x8980]  }
0x2ae: {  	v51 =	vmul.f32 v51, v9;
	v52 =	vmul.f32 v52, v10;
	v57 =	vld [tilespmem:s16+$0x8B00]  }
0x2af: {  	v48 =	vadd.f32 $0.0e+00, v48;
	v50 =	vadd.f32 $0.0e+00, v50;
	v53 =	vmul.f32 v53, v19;
	v58 =	vld [tilespmem:s16+$0x8B80]  }
0x2b0: {  	v51 =	vadd.f32 $0.0e+00, v51;
	v52 =	vadd.f32 $0.0e+00, v52;
	v54 =	vmul.f32 v54, v11;
	v59 =	vld [tilespmem:s16+$0x9100]  }
0x2b1: {  	v47 =	vadd.f32 v47, v48;
	v48 =	vadd.f32 v49, v50;
	v49 =	vmul.f32 v55, v14;
	v50 =	vld [tilespmem:s16+$0x9180]  }
0x2b2: {  	v51 =	vadd.f32 v53, v51;
	v52 =	vadd.f32 v54, v52;
	v53 =	vmul.f32 v56, v6;
	v54 =	vld [tilespmem:s16+$0x9300]  }
0x2b3: {  	v45 =	vadd.f32 v45, v47;
	v46 =	vadd.f32 v46, v48;
	v47 =	vmul.f32 v57, v15;
	v48 =	vld [tilespmem:s16+$0x9380]  }
0x2b4: {  	v49 =	vadd.f32 v49, v51;
	v51 =	vadd.f32 v53, v52;
	v52 =	vmul.f32 v58, v7;
	v53 =	vld [tilespmem:s16+$0x9900]  }
0x2b5: {  	v43 =	vadd.f32 v43, v45;
	v44 =	vadd.f32 v44, v46;
	v45 =	vmul.f32 v59, v16;
	v46 =	vld [tilespmem:s16+$0x9980]  }
0x2b6: {  	v47 =	vadd.f32 v47, v49;
	v49 =	vadd.f32 v52, v51;
	v50 =	vmul.f32 v50, v8;
	v51 =	vld [tilespmem:s16+$0x9B00]  }
0x2b7: {  	v41 =	vadd.f32 v41, v43;
	v42 =	vadd.f32 v42, v44;
	v43 =	vmul.f32 v54, v13;
	v44 =	vld [tilespmem:s16+$0x9B80]  }
0x2b8: {  	v45 =	vadd.f32 v45, v47;
	v47 =	vadd.f32 v50, v49;
	v48 =	vmul.f32 v48, v5  }
0x2b9: {  	v39 =	vadd.f32 v39, v41;
	v40 =	vadd.f32 v40, v42;
	v41 =	vmul.f32 v53, v17  }
0x2ba: {  	v42 =	vadd.f32 v43, v45;
	v43 =	vadd.f32 v48, v47;
	v45 =	vmul.f32 v46, v12  }
0x2bb: {  	v37 =	vadd.f32 v37, v39;
	v38 =	vadd.f32 v38, v40;
	v39 =	vmul.f32 v51, v20  }
0x2bc: {  	v40 =	vadd.f32 v41, v42;
	v41 =	vadd.f32 v45, v43;
	v42 =	vmul.f32 v44, v18  }
0x2bd: {  	v33 =	vadd.f32 v33, v37;
	v34 =	vadd.f32 v34, v38  }
0x2be: {  	v37 =	vadd.f32 v39, v40;
	v38 =	vadd.f32 v42, v41;
	_ =	sdelay $0x1  }
0x2bf: {  	v33 =	vadd.f32 v34, v33;
	v34 =	vadd.f32 v38, v37  }
0x2c0: {  	s21 =	sadd.s32 $0x80, s21  }
0x2c1: {  	s16 =	sadd.s32 s10, s12;
	s10 =	sand.u32 $0x400, s21;
	v33 =	vadd.f32 v34, v33  }
0x2c2: {  	s14 =	sadd.s32 s10, s17;
	s4 =	sadd.s32 s11, s16;
	s11 =	sand.u32 $0x70, s20  }
0x2c3: {  	s16 =	sadd.s32 s11, s14;
	[tilespmem:s4+$0x200] =	vst v33  }
0x2c4: {  	s4 =	sadd.s32 s10, s18;
	v33 =	vld [tilespmem:s16+$0x9A00]  }
0x2c5: {  	s4 =	sadd.s32 s11, s4;
	v34 =	vld [tilespmem:s16+$0x9A80]  }
0x2c6: {  	v37 =	vld [tilespmem:s4+$0x0]  }
0x2c7: {  	v38 =	vld [tilespmem:s16+$0x9880]  }
0x2c8: {  	s4 =	sadd.s32 s10, s6;
	v39 =	vld [tilespmem:s16+$0x9200]  }
0x2c9: {  	s4 =	sadd.s32 s11, s4;
	v40 =	vld [tilespmem:s16+$0x9280]  }
0x2ca: {  	v41 =	vld [tilespmem:s4+$0x0]  }
0x2cb: {  	v42 =	vld [tilespmem:s16+$0x9080]  }
0x2cc: {  	s4 =	sadd.s32 s10, s22;
	v43 =	vld [tilespmem:s16+$0x8A00]  }
0x2cd: {  	s4 =	sadd.s32 s11, s4;
	v44 =	vld [tilespmem:s16+$0x8A80]  }
.Ltmp17:
0x2ce: {  	v45 =	vld [tilespmem:s4+$0x0];
	(pc) =	sbr.rel @p2 .LBB2_26-.Ltmp17, $4  }
0x2cf: {  	v46 =	vld [tilespmem:s16+$0x8880]  }
0x2d0: {  	s4 =	sadd.s32 s10, s23;
	v47 =	vld [tilespmem:s16+$0x8200]  }
0x2d1: {  	s4 =	sadd.s32 s11, s4;
	v49 =	vld [tilespmem:s16+$0x8280]  }
0x2d2: {  	s20 =	sadd.s32 $0x10, s20;
	v33 =	vmul.f32 v33, v35;
	v34 =	vmul.f32 v34, v36;
	v48 =	vld [tilespmem:s4+$0x0]  }
0x2d3: {  	v35 =	vld [tilespmem:s16+$0x8080];
	v31 =	vmul.f32 v37, v31;
	v32 =	vmul.f32 v38, v32  }
0x2d4: {  	v36 =	vld [tilespmem:s16+$0x8100];
	v29 =	vmul.f32 v39, v29;
	v30 =	vmul.f32 v40, v30  }
0x2d5: {  	v62 =	vld [tilespmem:s16+$0x8180];
	v27 =	vmul.f32 v41, v27;
	v28 =	vmul.f32 v42, v28  }
0x2d6: {  	v63 =	vld [tilespmem:s16+$0x8300];
	v25 =	vmul.f32 v43, v25;
	v26 =	vmul.f32 v44, v26  }
0x2d7: {  	v44 =	vld [tilespmem:s16+$0x8380];
	v23 =	vmul.f32 v45, v23;
	v24 =	vmul.f32 v46, v24  }
0x2d8: {  	v46 =	vld [tilespmem:s16+$0x8900];
	v21 =	vmul.f32 v47, v21;
	v22 =	vmul.f32 v49, v22  }
0x2d9: {  	v47 =	vld [tilespmem:s16+$0x8980];
	v3 =	vmul.f32 v48, v3;
	v4 =	vmul.f32 v35, v4  }
0x2da: {  	v49 =	vld [tilespmem:s16+$0x8B80];
	v9 =	vmul.f32 v36, v9;
	v10 =	vmul.f32 v62, v10  }
0x2db: {  	v48 =	vld [tilespmem:s16+$0x8B00];
	v19 =	vmul.f32 v63, v19;
	v3 =	vadd.f32 $0.0e+00, v3;
	v4 =	vadd.f32 $0.0e+00, v4  }
0x2dc: {  	v50 =	vld [tilespmem:s16+$0x9100];
	v11 =	vmul.f32 v44, v11;
	v9 =	vadd.f32 $0.0e+00, v9;
	v10 =	vadd.f32 $0.0e+00, v10  }
0x2dd: {  	v51 =	vld [tilespmem:s16+$0x9180];
	v14 =	vmul.f32 v46, v14;
	v3 =	vadd.f32 v21, v3;
	v4 =	vadd.f32 v22, v4  }
0x2de: {  	v53 =	vld [tilespmem:s16+$0x9380];
	v6 =	vmul.f32 v47, v6;
	v9 =	vadd.f32 v19, v9;
	v10 =	vadd.f32 v11, v10  }
0x2df: {  	v52 =	vld [tilespmem:s16+$0x9300];
	v7 =	vmul.f32 v49, v7;
	v3 =	vadd.f32 v23, v3;
	v4 =	vadd.f32 v24, v4  }
0x2e0: {  	v54 =	vld [tilespmem:s16+$0x9900];
	v15 =	vmul.f32 v48, v15;
	v9 =	vadd.f32 v14, v9;
	v6 =	vadd.f32 v6, v10  }
0x2e1: {  	v56 =	vld [tilespmem:s16+$0x9980];
	v55 =	vmul.f32 v50, v16;
	v3 =	vadd.f32 v25, v3;
	v4 =	vadd.f32 v26, v4  }
0x2e2: {  	v58 =	vld [tilespmem:s16+$0x9B00];
	v57 =	vmul.f32 v51, v8;
	v9 =	vadd.f32 v15, v9;
	v6 =	vadd.f32 v7, v6  }
0x2e3: {  	v59 =	vld [tilespmem:s16+$0x9B80];
	v5 =	vmul.f32 v53, v5;
	v3 =	vadd.f32 v27, v3;
	v4 =	vadd.f32 v28, v4  }
0x2e4: {  	v11 =	vmul.f32 v52, v13;
	v9 =	vadd.f32 v55, v9;
	v6 =	vadd.f32 v57, v6  }
0x2e5: {  	v60 =	vmul.f32 v54, v17;
	v3 =	vadd.f32 v29, v3;
	v4 =	vadd.f32 v30, v4  }
0x2e6: {  	v61 =	vmul.f32 v56, v12;
	v9 =	vadd.f32 v11, v9;
	v5 =	vadd.f32 v5, v6  }
0x2e7: {  	v8 =	vmul.f32 v58, v20;
	v3 =	vadd.f32 v31, v3;
	v4 =	vadd.f32 v32, v4  }
0x2e8: {  	v62 =	vmul.f32 v59, v18;
	v7 =	vadd.f32 v60, v9;
	v5 =	vadd.f32 v61, v5  }
0x2e9: {  	v3 =	vadd.f32 v33, v3;
	v4 =	vadd.f32 v34, v4  }
0x2ea: {  	s8 =	sadd.s32 $0x1, s8;
	v7 =	vadd.f32 v8, v7;
	v5 =	vadd.f32 v62, v5  }
0x2eb: {  	p2 =	sne.s32 s8, $0x4  }
.Ltmp18:
0x2ec: {  	v3 =	vadd.f32 v4, v3;
	v63 =	vadd.f32 v5, v7;
	(pc) =	sbr.rel @p2 .LBB2_25-.Ltmp18, $4  }
0x2ed: {  	_ = 	snop  }
0x2ee: {  	s4 =	sadd.s32 s10, s12;
	v3 =	vadd.f32 v63, v3  }
0x2ef: {  	s4 =	sadd.s32 s11, s4  }
0x2f0: {  	[tilespmem:s4+$0x200] =	vst v3  }
0x2f1: {  	s23 =	sand.u32 $0x7, s30  }
0x2f2: {  	p2 =	sne.s32 s23, $0x7  }
0x2f3: {  	s0 =	sshll.u32 s30, $0x7;
	s3 =	sshll.u32 s30, $0x6;
	p3 =	sgt.u32 @!p2 s24, $0x4F  }
0x2f4: {  	s0 =	sadd.s32 s15, s0;
	s3 =	sand.u32 $0x40, s3;
	p2 =	por p2, p3  }
.Ltmp19:
0x2f5: {  	s0 =	sand.u32 $0x1FFF00, s0;
	s3 =	sadd.s32 s9, s3;
	(pc) =	sbr.rel @p2 .LBB2_32-.Ltmp19, $4  }
0x2f6: {  	s21 =	simm.s32 $0x1C380;
	s0 =	sadd.s32 s0, s3  }
0x2f7: {  	[hbm4b:s0+s2] =	stream.linear.scatter [tilespmem:s21], [sflag:$0x7], $0x200, $0x38;
	[tilespmem:$0x1D180] =	vst v63  }
0x2f8: {  	s22 =	simm.s32 $0x1C780;
	s0 =	sadd.s32 $0x80, s0  }
0x2f9: {  	[hbm4b:s0+s2] =	stream.linear.scatter [tilespmem:s22], [sflag:$0x7], $0x200, $0x38;
	[tilespmem:$0x1D180] =	vst v63  }
0x2fa: {  	s3 =	sand.u32 $0x1, s31  }
0x2fb: {  	p2 =	seq.s32 s3, $0x0  }
.Ltmp20:
0x2fc: {  	_ = 	snop;
	(pc) =	sbr.rel @!p2 .LBB2_31-.Ltmp20, $4  }
0x2fd: {  	_ = 	snop  }
0x2fe: {  	s0 =	sshll.u32 s31, $0x9;
	s4 =	rddreg [dreg:$0xa]  }
0x2ff: {  	s4 =	sadd.s32 s4, s0  }
0x300: {  	s0 =	sadd.s32 s5, s4;
	s3 =	sadd.s32 s7, s4  }
0x301: {  	s31 =	sand.u32 $0x8, s30  }
0x302: {  	p2 =	seq.s32 s31, $0x0  }
.Ltmp21:
0x303: {  	_ = 	snop;
	(pc) =	sbr.rel @p2 .LBB2_32-.Ltmp21, $4  }
0x304: {  	_ = 	snop  }
0x305: {  	[tilespmem:s2], [sflag:$0x1] =	stream.linear.gather [hbm4b:s0+s2], $0x1000, $0x38;
	[tilespmem:$0x1D180] =	vst v63  }
0x306: {  	s4 =	simm.s32 $0x2000  }
0x307: {  	[tilespmem:s4], [sflag:$0x1] =	stream.linear.gather [hbm4b:s3+s2], $0x1000, $0x38;
	[tilespmem:$0x1D180] =	vst v63  }
.LBB2_31:
0x308: {  	s4 =	simm.s32 $0x1000  }
0x309: {  	[tilespmem:s4], [sflag:$0x2] =	stream.linear.gather [hbm4b:s0+s2], $0x1000, $0x38;
	[tilespmem:$0x1D180] =	vst v63  }
0x30a: {  	s31 =	simm.s32 $0x3000  }
0x30b: {  	[tilespmem:s31], [sflag:$0x2] =	stream.linear.gather [hbm4b:s3+s2], $0x1000, $0x38;
	[tilespmem:$0x1D180] =	vst v63  }
.LBB2_32:
0x30c: {  	s3 =	sadd.s32 $0x4, s29  }
0x30d: {  	p2 =	seq.s32 s24, $0x54;
	s0 =	sand.u32 $0x7, s3  }
0x30e: {  	p3 =	sne.s32 @!p2 s0, $0x0  }
0x30f: {  	p3 =	por p2, p3  }
.Ltmp22:
0x310: {  	_ = 	snop;
	(pc) =	sbr.rel @p3 .LBB2_35-.Ltmp22, $4  }
0x311: {  	s4 =	simm.s32 $0x5  }
0x312: {  	_ =	swait.ge [sflag:s4], $0x8000  }
0x313: {  	[sflag:s4] =	ssyncset.done $0x0  }
0x314: {  	[sflag:s4] =	ssyncadd.s32 $0xFFFF8000  }
0x315: {  	s3 =	sand.u32 $0x8, s3  }
0x316: {  	p2 =	sne.s32 s3, $0x0  }
.Ltmp23:
0x317: {  	_ = 	snop;
	(pc) =	sbr.rel @p2 .LBB2_38-.Ltmp23, $1  }
0x318: {  	_ =	sdelay $0x3  }
0x319: {  	_ =	swait.ge [sflag:s19], $0x1000  }
0x31a: {  	[sflag:s19] =	ssyncset.done $0x0  }
0x31b: {  	[sflag:s19] =	ssyncadd.s32 $0xFFFFF000  }
0x31c: {  	_ =	swait.ge [sflag:s19], $0x1000  }
0x31d: {  	[sflag:s19] =	ssyncset.done $0x0  }
0x31e: {  	[sflag:s19] =	ssyncadd.s32 $0xFFFFF000  }
.LBB2_37:
0x31f: {  	s0 =	sshll.u32 s0, $0x9  }
0x320: {  	v3 =	vld [tilespmem:s0+$0x0];
	_ =	sdelay $0x4  }
0x321: {  	[tilespmem:$0x4080] =	vst v3  }
0x322: {  	v4 =	vld [tilespmem:s0+$0x10];
	_ =	sdelay $0x4  }
0x323: {  	[tilespmem:$0x4090] =	vst v4  }
0x324: {  	v4 =	vld [tilespmem:s0+$0x80];
	_ =	sdelay $0x4  }
0x325: {  	[tilespmem:$0x40A0] =	vst v4  }
0x326: {  	v4 =	vld [tilespmem:s0+$0x90];
	_ =	sdelay $0x4  }
0x327: {  	[tilespmem:$0x40B0] =	vst v4  }
0x328: {  	v4 =	vld [tilespmem:s0+$0x100];
	_ =	sdelay $0x4  }
0x329: {  	[tilespmem:$0x40C0] =	vst v4  }
0x32a: {  	v4 =	vld [tilespmem:s0+$0x110];
	_ =	sdelay $0x4  }
0x32b: {  	[tilespmem:$0x40D0] =	vst v4  }
0x32c: {  	v4 =	vld [tilespmem:s0+$0x180]  }
.Ltmp24:
0x32d: {  	_ = 	snop;
	(pc) =	sbr.rel .LBB2_40-.Ltmp24, $2  }
0x32e: {  	_ =	sdelay $0x2  }
0x32f: {  	s0 =	sor.u32 $0x190, s0;
	[tilespmem:$0x40E0] =	vst v4  }
.LBB2_35:
.Ltmp25:
0x330: {  	(pc) =	sbr.rel @p2 .LBB2_41-.Ltmp25, $1  }
0x331: {  	_ =	sdelay $0x3  }
0x332: {  	s3 =	sand.u32 $0x8, s3  }
0x333: {  	p2 =	sne.s32 s3, $0x0  }
.Ltmp26:
0x334: {  	_ = 	snop;
	(pc) =	sbr.rel @p2 .LBB2_39-.Ltmp26, $4  }
.Ltmp27:
0x335: {  	_ = 	snop;
	(pc) =	sbr.rel @!p2 .LBB2_37-.Ltmp27, $4  }
0x336: {  	_ = 	snop  }
0x337: {  	_ = 	snop  }
0x338: {  	_ = 	snop  }
0x339: {  	_ = 	snop  }
.LBB2_38:
0x33a: {  	_ =	swait.ge [sflag:s13], $0x1000  }
0x33b: {  	[sflag:s13] =	ssyncset.done $0x0  }
0x33c: {  	[sflag:s13] =	ssyncadd.s32 $0xFFFFF000  }
0x33d: {  	_ =	swait.ge [sflag:s13], $0x1000  }
0x33e: {  	[sflag:s13] =	ssyncset.done $0x0  }
0x33f: {  	[sflag:s13] =	ssyncadd.s32 $0xFFFFF000  }
.LBB2_39:
0x340: {  	s0 =	sshll.u32 s0, $0x9  }
0x341: {  	v3 =	vld [tilespmem:s0+$0x1000];
	_ =	sdelay $0x4  }
0x342: {  	[tilespmem:$0x4080] =	vst v3  }
0x343: {  	v4 =	vld [tilespmem:s0+$0x1010];
	_ =	sdelay $0x4  }
0x344: {  	[tilespmem:$0x4090] =	vst v4  }
0x345: {  	v4 =	vld [tilespmem:s0+$0x1080];
	_ =	sdelay $0x4  }
0x346: {  	[tilespmem:$0x40A0] =	vst v4  }
0x347: {  	v4 =	vld [tilespmem:s0+$0x1090];
	_ =	sdelay $0x4  }
0x348: {  	[tilespmem:$0x40B0] =	vst v4  }
0x349: {  	v4 =	vld [tilespmem:s0+$0x1100];
	_ =	sdelay $0x4  }
0x34a: {  	[tilespmem:$0x40C0] =	vst v4  }
0x34b: {  	v4 =	vld [tilespmem:s0+$0x1110];
	_ =	sdelay $0x4  }
0x34c: {  	[tilespmem:$0x40D0] =	vst v4  }
0x34d: {  	v4 =	vld [tilespmem:s0+$0x1180];
	_ =	sdelay $0x4  }
0x34e: {  	s0 =	sor.u32 $0x1190, s0;
	[tilespmem:$0x40E0] =	vst v4  }
.LBB2_40:
0x34f: {  	v4 =	vshll.u32 v3, $0x1  }
0x350: {  	v3 =	vand.u32 $0x7, v3;
	v4 =	vand.u32 $0xFFFFFFF0, v4  }
0x351: {  	v3 =	vor.u32 v3, v4  }
0x352: {  	v4 =	vperm.xlane v3, v0  }
0x353: {  	v5 =	vld [tilespmem:s0+$0x0]  }
0x354: {  	v3 =	vperm.xlane v3, v2;
	v4 =	vadd.s32 v1, v4;
	_ =	sdelay $0x1  }
0x355: {  	v3 =	vadd.s32 v1, v3;
	_ =	sdelay $0x1  }
0x356: {  	s6 =	simm.s32 $0xC180;
	[tilespmem:$0x40F0] =	vst v5  }
0x357: {  	[tilespmem:s6], [sflag:$0x4] =	stream.indirect_vreg.gather [hbm4b:s1+s2], $0x80, v4, vm0, $0xb8;
	[tilespmem:$0x1D180] =	vst v63  }
0x358: {  	s8 =	simm.s32 $0xC980  }
0x359: {  	[tilespmem:s8], [sflag:$0x4] =	stream.indirect_vreg.gather [hbm4b:s1+s2], $0x80, v3, vm0, $0xb8;
	[tilespmem:$0x1D180] =	vst v63  }
0x35a: {  	v3 =	vld [tilespmem:$0x4090];
	_ =	sdelay $0x4  }
0x35b: {  	v57 =	vshll.u32 v3, $0x1  }
0x35c: {  	v3 =	vand.u32 $0x7, v3;
	v4 =	vand.u32 $0xFFFFFFF0, v57  }
0x35d: {  	v3 =	vor.u32 v3, v4  }
0x35e: {  	v4 =	vperm.xlane v3, v0;
	_ =	sdelay $0x1  }
0x35f: {  	v3 =	vperm.xlane v3, v2;
	v4 =	vadd.s32 v1, v4;
	_ =	sdelay $0x1  }
0x360: {  	v3 =	vadd.s32 v1, v3;
	_ =	sdelay $0x1  }
0x361: {  	s10 =	simm.s32 $0xD180  }
0x362: {  	[tilespmem:s10], [sflag:$0x4] =	stream.indirect_vreg.gather [hbm4b:s1+s2], $0x80, v4, vm0, $0xb8;
	[tilespmem:$0x1D180] =	vst v63  }
0x363: {  	s11 =	simm.s32 $0xD980  }
0x364: {  	[tilespmem:s11], [sflag:$0x4] =	stream.indirect_vreg.gather [hbm4b:s1+s2], $0x80, v3, vm0, $0xb8;
	[tilespmem:$0x1D180] =	vst v63  }
0x365: {  	v3 =	vld [tilespmem:$0x40A0];
	_ =	sdelay $0x4  }
0x366: {  	v58 =	vshll.u32 v3, $0x1  }
0x367: {  	v3 =	vand.u32 $0x7, v3;
	v4 =	vand.u32 $0xFFFFFFF0, v58  }
0x368: {  	v3 =	vor.u32 v3, v4  }
0x369: {  	v4 =	vperm.xlane v3, v0;
	_ =	sdelay $0x1  }
0x36a: {  	v3 =	vperm.xlane v3, v2;
	v4 =	vadd.s32 v1, v4;
	_ =	sdelay $0x1  }
0x36b: {  	v3 =	vadd.s32 v1, v3;
	_ =	sdelay $0x1  }
0x36c: {  	s12 =	simm.s32 $0xE180  }
0x36d: {  	[tilespmem:s12], [sflag:$0x4] =	stream.indirect_vreg.gather [hbm4b:s1+s2], $0x80, v4, vm0, $0xb8;
	[tilespmem:$0x1D180] =	vst v63  }
0x36e: {  	s14 =	simm.s32 $0xE980  }
0x36f: {  	[tilespmem:s14], [sflag:$0x4] =	stream.indirect_vreg.gather [hbm4b:s1+s2], $0x80, v3, vm0, $0xb8;
	[tilespmem:$0x1D180] =	vst v63  }
0x370: {  	v3 =	vld [tilespmem:$0x40B0];
	_ =	sdelay $0x4  }
0x371: {  	v59 =	vshll.u32 v3, $0x1  }
0x372: {  	v3 =	vand.u32 $0x7, v3;
	v4 =	vand.u32 $0xFFFFFFF0, v59  }
0x373: {  	v3 =	vor.u32 v3, v4  }
0x374: {  	v4 =	vperm.xlane v3, v0;
	_ =	sdelay $0x1  }
0x375: {  	v3 =	vperm.xlane v3, v2;
	v4 =	vadd.s32 v1, v4;
	_ =	sdelay $0x1  }
0x376: {  	v3 =	vadd.s32 v1, v3;
	_ =	sdelay $0x1  }
0x377: {  	s16 =	simm.s32 $0xF180  }
0x378: {  	[tilespmem:s16], [sflag:$0x4] =	stream.indirect_vreg.gather [hbm4b:s1+s2], $0x80, v4, vm0, $0xb8;
	[tilespmem:$0x1D180] =	vst v63  }
0x379: {  	s17 =	simm.s32 $0xF980  }
0x37a: {  	[tilespmem:s17], [sflag:$0x4] =	stream.indirect_vreg.gather [hbm4b:s1+s2], $0x80, v3, vm0, $0xb8;
	[tilespmem:$0x1D180] =	vst v63  }
0x37b: {  	v3 =	vld [tilespmem:$0x40C0];
	_ =	sdelay $0x4  }
0x37c: {  	v60 =	vshll.u32 v3, $0x1  }
0x37d: {  	v3 =	vand.u32 $0x7, v3;
	v4 =	vand.u32 $0xFFFFFFF0, v60  }
0x37e: {  	v3 =	vor.u32 v3, v4  }
0x37f: {  	v4 =	vperm.xlane v3, v0;
	_ =	sdelay $0x1  }
0x380: {  	v3 =	vperm.xlane v3, v2;
	v4 =	vadd.s32 v1, v4;
	_ =	sdelay $0x1  }
0x381: {  	v3 =	vadd.s32 v1, v3;
	_ =	sdelay $0x1  }
0x382: {  	s18 =	simm.s32 $0x10180  }
0x383: {  	[tilespmem:s18], [sflag:$0x4] =	stream.indirect_vreg.gather [hbm4b:s1+s2], $0x80, v4, vm0, $0xb8;
	[tilespmem:$0x1D180] =	vst v63  }
0x384: {  	s20 =	simm.s32 $0x10980  }
0x385: {  	[tilespmem:s20], [sflag:$0x4] =	stream.indirect_vreg.gather [hbm4b:s1+s2], $0x80, v3, vm0, $0xb8;
	[tilespmem:$0x1D180] =	vst v63  }
0x386: {  	v3 =	vld [tilespmem:$0x40D0];
	_ =	sdelay $0x4  }
0x387: {  	v61 =	vshll.u32 v3, $0x1  }
0x388: {  	v3 =	vand.u32 $0x7, v3;
	v4 =	vand.u32 $0xFFFFFFF0, v61  }
0x389: {  	v3 =	vor.u32 v3, v4  }
0x38a: {  	v4 =	vperm.xlane v3, v0;
	_ =	sdelay $0x1  }
0x38b: {  	v3 =	vperm.xlane v3, v2;
	v4 =	vadd.s32 v1, v4;
	_ =	sdelay $0x1  }
0x38c: {  	v3 =	vadd.s32 v1, v3;
	_ =	sdelay $0x1  }
0x38d: {  	s21 =	simm.s32 $0x11180  }
0x38e: {  	[tilespmem:s21], [sflag:$0x4] =	stream.indirect_vreg.gather [hbm4b:s1+s2], $0x80, v4, vm0, $0xb8;
	[tilespmem:$0x1D180] =	vst v63  }
0x38f: {  	s22 =	simm.s32 $0x11980  }
0x390: {  	[tilespmem:s22], [sflag:$0x4] =	stream.indirect_vreg.gather [hbm4b:s1+s2], $0x80, v3, vm0, $0xb8;
	[tilespmem:$0x1D180] =	vst v63  }
0x391: {  	v3 =	vld [tilespmem:$0x40E0];
	_ =	sdelay $0x4  }
0x392: {  	v62 =	vshll.u32 v3, $0x1  }
0x393: {  	v3 =	vand.u32 $0x7, v3;
	v4 =	vand.u32 $0xFFFFFFF0, v62  }
0x394: {  	v3 =	vor.u32 v3, v4  }
0x395: {  	v4 =	vperm.xlane v3, v0;
	_ =	sdelay $0x1  }
0x396: {  	v3 =	vperm.xlane v3, v2;
	v4 =	vadd.s32 v1, v4;
	_ =	sdelay $0x1  }
0x397: {  	v3 =	vadd.s32 v1, v3;
	_ =	sdelay $0x1  }
0x398: {  	s23 =	simm.s32 $0x12180  }
0x399: {  	[tilespmem:s23], [sflag:$0x4] =	stream.indirect_vreg.gather [hbm4b:s1+s2], $0x80, v4, vm0, $0xb8;
	[tilespmem:$0x1D180] =	vst v63  }
0x39a: {  	s29 =	simm.s32 $0x12980  }
0x39b: {  	[tilespmem:s29], [sflag:$0x4] =	stream.indirect_vreg.gather [hbm4b:s1+s2], $0x80, v3, vm0, $0xb8;
	[tilespmem:$0x1D180] =	vst v63  }
0x39c: {  	v3 =	vld [tilespmem:$0x40F0];
	_ =	sdelay $0x4  }
0x39d: {  	v63 =	vshll.u32 v3, $0x1  }
0x39e: {  	v3 =	vand.u32 $0x7, v3;
	v4 =	vand.u32 $0xFFFFFFF0, v63  }
0x39f: {  	v3 =	vor.u32 v3, v4  }
0x3a0: {  	v4 =	vperm.xlane v3, v0;
	_ =	sdelay $0x1  }
0x3a1: {  	v3 =	vperm.xlane v3, v2;
	v4 =	vadd.s32 v1, v4;
	_ =	sdelay $0x1  }
0x3a2: {  	v3 =	vadd.s32 v1, v3  }
.Ltmp28:
0x3a3: {  	_ = 	snop;
	(pc) =	sbr.rel @p1 .LBB2_42-.Ltmp28, $4  }
0x3a4: {  	s30 =	simm.s32 $0x13180  }
0x3a5: {  	[tilespmem:s30], [sflag:$0x4] =	stream.indirect_vreg.gather [hbm4b:s1+s2], $0x80, v4, vm0, $0xb8;
	[tilespmem:$0x1D180] =	vst v63  }
0x3a6: {  	s31 =	simm.s32 $0x13980  }
0x3a7: {  	[tilespmem:s31], [sflag:$0x4] =	stream.indirect_vreg.gather [hbm4b:s1+s2], $0x80, v3, vm0, $0xb8;
	[tilespmem:$0x1D180] =	vst v63  }
.LBB2_41:
0x3a8: {  	s0 =	simm.s32 $0x8  }
0x3a9: {  	_ =	swait.ge [sflag:s0], $0x400  }
0x3aa: {  	[sflag:s0] =	ssyncset.done $0x0  }
0x3ab: {  	[sflag:s0] =	ssyncadd.s32 $0xFFFFFC00  }
.LBB2_42:
0x3ac: {  	s0 =	sshll.u32 s26, $0x2  }
0x3ad: {  	s29 =	sshrl.u32 s26, $0x3;
	s3 =	sshll.u32 s25, $0x2;
	s0 =	sand.u32 $0x20, s0  }
0x3ae: {  	s8 =	simm.s32 $0x0;
	s0 =	sor.u32 s3, s0;
	s3 =	simm.s32 $0x0  }
.LBB2_43:
0x3af: {  	s4 =	sadd.s32 s0, s8  }
0x3b0: {  	s4 =	sshll.u32 s4, $0x7  }
0x3b1: {  	s4 =	sand.u32 $0x3FFFFF80, s4  }
0x3b2: {  	v5 =	vld [tilespmem:s4+$0x2000];
	_ =	sdelay $0x1  }
0x3b3: {  	s6 =	sshll.u32 s8, $0xD  }
0x3b4: {  	s12 =	sand.u32 $0x3FFFE000, s6  }
0x3b5: {  	s10 =	sand.u32 $0x400, s3;
	s17 =	sadd.s32 $0x4180, s12  }
0x3b6: {  	s11 =	sand.u32 $0x70, s3;
	s21 =	sadd.s32 s10, s17;
	v3 =	vbroadcast v5, $0x0;
	v4 =	vbroadcast v5, $0x1  }
0x3b7: {  	s18 =	sadd.s32 $0x15980, s12;
	v18 =	vld [tilespmem:s4+$0x2010];
	s16 =	sadd.s32 s11, s21;
	v9 =	vbroadcast v5, $0x2;
	v10 =	vbroadcast v5, $0x3  }
0x3b8: {  	s22 =	sadd.s32 s10, s18;
	v33 =	vld [tilespmem:s16+$0x11A00];
	v21 =	vbroadcast v5, $0x4;
	v22 =	vbroadcast v5, $0x5  }
0x3b9: {  	s4 =	sadd.s32 s11, s22;
	v34 =	vld [tilespmem:s16+$0x11A80];
	v19 =	vbroadcast v5, $0x6;
	v11 =	vbroadcast v5, $0x7  }
0x3ba: {  	v37 =	vld [tilespmem:s4+$0x0];
	v23 =	vbroadcast v5, $0x8;
	v24 =	vbroadcast v5, $0x9  }
0x3bb: {  	v38 =	vld [tilespmem:s16+$0x11880];
	v14 =	vbroadcast v5, $0xA;
	v6 =	vbroadcast v5, $0xB  }
0x3bc: {  	v39 =	vld [tilespmem:s16+$0x11200];
	v25 =	vbroadcast v5, $0xC;
	v26 =	vbroadcast v5, $0xD  }
0x3bd: {  	v40 =	vld [tilespmem:s16+$0x11280];
	v15 =	vbroadcast v5, $0xE;
	v7 =	vbroadcast v5, $0xF  }
0x3be: {  	v42 =	vld [tilespmem:s16+$0x11080];
	v27 =	vbroadcast v18, $0x0;
	v28 =	vbroadcast v18, $0x1  }
0x3bf: {  	v43 =	vld [tilespmem:s16+$0x10A00];
	v16 =	vbroadcast v18, $0x2;
	v8 =	vbroadcast v18, $0x3  }
0x3c0: {  	v44 =	vld [tilespmem:s16+$0x10A80];
	v29 =	vbroadcast v18, $0x4;
	v30 =	vbroadcast v18, $0x5  }
0x3c1: {  	s6 =	sadd.s32 $0x15180, s12;
	v46 =	vld [tilespmem:s16+$0x10880];
	v13 =	vbroadcast v18, $0x6;
	v5 =	vbroadcast v18, $0x7  }
0x3c2: {  	s23 =	sadd.s32 s10, s6;
	s22 =	sadd.s32 $0x14980, s12;
	v47 =	vld [tilespmem:s16+$0x10200];
	v31 =	vbroadcast v18, $0x8;
	v32 =	vbroadcast v18, $0x9  }
0x3c3: {  	s4 =	sadd.s32 s11, s23;
	s30 =	sadd.s32 s10, s22;
	s23 =	sadd.s32 $0x14180, s12;
	v49 =	vld [tilespmem:s16+$0x10280];
	v17 =	vbroadcast v18, $0xA;
	v12 =	vbroadcast v18, $0xB  }
0x3c4: {  	s31 =	sshll.u32 s8, $0x7;
	v41 =	vld [tilespmem:s4+$0x0];
	s4 =	sadd.s32 s11, s30;
	s12 =	sadd.s32 s10, s23;
	v35 =	vbroadcast v18, $0xC;
	v36 =	vbroadcast v18, $0xD  }
0x3c5: {  	v45 =	vld [tilespmem:s4+$0x0];
	s4 =	sand.u32 $0x3FFFFF80, s31;
	s14 =	sadd.s32 s11, s12;
	v20 =	vbroadcast v18, $0xE;
	v18 =	vbroadcast v18, $0xF  }
0x3c6: {  	s20 =	simm.s32 $0x10;
	s21 =	simm.s32 $0x0;
	s12 =	sadd.s32 $0x1C980, s4;
	v48 =	vld [tilespmem:s14+$0x0];
	v33 =	vmul.f32 v33, v35;
	v34 =	vmul.f32 v34, v36  }
.LBB2_44:
0x3c7: {  	p1 =	sne.s32 s20, $0xF0;
	v50 =	vld [tilespmem:s16+$0x10080];
	v37 =	vmul.f32 v37, v31;
	v38 =	vmul.f32 v38, v32  }
0x3c8: {  	v39 =	vmul.f32 v39, v29;
	v40 =	vmul.f32 v40, v30;
	v51 =	vld [tilespmem:s16+$0x10100]  }
0x3c9: {  	v41 =	vmul.f32 v41, v27;
	v42 =	vmul.f32 v42, v28;
	v52 =	vld [tilespmem:s16+$0x10180]  }
0x3ca: {  	v43 =	vmul.f32 v43, v25;
	v44 =	vmul.f32 v44, v26;
	v53 =	vld [tilespmem:s16+$0x10300]  }
0x3cb: {  	v45 =	vmul.f32 v45, v23;
	v46 =	vmul.f32 v46, v24;
	v54 =	vld [tilespmem:s16+$0x10380]  }
0x3cc: {  	v47 =	vmul.f32 v47, v21;
	v49 =	vmul.f32 v49, v22;
	v55 =	vld [tilespmem:s16+$0x10900]  }
0x3cd: {  	v48 =	vmul.f32 v48, v3;
	v50 =	vmul.f32 v50, v4;
	v56 =	vld [tilespmem:s16+$0x10980]  }
0x3ce: {  	v51 =	vmul.f32 v51, v9;
	v52 =	vmul.f32 v52, v10;
	v57 =	vld [tilespmem:s16+$0x10B00]  }
0x3cf: {  	v48 =	vadd.f32 $0.0e+00, v48;
	v50 =	vadd.f32 $0.0e+00, v50;
	v53 =	vmul.f32 v53, v19;
	v58 =	vld [tilespmem:s16+$0x10B80]  }
0x3d0: {  	v51 =	vadd.f32 $0.0e+00, v51;
	v52 =	vadd.f32 $0.0e+00, v52;
	v54 =	vmul.f32 v54, v11;
	v59 =	vld [tilespmem:s16+$0x11100]  }
0x3d1: {  	v47 =	vadd.f32 v47, v48;
	v48 =	vadd.f32 v49, v50;
	v49 =	vmul.f32 v55, v14;
	v50 =	vld [tilespmem:s16+$0x11180]  }
0x3d2: {  	v51 =	vadd.f32 v53, v51;
	v52 =	vadd.f32 v54, v52;
	v53 =	vmul.f32 v56, v6;
	v54 =	vld [tilespmem:s16+$0x11300]  }
0x3d3: {  	v45 =	vadd.f32 v45, v47;
	v46 =	vadd.f32 v46, v48;
	v47 =	vmul.f32 v57, v15;
	v48 =	vld [tilespmem:s16+$0x11380]  }
0x3d4: {  	v49 =	vadd.f32 v49, v51;
	v51 =	vadd.f32 v53, v52;
	v52 =	vmul.f32 v58, v7;
	v53 =	vld [tilespmem:s16+$0x11900]  }
0x3d5: {  	v43 =	vadd.f32 v43, v45;
	v44 =	vadd.f32 v44, v46;
	v45 =	vmul.f32 v59, v16;
	v46 =	vld [tilespmem:s16+$0x11980]  }
0x3d6: {  	v47 =	vadd.f32 v47, v49;
	v49 =	vadd.f32 v52, v51;
	v50 =	vmul.f32 v50, v8;
	v51 =	vld [tilespmem:s16+$0x11B00]  }
0x3d7: {  	v41 =	vadd.f32 v41, v43;
	v42 =	vadd.f32 v42, v44;
	v43 =	vmul.f32 v54, v13;
	v44 =	vld [tilespmem:s16+$0x11B80]  }
0x3d8: {  	v45 =	vadd.f32 v45, v47;
	v47 =	vadd.f32 v50, v49;
	v48 =	vmul.f32 v48, v5  }
0x3d9: {  	v39 =	vadd.f32 v39, v41;
	v40 =	vadd.f32 v40, v42;
	v41 =	vmul.f32 v53, v17  }
0x3da: {  	v42 =	vadd.f32 v43, v45;
	v43 =	vadd.f32 v48, v47;
	v45 =	vmul.f32 v46, v12  }
0x3db: {  	v37 =	vadd.f32 v37, v39;
	v38 =	vadd.f32 v38, v40;
	v39 =	vmul.f32 v51, v20  }
0x3dc: {  	v40 =	vadd.f32 v41, v42;
	v41 =	vadd.f32 v45, v43;
	v42 =	vmul.f32 v44, v18  }
0x3dd: {  	v33 =	vadd.f32 v33, v37;
	v34 =	vadd.f32 v34, v38  }
0x3de: {  	v37 =	vadd.f32 v39, v40;
	v38 =	vadd.f32 v42, v41;
	_ =	sdelay $0x1  }
0x3df: {  	v33 =	vadd.f32 v34, v33;
	v34 =	vadd.f32 v38, v37  }
0x3e0: {  	s21 =	sadd.s32 $0x80, s21  }
0x3e1: {  	s4 =	sadd.s32 s10, s12;
	s10 =	sand.u32 $0x400, s21;
	v33 =	vadd.f32 v34, v33  }
0x3e2: {  	s4 =	sadd.s32 s11, s4;
	s11 =	sand.u32 $0x70, s20;
	s14 =	sadd.s32 s10, s17  }
0x3e3: {  	s16 =	sadd.s32 s11, s14;
	[tilespmem:s4+$0x0] =	vst v33  }
0x3e4: {  	s4 =	sadd.s32 s10, s18;
	v33 =	vld [tilespmem:s16+$0x11A00]  }
0x3e5: {  	s4 =	sadd.s32 s11, s4;
	v34 =	vld [tilespmem:s16+$0x11A80]  }
0x3e6: {  	v37 =	vld [tilespmem:s4+$0x0]  }
0x3e7: {  	v38 =	vld [tilespmem:s16+$0x11880]  }
0x3e8: {  	s4 =	sadd.s32 s10, s6;
	v39 =	vld [tilespmem:s16+$0x11200]  }
0x3e9: {  	s4 =	sadd.s32 s11, s4;
	v40 =	vld [tilespmem:s16+$0x11280]  }
0x3ea: {  	v41 =	vld [tilespmem:s4+$0x0]  }
0x3eb: {  	v42 =	vld [tilespmem:s16+$0x11080]  }
0x3ec: {  	s4 =	sadd.s32 s10, s22;
	v43 =	vld [tilespmem:s16+$0x10A00]  }
0x3ed: {  	s4 =	sadd.s32 s11, s4;
	v44 =	vld [tilespmem:s16+$0x10A80]  }
.Ltmp29:
0x3ee: {  	v45 =	vld [tilespmem:s4+$0x0];
	(pc) =	sbr.rel @p1 .LBB2_44-.Ltmp29, $4  }
0x3ef: {  	v46 =	vld [tilespmem:s16+$0x10880]  }
0x3f0: {  	s4 =	sadd.s32 s10, s23;
	v47 =	vld [tilespmem:s16+$0x10200]  }
0x3f1: {  	s4 =	sadd.s32 s11, s4;
	v49 =	vld [tilespmem:s16+$0x10280]  }
0x3f2: {  	s20 =	sadd.s32 $0x10, s20;
	v33 =	vmul.f32 v33, v35;
	v34 =	vmul.f32 v34, v36;
	v48 =	vld [tilespmem:s4+$0x0]  }
0x3f3: {  	v35 =	vld [tilespmem:s16+$0x10080];
	v31 =	vmul.f32 v37, v31;
	v32 =	vmul.f32 v38, v32  }
0x3f4: {  	v36 =	vld [tilespmem:s16+$0x10100];
	v29 =	vmul.f32 v39, v29;
	v30 =	vmul.f32 v40, v30  }
0x3f5: {  	v62 =	vld [tilespmem:s16+$0x10180];
	v27 =	vmul.f32 v41, v27;
	v28 =	vmul.f32 v42, v28  }
0x3f6: {  	v63 =	vld [tilespmem:s16+$0x10300];
	v25 =	vmul.f32 v43, v25;
	v26 =	vmul.f32 v44, v26  }
0x3f7: {  	v44 =	vld [tilespmem:s16+$0x10380];
	v23 =	vmul.f32 v45, v23;
	v24 =	vmul.f32 v46, v24  }
0x3f8: {  	v46 =	vld [tilespmem:s16+$0x10900];
	v21 =	vmul.f32 v47, v21;
	v22 =	vmul.f32 v49, v22  }
0x3f9: {  	v47 =	vld [tilespmem:s16+$0x10980];
	v3 =	vmul.f32 v48, v3;
	v4 =	vmul.f32 v35, v4  }
0x3fa: {  	v49 =	vld [tilespmem:s16+$0x10B80];
	v9 =	vmul.f32 v36, v9;
	v10 =	vmul.f32 v62, v10  }
0x3fb: {  	v48 =	vld [tilespmem:s16+$0x10B00];
	v19 =	vmul.f32 v63, v19;
	v3 =	vadd.f32 $0.0e+00, v3;
	v4 =	vadd.f32 $0.0e+00, v4  }
0x3fc: {  	v50 =	vld [tilespmem:s16+$0x11100];
	v11 =	vmul.f32 v44, v11;
	v9 =	vadd.f32 $0.0e+00, v9;
	v10 =	vadd.f32 $0.0e+00, v10  }
0x3fd: {  	v51 =	vld [tilespmem:s16+$0x11180];
	v14 =	vmul.f32 v46, v14;
	v3 =	vadd.f32 v21, v3;
	v4 =	vadd.f32 v22, v4  }
0x3fe: {  	v53 =	vld [tilespmem:s16+$0x11380];
	v6 =	vmul.f32 v47, v6;
	v9 =	vadd.f32 v19, v9;
	v10 =	vadd.f32 v11, v10  }
0x3ff: {  	v52 =	vld [tilespmem:s16+$0x11300];
	v7 =	vmul.f32 v49, v7;
	v3 =	vadd.f32 v23, v3;
	v4 =	vadd.f32 v24, v4  }
0x400: {  	v54 =	vld [tilespmem:s16+$0x11900];
	v15 =	vmul.f32 v48, v15;
	v9 =	vadd.f32 v14, v9;
	v6 =	vadd.f32 v6, v10  }
0x401: {  	v56 =	vld [tilespmem:s16+$0x11980];
	v55 =	vmul.f32 v50, v16;
	v3 =	vadd.f32 v25, v3;
	v4 =	vadd.f32 v26, v4  }
0x402: {  	v58 =	vld [tilespmem:s16+$0x11B00];
	v57 =	vmul.f32 v51, v8;
	v9 =	vadd.f32 v15, v9;
	v6 =	vadd.f32 v7, v6  }
0x403: {  	v59 =	vld [tilespmem:s16+$0x11B80];
	v5 =	vmul.f32 v53, v5;
	v3 =	vadd.f32 v27, v3;
	v4 =	vadd.f32 v28, v4  }
0x404: {  	v11 =	vmul.f32 v52, v13;
	v9 =	vadd.f32 v55, v9;
	v6 =	vadd.f32 v57, v6  }
0x405: {  	v60 =	vmul.f32 v54, v17;
	v3 =	vadd.f32 v29, v3;
	v4 =	vadd.f32 v30, v4  }
0x406: {  	v61 =	vmul.f32 v56, v12;
	v9 =	vadd.f32 v11, v9;
	v5 =	vadd.f32 v5, v6  }
0x407: {  	v8 =	vmul.f32 v58, v20;
	v3 =	vadd.f32 v31, v3;
	v4 =	vadd.f32 v32, v4  }
0x408: {  	v62 =	vmul.f32 v59, v18;
	v7 =	vadd.f32 v60, v9;
	v5 =	vadd.f32 v61, v5  }
0x409: {  	v3 =	vadd.f32 v33, v3;
	v4 =	vadd.f32 v34, v4  }
0x40a: {  	s8 =	sadd.s32 $0x1, s8;
	v7 =	vadd.f32 v8, v7;
	v5 =	vadd.f32 v62, v5  }
0x40b: {  	p1 =	sne.s32 s8, $0x4  }
.Ltmp30:
0x40c: {  	v3 =	vadd.f32 v4, v3;
	v63 =	vadd.f32 v5, v7;
	(pc) =	sbr.rel @p1 .LBB2_43-.Ltmp30, $4  }
0x40d: {  	_ = 	snop  }
0x40e: {  	s4 =	sadd.s32 s10, s12;
	v3 =	vadd.f32 v63, v3  }
0x40f: {  	s4 =	sadd.s32 s11, s4  }
0x410: {  	[tilespmem:s4+$0x0] =	vst v3  }
0x411: {  	s0 =	sshll.u32 s26, $0x7  }
0x412: {  	s3 =	simm.s32 $0x800;
	p1 =	sne.s32 s25, $0x7;
	s0 =	sadd.s32 s15, s0  }
0x413: {  	s4 =	simm.s32 $0x400;
	p2 =	sgt.u32 @!p1 s24, $0x4F;
	s0 =	sand.u32 $0x1FFF00, s0  }
0x414: {  	s6 =	simm.s32 $0x1C980;
	p1 =	por p1, p2;
	s0 =	sadd.s32 s0, s28  }
0x415: {  	[hbm4b:s0+s3] =	stream.strided.scatter [tilespmem:s6], [sflag:$0x8], $0x0, s4, s3, $0x38;
	[tilespmem:$0x1D180] =	vst v63  }
.Ltmp31:
0x416: {  	_ = 	snop;
	(pc) =	sbr.rel @p1 .LBB2_50-.Ltmp31, $4  }
0x417: {  	_ = 	snop  }
0x418: {  	[hbm4b:s0+s2] =	stream.linear.scatter [tilespmem:s6], [sflag:$0x8], $0x200, $0x38;
	[tilespmem:$0x1D180] =	vst v63  }
0x419: {  	s31 =	simm.s32 $0x1CD80;
	s0 =	sadd.s32 $0x80, s0  }
0x41a: {  	[hbm4b:s0+s2] =	stream.linear.scatter [tilespmem:s31], [sflag:$0x8], $0x200, $0x38;
	[tilespmem:$0x1D180] =	vst v63  }
0x41b: {  	s3 =	sand.u32 $0x1, s29  }
0x41c: {  	p1 =	seq.s32 s3, $0x0  }
.Ltmp32:
0x41d: {  	_ = 	snop;
	(pc) =	sbr.rel @!p1 .LBB2_49-.Ltmp32, $4  }
0x41e: {  	_ = 	snop  }
0x41f: {  	s0 =	sshll.u32 s29, $0x9;
	s4 =	rddreg [dreg:$0xa]  }
0x420: {  	s4 =	sadd.s32 s4, s0  }
0x421: {  	s0 =	sadd.s32 s5, s4;
	s3 =	sadd.s32 s7, s4  }
.Ltmp33:
0x422: {  	(pc) =	sbr.rel @p0 .LBB2_50-.Ltmp33, $4  }
.Ltmp34:
0x423: {  	(pc) =	sbr.rel @!p0 .LBB2_49-.Ltmp34, $4  }
0x424: {  	[tilespmem:s2], [sflag:$0x1] =	stream.linear.gather [hbm4b:s0+s2], $0x1000, $0x38;
	[tilespmem:$0x1D180] =	vst v63  }
0x425: {  	s4 =	simm.s32 $0x2000  }
0x426: {  	[tilespmem:s4], [sflag:$0x1] =	stream.linear.gather [hbm4b:s3+s2], $0x1000, $0x38;
	[tilespmem:$0x1D180] =	vst v63  }
0x427: {  	_ = 	snop  }
.LBB2_51:
0x428: {  	s0 =	simm.s32 $0x3  }
0x429: {  	_ =	swait.ge [sflag:s0], $0x8000  }
0x42a: {  	[sflag:s0] =	ssyncset.done $0x0  }
0x42b: {  	s22 =	simm.s32 $0x6;
	[sflag:s0] =	ssyncadd.s32 $0xFFFF8000  }
0x42c: {  	_ =	swait.ge [sflag:s22], $0x400  }
0x42d: {  	[sflag:s22] =	ssyncset.done $0x0  }
0x42e: {  	s3 =	simm.s32 $0x0;
	s0 =	simm.s32 $0x0;
	[sflag:s22] =	ssyncadd.s32 $0xFFFFFC00  }
.LBB2_52:
0x42f: {  	s4 =	sshll.u32 s3, $0x7  }
0x430: {  	s11 =	sand.u32 $0x3FFFFF80, s4  }
0x431: {  	v5 =	vld [tilespmem:s11+$0x3E00];
	_ =	sdelay $0x1  }
0x432: {  	s30 =	sshll.u32 s3, $0xD  }
0x433: {  	s4 =	sand.u32 $0x3FFFE000, s30  }
0x434: {  	s8 =	sand.u32 $0x400, s0;
	s16 =	sadd.s32 $0x4180, s4  }
0x435: {  	s10 =	sand.u32 $0x70, s0;
	s6 =	sadd.s32 s8, s16;
	v3 =	vbroadcast v5, $0x0;
	v4 =	vbroadcast v5, $0x1  }
0x436: {  	v10 =	vld [tilespmem:s11+$0x3E10];
	s17 =	sadd.s32 $0x5980, s4;
	s12 =	sadd.s32 s10, s6;
	v11 =	vbroadcast v5, $0x2;
	v12 =	vbroadcast v5, $0x3  }
0x437: {  	s31 =	sadd.s32 s8, s17;
	v31 =	vld [tilespmem:s12+$0x1A00];
	v21 =	vbroadcast v5, $0x4;
	v22 =	vbroadcast v5, $0x5  }
0x438: {  	s6 =	sadd.s32 s10, s31;
	v32 =	vld [tilespmem:s12+$0x1A80];
	v20 =	vbroadcast v5, $0x6;
	v13 =	vbroadcast v5, $0x7  }
0x439: {  	v37 =	vld [tilespmem:s6+$0x0];
	v23 =	vbroadcast v5, $0x8;
	v24 =	vbroadcast v5, $0x9  }
0x43a: {  	v38 =	vld [tilespmem:s12+$0x1880];
	v17 =	vbroadcast v5, $0xA;
	v6 =	vbroadcast v5, $0xB  }
0x43b: {  	v39 =	vld [tilespmem:s12+$0x1200];
	v25 =	vbroadcast v5, $0xC;
	v26 =	vbroadcast v5, $0xD  }
0x43c: {  	v40 =	vld [tilespmem:s12+$0x1280];
	v18 =	vbroadcast v5, $0xE;
	v7 =	vbroadcast v5, $0xF  }
0x43d: {  	v42 =	vld [tilespmem:s12+$0x1080];
	v27 =	vbroadcast v10, $0x0;
	v28 =	vbroadcast v10, $0x1  }
0x43e: {  	v43 =	vld [tilespmem:s12+$0xA00];
	v19 =	vbroadcast v10, $0x2;
	v8 =	vbroadcast v10, $0x3  }
0x43f: {  	v44 =	vld [tilespmem:s12+$0xA80];
	v29 =	vbroadcast v10, $0x4;
	v30 =	vbroadcast v10, $0x5  }
0x440: {  	s6 =	sadd.s32 $0x5180, s4;
	v46 =	vld [tilespmem:s12+$0x880];
	v14 =	vbroadcast v10, $0x6;
	v5 =	vbroadcast v10, $0x7  }
0x441: {  	v47 =	vld [tilespmem:s12+$0x200];
	s14 =	sadd.s32 s8, s6;
	v33 =	vbroadcast v10, $0x8;
	v34 =	vbroadcast v10, $0x9  }
0x442: {  	s18 =	sadd.s32 $0x4980, s4;
	v49 =	vld [tilespmem:s12+$0x280];
	s14 =	sadd.s32 s10, s14;
	v15 =	vbroadcast v10, $0xA;
	v9 =	vbroadcast v10, $0xB  }
0x443: {  	s4 =	sadd.s32 s8, s18;
	v35 =	vbroadcast v10, $0xC;
	v36 =	vbroadcast v10, $0xD;
	v41 =	vld [tilespmem:s14+$0x0]  }
0x444: {  	v48 =	vld [tilespmem:s12+$0x0];
	s4 =	sadd.s32 s10, s4;
	v16 =	vbroadcast v10, $0xE;
	v10 =	vbroadcast v10, $0xF  }
0x445: {  	s20 =	simm.s32 $0x10;
	s21 =	simm.s32 $0x0;
	s11 =	sadd.s32 $0x1C180, s11;
	v45 =	vld [tilespmem:s4+$0x0];
	v31 =	vmul.f32 v31, v35;
	v32 =	vmul.f32 v32, v36  }
.LBB2_53:
0x446: {  	p0 =	sne.s32 s20, $0xF0;
	v50 =	vld [tilespmem:s12+$0x80];
	v37 =	vmul.f32 v37, v33;
	v38 =	vmul.f32 v38, v34  }
0x447: {  	v39 =	vmul.f32 v39, v29;
	v40 =	vmul.f32 v40, v30;
	v51 =	vld [tilespmem:s12+$0x100]  }
0x448: {  	v41 =	vmul.f32 v41, v27;
	v42 =	vmul.f32 v42, v28;
	v52 =	vld [tilespmem:s12+$0x180]  }
0x449: {  	v43 =	vmul.f32 v43, v25;
	v44 =	vmul.f32 v44, v26;
	v53 =	vld [tilespmem:s12+$0x300]  }
0x44a: {  	v45 =	vmul.f32 v45, v23;
	v46 =	vmul.f32 v46, v24;
	v54 =	vld [tilespmem:s12+$0x380]  }
0x44b: {  	v47 =	vmul.f32 v47, v21;
	v49 =	vmul.f32 v49, v22;
	v55 =	vld [tilespmem:s12+$0x900]  }
0x44c: {  	v48 =	vmul.f32 v48, v3;
	v50 =	vmul.f32 v50, v4;
	v56 =	vld [tilespmem:s12+$0x980]  }
0x44d: {  	v51 =	vmul.f32 v51, v11;
	v52 =	vmul.f32 v52, v12;
	v57 =	vld [tilespmem:s12+$0xB00]  }
0x44e: {  	v48 =	vadd.f32 $0.0e+00, v48;
	v50 =	vadd.f32 $0.0e+00, v50;
	v53 =	vmul.f32 v53, v20;
	v58 =	vld [tilespmem:s12+$0xB80]  }
0x44f: {  	v51 =	vadd.f32 $0.0e+00, v51;
	v52 =	vadd.f32 $0.0e+00, v52;
	v54 =	vmul.f32 v54, v13;
	v59 =	vld [tilespmem:s12+$0x1100]  }
0x450: {  	v47 =	vadd.f32 v47, v48;
	v48 =	vadd.f32 v49, v50;
	v49 =	vmul.f32 v55, v17;
	v50 =	vld [tilespmem:s12+$0x1180]  }
0x451: {  	v51 =	vadd.f32 v53, v51;
	v52 =	vadd.f32 v54, v52;
	v53 =	vmul.f32 v56, v6;
	v54 =	vld [tilespmem:s12+$0x1300]  }
0x452: {  	v45 =	vadd.f32 v45, v47;
	v46 =	vadd.f32 v46, v48;
	v47 =	vmul.f32 v57, v18;
	v48 =	vld [tilespmem:s12+$0x1380]  }
0x453: {  	v49 =	vadd.f32 v49, v51;
	v51 =	vadd.f32 v53, v52;
	v52 =	vmul.f32 v58, v7;
	v53 =	vld [tilespmem:s12+$0x1900]  }
0x454: {  	v43 =	vadd.f32 v43, v45;
	v44 =	vadd.f32 v44, v46;
	v45 =	vmul.f32 v59, v19;
	v46 =	vld [tilespmem:s12+$0x1980]  }
0x455: {  	v47 =	vadd.f32 v47, v49;
	v49 =	vadd.f32 v52, v51;
	v50 =	vmul.f32 v50, v8;
	v51 =	vld [tilespmem:s12+$0x1B00]  }
0x456: {  	v41 =	vadd.f32 v41, v43;
	v42 =	vadd.f32 v42, v44;
	v43 =	vmul.f32 v54, v14;
	v44 =	vld [tilespmem:s12+$0x1B80]  }
0x457: {  	v45 =	vadd.f32 v45, v47;
	v47 =	vadd.f32 v50, v49;
	v48 =	vmul.f32 v48, v5  }
0x458: {  	v39 =	vadd.f32 v39, v41;
	v40 =	vadd.f32 v40, v42;
	v41 =	vmul.f32 v53, v15  }
0x459: {  	v42 =	vadd.f32 v43, v45;
	v43 =	vadd.f32 v48, v47;
	v45 =	vmul.f32 v46, v9  }
0x45a: {  	v37 =	vadd.f32 v37, v39;
	v38 =	vadd.f32 v38, v40;
	v39 =	vmul.f32 v51, v16  }
0x45b: {  	v40 =	vadd.f32 v41, v42;
	v41 =	vadd.f32 v45, v43;
	v42 =	vmul.f32 v44, v10  }
0x45c: {  	v31 =	vadd.f32 v31, v37;
	v32 =	vadd.f32 v32, v38  }
0x45d: {  	v37 =	vadd.f32 v39, v40;
	v38 =	vadd.f32 v42, v41;
	_ =	sdelay $0x1  }
0x45e: {  	v31 =	vadd.f32 v32, v31;
	v32 =	vadd.f32 v38, v37  }
0x45f: {  	s21 =	sadd.s32 $0x80, s21  }
0x460: {  	s4 =	sadd.s32 s8, s11;
	s8 =	sand.u32 $0x400, s21;
	v31 =	vadd.f32 v32, v31  }
0x461: {  	s4 =	sadd.s32 s10, s4;
	s10 =	sand.u32 $0x70, s20;
	s12 =	sadd.s32 s8, s16  }
0x462: {  	s12 =	sadd.s32 s10, s12;
	[tilespmem:s4+$0x0] =	vst v31  }
0x463: {  	s4 =	sadd.s32 s8, s17;
	v31 =	vld [tilespmem:s12+$0x1A00]  }
0x464: {  	s4 =	sadd.s32 s10, s4;
	v32 =	vld [tilespmem:s12+$0x1A80]  }
0x465: {  	v37 =	vld [tilespmem:s4+$0x0]  }
0x466: {  	v38 =	vld [tilespmem:s12+$0x1880]  }
0x467: {  	s4 =	sadd.s32 s8, s6;
	v39 =	vld [tilespmem:s12+$0x1200]  }
0x468: {  	s4 =	sadd.s32 s10, s4;
	v40 =	vld [tilespmem:s12+$0x1280]  }
0x469: {  	v41 =	vld [tilespmem:s4+$0x0]  }
0x46a: {  	v42 =	vld [tilespmem:s12+$0x1080]  }
0x46b: {  	s4 =	sadd.s32 s8, s18;
	v43 =	vld [tilespmem:s12+$0xA00]  }
0x46c: {  	s4 =	sadd.s32 s10, s4;
	v44 =	vld [tilespmem:s12+$0xA80]  }
.Ltmp35:
0x46d: {  	v45 =	vld [tilespmem:s4+$0x0];
	(pc) =	sbr.rel @p0 .LBB2_53-.Ltmp35, $4  }
0x46e: {  	v46 =	vld [tilespmem:s12+$0x880]  }
0x46f: {  	v47 =	vld [tilespmem:s12+$0x200]  }
0x470: {  	v49 =	vld [tilespmem:s12+$0x280]  }
0x471: {  	s20 =	sadd.s32 $0x10, s20;
	v31 =	vmul.f32 v31, v35;
	v32 =	vmul.f32 v32, v36;
	v48 =	vld [tilespmem:s12+$0x0]  }
0x472: {  	v35 =	vld [tilespmem:s12+$0x80];
	v33 =	vmul.f32 v37, v33;
	v34 =	vmul.f32 v38, v34  }
0x473: {  	v36 =	vld [tilespmem:s12+$0x100];
	v29 =	vmul.f32 v39, v29;
	v30 =	vmul.f32 v40, v30  }
0x474: {  	v62 =	vld [tilespmem:s12+$0x180];
	v27 =	vmul.f32 v41, v27;
	v28 =	vmul.f32 v42, v28  }
0x475: {  	v63 =	vld [tilespmem:s12+$0x300];
	v25 =	vmul.f32 v43, v25;
	v26 =	vmul.f32 v44, v26  }
0x476: {  	v44 =	vld [tilespmem:s12+$0x380];
	v23 =	vmul.f32 v45, v23;
	v24 =	vmul.f32 v46, v24  }
0x477: {  	v46 =	vld [tilespmem:s12+$0x900];
	v21 =	vmul.f32 v47, v21;
	v22 =	vmul.f32 v49, v22  }
0x478: {  	v47 =	vld [tilespmem:s12+$0x980];
	v3 =	vmul.f32 v48, v3;
	v4 =	vmul.f32 v35, v4  }
0x479: {  	v49 =	vld [tilespmem:s12+$0xB80];
	v11 =	vmul.f32 v36, v11;
	v12 =	vmul.f32 v62, v12  }
0x47a: {  	v48 =	vld [tilespmem:s12+$0xB00];
	v20 =	vmul.f32 v63, v20;
	v3 =	vadd.f32 $0.0e+00, v3;
	v4 =	vadd.f32 $0.0e+00, v4  }
0x47b: {  	v50 =	vld [tilespmem:s12+$0x1100];
	v13 =	vmul.f32 v44, v13;
	v11 =	vadd.f32 $0.0e+00, v11;
	v12 =	vadd.f32 $0.0e+00, v12  }
0x47c: {  	v51 =	vld [tilespmem:s12+$0x1180];
	v17 =	vmul.f32 v46, v17;
	v3 =	vadd.f32 v21, v3;
	v4 =	vadd.f32 v22, v4  }
0x47d: {  	v53 =	vld [tilespmem:s12+$0x1380];
	v6 =	vmul.f32 v47, v6;
	v11 =	vadd.f32 v20, v11;
	v12 =	vadd.f32 v13, v12  }
0x47e: {  	v52 =	vld [tilespmem:s12+$0x1300];
	v7 =	vmul.f32 v49, v7;
	v3 =	vadd.f32 v23, v3;
	v4 =	vadd.f32 v24, v4  }
0x47f: {  	v54 =	vld [tilespmem:s12+$0x1900];
	v18 =	vmul.f32 v48, v18;
	v11 =	vadd.f32 v17, v11;
	v6 =	vadd.f32 v6, v12  }
0x480: {  	v56 =	vld [tilespmem:s12+$0x1980];
	v55 =	vmul.f32 v50, v19;
	v3 =	vadd.f32 v25, v3;
	v4 =	vadd.f32 v26, v4  }
0x481: {  	v58 =	vld [tilespmem:s12+$0x1B00];
	v57 =	vmul.f32 v51, v8;
	v11 =	vadd.f32 v18, v11;
	v6 =	vadd.f32 v7, v6  }
0x482: {  	v59 =	vld [tilespmem:s12+$0x1B80];
	v5 =	vmul.f32 v53, v5;
	v3 =	vadd.f32 v27, v3;
	v4 =	vadd.f32 v28, v4  }
0x483: {  	v13 =	vmul.f32 v52, v14;
	v11 =	vadd.f32 v55, v11;
	v6 =	vadd.f32 v57, v6  }
0x484: {  	v60 =	vmul.f32 v54, v15;
	v3 =	vadd.f32 v29, v3;
	v4 =	vadd.f32 v30, v4  }
0x485: {  	v61 =	vmul.f32 v56, v9;
	v11 =	vadd.f32 v13, v11;
	v5 =	vadd.f32 v5, v6  }
0x486: {  	v8 =	vmul.f32 v58, v16;
	v3 =	vadd.f32 v33, v3;
	v4 =	vadd.f32 v34, v4  }
0x487: {  	v62 =	vmul.f32 v59, v10;
	v7 =	vadd.f32 v60, v11;
	v5 =	vadd.f32 v61, v5  }
0x488: {  	v3 =	vadd.f32 v31, v3;
	v4 =	vadd.f32 v32, v4  }
0x489: {  	s3 =	sadd.s32 $0x1, s3;
	v7 =	vadd.f32 v8, v7;
	v5 =	vadd.f32 v62, v5  }
0x48a: {  	p0 =	sne.s32 s3, $0x4  }
.Ltmp36:
0x48b: {  	v3 =	vadd.f32 v4, v3;
	v63 =	vadd.f32 v5, v7;
	(pc) =	sbr.rel @p0 .LBB2_52-.Ltmp36, $4  }
0x48c: {  	_ = 	snop  }
0x48d: {  	s4 =	sadd.s32 s8, s11;
	v3 =	vadd.f32 v63, v3  }
0x48e: {  	s4 =	sadd.s32 s10, s4  }
0x48f: {  	[tilespmem:s4+$0x0] =	vst v3  }
0x490: {  	s0 =	rddreg [dreg:$0x8];
	s3 =	simm.s32 $0x1C180  }
0x491: {  	[hbm4b:s0+s2] =	stream.linear.scatter [tilespmem:s3], [sflag:$0x6], $0x200, $0x38;
	[tilespmem:$0x1D180] =	vst v63  }
0x492: {  	s28 =	simm.s32 $0x1C580;
	s0 =	sadd.s32 $0x80, s0  }
0x493: {  	[hbm4b:s0+s2] =	stream.linear.scatter [tilespmem:s28], [sflag:$0x6], $0x200, $0x38;
	[tilespmem:$0x1D180] =	vst v63  }
0x494: {  	_ =	swait.ge [sflag:s22], $0x400  }
0x495: {  	[sflag:s22] =	ssyncset.done $0x0  }
0x496: {  	s29 =	simm.s32 $0x7;
	[sflag:s22] =	ssyncadd.s32 $0xFFFFFC00  }
0x497: {  	_ =	swait.ge [sflag:s29], $0x400  }
0x498: {  	[sflag:s29] =	ssyncset.done $0x0  }
0x499: {  	s30 =	simm.s32 $0x8;
	[sflag:s29] =	ssyncadd.s32 $0xFFFFFC00  }
0x49a: {  	_ =	swait.ge [sflag:s30], $0x400  }
0x49b: {  	s4 =	rddreg [dreg:$0xb]  }
0x49c: {  	s31 =	rddreg [dreg:$0x9];
	s4 =	sadd.s32 $0x1, s4  }
0x49d: {  	p0 =	sne.s32 s4, s31  }
.Ltmp37:
0x49e: {  	_ = 	snop;
	(pc) =	sbr.rel @p0 .LBB2_1-.Ltmp37, $3  }
0x49f: {  	_ =	sdelay $0x1  }
0x4a0: {  	[sflag:s30] =	ssyncset.done $0x0  }
0x4a1: {  	[sflag:s30] =	ssyncadd.s32 $0xFFFFFC00  }
0x4a2: {  	_ =	sfence.sel $0x180000  }
0x4a3: {  	[bflag:$0x0] =	sbarrier.arrive $0xFFFF  }
0x4a4: {  	_ =	strace $0x90000047  }
0x4a5: {  	s0 =	stileid.u32;
	[bflag:$0x2] =	sbarrier.arrive $0xFFFF  }
0x4a6: {  	p0 =	sne.s32 s0, $0x0;
	s0 =	rddreg [dreg:$0x2]  }
0x4a7: {  	s0 =	sadd.s32 @!p0 $0x100000, s0  }
0x4a8: {  	[sflag:s0] =	ssyncadd.tile.s32 @!p0 $0x1;
	_ =	shalt  }
.Lfunc_end2:
_tile_overlayer_lowered:
.L_overlay_start_2:
0x4a9: {  	(tag) =	ssettag $0x2  }
0x4aa: {  	s0 =	rddreg [dreg:$0x0];
	s2 =	stileid.u32  }
0x4ab: {  	s1 =	rddreg [dreg:$0x1];
	p0 =	sne.s32 s2, $0x0  }
0x4ac: {  	s3 =	rddreg [dreg:$0x2];
	[bflag:$0x3] =	sbarrier.arrive $0xFFFF;
	s2 =	simm.s32 @!p0 $0x1C09  }
0x4ad: {  	[timem:s3], [sflag:s2] =	dma.local @!p0 [hbm:s0], s1  }
0x4ae: {  	s0 =	simm.s32 @!p0 $0x9  }
0x4af: {  	_ =	swait.ge @!p0 [sflag:s0], s1  }
0x4b0: {  	s1 =	ssub.s32 @!p0 $0x0, s1;
	[sflag:s0] =	ssyncset.done @!p0 $0x0  }
0x4b1: {  	[sflag:s0] =	ssyncadd.s32 @!p0 s1  }
0x4b2: {  	[bflag:$0x3] =	sbarrier.arrive $0xFFFF  }
0x4b3: {  	_ =	shalt  }

</sc_bundles>
